<compile_context>
chip_gen: v7x
topology: tpu7x:2x2x1
jax: 0.10.2.dev20260603
libtpu: 0.0.44.dev20260713+nightly
codegen_flags: <defaults>
</compile_context>

<pallas_src>
import jax
import jax.numpy as jnp
from jax import lax
from jax.experimental import pallas as pl
from jax.experimental.pallas import tpu as pltpu
from jax.experimental.pallas import tpu_sc as plsc

B = 1024
IB = 1024
N = 4096
HN = N // 2
K = 12
NA = 4096
PACK = 32
NWORDS = NA // PACK


_CBLK = 256
_MBLK = 512


def _wt_quad(conn_refs, ii):
    whi_parts, wlo_parts = [], []
    for cr in conn_refs:
        conn = cr[...]
        whi = jnp.zeros((64, IB), jnp.float32)
        wlo = jnp.zeros((64, IB), jnp.float32)
        for k in range(K // 2):
            w = float(2 ** (K - 1 - k))
            whi = whi + jnp.where(conn[:, k : k + 1] == ii, w, 0.0)
        for k in range(K // 2, K):
            w = float(2 ** (K - 1 - k))
            wlo = wlo + jnp.where(conn[:, k : k + 1] == ii, w, 0.0)
        whi_parts.append(whi)
        wlo_parts.append(wlo)
    return (jnp.concatenate(whi_parts, axis=0).astype(jnp.bfloat16),
            jnp.concatenate(wlo_parts, axis=0).astype(jnp.bfloat16))


def _addr_body(bits_ref, c0, c1, c2, c3, c4, c5, c6, c7, addr_ref):
    bits = bits_ref[...].astype(jnp.bfloat16)
    ii = lax.broadcasted_iota(jnp.int32, (64, IB), 1)
    nt = (((1,), (1,)), ((), ()))

    whi_l, wlo_l = _wt_quad([c0, c2, c4, c6], ii)
    whi_h, wlo_h = _wt_quad([c1, c3, c5, c7], ii)
    a_low = lax.dot_general(
        bits, whi_l, nt, preferred_element_type=jnp.float32)
    a_low = a_low + lax.dot_general(
        bits, wlo_l, nt, preferred_element_type=jnp.float32)
    a_high = lax.dot_general(
        bits, whi_h, nt, preferred_element_type=jnp.float32)
    a_high = a_high + lax.dot_general(
        bits, wlo_h, nt, preferred_element_type=jnp.float32)
    addr_ref[...] = jnp.bitwise_or(
        a_low.astype(jnp.int32), lax.shift_left(a_high.astype(jnp.int32), 16))


def _addresses(bits_u8, connections):
    return pl.pallas_call(
        _addr_body,
        grid=(HN // _CBLK,),
        in_specs=[pl.BlockSpec((B, IB), lambda i: (0, 0))] + [
            pl.BlockSpec((64, K), lambda i, s=sub, h=half: (8 * i + 2 * s + h, 0))
            for sub in range(4) for half in range(2)
        ],
        out_specs=pl.BlockSpec((B, _CBLK), lambda i: (0, i)),
        out_shape=jax.ShapeDtypeStruct((B, HN), jnp.int32),
    )(bits_u8, *([connections] * 8))


def _pack_body(mem_ref, packed_ref):
    m = (mem_ref[...] == 1).astype(jnp.bfloat16)
    a = lax.broadcasted_iota(jnp.int32, (NA, 2 * NWORDS), 0)
    w = lax.broadcasted_iota(jnp.int32, (NA, 2 * NWORDS), 1)
    sub = a % PACK
    cond = ((a // PACK) == (w % NWORDS)) & ((sub // 16) == (w // NWORDS))
    pm = jnp.where(cond, 1 << (sub & 15), 0).astype(jnp.bfloat16)
    nn = (((1,), (0,)), ((), ()))
    pk = lax.dot_general(m, pm, nn, preferred_element_type=jnp.float32)
    pki = pk.astype(jnp.int32)
    plo = lax.slice(pki, (0, 0), (_MBLK, NWORDS))
    phi = lax.slice(pki, (0, NWORDS), (_MBLK, 2 * NWORDS))
    packed_ref[...] = jnp.bitwise_or(plo, lax.shift_left(phi, 16))


def _pack_memory(memory):
    return pl.pallas_call(
        _pack_body,
        grid=(N // _MBLK,),
        in_specs=[pl.BlockSpec((_MBLK, NA), lambda i: (i, 0))],
        out_specs=pl.BlockSpec((_MBLK, NWORDS), lambda i: (i, 0)),
        out_shape=jax.ShapeDtypeStruct((N, NWORDS), jnp.int32),
    )(memory)



_NTILES = 32
_NPT = N // _NTILES
_RUN = _NPT // 2
_CB = 256
_LANES = 16


def _lookup_body(addr_hbm, packed_hbm, out_hbm,
                 tab_v, a0, a1, o0, o1, sa0, sa1, so0, so1, stab):
    cid = lax.axis_index("c")
    sid = lax.axis_index("s")
    wid = sid * 2 + cid
    n0 = wid * _NPT
    w0 = wid * _RUN

    lane = lax.iota(jnp.int32, _LANES)
    nvec = [lane + g * _LANES for g in range(_NPT // _LANES)]

    abuf, obuf = (a0, a1), (o0, o1)
    asem, osem = (sa0, sa1), (so0, so1)
    nchunks = B // _CB

    def start_in(c):
        return pltpu.async_copy(
            addr_hbm.at[pl.ds(c * _CB, _CB), pl.ds(w0, _RUN)],
            abuf[c % 2], asem[c % 2])

    def start_out(c):
        return pltpu.async_copy(
            obuf[c % 2],
            out_hbm.at[pl.ds(c * _CB, _CB), pl.ds(n0, _NPT)], osem[c % 2])

    in_cps = [None] * nchunks
    out_cps = [None] * nchunks
    in_cps[0] = start_in(0)
    if nchunks > 1:
        in_cps[1] = start_in(1)
    pltpu.async_copy(packed_hbm.at[pl.ds(n0, _NPT), :], tab_v, stab).wait()
    for c in range(nchunks):
        av, ov = abuf[c % 2], obuf[c % 2]
        if c + 1 < nchunks and in_cps[c + 1] is None:
            in_cps[c + 1] = start_in(c + 1)
        in_cps[c].wait()
        if c >= 2:
            out_cps[c - 2].wait()

        @plsc.parallel_loop(0, _CB, unroll=8)
        def _row(r):
            for gp in range(_RUN // _LANES):
                w = av[r, pl.ds(gp * _LANES, _LANES)]
                for half in range(2):
                    if half == 0:
                        a = jnp.bitwise_and(w, 0xFFF)
                    else:
                        a = lax.shift_right_logical(w, 16)
                    g = gp + 4 * half
                    word = plsc.load_gather(
                        tab_v, [nvec[g], lax.shift_right_logical(a, 5)])
                    bit = jnp.bitwise_and(
                        lax.shift_right_logical(
                            word, jnp.bitwise_and(a, 31)), 1)
                    ov[r, pl.ds(g * _LANES, _LANES)] = bit

        out_cps[c] = start_out(c)
    out_cps[-2].wait()
    out_cps[-1].wait()


def _lookup(addresses, packed):
    mesh = plsc.VectorSubcoreMesh(core_axis_name="c", subcore_axis_name="s")
    f = pl.kernel(
        _lookup_body,
        out_type=jax.ShapeDtypeStruct((B, N), jnp.int32),
        mesh=mesh,
        compiler_params=pltpu.CompilerParams(
            use_tc_tiling_on_sc=False, needs_layout_passes=False
        ),
        scratch_types=[
            pltpu.VMEM((_NPT, NWORDS), jnp.int32),
            pltpu.VMEM((_CB, _RUN), jnp.int32),
            pltpu.VMEM((_CB, _RUN), jnp.int32),
            pltpu.VMEM((_CB, _NPT), jnp.int32),
            pltpu.VMEM((_CB, _NPT), jnp.int32),
            pltpu.SemaphoreType.DMA,
            pltpu.SemaphoreType.DMA,
            pltpu.SemaphoreType.DMA,
            pltpu.SemaphoreType.DMA,
            pltpu.SemaphoreType.DMA,
        ],
    )
    return f(addresses, packed)


def kernel(input_bits, connections, memory):
    bits_u8 = input_bits.astype(jnp.uint8)
    addresses = _addresses(bits_u8, connections)
    packed = _pack_memory(memory)
    out = _lookup(addresses, packed)
    return out.astype(jnp.bool_)

# --- scband reference (transcript-rebuilt; emitter-appended) ---
"""Pipeline reference for scband-ramlayer-39857296507595 (READ-ONLY COPY).

The authoritative reference and input builder live on the scoring server;
editing this copy changes nothing except your own understanding.
"""

import jax, jax.numpy as jnp
import numpy as np

BATCH = 1024
TOTAL_INPUT_BITS = 1024
NUM_NEURONS = 4096
N_BITS = 12
NUM_ADDR = 2 ** N_BITS


def setup_inputs(seed: int = 0) -> dict:
    key = jax.random.key(seed)
    k1, k2, k3 = jax.random.split(key, 3)
    # forward input: binary bits
    input_bits = jax.random.randint(k1, (BATCH, TOTAL_INPUT_BITS), 0, 2).astype(jnp.bool_)
    # fixed (non-trainable) connections: each neuron observes N_BITS input positions
    connections = jax.random.randint(k2, (NUM_NEURONS, N_BITS), 0, TOTAL_INPUT_BITS, dtype=jnp.int32)
    # 2-bit memory values stored as uint8: FALSE=0, TRUE=1, EMPTY=2
    memory = jax.random.randint(k3, (NUM_NEURONS, NUM_ADDR), 0, 3).astype(jnp.uint8)
    return {"input_bits": input_bits, "connections": connections, "memory": memory}


def reference(input_bits, connections, memory):
    # Gather each neuron's observed bits: [B, NUM_NEURONS, N_BITS]
    sel = jnp.take(input_bits, connections, axis=1)
    # Binary address encoding (MSB-first)
    weights = (2 ** jnp.arange(N_BITS - 1, -1, -1)).astype(jnp.int32)
    addresses = (sel.astype(jnp.int32) * weights[None, None, :]).sum(axis=-1)  # [B, NUM_NEURONS]
    # Per-neuron memory lookup (gather): memory[n, addresses[b, n]]
    neuron_ids = jnp.arange(NUM_NEURONS, dtype=jnp.int32)[None, :]
    vals = memory[neuron_ids, addresses]  # [B, NUM_NEURONS] uint8
    # TRUE=1 fires; FALSE=0 and EMPTY=2 do not
    return vals == 1

if __name__ == "__main__":
    import jax
    _d = setup_inputs()
    print(jax.jit(kernel)(*tuple(_d.values())))

</pallas_src>

<mosaic_0001>
#map = affine_map<(d0, d1) -> (0, 0)>
module attributes {stable_mosaic.version = 14 : i64} {
  func.func @_lookup_body(%arg0: i32, %arg1: i32, %arg2: memref<1024x2048xi32, #tpu.memory_space<hbm>>, %arg3: memref<4096x128xi32, #tpu.memory_space<hbm>>, %arg4: memref<1024x4096xi32, #tpu.memory_space<hbm>>, %arg5: memref<128x128xi32, #tpu.memory_space<vmem>>, %arg6: memref<256x64xi32, #tpu.memory_space<vmem>>, %arg7: memref<256x64xi32, #tpu.memory_space<vmem>>, %arg8: memref<256x128xi32, #tpu.memory_space<vmem>>, %arg9: memref<256x128xi32, #tpu.memory_space<vmem>>, %arg10: memref<!tpu.dma_semaphore, #tpu.memory_space<semaphore_mem>>, %arg11: memref<!tpu.dma_semaphore, #tpu.memory_space<semaphore_mem>>, %arg12: memref<!tpu.dma_semaphore, #tpu.memory_space<semaphore_mem>>, %arg13: memref<!tpu.dma_semaphore, #tpu.memory_space<semaphore_mem>>, %arg14: memref<!tpu.dma_semaphore, #tpu.memory_space<semaphore_mem>>) attributes {dimension_semantics = [#tpu.dimension_semantics<core_parallel>, #tpu.dimension_semantics<subcore_parallel>], iteration_bounds = array<i64: 2, 16>, scalar_prefetch = 0 : i64, scratch_operands = 10 : i64, tpu.core_type = #tpu.core_type<sc_vector_subcore>, window_params = [{transform_indices = #map}, {transform_indices = #map}, {transform_indices = #map}]} {
    %mul3A = arith.constant 2 : i32
    %mul3A_0 = arith.muli %arg1, %mul3A : i32
    %add3A = arith.addi %mul3A_0, %arg0 : i32
    %mul3A_1 = arith.constant 128 : i32
    %mul3A_2 = arith.muli %add3A, %mul3A_1 : i32
    %mul3A_3 = arith.constant 64 : i32
    %mul3A_4 = arith.muli %add3A, %mul3A_3 : i32
    %iota3A = tpu.iota {dimensions = array<i32: 0>} : vector<16xi32>
    %add3A_5 = arith.constant 0 : i32
    %add3A_6 = vector.broadcast %add3A_5 : i32 to vector<16xi32>
    %add3A_7 = arith.addi %iota3A, %add3A_6 : vector<16xi32>
    %add3A_8 = arith.constant 16 : i32
    %add3A_9 = vector.broadcast %add3A_8 : i32 to vector<16xi32>
    %add3A_10 = arith.addi %iota3A, %add3A_9 : vector<16xi32>
    %add3A_11 = arith.constant 32 : i32
    %add3A_12 = vector.broadcast %add3A_11 : i32 to vector<16xi32>
    %add3A_13 = arith.addi %iota3A, %add3A_12 : vector<16xi32>
    %add3A_14 = arith.constant 48 : i32
    %add3A_15 = vector.broadcast %add3A_14 : i32 to vector<16xi32>
    %add3A_16 = arith.addi %iota3A, %add3A_15 : vector<16xi32>
    %add3A_17 = arith.constant 64 : i32
    %add3A_18 = vector.broadcast %add3A_17 : i32 to vector<16xi32>
    %add3A_19 = arith.addi %iota3A, %add3A_18 : vector<16xi32>
    %add3A_20 = arith.constant 80 : i32
    %add3A_21 = vector.broadcast %add3A_20 : i32 to vector<16xi32>
    %add3A_22 = arith.addi %iota3A, %add3A_21 : vector<16xi32>
    %add3A_23 = arith.constant 96 : i32
    %add3A_24 = vector.broadcast %add3A_23 : i32 to vector<16xi32>
    %add3A_25 = arith.addi %iota3A, %add3A_24 : vector<16xi32>
    %add3A_26 = arith.constant 112 : i32
    %add3A_27 = vector.broadcast %add3A_26 : i32 to vector<16xi32>
    %add3A_28 = arith.addi %iota3A, %add3A_27 : vector<16xi32>
    %dma_start3A = arith.constant 0 : i32
    %dma_start3A_29 = tpu.memref_slice %arg2[%dma_start3A, %mul3A_4] : memref<1024x2048xi32, #tpu.memory_space<hbm>> -> memref<256x64xi32, #tpu.memory_space<hbm>>
    %dma_start3A_30 = arith.constant 0 : i32
    %dma_start3A_31 = tpu.memref_slice %arg2[%dma_start3A_30, %mul3A_4] : memref<1024x2048xi32, #tpu.memory_space<hbm>> -> memref<256x64xi32, #tpu.memory_space<hbm>>
    tpu.enqueue_dma source(%dma_start3A_31 : memref<256x64xi32, #tpu.memory_space<hbm>>) target(%arg6 : memref<256x64xi32, #tpu.memory_space<vmem>>) target_semaphore(%arg10 : memref<!tpu.dma_semaphore, #tpu.memory_space<semaphore_mem>>)
    %dma_start3A_32 = arith.constant 256 : i32
    %dma_start3A_33 = tpu.memref_slice %arg2[%dma_start3A_32, %mul3A_4] : memref<1024x2048xi32, #tpu.memory_space<hbm>> -> memref<256x64xi32, #tpu.memory_space<hbm>>
    %dma_start3A_34 = arith.constant 256 : i32
    %dma_start3A_35 = tpu.memref_slice %arg2[%dma_start3A_34, %mul3A_4] : memref<1024x2048xi32, #tpu.memory_space<hbm>> -> memref<256x64xi32, #tpu.memory_space<hbm>>
    tpu.enqueue_dma source(%dma_start3A_35 : memref<256x64xi32, #tpu.memory_space<hbm>>) target(%arg7 : memref<256x64xi32, #tpu.memory_space<vmem>>) target_semaphore(%arg11 : memref<!tpu.dma_semaphore, #tpu.memory_space<semaphore_mem>>)
    %dma_start3A_36 = arith.constant 0 : i32
    %dma_start3A_37 = tpu.memref_slice %arg3[%mul3A_2, %dma_start3A_36] : memref<4096x128xi32, #tpu.memory_space<hbm>> -> memref<128x128xi32, #tpu.memory_space<hbm>>
    %dma_start3A_38 = arith.constant 0 : i32
    %dma_start3A_39 = tpu.memref_slice %arg3[%mul3A_2, %dma_start3A_38] : memref<4096x128xi32, #tpu.memory_space<hbm>> -> memref<128x128xi32, #tpu.memory_space<hbm>>
    tpu.enqueue_dma source(%dma_start3A_39 : memref<128x128xi32, #tpu.memory_space<hbm>>) target(%arg5 : memref<128x128xi32, #tpu.memory_space<vmem>>) target_semaphore(%arg14 : memref<!tpu.dma_semaphore, #tpu.memory_space<semaphore_mem>>)
    %dma_wait3A = arith.constant 0 : i32
    %dma_wait3A_40 = tpu.memref_slice %arg3[%mul3A_2, %dma_wait3A] : memref<4096x128xi32, #tpu.memory_space<hbm>> -> memref<128x128xi32, #tpu.memory_space<hbm>>
    %dma_wait3A_41 = arith.constant 0 : i32
    %dma_wait3A_42 = tpu.memref_slice %arg3[%mul3A_2, %dma_wait3A_41] : memref<4096x128xi32, #tpu.memory_space<hbm>> -> memref<128x128xi32, #tpu.memory_space<hbm>>
    tpu.wait_dma2 semaphore(%arg14 : memref<!tpu.dma_semaphore, #tpu.memory_space<semaphore_mem>>) src(%dma_wait3A_42 : memref<128x128xi32, #tpu.memory_space<hbm>>) dst(%arg5 : memref<128x128xi32, #tpu.memory_space<vmem>>)
    %dma_wait3A_43 = arith.constant 0 : i32
    %dma_wait3A_44 = tpu.memref_slice %arg2[%dma_wait3A_43, %mul3A_4] : memref<1024x2048xi32, #tpu.memory_space<hbm>> -> memref<256x64xi32, #tpu.memory_space<hbm>>
    %dma_wait3A_45 = arith.constant 0 : i32
    %dma_wait3A_46 = tpu.memref_slice %arg2[%dma_wait3A_45, %mul3A_4] : memref<1024x2048xi32, #tpu.memory_space<hbm>> -> memref<256x64xi32, #tpu.memory_space<hbm>>
    tpu.wait_dma2 semaphore(%arg10 : memref<!tpu.dma_semaphore, #tpu.memory_space<semaphore_mem>>) src(%dma_wait3A_46 : memref<256x64xi32, #tpu.memory_space<hbm>>) dst(%arg6 : memref<256x64xi32, #tpu.memory_space<vmem>>)
    %parallel_loop3A = arith.constant 0 : i32
    %parallel_loop3A_47 = arith.constant 256 : i32
    %parallel_loop3A_48 = arith.constant 1 : i32
    scf.for %parallel_loop3A_110 = %parallel_loop3A to %parallel_loop3A_47 step %parallel_loop3A_48  : i32 {
      %parallel_loop3A_111 = arith.index_cast %parallel_loop3A_110 : i32 to index
      %parallel_loop3A_112 = arith.constant 0 : index
      %parallel_loop3A_113 = tpu.vector_load %arg6[%parallel_loop3A_111, %parallel_loop3A_112] {strides = array<i32>} : memref<256x64xi32, #tpu.memory_space<vmem>>, vector<16xi32>,
      %parallel_loop3A_114 = arith.constant 4095 : i32
      %parallel_loop3A_115 = vector.broadcast %parallel_loop3A_114 : i32 to vector<16xi32>
      %parallel_loop3A_116 = arith.andi %parallel_loop3A_113, %parallel_loop3A_115 : vector<16xi32>
      %parallel_loop3A_117 = arith.constant 5 : i32
      %parallel_loop3A_118 = vector.broadcast %parallel_loop3A_117 : i32 to vector<16xi32>
      %parallel_loop3A_119 = arith.shrui %parallel_loop3A_116, %parallel_loop3A_118 : vector<16xi32>
      %parallel_loop3A_120 = tpu.vector_load_idx %arg5[%add3A_7, %parallel_loop3A_119] : memref<128x128xi32, #tpu.memory_space<vmem>>[vector<16xi32>, vector<16xi32>], vector<16xi32>,
      %parallel_loop3A_121 = arith.constant 31 : i32
      %parallel_loop3A_122 = vector.broadcast %parallel_loop3A_121 : i32 to vector<16xi32>
      %parallel_loop3A_123 = arith.andi %parallel_loop3A_116, %parallel_loop3A_122 : vector<16xi32>
      %parallel_loop3A_124 = arith.shrui %parallel_loop3A_120, %parallel_loop3A_123 : vector<16xi32>
      %parallel_loop3A_125 = arith.constant 1 : i32
      %parallel_loop3A_126 = vector.broadcast %parallel_loop3A_125 : i32 to vector<16xi32>
      %parallel_loop3A_127 = arith.andi %parallel_loop3A_124, %parallel_loop3A_126 : vector<16xi32>
      %parallel_loop3A_128 = arith.index_cast %parallel_loop3A_110 : i32 to index
      %parallel_loop3A_129 = arith.constant 0 : index
      %parallel_loop3A_130 = tpu.vector_load %arg8[%parallel_loop3A_128, %parallel_loop3A_129] {strides = array<i32>} : memref<256x128xi32, #tpu.memory_space<vmem>>, vector<16xi32>,
      tpu.vector_store %arg8[%parallel_loop3A_128, %parallel_loop3A_129], %parallel_loop3A_127 {strides = array<i32>} : memref<256x128xi32, #tpu.memory_space<vmem>>, vector<16xi32>,
      %parallel_loop3A_131 = arith.constant 16 : i32
      %parallel_loop3A_132 = vector.broadcast %parallel_loop3A_131 : i32 to vector<16xi32>
      %parallel_loop3A_133 = arith.shrui %parallel_loop3A_113, %parallel_loop3A_132 : vector<16xi32>
      %parallel_loop3A_134 = arith.constant 5 : i32
      %parallel_loop3A_135 = vector.broadcast %parallel_loop3A_134 : i32 to vector<16xi32>
      %parallel_loop3A_136 = arith.shrui %parallel_loop3A_133, %parallel_loop3A_135 : vector<16xi32>
      %parallel_loop3A_137 = tpu.vector_load_idx %arg5[%add3A_19, %parallel_loop3A_136] : memref<128x128xi32, #tpu.memory_space<vmem>>[vector<16xi32>, vector<16xi32>], vector<16xi32>,
      %parallel_loop3A_138 = arith.constant 31 : i32
      %parallel_loop3A_139 = vector.broadcast %parallel_loop3A_138 : i32 to vector<16xi32>
      %parallel_loop3A_140 = arith.andi %parallel_loop3A_133, %parallel_loop3A_139 : vector<16xi32>
      %parallel_loop3A_141 = arith.shrui %parallel_loop3A_137, %parallel_loop3A_140 : vector<16xi32>
      %parallel_loop3A_142 = arith.constant 1 : i32
      %parallel_loop3A_143 = vector.broadcast %parallel_loop3A_142 : i32 to vector<16xi32>
      %parallel_loop3A_144 = arith.andi %parallel_loop3A_141, %parallel_loop3A_143 : vector<16xi32>
      %parallel_loop3A_145 = arith.index_cast %parallel_loop3A_110 : i32 to index
      %parallel_loop3A_146 = arith.constant 64 : index
      %parallel_loop3A_147 = tpu.vector_load %arg8[%parallel_loop3A_145, %parallel_loop3A_146] {strides = array<i32>} : memref<256x128xi32, #tpu.memory_space<vmem>>, vector<16xi32>,
      tpu.vector_store %arg8[%parallel_loop3A_145, %parallel_loop3A_146], %parallel_loop3A_144 {strides = array<i32>} : memref<256x128xi32, #tpu.memory_space<vmem>>, vector<16xi32>,
      %parallel_loop3A_148 = arith.index_cast %parallel_loop3A_110 : i32 to index
      %parallel_loop3A_149 = arith.constant 16 : index
      %parallel_loop3A_150 = tpu.vector_load %arg6[%parallel_loop3A_148, %parallel_loop3A_149] {strides = array<i32>} : memref<256x64xi32, #tpu.memory_space<vmem>>, vector<16xi32>,
      %parallel_loop3A_151 = arith.constant 4095 : i32
      %parallel_loop3A_152 = vector.broadcast %parallel_loop3A_151 : i32 to vector<16xi32>
      %parallel_loop3A_153 = arith.andi %parallel_loop3A_150, %parallel_loop3A_152 : vector<16xi32>
      %parallel_loop3A_154 = arith.constant 5 : i32
      %parallel_loop3A_155 = vector.broadcast %parallel_loop3A_154 : i32 to vector<16xi32>
      %parallel_loop3A_156 = arith.shrui %parallel_loop3A_153, %parallel_loop3A_155 : vector<16xi32>
      %parallel_loop3A_157 = tpu.vector_load_idx %arg5[%add3A_10, %parallel_loop3A_156] : memref<128x128xi32, #tpu.memory_space<vmem>>[vector<16xi32>, vector<16xi32>], vector<16xi32>,
      %parallel_loop3A_158 = arith.constant 31 : i32
      %parallel_loop3A_159 = vector.broadcast %parallel_loop3A_158 : i32 to vector<16xi32>
      %parallel_loop3A_160 = arith.andi %parallel_loop3A_153, %parallel_loop3A_159 : vector<16xi32>
      %parallel_loop3A_161 = arith.shrui %parallel_loop3A_157, %parallel_loop3A_160 : vector<16xi32>
      %parallel_loop3A_162 = arith.constant 1 : i32
      %parallel_loop3A_163 = vector.broadcast %parallel_loop3A_162 : i32 to vector<16xi32>
      %parallel_loop3A_164 = arith.andi %parallel_loop3A_161, %parallel_loop3A_163 : vector<16xi32>
      %parallel_loop3A_165 = arith.index_cast %parallel_loop3A_110 : i32 to index
      %parallel_loop3A_166 = arith.constant 16 : index
      %parallel_loop3A_167 = tpu.vector_load %arg8[%parallel_loop3A_165, %parallel_loop3A_166] {strides = array<i32>} : memref<256x128xi32, #tpu.memory_space<vmem>>, vector<16xi32>,
      tpu.vector_store %arg8[%parallel_loop3A_165, %parallel_loop3A_166], %parallel_loop3A_164 {strides = array<i32>} : memref<256x128xi32, #tpu.memory_space<vmem>>, vector<16xi32>,
      %parallel_loop3A_168 = arith.constant 16 : i32
      %parallel_loop3A_169 = vector.broadcast %parallel_loop3A_168 : i32 to vector<16xi32>
      %parallel_loop3A_170 = arith.shrui %parallel_loop3A_150, %parallel_loop3A_169 : vector<16xi32>
      %parallel_loop3A_171 = arith.constant 5 : i32
      %parallel_loop3A_172 = vector.broadcast %parallel_loop3A_171 : i32 to vector<16xi32>
      %parallel_loop3A_173 = arith.shrui %parallel_loop3A_170, %parallel_loop3A_172 : vector<16xi32>
      %parallel_loop3A_174 = tpu.vector_load_idx %arg5[%add3A_22, %parallel_loop3A_173] : memref<128x128xi32, #tpu.memory_space<vmem>>[vector<16xi32>, vector<16xi32>], vector<16xi32>,
      %parallel_loop3A_175 = arith.constant 31 : i32
      %parallel_loop3A_176 = vector.broadcast %parallel_loop3A_175 : i32 to vector<16xi32>
      %parallel_loop3A_177 = arith.andi %parallel_loop3A_170, %parallel_loop3A_176 : vector<16xi32>
      %parallel_loop3A_178 = arith.shrui %parallel_loop3A_174, %parallel_loop3A_177 : vector<16xi32>
      %parallel_loop3A_179 = arith.constant 1 : i32
      %parallel_loop3A_180 = vector.broadcast %parallel_loop3A_179 : i32 to vector<16xi32>
      %parallel_loop3A_181 = arith.andi %parallel_loop3A_178, %parallel_loop3A_180 : vector<16xi32>
      %parallel_loop3A_182 = arith.index_cast %parallel_loop3A_110 : i32 to index
      %parallel_loop3A_183 = arith.constant 80 : index
      %parallel_loop3A_184 = tpu.vector_load %arg8[%parallel_loop3A_182, %parallel_loop3A_183] {strides = array<i32>} : memref<256x128xi32, #tpu.memory_space<vmem>>, vector<16xi32>,
      tpu.vector_store %arg8[%parallel_loop3A_182, %parallel_loop3A_183], %parallel_loop3A_181 {strides = array<i32>} : memref<256x128xi32, #tpu.memory_space<vmem>>, vector<16xi32>,
      %parallel_loop3A_185 = arith.index_cast %parallel_loop3A_110 : i32 to index
      %parallel_loop3A_186 = arith.constant 32 : index
      %parallel_loop3A_187 = tpu.vector_load %arg6[%parallel_loop3A_185, %parallel_loop3A_186] {strides = array<i32>} : memref<256x64xi32, #tpu.memory_space<vmem>>, vector<16xi32>,
      %parallel_loop3A_188 = arith.constant 4095 : i32
      %parallel_loop3A_189 = vector.broadcast %parallel_loop3A_188 : i32 to vector<16xi32>
      %parallel_loop3A_190 = arith.andi %parallel_loop3A_187, %parallel_loop3A_189 : vector<16xi32>
      %parallel_loop3A_191 = arith.constant 5 : i32
      %parallel_loop3A_192 = vector.broadcast %parallel_loop3A_191 : i32 to vector<16xi32>
      %parallel_loop3A_193 = arith.shrui %parallel_loop3A_190, %parallel_loop3A_192 : vector<16xi32>
      %parallel_loop3A_194 = tpu.vector_load_idx %arg5[%add3A_13, %parallel_loop3A_193] : memref<128x128xi32, #tpu.memory_space<vmem>>[vector<16xi32>, vector<16xi32>], vector<16xi32>,
      %parallel_loop3A_195 = arith.constant 31 : i32
      %parallel_loop3A_196 = vector.broadcast %parallel_loop3A_195 : i32 to vector<16xi32>
      %parallel_loop3A_197 = arith.andi %parallel_loop3A_190, %parallel_loop3A_196 : vector<16xi32>
      %parallel_loop3A_198 = arith.shrui %parallel_loop3A_194, %parallel_loop3A_197 : vector<16xi32>
      %parallel_loop3A_199 = arith.constant 1 : i32
      %parallel_loop3A_200 = vector.broadcast %parallel_loop3A_199 : i32 to vector<16xi32>
      %parallel_loop3A_201 = arith.andi %parallel_loop3A_198, %parallel_loop3A_200 : vector<16xi32>
      %parallel_loop3A_202 = arith.index_cast %parallel_loop3A_110 : i32 to index
      %parallel_loop3A_203 = arith.constant 32 : index
      %parallel_loop3A_204 = tpu.vector_load %arg8[%parallel_loop3A_202, %parallel_loop3A_203] {strides = array<i32>} : memref<256x128xi32, #tpu.memory_space<vmem>>, vector<16xi32>,
      tpu.vector_store %arg8[%parallel_loop3A_202, %parallel_loop3A_203], %parallel_loop3A_201 {strides = array<i32>} : memref<256x128xi32, #tpu.memory_space<vmem>>, vector<16xi32>,
      %parallel_loop3A_205 = arith.constant 16 : i32
      %parallel_loop3A_206 = vector.broadcast %parallel_loop3A_205 : i32 to vector<16xi32>
      %parallel_loop3A_207 = arith.shrui %parallel_loop3A_187, %parallel_loop3A_206 : vector<16xi32>
      %parallel_loop3A_208 = arith.constant 5 : i32
      %parallel_loop3A_209 = vector.broadcast %parallel_loop3A_208 : i32 to vector<16xi32>
      %parallel_loop3A_210 = arith.shrui %parallel_loop3A_207, %parallel_loop3A_209 : vector<16xi32>
      %parallel_loop3A_211 = tpu.vector_load_idx %arg5[%add3A_25, %parallel_loop3A_210] : memref<128x128xi32, #tpu.memory_space<vmem>>[vector<16xi32>, vector<16xi32>], vector<16xi32>,
      %parallel_loop3A_212 = arith.constant 31 : i32
      %parallel_loop3A_213 = vector.broadcast %parallel_loop3A_212 : i32 to vector<16xi32>
      %parallel_loop3A_214 = arith.andi %parallel_loop3A_207, %parallel_loop3A_213 : vector<16xi32>
      %parallel_loop3A_215 = arith.shrui %parallel_loop3A_211, %parallel_loop3A_214 : vector<16xi32>
      %parallel_loop3A_216 = arith.constant 1 : i32
      %parallel_loop3A_217 = vector.broadcast %parallel_loop3A_216 : i32 to vector<16xi32>
      %parallel_loop3A_218 = arith.andi %parallel_loop3A_215, %parallel_loop3A_217 : vector<16xi32>
      %parallel_loop3A_219 = arith.index_cast %parallel_loop3A_110 : i32 to index
      %parallel_loop3A_220 = arith.constant 96 : index
      %parallel_loop3A_221 = tpu.vector_load %arg8[%parallel_loop3A_219, %parallel_loop3A_220] {strides = array<i32>} : memref<256x128xi32, #tpu.memory_space<vmem>>, vector<16xi32>,
      tpu.vector_store %arg8[%parallel_loop3A_219, %parallel_loop3A_220], %parallel_loop3A_218 {strides = array<i32>} : memref<256x128xi32, #tpu.memory_space<vmem>>, vector<16xi32>,
      %parallel_loop3A_222 = arith.index_cast %parallel_loop3A_110 : i32 to index
      %parallel_loop3A_223 = arith.constant 48 : index
      %parallel_loop3A_224 = tpu.vector_load %arg6[%parallel_loop3A_222, %parallel_loop3A_223] {strides = array<i32>} : memref<256x64xi32, #tpu.memory_space<vmem>>, vector<16xi32>,
      %parallel_loop3A_225 = arith.constant 4095 : i32
      %parallel_loop3A_226 = vector.broadcast %parallel_loop3A_225 : i32 to vector<16xi32>
      %parallel_loop3A_227 = arith.andi %parallel_loop3A_224, %parallel_loop3A_226 : vector<16xi32>
      %parallel_loop3A_228 = arith.constant 5 : i32
      %parallel_loop3A_229 = vector.broadcast %parallel_loop3A_228 : i32 to vector<16xi32>
      %parallel_loop3A_230 = arith.shrui %parallel_loop3A_227, %parallel_loop3A_229 : vector<16xi32>
      %parallel_loop3A_231 = tpu.vector_load_idx %arg5[%add3A_16, %parallel_loop3A_230] : memref<128x128xi32, #tpu.memory_space<vmem>>[vector<16xi32>, vector<16xi32>], vector<16xi32>,
      %parallel_loop3A_232 = arith.constant 31 : i32
      %parallel_loop3A_233 = vector.broadcast %parallel_loop3A_232 : i32 to vector<16xi32>
      %parallel_loop3A_234 = arith.andi %parallel_loop3A_227, %parallel_loop3A_233 : vector<16xi32>
      %parallel_loop3A_235 = arith.shrui %parallel_loop3A_231, %parallel_loop3A_234 : vector<16xi32>
      %parallel_loop3A_236 = arith.constant 1 : i32
      %parallel_loop3A_237 = vector.broadcast %parallel_loop3A_236 : i32 to vector<16xi32>
      %parallel_loop3A_238 = arith.andi %parallel_loop3A_235, %parallel_loop3A_237 : vector<16xi32>
      %parallel_loop3A_239 = arith.index_cast %parallel_loop3A_110 : i32 to index
      %parallel_loop3A_240 = arith.constant 48 : index
      %parallel_loop3A_241 = tpu.vector_load %arg8[%parallel_loop3A_239, %parallel_loop3A_240] {strides = array<i32>} : memref<256x128xi32, #tpu.memory_space<vmem>>, vector<16xi32>,
      tpu.vector_store %arg8[%parallel_loop3A_239, %parallel_loop3A_240], %parallel_loop3A_238 {strides = array<i32>} : memref<256x128xi32, #tpu.memory_space<vmem>>, vector<16xi32>,
      %parallel_loop3A_242 = arith.constant 16 : i32
      %parallel_loop3A_243 = vector.broadcast %parallel_loop3A_242 : i32 to vector<16xi32>
      %parallel_loop3A_244 = arith.shrui %parallel_loop3A_224, %parallel_loop3A_243 : vector<16xi32>
      %parallel_loop3A_245 = arith.constant 5 : i32
      %parallel_loop3A_246 = vector.broadcast %parallel_loop3A_245 : i32 to vector<16xi32>
      %parallel_loop3A_247 = arith.shrui %parallel_loop3A_244, %parallel_loop3A_246 : vector<16xi32>
      %parallel_loop3A_248 = tpu.vector_load_idx %arg5[%add3A_28, %parallel_loop3A_247] : memref<128x128xi32, #tpu.memory_space<vmem>>[vector<16xi32>, vector<16xi32>], vector<16xi32>,
      %parallel_loop3A_249 = arith.constant 31 : i32
      %parallel_loop3A_250 = vector.broadcast %parallel_loop3A_249 : i32 to vector<16xi32>
      %parallel_loop3A_251 = arith.andi %parallel_loop3A_244, %parallel_loop3A_250 : vector<16xi32>
      %parallel_loop3A_252 = arith.shrui %parallel_loop3A_248, %parallel_loop3A_251 : vector<16xi32>
      %parallel_loop3A_253 = arith.constant 1 : i32
      %parallel_loop3A_254 = vector.broadcast %parallel_loop3A_253 : i32 to vector<16xi32>
      %parallel_loop3A_255 = arith.andi %parallel_loop3A_252, %parallel_loop3A_254 : vector<16xi32>
      %parallel_loop3A_256 = arith.index_cast %parallel_loop3A_110 : i32 to index
      %parallel_loop3A_257 = arith.constant 112 : index
      %parallel_loop3A_258 = tpu.vector_load %arg8[%parallel_loop3A_256, %parallel_loop3A_257] {strides = array<i32>} : memref<256x128xi32, #tpu.memory_space<vmem>>, vector<16xi32>,
      tpu.vector_store %arg8[%parallel_loop3A_256, %parallel_loop3A_257], %parallel_loop3A_255 {strides = array<i32>} : memref<256x128xi32, #tpu.memory_space<vmem>>, vector<16xi32>,
    } {sc.loop_unroll_factor = 8 : i64, sc.parallel_access}
    %dma_start3A_49 = arith.constant 0 : i32
    %dma_start3A_50 = tpu.memref_slice %arg4[%dma_start3A_49, %mul3A_2] : memref<1024x4096xi32, #tpu.memory_space<hbm>> -> memref<256x128xi32, #tpu.memory_space<hbm>>
    %dma_start3A_51 = arith.constant 0 : i32
    %dma_start3A_52 = tpu.memref_slice %arg4[%dma_start3A_51, %mul3A_2] : memref<1024x4096xi32, #tpu.memory_space<hbm>> -> memref<256x128xi32, #tpu.memory_space<hbm>>
    tpu.enqueue_dma source(%arg8 : memref<256x128xi32, #tpu.memory_space<vmem>>) target(%dma_start3A_52 : memref<256x128xi32, #tpu.memory_space<hbm>>) target_semaphore(%arg12 : memref<!tpu.dma_semaphore, #tpu.memory_space<semaphore_mem>>)
    %dma_start3A_53 = arith.constant 512 : i32
    %dma_start3A_54 = tpu.memref_slice %arg2[%dma_start3A_53, %mul3A_4] : memref<1024x2048xi32, #tpu.memory_space<hbm>> -> memref<256x64xi32, #tpu.memory_space<hbm>>
    %dma_start3A_55 = arith.constant 512 : i32
    %dma_start3A_56 = tpu.memref_slice %arg2[%dma_start3A_55, %mul3A_4] : memref<1024x2048xi32, #tpu.memory_space<hbm>> -> memref<256x64xi32, #tpu.memory_space<hbm>>
    tpu.enqueue_dma source(%dma_start3A_56 : memref<256x64xi32, #tpu.memory_space<hbm>>) target(%arg6 : memref<256x64xi32, #tpu.memory_space<vmem>>) target_semaphore(%arg10 : memref<!tpu.dma_semaphore, #tpu.memory_space<semaphore_mem>>)
    %dma_wait3A_57 = arith.constant 256 : i32
    %dma_wait3A_58 = tpu.memref_slice %arg2[%dma_wait3A_57, %mul3A_4] : memref<1024x2048xi32, #tpu.memory_space<hbm>> -> memref<256x64xi32, #tpu.memory_space<hbm>>
    %dma_wait3A_59 = arith.constant 256 : i32
    %dma_wait3A_60 = tpu.memref_slice %arg2[%dma_wait3A_59, %mul3A_4] : memref<1024x2048xi32, #tpu.memory_space<hbm>> -> memref<256x64xi32, #tpu.memory_space<hbm>>
    tpu.wait_dma2 semaphore(%arg11 : memref<!tpu.dma_semaphore, #tpu.memory_space<semaphore_mem>>) src(%dma_wait3A_60 : memref<256x64xi32, #tpu.memory_space<hbm>>) dst(%arg7 : memref<256x64xi32, #tpu.memory_space<vmem>>)
    %parallel_loop3A_61 = arith.constant 0 : i32
    %parallel_loop3A_62 = arith.constant 256 : i32
    %parallel_loop3A_63 = arith.constant 1 : i32
    scf.for %parallel_loop3A_110 = %parallel_loop3A_61 to %parallel_loop3A_62 step %parallel_loop3A_63  : i32 {
      %parallel_loop3A_111 = arith.index_cast %parallel_loop3A_110 : i32 to index
      %parallel_loop3A_112 = arith.constant 0 : index
      %parallel_loop3A_113 = tpu.vector_load %arg7[%parallel_loop3A_111, %parallel_loop3A_112] {strides = array<i32>} : memref<256x64xi32, #tpu.memory_space<vmem>>, vector<16xi32>,
      %parallel_loop3A_114 = arith.constant 4095 : i32
      %parallel_loop3A_115 = vector.broadcast %parallel_loop3A_114 : i32 to vector<16xi32>
      %parallel_loop3A_116 = arith.andi %parallel_loop3A_113, %parallel_loop3A_115 : vector<16xi32>
      %parallel_loop3A_117 = arith.constant 5 : i32
      %parallel_loop3A_118 = vector.broadcast %parallel_loop3A_117 : i32 to vector<16xi32>
      %parallel_loop3A_119 = arith.shrui %parallel_loop3A_116, %parallel_loop3A_118 : vector<16xi32>
      %parallel_loop3A_120 = tpu.vector_load_idx %arg5[%add3A_7, %parallel_loop3A_119] : memref<128x128xi32, #tpu.memory_space<vmem>>[vector<16xi32>, vector<16xi32>], vector<16xi32>,
      %parallel_loop3A_121 = arith.constant 31 : i32
      %parallel_loop3A_122 = vector.broadcast %parallel_loop3A_121 : i32 to vector<16xi32>
      %parallel_loop3A_123 = arith.andi %parallel_loop3A_116, %parallel_loop3A_122 : vector<16xi32>
      %parallel_loop3A_124 = arith.shrui %parallel_loop3A_120, %parallel_loop3A_123 : vector<16xi32>
      %parallel_loop3A_125 = arith.constant 1 : i32
      %parallel_loop3A_126 = vector.broadcast %parallel_loop3A_125 : i32 to vector<16xi32>
      %parallel_loop3A_127 = arith.andi %parallel_loop3A_124, %parallel_loop3A_126 : vector<16xi32>
      %parallel_loop3A_128 = arith.index_cast %parallel_loop3A_110 : i32 to index
      %parallel_loop3A_129 = arith.constant 0 : index
      %parallel_loop3A_130 = tpu.vector_load %arg9[%parallel_loop3A_128, %parallel_loop3A_129] {strides = array<i32>} : memref<256x128xi32, #tpu.memory_space<vmem>>, vector<16xi32>,
      tpu.vector_store %arg9[%parallel_loop3A_128, %parallel_loop3A_129], %parallel_loop3A_127 {strides = array<i32>} : memref<256x128xi32, #tpu.memory_space<vmem>>, vector<16xi32>,
      %parallel_loop3A_131 = arith.constant 16 : i32
      %parallel_loop3A_132 = vector.broadcast %parallel_loop3A_131 : i32 to vector<16xi32>
      %parallel_loop3A_133 = arith.shrui %parallel_loop3A_113, %parallel_loop3A_132 : vector<16xi32>
      %parallel_loop3A_134 = arith.constant 5 : i32
      %parallel_loop3A_135 = vector.broadcast %parallel_loop3A_134 : i32 to vector<16xi32>
      %parallel_loop3A_136 = arith.shrui %parallel_loop3A_133, %parallel_loop3A_135 : vector<16xi32>
      %parallel_loop3A_137 = tpu.vector_load_idx %arg5[%add3A_19, %parallel_loop3A_136] : memref<128x128xi32, #tpu.memory_space<vmem>>[vector<16xi32>, vector<16xi32>], vector<16xi32>,
      %parallel_loop3A_138 = arith.constant 31 : i32
      %parallel_loop3A_139 = vector.broadcast %parallel_loop3A_138 : i32 to vector<16xi32>
      %parallel_loop3A_140 = arith.andi %parallel_loop3A_133, %parallel_loop3A_139 : vector<16xi32>
      %parallel_loop3A_141 = arith.shrui %parallel_loop3A_137, %parallel_loop3A_140 : vector<16xi32>
      %parallel_loop3A_142 = arith.constant 1 : i32
      %parallel_loop3A_143 = vector.broadcast %parallel_loop3A_142 : i32 to vector<16xi32>
      %parallel_loop3A_144 = arith.andi %parallel_loop3A_141, %parallel_loop3A_143 : vector<16xi32>
      %parallel_loop3A_145 = arith.index_cast %parallel_loop3A_110 : i32 to index
      %parallel_loop3A_146 = arith.constant 64 : index
      %parallel_loop3A_147 = tpu.vector_load %arg9[%parallel_loop3A_145, %parallel_loop3A_146] {strides = array<i32>} : memref<256x128xi32, #tpu.memory_space<vmem>>, vector<16xi32>,
      tpu.vector_store %arg9[%parallel_loop3A_145, %parallel_loop3A_146], %parallel_loop3A_144 {strides = array<i32>} : memref<256x128xi32, #tpu.memory_space<vmem>>, vector<16xi32>,
      %parallel_loop3A_148 = arith.index_cast %parallel_loop3A_110 : i32 to index
      %parallel_loop3A_149 = arith.constant 16 : index
      %parallel_loop3A_150 = tpu.vector_load %arg7[%parallel_loop3A_148, %parallel_loop3A_149] {strides = array<i32>} : memref<256x64xi32, #tpu.memory_space<vmem>>, vector<16xi32>,
      %parallel_loop3A_151 = arith.constant 4095 : i32
      %parallel_loop3A_152 = vector.broadcast %parallel_loop3A_151 : i32 to vector<16xi32>
      %parallel_loop3A_153 = arith.andi %parallel_loop3A_150, %parallel_loop3A_152 : vector<16xi32>
      %parallel_loop3A_154 = arith.constant 5 : i32
      %parallel_loop3A_155 = vector.broadcast %parallel_loop3A_154 : i32 to vector<16xi32>
      %parallel_loop3A_156 = arith.shrui %parallel_loop3A_153, %parallel_loop3A_155 : vector<16xi32>
      %parallel_loop3A_157 = tpu.vector_load_idx %arg5[%add3A_10, %parallel_loop3A_156] : memref<128x128xi32, #tpu.memory_space<vmem>>[vector<16xi32>, vector<16xi32>], vector<16xi32>,
      %parallel_loop3A_158 = arith.constant 31 : i32
      %parallel_loop3A_159 = vector.broadcast %parallel_loop3A_158 : i32 to vector<16xi32>
      %parallel_loop3A_160 = arith.andi %parallel_loop3A_153, %parallel_loop3A_159 : vector<16xi32>
      %parallel_loop3A_161 = arith.shrui %parallel_loop3A_157, %parallel_loop3A_160 : vector<16xi32>
      %parallel_loop3A_162 = arith.constant 1 : i32
      %parallel_loop3A_163 = vector.broadcast %parallel_loop3A_162 : i32 to vector<16xi32>
      %parallel_loop3A_164 = arith.andi %parallel_loop3A_161, %parallel_loop3A_163 : vector<16xi32>
      %parallel_loop3A_165 = arith.index_cast %parallel_loop3A_110 : i32 to index
      %parallel_loop3A_166 = arith.constant 16 : index
      %parallel_loop3A_167 = tpu.vector_load %arg9[%parallel_loop3A_165, %parallel_loop3A_166] {strides = array<i32>} : memref<256x128xi32, #tpu.memory_space<vmem>>, vector<16xi32>,
      tpu.vector_store %arg9[%parallel_loop3A_165, %parallel_loop3A_166], %parallel_loop3A_164 {strides = array<i32>} : memref<256x128xi32, #tpu.memory_space<vmem>>, vector<16xi32>,
      %parallel_loop3A_168 = arith.constant 16 : i32
      %parallel_loop3A_169 = vector.broadcast %parallel_loop3A_168 : i32 to vector<16xi32>
      %parallel_loop3A_170 = arith.shrui %parallel_loop3A_150, %parallel_loop3A_169 : vector<16xi32>
      %parallel_loop3A_171 = arith.constant 5 : i32
      %parallel_loop3A_172 = vector.broadcast %parallel_loop3A_171 : i32 to vector<16xi32>
      %parallel_loop3A_173 = arith.shrui %parallel_loop3A_170, %parallel_loop3A_172 : vector<16xi32>
      %parallel_loop3A_174 = tpu.vector_load_idx %arg5[%add3A_22, %parallel_loop3A_173] : memref<128x128xi32, #tpu.memory_space<vmem>>[vector<16xi32>, vector<16xi32>], vector<16xi32>,
      %parallel_loop3A_175 = arith.constant 31 : i32
      %parallel_loop3A_176 = vector.broadcast %parallel_loop3A_175 : i32 to vector<16xi32>
      %parallel_loop3A_177 = arith.andi %parallel_loop3A_170, %parallel_loop3A_176 : vector<16xi32>
      %parallel_loop3A_178 = arith.shrui %parallel_loop3A_174, %parallel_loop3A_177 : vector<16xi32>
      %parallel_loop3A_179 = arith.constant 1 : i32
      %parallel_loop3A_180 = vector.broadcast %parallel_loop3A_179 : i32 to vector<16xi32>
      %parallel_loop3A_181 = arith.andi %parallel_loop3A_178, %parallel_loop3A_180 : vector<16xi32>
      %parallel_loop3A_182 = arith.index_cast %parallel_loop3A_110 : i32 to index
      %parallel_loop3A_183 = arith.constant 80 : index
      %parallel_loop3A_184 = tpu.vector_load %arg9[%parallel_loop3A_182, %parallel_loop3A_183] {strides = array<i32>} : memref<256x128xi32, #tpu.memory_space<vmem>>, vector<16xi32>,
      tpu.vector_store %arg9[%parallel_loop3A_182, %parallel_loop3A_183], %parallel_loop3A_181 {strides = array<i32>} : memref<256x128xi32, #tpu.memory_space<vmem>>, vector<16xi32>,
      %parallel_loop3A_185 = arith.index_cast %parallel_loop3A_110 : i32 to index
      %parallel_loop3A_186 = arith.constant 32 : index
      %parallel_loop3A_187 = tpu.vector_load %arg7[%parallel_loop3A_185, %parallel_loop3A_186] {strides = array<i32>} : memref<256x64xi32, #tpu.memory_space<vmem>>, vector<16xi32>,
      %parallel_loop3A_188 = arith.constant 4095 : i32
      %parallel_loop3A_189 = vector.broadcast %parallel_loop3A_188 : i32 to vector<16xi32>
      %parallel_loop3A_190 = arith.andi %parallel_loop3A_187, %parallel_loop3A_189 : vector<16xi32>
      %parallel_loop3A_191 = arith.constant 5 : i32
      %parallel_loop3A_192 = vector.broadcast %parallel_loop3A_191 : i32 to vector<16xi32>
      %parallel_loop3A_193 = arith.shrui %parallel_loop3A_190, %parallel_loop3A_192 : vector<16xi32>
      %parallel_loop3A_194 = tpu.vector_load_idx %arg5[%add3A_13, %parallel_loop3A_193] : memref<128x128xi32, #tpu.memory_space<vmem>>[vector<16xi32>, vector<16xi32>], vector<16xi32>,
      %parallel_loop3A_195 = arith.constant 31 : i32
      %parallel_loop3A_196 = vector.broadcast %parallel_loop3A_195 : i32 to vector<16xi32>
      %parallel_loop3A_197 = arith.andi %parallel_loop3A_190, %parallel_loop3A_196 : vector<16xi32>
      %parallel_loop3A_198 = arith.shrui %parallel_loop3A_194, %parallel_loop3A_197 : vector<16xi32>
      %parallel_loop3A_199 = arith.constant 1 : i32
      %parallel_loop3A_200 = vector.broadcast %parallel_loop3A_199 : i32 to vector<16xi32>
      %parallel_loop3A_201 = arith.andi %parallel_loop3A_198, %parallel_loop3A_200 : vector<16xi32>
      %parallel_loop3A_202 = arith.index_cast %parallel_loop3A_110 : i32 to index
      %parallel_loop3A_203 = arith.constant 32 : index
      %parallel_loop3A_204 = tpu.vector_load %arg9[%parallel_loop3A_202, %parallel_loop3A_203] {strides = array<i32>} : memref<256x128xi32, #tpu.memory_space<vmem>>, vector<16xi32>,
      tpu.vector_store %arg9[%parallel_loop3A_202, %parallel_loop3A_203], %parallel_loop3A_201 {strides = array<i32>} : memref<256x128xi32, #tpu.memory_space<vmem>>, vector<16xi32>,
      %parallel_loop3A_205 = arith.constant 16 : i32
      %parallel_loop3A_206 = vector.broadcast %parallel_loop3A_205 : i32 to vector<16xi32>
      %parallel_loop3A_207 = arith.shrui %parallel_loop3A_187, %parallel_loop3A_206 : vector<16xi32>
      %parallel_loop3A_208 = arith.constant 5 : i32
      %parallel_loop3A_209 = vector.broadcast %parallel_loop3A_208 : i32 to vector<16xi32>
      %parallel_loop3A_210 = arith.shrui %parallel_loop3A_207, %parallel_loop3A_209 : vector<16xi32>
      %parallel_loop3A_211 = tpu.vector_load_idx %arg5[%add3A_25, %parallel_loop3A_210] : memref<128x128xi32, #tpu.memory_space<vmem>>[vector<16xi32>, vector<16xi32>], vector<16xi32>,
      %parallel_loop3A_212 = arith.constant 31 : i32
      %parallel_loop3A_213 = vector.broadcast %parallel_loop3A_212 : i32 to vector<16xi32>
      %parallel_loop3A_214 = arith.andi %parallel_loop3A_207, %parallel_loop3A_213 : vector<16xi32>
      %parallel_loop3A_215 = arith.shrui %parallel_loop3A_211, %parallel_loop3A_214 : vector<16xi32>
      %parallel_loop3A_216 = arith.constant 1 : i32
      %parallel_loop3A_217 = vector.broadcast %parallel_loop3A_216 : i32 to vector<16xi32>
      %parallel_loop3A_218 = arith.andi %parallel_loop3A_215, %parallel_loop3A_217 : vector<16xi32>
      %parallel_loop3A_219 = arith.index_cast %parallel_loop3A_110 : i32 to index
      %parallel_loop3A_220 = arith.constant 96 : index
      %parallel_loop3A_221 = tpu.vector_load %arg9[%parallel_loop3A_219, %parallel_loop3A_220] {strides = array<i32>} : memref<256x128xi32, #tpu.memory_space<vmem>>, vector<16xi32>,
      tpu.vector_store %arg9[%parallel_loop3A_219, %parallel_loop3A_220], %parallel_loop3A_218 {strides = array<i32>} : memref<256x128xi32, #tpu.memory_space<vmem>>, vector<16xi32>,
      %parallel_loop3A_222 = arith.index_cast %parallel_loop3A_110 : i32 to index
      %parallel_loop3A_223 = arith.constant 48 : index
      %parallel_loop3A_224 = tpu.vector_load %arg7[%parallel_loop3A_222, %parallel_loop3A_223] {strides = array<i32>} : memref<256x64xi32, #tpu.memory_space<vmem>>, vector<16xi32>,
      %parallel_loop3A_225 = arith.constant 4095 : i32
      %parallel_loop3A_226 = vector.broadcast %parallel_loop3A_225 : i32 to vector<16xi32>
      %parallel_loop3A_227 = arith.andi %parallel_loop3A_224, %parallel_loop3A_226 : vector<16xi32>
      %parallel_loop3A_228 = arith.constant 5 : i32
      %parallel_loop3A_229 = vector.broadcast %parallel_loop3A_228 : i32 to vector<16xi32>
      %parallel_loop3A_230 = arith.shrui %parallel_loop3A_227, %parallel_loop3A_229 : vector<16xi32>
      %parallel_loop3A_231 = tpu.vector_load_idx %arg5[%add3A_16, %parallel_loop3A_230] : memref<128x128xi32, #tpu.memory_space<vmem>>[vector<16xi32>, vector<16xi32>], vector<16xi32>,
      %parallel_loop3A_232 = arith.constant 31 : i32
      %parallel_loop3A_233 = vector.broadcast %parallel_loop3A_232 : i32 to vector<16xi32>
      %parallel_loop3A_234 = arith.andi %parallel_loop3A_227, %parallel_loop3A_233 : vector<16xi32>
      %parallel_loop3A_235 = arith.shrui %parallel_loop3A_231, %parallel_loop3A_234 : vector<16xi32>
      %parallel_loop3A_236 = arith.constant 1 : i32
      %parallel_loop3A_237 = vector.broadcast %parallel_loop3A_236 : i32 to vector<16xi32>
      %parallel_loop3A_238 = arith.andi %parallel_loop3A_235, %parallel_loop3A_237 : vector<16xi32>
      %parallel_loop3A_239 = arith.index_cast %parallel_loop3A_110 : i32 to index
      %parallel_loop3A_240 = arith.constant 48 : index
      %parallel_loop3A_241 = tpu.vector_load %arg9[%parallel_loop3A_239, %parallel_loop3A_240] {strides = array<i32>} : memref<256x128xi32, #tpu.memory_space<vmem>>, vector<16xi32>,
      tpu.vector_store %arg9[%parallel_loop3A_239, %parallel_loop3A_240], %parallel_loop3A_238 {strides = array<i32>} : memref<256x128xi32, #tpu.memory_space<vmem>>, vector<16xi32>,
      %parallel_loop3A_242 = arith.constant 16 : i32
      %parallel_loop3A_243 = vector.broadcast %parallel_loop3A_242 : i32 to vector<16xi32>
      %parallel_loop3A_244 = arith.shrui %parallel_loop3A_224, %parallel_loop3A_243 : vector<16xi32>
      %parallel_loop3A_245 = arith.constant 5 : i32
      %parallel_loop3A_246 = vector.broadcast %parallel_loop3A_245 : i32 to vector<16xi32>
      %parallel_loop3A_247 = arith.shrui %parallel_loop3A_244, %parallel_loop3A_246 : vector<16xi32>
      %parallel_loop3A_248 = tpu.vector_load_idx %arg5[%add3A_28, %parallel_loop3A_247] : memref<128x128xi32, #tpu.memory_space<vmem>>[vector<16xi32>, vector<16xi32>], vector<16xi32>,
      %parallel_loop3A_249 = arith.constant 31 : i32
      %parallel_loop3A_250 = vector.broadcast %parallel_loop3A_249 : i32 to vector<16xi32>
      %parallel_loop3A_251 = arith.andi %parallel_loop3A_244, %parallel_loop3A_250 : vector<16xi32>
      %parallel_loop3A_252 = arith.shrui %parallel_loop3A_248, %parallel_loop3A_251 : vector<16xi32>
      %parallel_loop3A_253 = arith.constant 1 : i32
      %parallel_loop3A_254 = vector.broadcast %parallel_loop3A_253 : i32 to vector<16xi32>
      %parallel_loop3A_255 = arith.andi %parallel_loop3A_252, %parallel_loop3A_254 : vector<16xi32>
      %parallel_loop3A_256 = arith.index_cast %parallel_loop3A_110 : i32 to index
      %parallel_loop3A_257 = arith.constant 112 : index
      %parallel_loop3A_258 = tpu.vector_load %arg9[%parallel_loop3A_256, %parallel_loop3A_257] {strides = array<i32>} : memref<256x128xi32, #tpu.memory_space<vmem>>, vector<16xi32>,
      tpu.vector_store %arg9[%parallel_loop3A_256, %parallel_loop3A_257], %parallel_loop3A_255 {strides = array<i32>} : memref<256x128xi32, #tpu.memory_space<vmem>>, vector<16xi32>,
    } {sc.loop_unroll_factor = 8 : i64, sc.parallel_access}
    %dma_start3A_64 = arith.constant 256 : i32
    %dma_start3A_65 = tpu.memref_slice %arg4[%dma_start3A_64, %mul3A_2] : memref<1024x4096xi32, #tpu.memory_space<hbm>> -> memref<256x128xi32, #tpu.memory_space<hbm>>
    %dma_start3A_66 = arith.constant 256 : i32
    %dma_start3A_67 = tpu.memref_slice %arg4[%dma_start3A_66, %mul3A_2] : memref<1024x4096xi32, #tpu.memory_space<hbm>> -> memref<256x128xi32, #tpu.memory_space<hbm>>
    tpu.enqueue_dma source(%arg9 : memref<256x128xi32, #tpu.memory_space<vmem>>) target(%dma_start3A_67 : memref<256x128xi32, #tpu.memory_space<hbm>>) target_semaphore(%arg13 : memref<!tpu.dma_semaphore, #tpu.memory_space<semaphore_mem>>)
    %dma_start3A_68 = arith.constant 768 : i32
    %dma_start3A_69 = tpu.memref_slice %arg2[%dma_start3A_68, %mul3A_4] : memref<1024x2048xi32, #tpu.memory_space<hbm>> -> memref<256x64xi32, #tpu.memory_space<hbm>>
    %dma_start3A_70 = arith.constant 768 : i32
    %dma_start3A_71 = tpu.memref_slice %arg2[%dma_start3A_70, %mul3A_4] : memref<1024x2048xi32, #tpu.memory_space<hbm>> -> memref<256x64xi32, #tpu.memory_space<hbm>>
    tpu.enqueue_dma source(%dma_start3A_71 : memref<256x64xi32, #tpu.memory_space<hbm>>) target(%arg7 : memref<256x64xi32, #tpu.memory_space<vmem>>) target_semaphore(%arg11 : memref<!tpu.dma_semaphore, #tpu.memory_space<semaphore_mem>>)
    %dma_wait3A_72 = arith.constant 512 : i32
    %dma_wait3A_73 = tpu.memref_slice %arg2[%dma_wait3A_72, %mul3A_4] : memref<1024x2048xi32, #tpu.memory_space<hbm>> -> memref<256x64xi32, #tpu.memory_space<hbm>>
    %dma_wait3A_74 = arith.constant 512 : i32
    %dma_wait3A_75 = tpu.memref_slice %arg2[%dma_wait3A_74, %mul3A_4] : memref<1024x2048xi32, #tpu.memory_space<hbm>> -> memref<256x64xi32, #tpu.memory_space<hbm>>
    tpu.wait_dma2 semaphore(%arg10 : memref<!tpu.dma_semaphore, #tpu.memory_space<semaphore_mem>>) src(%dma_wait3A_75 : memref<256x64xi32, #tpu.memory_space<hbm>>) dst(%arg6 : memref<256x64xi32, #tpu.memory_space<vmem>>)
    %dma_wait3A_76 = arith.constant 0 : i32
    %dma_wait3A_77 = tpu.memref_slice %arg4[%dma_wait3A_76, %mul3A_2] : memref<1024x4096xi32, #tpu.memory_space<hbm>> -> memref<256x128xi32, #tpu.memory_space<hbm>>
    %dma_wait3A_78 = arith.constant 0 : i32
    %dma_wait3A_79 = tpu.memref_slice %arg4[%dma_wait3A_78, %mul3A_2] : memref<1024x4096xi32, #tpu.memory_space<hbm>> -> memref<256x128xi32, #tpu.memory_space<hbm>>
    tpu.wait_dma2 semaphore(%arg12 : memref<!tpu.dma_semaphore, #tpu.memory_space<semaphore_mem>>) src(%arg8 : memref<256x128xi32, #tpu.memory_space<vmem>>) dst(%dma_wait3A_79 : memref<256x128xi32, #tpu.memory_space<hbm>>)
    %parallel_loop3A_80 = arith.constant 0 : i32
    %parallel_loop3A_81 = arith.constant 256 : i32
    %parallel_loop3A_82 = arith.constant 1 : i32
    scf.for %parallel_loop3A_110 = %parallel_loop3A_80 to %parallel_loop3A_81 step %parallel_loop3A_82  : i32 {
      %parallel_loop3A_111 = arith.index_cast %parallel_loop3A_110 : i32 to index
      %parallel_loop3A_112 = arith.constant 0 : index
      %parallel_loop3A_113 = tpu.vector_load %arg6[%parallel_loop3A_111, %parallel_loop3A_112] {strides = array<i32>} : memref<256x64xi32, #tpu.memory_space<vmem>>, vector<16xi32>,
      %parallel_loop3A_114 = arith.constant 4095 : i32
      %parallel_loop3A_115 = vector.broadcast %parallel_loop3A_114 : i32 to vector<16xi32>
      %parallel_loop3A_116 = arith.andi %parallel_loop3A_113, %parallel_loop3A_115 : vector<16xi32>
      %parallel_loop3A_117 = arith.constant 5 : i32
      %parallel_loop3A_118 = vector.broadcast %parallel_loop3A_117 : i32 to vector<16xi32>
      %parallel_loop3A_119 = arith.shrui %parallel_loop3A_116, %parallel_loop3A_118 : vector<16xi32>
      %parallel_loop3A_120 = tpu.vector_load_idx %arg5[%add3A_7, %parallel_loop3A_119] : memref<128x128xi32, #tpu.memory_space<vmem>>[vector<16xi32>, vector<16xi32>], vector<16xi32>,
      %parallel_loop3A_121 = arith.constant 31 : i32
      %parallel_loop3A_122 = vector.broadcast %parallel_loop3A_121 : i32 to vector<16xi32>
      %parallel_loop3A_123 = arith.andi %parallel_loop3A_116, %parallel_loop3A_122 : vector<16xi32>
      %parallel_loop3A_124 = arith.shrui %parallel_loop3A_120, %parallel_loop3A_123 : vector<16xi32>
      %parallel_loop3A_125 = arith.constant 1 : i32
      %parallel_loop3A_126 = vector.broadcast %parallel_loop3A_125 : i32 to vector<16xi32>
      %parallel_loop3A_127 = arith.andi %parallel_loop3A_124, %parallel_loop3A_126 : vector<16xi32>
      %parallel_loop3A_128 = arith.index_cast %parallel_loop3A_110 : i32 to index
      %parallel_loop3A_129 = arith.constant 0 : index
      %parallel_loop3A_130 = tpu.vector_load %arg8[%parallel_loop3A_128, %parallel_loop3A_129] {strides = array<i32>} : memref<256x128xi32, #tpu.memory_space<vmem>>, vector<16xi32>,
      tpu.vector_store %arg8[%parallel_loop3A_128, %parallel_loop3A_129], %parallel_loop3A_127 {strides = array<i32>} : memref<256x128xi32, #tpu.memory_space<vmem>>, vector<16xi32>,
      %parallel_loop3A_131 = arith.constant 16 : i32
      %parallel_loop3A_132 = vector.broadcast %parallel_loop3A_131 : i32 to vector<16xi32>
      %parallel_loop3A_133 = arith.shrui %parallel_loop3A_113, %parallel_loop3A_132 : vector<16xi32>
      %parallel_loop3A_134 = arith.constant 5 : i32
      %parallel_loop3A_135 = vector.broadcast %parallel_loop3A_134 : i32 to vector<16xi32>
      %parallel_loop3A_136 = arith.shrui %parallel_loop3A_133, %parallel_loop3A_135 : vector<16xi32>
      %parallel_loop3A_137 = tpu.vector_load_idx %arg5[%add3A_19, %parallel_loop3A_136] : memref<128x128xi32, #tpu.memory_space<vmem>>[vector<16xi32>, vector<16xi32>], vector<16xi32>,
      %parallel_loop3A_138 = arith.constant 31 : i32
      %parallel_loop3A_139 = vector.broadcast %parallel_loop3A_138 : i32 to vector<16xi32>
      %parallel_loop3A_140 = arith.andi %parallel_loop3A_133, %parallel_loop3A_139 : vector<16xi32>
      %parallel_loop3A_141 = arith.shrui %parallel_loop3A_137, %parallel_loop3A_140 : vector<16xi32>
      %parallel_loop3A_142 = arith.constant 1 : i32
      %parallel_loop3A_143 = vector.broadcast %parallel_loop3A_142 : i32 to vector<16xi32>
      %parallel_loop3A_144 = arith.andi %parallel_loop3A_141, %parallel_loop3A_143 : vector<16xi32>
      %parallel_loop3A_145 = arith.index_cast %parallel_loop3A_110 : i32 to index
      %parallel_loop3A_146 = arith.constant 64 : index
      %parallel_loop3A_147 = tpu.vector_load %arg8[%parallel_loop3A_145, %parallel_loop3A_146] {strides = array<i32>} : memref<256x128xi32, #tpu.memory_space<vmem>>, vector<16xi32>,
      tpu.vector_store %arg8[%parallel_loop3A_145, %parallel_loop3A_146], %parallel_loop3A_144 {strides = array<i32>} : memref<256x128xi32, #tpu.memory_space<vmem>>, vector<16xi32>,
      %parallel_loop3A_148 = arith.index_cast %parallel_loop3A_110 : i32 to index
      %parallel_loop3A_149 = arith.constant 16 : index
      %parallel_loop3A_150 = tpu.vector_load %arg6[%parallel_loop3A_148, %parallel_loop3A_149] {strides = array<i32>} : memref<256x64xi32, #tpu.memory_space<vmem>>, vector<16xi32>,
      %parallel_loop3A_151 = arith.constant 4095 : i32
      %parallel_loop3A_152 = vector.broadcast %parallel_loop3A_151 : i32 to vector<16xi32>
      %parallel_loop3A_153 = arith.andi %parallel_loop3A_150, %parallel_loop3A_152 : vector<16xi32>
      %parallel_loop3A_154 = arith.constant 5 : i32
      %parallel_loop3A_155 = vector.broadcast %parallel_loop3A_154 : i32 to vector<16xi32>
      %parallel_loop3A_156 = arith.shrui %parallel_loop3A_153, %parallel_loop3A_155 : vector<16xi32>
      %parallel_loop3A_157 = tpu.vector_load_idx %arg5[%add3A_10, %parallel_loop3A_156] : memref<128x128xi32, #tpu.memory_space<vmem>>[vector<16xi32>, vector<16xi32>], vector<16xi32>,
      %parallel_loop3A_158 = arith.constant 31 : i32
      %parallel_loop3A_159 = vector.broadcast %parallel_loop3A_158 : i32 to vector<16xi32>
      %parallel_loop3A_160 = arith.andi %parallel_loop3A_153, %parallel_loop3A_159 : vector<16xi32>
      %parallel_loop3A_161 = arith.shrui %parallel_loop3A_157, %parallel_loop3A_160 : vector<16xi32>
      %parallel_loop3A_162 = arith.constant 1 : i32
      %parallel_loop3A_163 = vector.broadcast %parallel_loop3A_162 : i32 to vector<16xi32>
      %parallel_loop3A_164 = arith.andi %parallel_loop3A_161, %parallel_loop3A_163 : vector<16xi32>
      %parallel_loop3A_165 = arith.index_cast %parallel_loop3A_110 : i32 to index
      %parallel_loop3A_166 = arith.constant 16 : index
      %parallel_loop3A_167 = tpu.vector_load %arg8[%parallel_loop3A_165, %parallel_loop3A_166] {strides = array<i32>} : memref<256x128xi32, #tpu.memory_space<vmem>>, vector<16xi32>,
      tpu.vector_store %arg8[%parallel_loop3A_165, %parallel_loop3A_166], %parallel_loop3A_164 {strides = array<i32>} : memref<256x128xi32, #tpu.memory_space<vmem>>, vector<16xi32>,
      %parallel_loop3A_168 = arith.constant 16 : i32
      %parallel_loop3A_169 = vector.broadcast %parallel_loop3A_168 : i32 to vector<16xi32>
      %parallel_loop3A_170 = arith.shrui %parallel_loop3A_150, %parallel_loop3A_169 : vector<16xi32>
      %parallel_loop3A_171 = arith.constant 5 : i32
      %parallel_loop3A_172 = vector.broadcast %parallel_loop3A_171 : i32 to vector<16xi32>
      %parallel_loop3A_173 = arith.shrui %parallel_loop3A_170, %parallel_loop3A_172 : vector<16xi32>
      %parallel_loop3A_174 = tpu.vector_load_idx %arg5[%add3A_22, %parallel_loop3A_173] : memref<128x128xi32, #tpu.memory_space<vmem>>[vector<16xi32>, vector<16xi32>], vector<16xi32>,
      %parallel_loop3A_175 = arith.constant 31 : i32
      %parallel_loop3A_176 = vector.broadcast %parallel_loop3A_175 : i32 to vector<16xi32>
      %parallel_loop3A_177 = arith.andi %parallel_loop3A_170, %parallel_loop3A_176 : vector<16xi32>
      %parallel_loop3A_178 = arith.shrui %parallel_loop3A_174, %parallel_loop3A_177 : vector<16xi32>
      %parallel_loop3A_179 = arith.constant 1 : i32
      %parallel_loop3A_180 = vector.broadcast %parallel_loop3A_179 : i32 to vector<16xi32>
      %parallel_loop3A_181 = arith.andi %parallel_loop3A_178, %parallel_loop3A_180 : vector<16xi32>
      %parallel_loop3A_182 = arith.index_cast %parallel_loop3A_110 : i32 to index
      %parallel_loop3A_183 = arith.constant 80 : index
      %parallel_loop3A_184 = tpu.vector_load %arg8[%parallel_loop3A_182, %parallel_loop3A_183] {strides = array<i32>} : memref<256x128xi32, #tpu.memory_space<vmem>>, vector<16xi32>,
      tpu.vector_store %arg8[%parallel_loop3A_182, %parallel_loop3A_183], %parallel_loop3A_181 {strides = array<i32>} : memref<256x128xi32, #tpu.memory_space<vmem>>, vector<16xi32>,
      %parallel_loop3A_185 = arith.index_cast %parallel_loop3A_110 : i32 to index
      %parallel_loop3A_186 = arith.constant 32 : index
      %parallel_loop3A_187 = tpu.vector_load %arg6[%parallel_loop3A_185, %parallel_loop3A_186] {strides = array<i32>} : memref<256x64xi32, #tpu.memory_space<vmem>>, vector<16xi32>,
      %parallel_loop3A_188 = arith.constant 4095 : i32
      %parallel_loop3A_189 = vector.broadcast %parallel_loop3A_188 : i32 to vector<16xi32>
      %parallel_loop3A_190 = arith.andi %parallel_loop3A_187, %parallel_loop3A_189 : vector<16xi32>
      %parallel_loop3A_191 = arith.constant 5 : i32
      %parallel_loop3A_192 = vector.broadcast %parallel_loop3A_191 : i32 to vector<16xi32>
      %parallel_loop3A_193 = arith.shrui %parallel_loop3A_190, %parallel_loop3A_192 : vector<16xi32>
      %parallel_loop3A_194 = tpu.vector_load_idx %arg5[%add3A_13, %parallel_loop3A_193] : memref<128x128xi32, #tpu.memory_space<vmem>>[vector<16xi32>, vector<16xi32>], vector<16xi32>,
      %parallel_loop3A_195 = arith.constant 31 : i32
      %parallel_loop3A_196 = vector.broadcast %parallel_loop3A_195 : i32 to vector<16xi32>
      %parallel_loop3A_197 = arith.andi %parallel_loop3A_190, %parallel_loop3A_196 : vector<16xi32>
      %parallel_loop3A_198 = arith.shrui %parallel_loop3A_194, %parallel_loop3A_197 : vector<16xi32>
      %parallel_loop3A_199 = arith.constant 1 : i32
      %parallel_loop3A_200 = vector.broadcast %parallel_loop3A_199 : i32 to vector<16xi32>
      %parallel_loop3A_201 = arith.andi %parallel_loop3A_198, %parallel_loop3A_200 : vector<16xi32>
      %parallel_loop3A_202 = arith.index_cast %parallel_loop3A_110 : i32 to index
      %parallel_loop3A_203 = arith.constant 32 : index
      %parallel_loop3A_204 = tpu.vector_load %arg8[%parallel_loop3A_202, %parallel_loop3A_203] {strides = array<i32>} : memref<256x128xi32, #tpu.memory_space<vmem>>, vector<16xi32>,
      tpu.vector_store %arg8[%parallel_loop3A_202, %parallel_loop3A_203], %parallel_loop3A_201 {strides = array<i32>} : memref<256x128xi32, #tpu.memory_space<vmem>>, vector<16xi32>,
      %parallel_loop3A_205 = arith.constant 16 : i32
      %parallel_loop3A_206 = vector.broadcast %parallel_loop3A_205 : i32 to vector<16xi32>
      %parallel_loop3A_207 = arith.shrui %parallel_loop3A_187, %parallel_loop3A_206 : vector<16xi32>
      %parallel_loop3A_208 = arith.constant 5 : i32
      %parallel_loop3A_209 = vector.broadcast %parallel_loop3A_208 : i32 to vector<16xi32>
      %parallel_loop3A_210 = arith.shrui %parallel_loop3A_207, %parallel_loop3A_209 : vector<16xi32>
      %parallel_loop3A_211 = tpu.vector_load_idx %arg5[%add3A_25, %parallel_loop3A_210] : memref<128x128xi32, #tpu.memory_space<vmem>>[vector<16xi32>, vector<16xi32>], vector<16xi32>,
      %parallel_loop3A_212 = arith.constant 31 : i32
      %parallel_loop3A_213 = vector.broadcast %parallel_loop3A_212 : i32 to vector<16xi32>
      %parallel_loop3A_214 = arith.andi %parallel_loop3A_207, %parallel_loop3A_213 : vector<16xi32>
      %parallel_loop3A_215 = arith.shrui %parallel_loop3A_211, %parallel_loop3A_214 : vector<16xi32>
      %parallel_loop3A_216 = arith.constant 1 : i32
      %parallel_loop3A_217 = vector.broadcast %parallel_loop3A_216 : i32 to vector<16xi32>
      %parallel_loop3A_218 = arith.andi %parallel_loop3A_215, %parallel_loop3A_217 : vector<16xi32>
      %parallel_loop3A_219 = arith.index_cast %parallel_loop3A_110 : i32 to index
      %parallel_loop3A_220 = arith.constant 96 : index
      %parallel_loop3A_221 = tpu.vector_load %arg8[%parallel_loop3A_219, %parallel_loop3A_220] {strides = array<i32>} : memref<256x128xi32, #tpu.memory_space<vmem>>, vector<16xi32>,
      tpu.vector_store %arg8[%parallel_loop3A_219, %parallel_loop3A_220], %parallel_loop3A_218 {strides = array<i32>} : memref<256x128xi32, #tpu.memory_space<vmem>>, vector<16xi32>,
      %parallel_loop3A_222 = arith.index_cast %parallel_loop3A_110 : i32 to index
      %parallel_loop3A_223 = arith.constant 48 : index
      %parallel_loop3A_224 = tpu.vector_load %arg6[%parallel_loop3A_222, %parallel_loop3A_223] {strides = array<i32>} : memref<256x64xi32, #tpu.memory_space<vmem>>, vector<16xi32>,
      %parallel_loop3A_225 = arith.constant 4095 : i32
      %parallel_loop3A_226 = vector.broadcast %parallel_loop3A_225 : i32 to vector<16xi32>
      %parallel_loop3A_227 = arith.andi %parallel_loop3A_224, %parallel_loop3A_226 : vector<16xi32>
      %parallel_loop3A_228 = arith.constant 5 : i32
      %parallel_loop3A_229 = vector.broadcast %parallel_loop3A_228 : i32 to vector<16xi32>
      %parallel_loop3A_230 = arith.shrui %parallel_loop3A_227, %parallel_loop3A_229 : vector<16xi32>
      %parallel_loop3A_231 = tpu.vector_load_idx %arg5[%add3A_16, %parallel_loop3A_230] : memref<128x128xi32, #tpu.memory_space<vmem>>[vector<16xi32>, vector<16xi32>], vector<16xi32>,
      %parallel_loop3A_232 = arith.constant 31 : i32
      %parallel_loop3A_233 = vector.broadcast %parallel_loop3A_232 : i32 to vector<16xi32>
      %parallel_loop3A_234 = arith.andi %parallel_loop3A_227, %parallel_loop3A_233 : vector<16xi32>
      %parallel_loop3A_235 = arith.shrui %parallel_loop3A_231, %parallel_loop3A_234 : vector<16xi32>
      %parallel_loop3A_236 = arith.constant 1 : i32
      %parallel_loop3A_237 = vector.broadcast %parallel_loop3A_236 : i32 to vector<16xi32>
      %parallel_loop3A_238 = arith.andi %parallel_loop3A_235, %parallel_loop3A_237 : vector<16xi32>
      %parallel_loop3A_239 = arith.index_cast %parallel_loop3A_110 : i32 to index
      %parallel_loop3A_240 = arith.constant 48 : index
      %parallel_loop3A_241 = tpu.vector_load %arg8[%parallel_loop3A_239, %parallel_loop3A_240] {strides = array<i32>} : memref<256x128xi32, #tpu.memory_space<vmem>>, vector<16xi32>,
      tpu.vector_store %arg8[%parallel_loop3A_239, %parallel_loop3A_240], %parallel_loop3A_238 {strides = array<i32>} : memref<256x128xi32, #tpu.memory_space<vmem>>, vector<16xi32>,
      %parallel_loop3A_242 = arith.constant 16 : i32
      %parallel_loop3A_243 = vector.broadcast %parallel_loop3A_242 : i32 to vector<16xi32>
      %parallel_loop3A_244 = arith.shrui %parallel_loop3A_224, %parallel_loop3A_243 : vector<16xi32>
      %parallel_loop3A_245 = arith.constant 5 : i32
      %parallel_loop3A_246 = vector.broadcast %parallel_loop3A_245 : i32 to vector<16xi32>
      %parallel_loop3A_247 = arith.shrui %parallel_loop3A_244, %parallel_loop3A_246 : vector<16xi32>
      %parallel_loop3A_248 = tpu.vector_load_idx %arg5[%add3A_28, %parallel_loop3A_247] : memref<128x128xi32, #tpu.memory_space<vmem>>[vector<16xi32>, vector<16xi32>], vector<16xi32>,
      %parallel_loop3A_249 = arith.constant 31 : i32
      %parallel_loop3A_250 = vector.broadcast %parallel_loop3A_249 : i32 to vector<16xi32>
      %parallel_loop3A_251 = arith.andi %parallel_loop3A_244, %parallel_loop3A_250 : vector<16xi32>
      %parallel_loop3A_252 = arith.shrui %parallel_loop3A_248, %parallel_loop3A_251 : vector<16xi32>
      %parallel_loop3A_253 = arith.constant 1 : i32
      %parallel_loop3A_254 = vector.broadcast %parallel_loop3A_253 : i32 to vector<16xi32>
      %parallel_loop3A_255 = arith.andi %parallel_loop3A_252, %parallel_loop3A_254 : vector<16xi32>
      %parallel_loop3A_256 = arith.index_cast %parallel_loop3A_110 : i32 to index
      %parallel_loop3A_257 = arith.constant 112 : index
      %parallel_loop3A_258 = tpu.vector_load %arg8[%parallel_loop3A_256, %parallel_loop3A_257] {strides = array<i32>} : memref<256x128xi32, #tpu.memory_space<vmem>>, vector<16xi32>,
      tpu.vector_store %arg8[%parallel_loop3A_256, %parallel_loop3A_257], %parallel_loop3A_255 {strides = array<i32>} : memref<256x128xi32, #tpu.memory_space<vmem>>, vector<16xi32>,
    } {sc.loop_unroll_factor = 8 : i64, sc.parallel_access}
    %dma_start3A_83 = arith.constant 512 : i32
    %dma_start3A_84 = tpu.memref_slice %arg4[%dma_start3A_83, %mul3A_2] : memref<1024x4096xi32, #tpu.memory_space<hbm>> -> memref<256x128xi32, #tpu.memory_space<hbm>>
    %dma_start3A_85 = arith.constant 512 : i32
    %dma_start3A_86 = tpu.memref_slice %arg4[%dma_start3A_85, %mul3A_2] : memref<1024x4096xi32, #tpu.memory_space<hbm>> -> memref<256x128xi32, #tpu.memory_space<hbm>>
    tpu.enqueue_dma source(%arg8 : memref<256x128xi32, #tpu.memory_space<vmem>>) target(%dma_start3A_86 : memref<256x128xi32, #tpu.memory_space<hbm>>) target_semaphore(%arg12 : memref<!tpu.dma_semaphore, #tpu.memory_space<semaphore_mem>>)
    %dma_wait3A_87 = arith.constant 768 : i32
    %dma_wait3A_88 = tpu.memref_slice %arg2[%dma_wait3A_87, %mul3A_4] : memref<1024x2048xi32, #tpu.memory_space<hbm>> -> memref<256x64xi32, #tpu.memory_space<hbm>>
    %dma_wait3A_89 = arith.constant 768 : i32
    %dma_wait3A_90 = tpu.memref_slice %arg2[%dma_wait3A_89, %mul3A_4] : memref<1024x2048xi32, #tpu.memory_space<hbm>> -> memref<256x64xi32, #tpu.memory_space<hbm>>
    tpu.wait_dma2 semaphore(%arg11 : memref<!tpu.dma_semaphore, #tpu.memory_space<semaphore_mem>>) src(%dma_wait3A_90 : memref<256x64xi32, #tpu.memory_space<hbm>>) dst(%arg7 : memref<256x64xi32, #tpu.memory_space<vmem>>)
    %dma_wait3A_91 = arith.constant 256 : i32
    %dma_wait3A_92 = tpu.memref_slice %arg4[%dma_wait3A_91, %mul3A_2] : memref<1024x4096xi32, #tpu.memory_space<hbm>> -> memref<256x128xi32, #tpu.memory_space<hbm>>
    %dma_wait3A_93 = arith.constant 256 : i32
    %dma_wait3A_94 = tpu.memref_slice %arg4[%dma_wait3A_93, %mul3A_2] : memref<1024x4096xi32, #tpu.memory_space<hbm>> -> memref<256x128xi32, #tpu.memory_space<hbm>>
    tpu.wait_dma2 semaphore(%arg13 : memref<!tpu.dma_semaphore, #tpu.memory_space<semaphore_mem>>) src(%arg9 : memref<256x128xi32, #tpu.memory_space<vmem>>) dst(%dma_wait3A_94 : memref<256x128xi32, #tpu.memory_space<hbm>>)
    %parallel_loop3A_95 = arith.constant 0 : i32
    %parallel_loop3A_96 = arith.constant 256 : i32
    %parallel_loop3A_97 = arith.constant 1 : i32
    scf.for %parallel_loop3A_110 = %parallel_loop3A_95 to %parallel_loop3A_96 step %parallel_loop3A_97  : i32 {
      %parallel_loop3A_111 = arith.index_cast %parallel_loop3A_110 : i32 to index
      %parallel_loop3A_112 = arith.constant 0 : index
      %parallel_loop3A_113 = tpu.vector_load %arg7[%parallel_loop3A_111, %parallel_loop3A_112] {strides = array<i32>} : memref<256x64xi32, #tpu.memory_space<vmem>>, vector<16xi32>,
      %parallel_loop3A_114 = arith.constant 4095 : i32
      %parallel_loop3A_115 = vector.broadcast %parallel_loop3A_114 : i32 to vector<16xi32>
      %parallel_loop3A_116 = arith.andi %parallel_loop3A_113, %parallel_loop3A_115 : vector<16xi32>
      %parallel_loop3A_117 = arith.constant 5 : i32
      %parallel_loop3A_118 = vector.broadcast %parallel_loop3A_117 : i32 to vector<16xi32>
      %parallel_loop3A_119 = arith.shrui %parallel_loop3A_116, %parallel_loop3A_118 : vector<16xi32>
      %parallel_loop3A_120 = tpu.vector_load_idx %arg5[%add3A_7, %parallel_loop3A_119] : memref<128x128xi32, #tpu.memory_space<vmem>>[vector<16xi32>, vector<16xi32>], vector<16xi32>,
      %parallel_loop3A_121 = arith.constant 31 : i32
      %parallel_loop3A_122 = vector.broadcast %parallel_loop3A_121 : i32 to vector<16xi32>
      %parallel_loop3A_123 = arith.andi %parallel_loop3A_116, %parallel_loop3A_122 : vector<16xi32>
      %parallel_loop3A_124 = arith.shrui %parallel_loop3A_120, %parallel_loop3A_123 : vector<16xi32>
      %parallel_loop3A_125 = arith.constant 1 : i32
      %parallel_loop3A_126 = vector.broadcast %parallel_loop3A_125 : i32 to vector<16xi32>
      %parallel_loop3A_127 = arith.andi %parallel_loop3A_124, %parallel_loop3A_126 : vector<16xi32>
      %parallel_loop3A_128 = arith.index_cast %parallel_loop3A_110 : i32 to index
      %parallel_loop3A_129 = arith.constant 0 : index
      %parallel_loop3A_130 = tpu.vector_load %arg9[%parallel_loop3A_128, %parallel_loop3A_129] {strides = array<i32>} : memref<256x128xi32, #tpu.memory_space<vmem>>, vector<16xi32>,
      tpu.vector_store %arg9[%parallel_loop3A_128, %parallel_loop3A_129], %parallel_loop3A_127 {strides = array<i32>} : memref<256x128xi32, #tpu.memory_space<vmem>>, vector<16xi32>,
      %parallel_loop3A_131 = arith.constant 16 : i32
      %parallel_loop3A_132 = vector.broadcast %parallel_loop3A_131 : i32 to vector<16xi32>
      %parallel_loop3A_133 = arith.shrui %parallel_loop3A_113, %parallel_loop3A_132 : vector<16xi32>
      %parallel_loop3A_134 = arith.constant 5 : i32
      %parallel_loop3A_135 = vector.broadcast %parallel_loop3A_134 : i32 to vector<16xi32>
      %parallel_loop3A_136 = arith.shrui %parallel_loop3A_133, %parallel_loop3A_135 : vector<16xi32>
      %parallel_loop3A_137 = tpu.vector_load_idx %arg5[%add3A_19, %parallel_loop3A_136] : memref<128x128xi32, #tpu.memory_space<vmem>>[vector<16xi32>, vector<16xi32>], vector<16xi32>,
      %parallel_loop3A_138 = arith.constant 31 : i32
      %parallel_loop3A_139 = vector.broadcast %parallel_loop3A_138 : i32 to vector<16xi32>
      %parallel_loop3A_140 = arith.andi %parallel_loop3A_133, %parallel_loop3A_139 : vector<16xi32>
      %parallel_loop3A_141 = arith.shrui %parallel_loop3A_137, %parallel_loop3A_140 : vector<16xi32>
      %parallel_loop3A_142 = arith.constant 1 : i32
      %parallel_loop3A_143 = vector.broadcast %parallel_loop3A_142 : i32 to vector<16xi32>
      %parallel_loop3A_144 = arith.andi %parallel_loop3A_141, %parallel_loop3A_143 : vector<16xi32>
      %parallel_loop3A_145 = arith.index_cast %parallel_loop3A_110 : i32 to index
      %parallel_loop3A_146 = arith.constant 64 : index
      %parallel_loop3A_147 = tpu.vector_load %arg9[%parallel_loop3A_145, %parallel_loop3A_146] {strides = array<i32>} : memref<256x128xi32, #tpu.memory_space<vmem>>, vector<16xi32>,
      tpu.vector_store %arg9[%parallel_loop3A_145, %parallel_loop3A_146], %parallel_loop3A_144 {strides = array<i32>} : memref<256x128xi32, #tpu.memory_space<vmem>>, vector<16xi32>,
      %parallel_loop3A_148 = arith.index_cast %parallel_loop3A_110 : i32 to index
      %parallel_loop3A_149 = arith.constant 16 : index
      %parallel_loop3A_150 = tpu.vector_load %arg7[%parallel_loop3A_148, %parallel_loop3A_149] {strides = array<i32>} : memref<256x64xi32, #tpu.memory_space<vmem>>, vector<16xi32>,
      %parallel_loop3A_151 = arith.constant 4095 : i32
      %parallel_loop3A_152 = vector.broadcast %parallel_loop3A_151 : i32 to vector<16xi32>
      %parallel_loop3A_153 = arith.andi %parallel_loop3A_150, %parallel_loop3A_152 : vector<16xi32>
      %parallel_loop3A_154 = arith.constant 5 : i32
      %parallel_loop3A_155 = vector.broadcast %parallel_loop3A_154 : i32 to vector<16xi32>
      %parallel_loop3A_156 = arith.shrui %parallel_loop3A_153, %parallel_loop3A_155 : vector<16xi32>
      %parallel_loop3A_157 = tpu.vector_load_idx %arg5[%add3A_10, %parallel_loop3A_156] : memref<128x128xi32, #tpu.memory_space<vmem>>[vector<16xi32>, vector<16xi32>], vector<16xi32>,
      %parallel_loop3A_158 = arith.constant 31 : i32
      %parallel_loop3A_159 = vector.broadcast %parallel_loop3A_158 : i32 to vector<16xi32>
      %parallel_loop3A_160 = arith.andi %parallel_loop3A_153, %parallel_loop3A_159 : vector<16xi32>
      %parallel_loop3A_161 = arith.shrui %parallel_loop3A_157, %parallel_loop3A_160 : vector<16xi32>
      %parallel_loop3A_162 = arith.constant 1 : i32
      %parallel_loop3A_163 = vector.broadcast %parallel_loop3A_162 : i32 to vector<16xi32>
      %parallel_loop3A_164 = arith.andi %parallel_loop3A_161, %parallel_loop3A_163 : vector<16xi32>
      %parallel_loop3A_165 = arith.index_cast %parallel_loop3A_110 : i32 to index
      %parallel_loop3A_166 = arith.constant 16 : index
      %parallel_loop3A_167 = tpu.vector_load %arg9[%parallel_loop3A_165, %parallel_loop3A_166] {strides = array<i32>} : memref<256x128xi32, #tpu.memory_space<vmem>>, vector<16xi32>,
      tpu.vector_store %arg9[%parallel_loop3A_165, %parallel_loop3A_166], %parallel_loop3A_164 {strides = array<i32>} : memref<256x128xi32, #tpu.memory_space<vmem>>, vector<16xi32>,
      %parallel_loop3A_168 = arith.constant 16 : i32
      %parallel_loop3A_169 = vector.broadcast %parallel_loop3A_168 : i32 to vector<16xi32>
      %parallel_loop3A_170 = arith.shrui %parallel_loop3A_150, %parallel_loop3A_169 : vector<16xi32>
      %parallel_loop3A_171 = arith.constant 5 : i32
      %parallel_loop3A_172 = vector.broadcast %parallel_loop3A_171 : i32 to vector<16xi32>
      %parallel_loop3A_173 = arith.shrui %parallel_loop3A_170, %parallel_loop3A_172 : vector<16xi32>
      %parallel_loop3A_174 = tpu.vector_load_idx %arg5[%add3A_22, %parallel_loop3A_173] : memref<128x128xi32, #tpu.memory_space<vmem>>[vector<16xi32>, vector<16xi32>], vector<16xi32>,
      %parallel_loop3A_175 = arith.constant 31 : i32
      %parallel_loop3A_176 = vector.broadcast %parallel_loop3A_175 : i32 to vector<16xi32>
      %parallel_loop3A_177 = arith.andi %parallel_loop3A_170, %parallel_loop3A_176 : vector<16xi32>
      %parallel_loop3A_178 = arith.shrui %parallel_loop3A_174, %parallel_loop3A_177 : vector<16xi32>
      %parallel_loop3A_179 = arith.constant 1 : i32
      %parallel_loop3A_180 = vector.broadcast %parallel_loop3A_179 : i32 to vector<16xi32>
      %parallel_loop3A_181 = arith.andi %parallel_loop3A_178, %parallel_loop3A_180 : vector<16xi32>
      %parallel_loop3A_182 = arith.index_cast %parallel_loop3A_110 : i32 to index
      %parallel_loop3A_183 = arith.constant 80 : index
      %parallel_loop3A_184 = tpu.vector_load %arg9[%parallel_loop3A_182, %parallel_loop3A_183] {strides = array<i32>} : memref<256x128xi32, #tpu.memory_space<vmem>>, vector<16xi32>,
      tpu.vector_store %arg9[%parallel_loop3A_182, %parallel_loop3A_183], %parallel_loop3A_181 {strides = array<i32>} : memref<256x128xi32, #tpu.memory_space<vmem>>, vector<16xi32>,
      %parallel_loop3A_185 = arith.index_cast %parallel_loop3A_110 : i32 to index
      %parallel_loop3A_186 = arith.constant 32 : index
      %parallel_loop3A_187 = tpu.vector_load %arg7[%parallel_loop3A_185, %parallel_loop3A_186] {strides = array<i32>} : memref<256x64xi32, #tpu.memory_space<vmem>>, vector<16xi32>,
      %parallel_loop3A_188 = arith.constant 4095 : i32
      %parallel_loop3A_189 = vector.broadcast %parallel_loop3A_188 : i32 to vector<16xi32>
      %parallel_loop3A_190 = arith.andi %parallel_loop3A_187, %parallel_loop3A_189 : vector<16xi32>
      %parallel_loop3A_191 = arith.constant 5 : i32
      %parallel_loop3A_192 = vector.broadcast %parallel_loop3A_191 : i32 to vector<16xi32>
      %parallel_loop3A_193 = arith.shrui %parallel_loop3A_190, %parallel_loop3A_192 : vector<16xi32>
      %parallel_loop3A_194 = tpu.vector_load_idx %arg5[%add3A_13, %parallel_loop3A_193] : memref<128x128xi32, #tpu.memory_space<vmem>>[vector<16xi32>, vector<16xi32>], vector<16xi32>,
      %parallel_loop3A_195 = arith.constant 31 : i32
      %parallel_loop3A_196 = vector.broadcast %parallel_loop3A_195 : i32 to vector<16xi32>
      %parallel_loop3A_197 = arith.andi %parallel_loop3A_190, %parallel_loop3A_196 : vector<16xi32>
      %parallel_loop3A_198 = arith.shrui %parallel_loop3A_194, %parallel_loop3A_197 : vector<16xi32>
      %parallel_loop3A_199 = arith.constant 1 : i32
      %parallel_loop3A_200 = vector.broadcast %parallel_loop3A_199 : i32 to vector<16xi32>
      %parallel_loop3A_201 = arith.andi %parallel_loop3A_198, %parallel_loop3A_200 : vector<16xi32>
      %parallel_loop3A_202 = arith.index_cast %parallel_loop3A_110 : i32 to index
      %parallel_loop3A_203 = arith.constant 32 : index
      %parallel_loop3A_204 = tpu.vector_load %arg9[%parallel_loop3A_202, %parallel_loop3A_203] {strides = array<i32>} : memref<256x128xi32, #tpu.memory_space<vmem>>, vector<16xi32>,
      tpu.vector_store %arg9[%parallel_loop3A_202, %parallel_loop3A_203], %parallel_loop3A_201 {strides = array<i32>} : memref<256x128xi32, #tpu.memory_space<vmem>>, vector<16xi32>,
      %parallel_loop3A_205 = arith.constant 16 : i32
      %parallel_loop3A_206 = vector.broadcast %parallel_loop3A_205 : i32 to vector<16xi32>
      %parallel_loop3A_207 = arith.shrui %parallel_loop3A_187, %parallel_loop3A_206 : vector<16xi32>
      %parallel_loop3A_208 = arith.constant 5 : i32
      %parallel_loop3A_209 = vector.broadcast %parallel_loop3A_208 : i32 to vector<16xi32>
      %parallel_loop3A_210 = arith.shrui %parallel_loop3A_207, %parallel_loop3A_209 : vector<16xi32>
      %parallel_loop3A_211 = tpu.vector_load_idx %arg5[%add3A_25, %parallel_loop3A_210] : memref<128x128xi32, #tpu.memory_space<vmem>>[vector<16xi32>, vector<16xi32>], vector<16xi32>,
      %parallel_loop3A_212 = arith.constant 31 : i32
      %parallel_loop3A_213 = vector.broadcast %parallel_loop3A_212 : i32 to vector<16xi32>
      %parallel_loop3A_214 = arith.andi %parallel_loop3A_207, %parallel_loop3A_213 : vector<16xi32>
      %parallel_loop3A_215 = arith.shrui %parallel_loop3A_211, %parallel_loop3A_214 : vector<16xi32>
      %parallel_loop3A_216 = arith.constant 1 : i32
      %parallel_loop3A_217 = vector.broadcast %parallel_loop3A_216 : i32 to vector<16xi32>
      %parallel_loop3A_218 = arith.andi %parallel_loop3A_215, %parallel_loop3A_217 : vector<16xi32>
      %parallel_loop3A_219 = arith.index_cast %parallel_loop3A_110 : i32 to index
      %parallel_loop3A_220 = arith.constant 96 : index
      %parallel_loop3A_221 = tpu.vector_load %arg9[%parallel_loop3A_219, %parallel_loop3A_220] {strides = array<i32>} : memref<256x128xi32, #tpu.memory_space<vmem>>, vector<16xi32>,
      tpu.vector_store %arg9[%parallel_loop3A_219, %parallel_loop3A_220], %parallel_loop3A_218 {strides = array<i32>} : memref<256x128xi32, #tpu.memory_space<vmem>>, vector<16xi32>,
      %parallel_loop3A_222 = arith.index_cast %parallel_loop3A_110 : i32 to index
      %parallel_loop3A_223 = arith.constant 48 : index
      %parallel_loop3A_224 = tpu.vector_load %arg7[%parallel_loop3A_222, %parallel_loop3A_223] {strides = array<i32>} : memref<256x64xi32, #tpu.memory_space<vmem>>, vector<16xi32>,
      %parallel_loop3A_225 = arith.constant 4095 : i32
      %parallel_loop3A_226 = vector.broadcast %parallel_loop3A_225 : i32 to vector<16xi32>
      %parallel_loop3A_227 = arith.andi %parallel_loop3A_224, %parallel_loop3A_226 : vector<16xi32>
      %parallel_loop3A_228 = arith.constant 5 : i32
      %parallel_loop3A_229 = vector.broadcast %parallel_loop3A_228 : i32 to vector<16xi32>
      %parallel_loop3A_230 = arith.shrui %parallel_loop3A_227, %parallel_loop3A_229 : vector<16xi32>
      %parallel_loop3A_231 = tpu.vector_load_idx %arg5[%add3A_16, %parallel_loop3A_230] : memref<128x128xi32, #tpu.memory_space<vmem>>[vector<16xi32>, vector<16xi32>], vector<16xi32>,
      %parallel_loop3A_232 = arith.constant 31 : i32
      %parallel_loop3A_233 = vector.broadcast %parallel_loop3A_232 : i32 to vector<16xi32>
      %parallel_loop3A_234 = arith.andi %parallel_loop3A_227, %parallel_loop3A_233 : vector<16xi32>
      %parallel_loop3A_235 = arith.shrui %parallel_loop3A_231, %parallel_loop3A_234 : vector<16xi32>
      %parallel_loop3A_236 = arith.constant 1 : i32
      %parallel_loop3A_237 = vector.broadcast %parallel_loop3A_236 : i32 to vector<16xi32>
      %parallel_loop3A_238 = arith.andi %parallel_loop3A_235, %parallel_loop3A_237 : vector<16xi32>
      %parallel_loop3A_239 = arith.index_cast %parallel_loop3A_110 : i32 to index
      %parallel_loop3A_240 = arith.constant 48 : index
      %parallel_loop3A_241 = tpu.vector_load %arg9[%parallel_loop3A_239, %parallel_loop3A_240] {strides = array<i32>} : memref<256x128xi32, #tpu.memory_space<vmem>>, vector<16xi32>,
      tpu.vector_store %arg9[%parallel_loop3A_239, %parallel_loop3A_240], %parallel_loop3A_238 {strides = array<i32>} : memref<256x128xi32, #tpu.memory_space<vmem>>, vector<16xi32>,
      %parallel_loop3A_242 = arith.constant 16 : i32
      %parallel_loop3A_243 = vector.broadcast %parallel_loop3A_242 : i32 to vector<16xi32>
      %parallel_loop3A_244 = arith.shrui %parallel_loop3A_224, %parallel_loop3A_243 : vector<16xi32>
      %parallel_loop3A_245 = arith.constant 5 : i32
      %parallel_loop3A_246 = vector.broadcast %parallel_loop3A_245 : i32 to vector<16xi32>
      %parallel_loop3A_247 = arith.shrui %parallel_loop3A_244, %parallel_loop3A_246 : vector<16xi32>
      %parallel_loop3A_248 = tpu.vector_load_idx %arg5[%add3A_28, %parallel_loop3A_247] : memref<128x128xi32, #tpu.memory_space<vmem>>[vector<16xi32>, vector<16xi32>], vector<16xi32>,
      %parallel_loop3A_249 = arith.constant 31 : i32
      %parallel_loop3A_250 = vector.broadcast %parallel_loop3A_249 : i32 to vector<16xi32>
      %parallel_loop3A_251 = arith.andi %parallel_loop3A_244, %parallel_loop3A_250 : vector<16xi32>
      %parallel_loop3A_252 = arith.shrui %parallel_loop3A_248, %parallel_loop3A_251 : vector<16xi32>
      %parallel_loop3A_253 = arith.constant 1 : i32
      %parallel_loop3A_254 = vector.broadcast %parallel_loop3A_253 : i32 to vector<16xi32>
      %parallel_loop3A_255 = arith.andi %parallel_loop3A_252, %parallel_loop3A_254 : vector<16xi32>
      %parallel_loop3A_256 = arith.index_cast %parallel_loop3A_110 : i32 to index
      %parallel_loop3A_257 = arith.constant 112 : index
      %parallel_loop3A_258 = tpu.vector_load %arg9[%parallel_loop3A_256, %parallel_loop3A_257] {strides = array<i32>} : memref<256x128xi32, #tpu.memory_space<vmem>>, vector<16xi32>,
      tpu.vector_store %arg9[%parallel_loop3A_256, %parallel_loop3A_257], %parallel_loop3A_255 {strides = array<i32>} : memref<256x128xi32, #tpu.memory_space<vmem>>, vector<16xi32>,
    } {sc.loop_unroll_factor = 8 : i64, sc.parallel_access}
    %dma_start3A_98 = arith.constant 768 : i32
    %dma_start3A_99 = tpu.memref_slice %arg4[%dma_start3A_98, %mul3A_2] : memref<1024x4096xi32, #tpu.memory_space<hbm>> -> memref<256x128xi32, #tpu.memory_space<hbm>>
    %dma_start3A_100 = arith.constant 768 : i32
    %dma_start3A_101 = tpu.memref_slice %arg4[%dma_start3A_100, %mul3A_2] : memref<1024x4096xi32, #tpu.memory_space<hbm>> -> memref<256x128xi32, #tpu.memory_space<hbm>>
    tpu.enqueue_dma source(%arg9 : memref<256x128xi32, #tpu.memory_space<vmem>>) target(%dma_start3A_101 : memref<256x128xi32, #tpu.memory_space<hbm>>) target_semaphore(%arg13 : memref<!tpu.dma_semaphore, #tpu.memory_space<semaphore_mem>>)
    %dma_wait3A_102 = arith.constant 512 : i32
    %dma_wait3A_103 = tpu.memref_slice %arg4[%dma_wait3A_102, %mul3A_2] : memref<1024x4096xi32, #tpu.memory_space<hbm>> -> memref<256x128xi32, #tpu.memory_space<hbm>>
    %dma_wait3A_104 = arith.constant 512 : i32
    %dma_wait3A_105 = tpu.memref_slice %arg4[%dma_wait3A_104, %mul3A_2] : memref<1024x4096xi32, #tpu.memory_space<hbm>> -> memref<256x128xi32, #tpu.memory_space<hbm>>
    tpu.wait_dma2 semaphore(%arg12 : memref<!tpu.dma_semaphore, #tpu.memory_space<semaphore_mem>>) src(%arg8 : memref<256x128xi32, #tpu.memory_space<vmem>>) dst(%dma_wait3A_105 : memref<256x128xi32, #tpu.memory_space<hbm>>)
    %dma_wait3A_106 = arith.constant 768 : i32
    %dma_wait3A_107 = tpu.memref_slice %arg4[%dma_wait3A_106, %mul3A_2] : memref<1024x4096xi32, #tpu.memory_space<hbm>> -> memref<256x128xi32, #tpu.memory_space<hbm>>
    %dma_wait3A_108 = arith.constant 768 : i32
    %dma_wait3A_109 = tpu.memref_slice %arg4[%dma_wait3A_108, %mul3A_2] : memref<1024x4096xi32, #tpu.memory_space<hbm>> -> memref<256x128xi32, #tpu.memory_space<hbm>>
    tpu.wait_dma2 semaphore(%arg13 : memref<!tpu.dma_semaphore, #tpu.memory_space<semaphore_mem>>) src(%arg9 : memref<256x128xi32, #tpu.memory_space<vmem>>) dst(%dma_wait3A_109 : memref<256x128xi32, #tpu.memory_space<hbm>>)
    return
  }
}

module attributes {stable_mosaic.version = 14 : i64} {
  func.func @_pack_body(%arg0: i32, %arg1: memref<512x4096xi8, #tpu.memory_space<vmem>>, %arg2: memref<512x128xi32, #tpu.memory_space<vmem>>) attributes {dimension_semantics = [#tpu.dimension_semantics<arbitrary>], iteration_bounds = array<i64: 8>, scalar_prefetch = 0 : i64, scratch_operands = 0 : i64, tpu.core_type = #tpu.core_type<tc>, window_params = [{transform_indices = @transform_0, window_bounds = array<i64: 512, 4096>}, {transform_indices = @transform_1, window_bounds = array<i64: 512, 128>}]} {
    %get3A = arith.constant 0 : index
    %get3A_0 = arith.constant 0 : index
    %get3A_1 = vector.load %arg1[%get3A, %get3A_0] : memref<512x4096xi8, #tpu.memory_space<vmem>>, vector<512x4096xi8>
    %eq3A = arith.constant 1 : i8
    %eq3A_2 = vector.broadcast %eq3A : i8 to vector<512x4096xi8>
    %eq3A_3 = arith.cmpi eq, %get3A_1, %eq3A_2 : vector<512x4096xi8>
    %convert_element_type3A = arith.extui %eq3A_3 : vector<512x4096xi1> to vector<512x4096xi32>
    %convert_element_type3A_4 = arith.sitofp %convert_element_type3A : vector<512x4096xi32> to vector<512x4096xf32>
    %convert_element_type3A_5 = arith.truncf %convert_element_type3A_4 : vector<512x4096xf32> to vector<512x4096xbf16>
    %iota3A = tpu.iota {dimensions = array<i32: 0>} : vector<4096x256xi32>
    %iota3A_6 = tpu.iota {dimensions = array<i32: 1>} : vector<4096x256xi32>
    %jit3A = arith.constant 32 : i32
    %eq3A_7 = arith.constant 0 : i32
    %eq3A_8 = arith.cmpi eq, %jit3A, %eq3A_7 : i32
    %jit3A_9 = arith.constant 1 : i32
    %select_n3A = arith.select %eq3A_8, %jit3A_9, %jit3A : i32
    %rem3A = vector.broadcast %select_n3A : i32 to vector<4096x256xi32>
    %rem3A_10 = arith.remsi %iota3A, %rem3A : vector<4096x256xi32>
    %ne3A = arith.constant 0 : i32
    %ne3A_11 = vector.broadcast %ne3A : i32 to vector<4096x256xi32>
    %ne3A_12 = arith.cmpi ne, %rem3A_10, %ne3A_11 : vector<4096x256xi32>
    %lt3A = arith.constant 0 : i32
    %lt3A_13 = vector.broadcast %lt3A : i32 to vector<4096x256xi32>
    %lt3A_14 = arith.cmpi slt, %rem3A_10, %lt3A_13 : vector<4096x256xi32>
    %lt3A_15 = arith.constant 0 : i32
    %lt3A_16 = arith.cmpi slt, %select_n3A, %lt3A_15 : i32
    %ne3A_17 = vector.broadcast %lt3A_16 : i1 to vector<4096x256xi1>
    %ne3A_18 = vector.broadcast %ne3A_17 : vector<4096x256xi1> to vector<4096x256xi1>
    %ne3A_19 = arith.xori %lt3A_14, %ne3A_18 : vector<4096x256xi1>
    %and3A = arith.andi %ne3A_19, %ne3A_12 : vector<4096x256xi1>
    %add3A = vector.broadcast %select_n3A : i32 to vector<4096x256xi32>
    %add3A_20 = arith.addi %rem3A_10, %add3A : vector<4096x256xi32>
    %select_n3A_21 = arith.select %and3A, %add3A_20, %rem3A_10 : vector<4096x256xi1>, vector<4096x256xi32>
    %jit3A_22 = arith.constant 32 : i32
    %div3A = vector.broadcast %jit3A_22 : i32 to vector<4096x256xi32>
    %div3A_23 = arith.divsi %iota3A, %div3A : vector<4096x256xi32>
    %sign3A = arith.constant 0 : i32
    %sign3A_24 = vector.broadcast %sign3A : i32 to vector<4096x256xi32>
    %sign3A_25 = arith.cmpi sgt, %iota3A, %sign3A_24 : vector<4096x256xi32>
    %sign3A_26 = arith.extui %sign3A_25 : vector<4096x256xi1> to vector<4096x256xi32>
    %sign3A_27 = arith.constant 0 : i32
    %sign3A_28 = vector.broadcast %sign3A_27 : i32 to vector<4096x256xi32>
    %sign3A_29 = arith.cmpi slt, %iota3A, %sign3A_28 : vector<4096x256xi32>
    %sign3A_30 = arith.extui %sign3A_29 : vector<4096x256xi1> to vector<4096x256xi32>
    %sign3A_31 = arith.subi %sign3A_26, %sign3A_30 : vector<4096x256xi32>
    %sign3A_32 = arith.constant 0 : i32
    %sign3A_33 = arith.cmpi sgt, %jit3A_22, %sign3A_32 : i32
    %sign3A_34 = arith.extui %sign3A_33 : i1 to i32
    %sign3A_35 = arith.constant 0 : i32
    %sign3A_36 = arith.cmpi slt, %jit3A_22, %sign3A_35 : i32
    %sign3A_37 = arith.extui %sign3A_36 : i1 to i32
    %sign3A_38 = arith.subi %sign3A_34, %sign3A_37 : i32
    %ne3A_39 = vector.broadcast %sign3A_38 : i32 to vector<4096x256xi32>
    %ne3A_40 = arith.cmpi ne, %sign3A_31, %ne3A_39 : vector<4096x256xi32>
    %rem3A_41 = vector.broadcast %jit3A_22 : i32 to vector<4096x256xi32>
    %rem3A_42 = arith.remsi %iota3A, %rem3A_41 : vector<4096x256xi32>
    %ne3A_43 = arith.constant 0 : i32
    %ne3A_44 = vector.broadcast %ne3A_43 : i32 to vector<4096x256xi32>
    %ne3A_45 = arith.cmpi ne, %rem3A_42, %ne3A_44 : vector<4096x256xi32>
    %and3A_46 = arith.andi %ne3A_40, %ne3A_45 : vector<4096x256xi1>
    %sub3A = arith.constant 1 : i32
    %sub3A_47 = vector.broadcast %sub3A : i32 to vector<4096x256xi32>
    %sub3A_48 = arith.subi %div3A_23, %sub3A_47 : vector<4096x256xi32>
    %select_n3A_49 = arith.select %and3A_46, %sub3A_48, %div3A_23 : vector<4096x256xi1>, vector<4096x256xi32>
    %jit3A_50 = arith.constant 128 : i32
    %eq3A_51 = arith.constant 0 : i32
    %eq3A_52 = arith.cmpi eq, %jit3A_50, %eq3A_51 : i32
    %jit3A_53 = arith.constant 1 : i32
    %select_n3A_54 = arith.select %eq3A_52, %jit3A_53, %jit3A_50 : i32
    %rem3A_55 = vector.broadcast %select_n3A_54 : i32 to vector<4096x256xi32>
    %rem3A_56 = arith.remsi %iota3A_6, %rem3A_55 : vector<4096x256xi32>
    %ne3A_57 = arith.constant 0 : i32
    %ne3A_58 = vector.broadcast %ne3A_57 : i32 to vector<4096x256xi32>
    %ne3A_59 = arith.cmpi ne, %rem3A_56, %ne3A_58 : vector<4096x256xi32>
    %lt3A_60 = arith.constant 0 : i32
    %lt3A_61 = vector.broadcast %lt3A_60 : i32 to vector<4096x256xi32>
    %lt3A_62 = arith.cmpi slt, %rem3A_56, %lt3A_61 : vector<4096x256xi32>
    %lt3A_63 = arith.constant 0 : i32
    %lt3A_64 = arith.cmpi slt, %select_n3A_54, %lt3A_63 : i32
    %ne3A_65 = vector.broadcast %lt3A_64 : i1 to vector<4096x256xi1>
    %ne3A_66 = vector.broadcast %ne3A_65 : vector<4096x256xi1> to vector<4096x256xi1>
    %ne3A_67 = arith.xori %lt3A_62, %ne3A_66 : vector<4096x256xi1>
    %and3A_68 = arith.andi %ne3A_67, %ne3A_59 : vector<4096x256xi1>
    %add3A_69 = vector.broadcast %select_n3A_54 : i32 to vector<4096x256xi32>
    %add3A_70 = arith.addi %rem3A_56, %add3A_69 : vector<4096x256xi32>
    %select_n3A_71 = arith.select %and3A_68, %add3A_70, %rem3A_56 : vector<4096x256xi1>, vector<4096x256xi32>
    %eq3A_72 = arith.cmpi eq, %select_n3A_49, %select_n3A_71 : vector<4096x256xi32>
    %jit3A_73 = arith.constant 16 : i32
    %div3A_74 = vector.broadcast %jit3A_73 : i32 to vector<4096x256xi32>
    %div3A_75 = arith.divsi %select_n3A_21, %div3A_74 : vector<4096x256xi32>
    %sign3A_76 = arith.constant 0 : i32
    %sign3A_77 = vector.broadcast %sign3A_76 : i32 to vector<4096x256xi32>
    %sign3A_78 = arith.cmpi sgt, %select_n3A_21, %sign3A_77 : vector<4096x256xi32>
    %sign3A_79 = arith.extui %sign3A_78 : vector<4096x256xi1> to vector<4096x256xi32>
    %sign3A_80 = arith.constant 0 : i32
    %sign3A_81 = vector.broadcast %sign3A_80 : i32 to vector<4096x256xi32>
    %sign3A_82 = arith.cmpi slt, %select_n3A_21, %sign3A_81 : vector<4096x256xi32>
    %sign3A_83 = arith.extui %sign3A_82 : vector<4096x256xi1> to vector<4096x256xi32>
    %sign3A_84 = arith.subi %sign3A_79, %sign3A_83 : vector<4096x256xi32>
    %sign3A_85 = arith.constant 0 : i32
    %sign3A_86 = arith.cmpi sgt, %jit3A_73, %sign3A_85 : i32
    %sign3A_87 = arith.extui %sign3A_86 : i1 to i32
    %sign3A_88 = arith.constant 0 : i32
    %sign3A_89 = arith.cmpi slt, %jit3A_73, %sign3A_88 : i32
    %sign3A_90 = arith.extui %sign3A_89 : i1 to i32
    %sign3A_91 = arith.subi %sign3A_87, %sign3A_90 : i32
    %ne3A_92 = vector.broadcast %sign3A_91 : i32 to vector<4096x256xi32>
    %ne3A_93 = arith.cmpi ne, %sign3A_84, %ne3A_92 : vector<4096x256xi32>
    %rem3A_94 = vector.broadcast %jit3A_73 : i32 to vector<4096x256xi32>
    %rem3A_95 = arith.remsi %select_n3A_21, %rem3A_94 : vector<4096x256xi32>
    %ne3A_96 = arith.constant 0 : i32
    %ne3A_97 = vector.broadcast %ne3A_96 : i32 to vector<4096x256xi32>
    %ne3A_98 = arith.cmpi ne, %rem3A_95, %ne3A_97 : vector<4096x256xi32>
    %and3A_99 = arith.andi %ne3A_93, %ne3A_98 : vector<4096x256xi1>
    %sub3A_100 = arith.constant 1 : i32
    %sub3A_101 = vector.broadcast %sub3A_100 : i32 to vector<4096x256xi32>
    %sub3A_102 = arith.subi %div3A_75, %sub3A_101 : vector<4096x256xi32>
    %select_n3A_103 = arith.select %and3A_99, %sub3A_102, %div3A_75 : vector<4096x256xi1>, vector<4096x256xi32>
    %jit3A_104 = arith.constant 128 : i32
    %div3A_105 = vector.broadcast %jit3A_104 : i32 to vector<4096x256xi32>
    %div3A_106 = arith.divsi %iota3A_6, %div3A_105 : vector<4096x256xi32>
    %sign3A_107 = arith.constant 0 : i32
    %sign3A_108 = vector.broadcast %sign3A_107 : i32 to vector<4096x256xi32>
    %sign3A_109 = arith.cmpi sgt, %iota3A_6, %sign3A_108 : vector<4096x256xi32>
    %sign3A_110 = arith.extui %sign3A_109 : vector<4096x256xi1> to vector<4096x256xi32>
    %sign3A_111 = arith.constant 0 : i32
    %sign3A_112 = vector.broadcast %sign3A_111 : i32 to vector<4096x256xi32>
    %sign3A_113 = arith.cmpi slt, %iota3A_6, %sign3A_112 : vector<4096x256xi32>
    %sign3A_114 = arith.extui %sign3A_113 : vector<4096x256xi1> to vector<4096x256xi32>
    %sign3A_115 = arith.subi %sign3A_110, %sign3A_114 : vector<4096x256xi32>
    %sign3A_116 = arith.constant 0 : i32
    %sign3A_117 = arith.cmpi sgt, %jit3A_104, %sign3A_116 : i32
    %sign3A_118 = arith.extui %sign3A_117 : i1 to i32
    %sign3A_119 = arith.constant 0 : i32
    %sign3A_120 = arith.cmpi slt, %jit3A_104, %sign3A_119 : i32
    %sign3A_121 = arith.extui %sign3A_120 : i1 to i32
    %sign3A_122 = arith.subi %sign3A_118, %sign3A_121 : i32
    %ne3A_123 = vector.broadcast %sign3A_122 : i32 to vector<4096x256xi32>
    %ne3A_124 = arith.cmpi ne, %sign3A_115, %ne3A_123 : vector<4096x256xi32>
    %rem3A_125 = vector.broadcast %jit3A_104 : i32 to vector<4096x256xi32>
    %rem3A_126 = arith.remsi %iota3A_6, %rem3A_125 : vector<4096x256xi32>
    %ne3A_127 = arith.constant 0 : i32
    %ne3A_128 = vector.broadcast %ne3A_127 : i32 to vector<4096x256xi32>
    %ne3A_129 = arith.cmpi ne, %rem3A_126, %ne3A_128 : vector<4096x256xi32>
    %and3A_130 = arith.andi %ne3A_124, %ne3A_129 : vector<4096x256xi1>
    %sub3A_131 = arith.constant 1 : i32
    %sub3A_132 = vector.broadcast %sub3A_131 : i32 to vector<4096x256xi32>
    %sub3A_133 = arith.subi %div3A_106, %sub3A_132 : vector<4096x256xi32>
    %select_n3A_134 = arith.select %and3A_130, %sub3A_133, %div3A_106 : vector<4096x256xi1>, vector<4096x256xi32>
    %eq3A_135 = arith.cmpi eq, %select_n3A_103, %select_n3A_134 : vector<4096x256xi32>
    %and3A_136 = arith.andi %eq3A_72, %eq3A_135 : vector<4096x256xi1>
    %and3A_137 = arith.constant 15 : i32
    %and3A_138 = vector.broadcast %and3A_137 : i32 to vector<4096x256xi32>
    %and3A_139 = arith.andi %select_n3A_21, %and3A_138 : vector<4096x256xi32>
    %shift_left3A = arith.constant 1 : i32
    %shift_left3A_140 = vector.broadcast %shift_left3A : i32 to vector<4096x256xi32>
    %shift_left3A_141 = arith.shli %shift_left3A_140, %and3A_139 : vector<4096x256xi32>
    %jit3A_142 = arith.constant 0 : i32
    %broadcast_in_dim3A = vector.broadcast %jit3A_142 : i32 to vector<4096x256xi32>
    %select_n3A_143 = arith.select %and3A_136, %shift_left3A_141, %broadcast_in_dim3A : vector<4096x256xi1>, vector<4096x256xi32>
    %convert_element_type3A_144 = arith.sitofp %select_n3A_143 : vector<4096x256xi32> to vector<4096x256xbf16>
    %dot_general3A = arith.constant dense<0.000000e+00> : vector<512x256xf32>
    %dot_general3A_145 = tpu.matmul %convert_element_type3A_5, %convert_element_type3A_144, %dot_general3A {dimension_numbers = #tpu.dot_dimension_numbers<[1], [0], [0], [1], [0, 0, 1, 1], [], []>, transpose_lhs_hint = false} : vector<512x4096xbf16>, vector<4096x256xbf16>, vector<512x256xf32> -> vector<512x256xf32>
    %convert_element_type3A_146 = arith.fptosi %dot_general3A_145 : vector<512x256xf32> to vector<512x256xi32>
    %slice3A = vector.extract_strided_slice %convert_element_type3A_146 {offsets = [0, 0], sizes = [512, 128], strides = [1, 1]} : vector<512x256xi32> to vector<512x128xi32>
    %slice3A_147 = vector.extract_strided_slice %convert_element_type3A_146 {offsets = [0, 128], sizes = [512, 128], strides = [1, 1]} : vector<512x256xi32> to vector<512x128xi32>
    %shift_left3A_148 = arith.constant 16 : i32
    %shift_left3A_149 = vector.broadcast %shift_left3A_148 : i32 to vector<512x128xi32>
    %shift_left3A_150 = arith.shli %slice3A_147, %shift_left3A_149 : vector<512x128xi32>
    %or3A = arith.ori %slice3A, %shift_left3A_150 : vector<512x128xi32>
    %swap3A = arith.constant 0 : index
    %swap3A_151 = arith.constant 0 : index
    %swap3A_152 = vector.load %arg2[%swap3A, %swap3A_151] : memref<512x128xi32, #tpu.memory_space<vmem>>, vector<512x128xi32>
    tpu.vector_store %arg2[%swap3A, %swap3A_151], %or3A {strides = array<i32>} : memref<512x128xi32, #tpu.memory_space<vmem>>, vector<512x128xi32>,
    return
  }
  func.func @transform_0(%arg0: i32) -> (i32, i32) {
    %c0_i32 = arith.constant 0 : i32
    %c0_i32_0 = arith.constant 0 : i32
    return %arg0, %c0_i32 : i32, i32
  }
  func.func @transform_1(%arg0: i32) -> (i32, i32) {
    %c0_i32 = arith.constant 0 : i32
    %c0_i32_0 = arith.constant 0 : i32
    return %arg0, %c0_i32 : i32, i32
  }
}

module attributes {stable_mosaic.version = 14 : i64} {
  func.func @_addr_body(%arg0: i32, %arg1: memref<1024x1024xi8, #tpu.memory_space<vmem>>, %arg2: memref<64x12xi32, #tpu.memory_space<vmem>>, %arg3: memref<64x12xi32, #tpu.memory_space<vmem>>, %arg4: memref<64x12xi32, #tpu.memory_space<vmem>>, %arg5: memref<64x12xi32, #tpu.memory_space<vmem>>, %arg6: memref<64x12xi32, #tpu.memory_space<vmem>>, %arg7: memref<64x12xi32, #tpu.memory_space<vmem>>, %arg8: memref<64x12xi32, #tpu.memory_space<vmem>>, %arg9: memref<64x12xi32, #tpu.memory_space<vmem>>, %arg10: memref<1024x256xi32, #tpu.memory_space<vmem>>) attributes {dimension_semantics = [#tpu.dimension_semantics<arbitrary>], iteration_bounds = array<i64: 8>, scalar_prefetch = 0 : i64, scratch_operands = 0 : i64, tpu.core_type = #tpu.core_type<tc>, window_params = [{pipeline_mode = #tpu.pipeline_mode<synchronous>, transform_indices = @transform_0, window_bounds = array<i64: 1024, 1024>}, {transform_indices = @transform_1, window_bounds = array<i64: 64, 12>}, {transform_indices = @transform_2, window_bounds = array<i64: 64, 12>}, {transform_indices = @transform_3, window_bounds = array<i64: 64, 12>}, {transform_indices = @transform_4, window_bounds = array<i64: 64, 12>}, {transform_indices = @transform_5, window_bounds = array<i64: 64, 12>}, {transform_indices = @transform_6, window_bounds = array<i64: 64, 12>}, {transform_indices = @transform_7, window_bounds = array<i64: 64, 12>}, {transform_indices = @transform_8, window_bounds = array<i64: 64, 12>}, {transform_indices = @transform_9, window_bounds = array<i64: 1024, 256>}]} {
    %get3A = arith.constant 0 : index
    %get3A_0 = arith.constant 0 : index
    %get3A_1 = vector.load %arg1[%get3A, %get3A_0] : memref<1024x1024xi8, #tpu.memory_space<vmem>>, vector<1024x1024xi8>
    %convert_element_type3A = arith.uitofp %get3A_1 : vector<1024x1024xi8> to vector<1024x1024xbf16>
    %iota3A = tpu.iota {dimensions = array<i32: 1>} : vector<64x1024xi32>
    %get3A_2 = arith.constant 0 : index
    %get3A_3 = arith.constant 0 : index
    %get3A_4 = vector.load %arg2[%get3A_2, %get3A_3] : memref<64x12xi32, #tpu.memory_space<vmem>>, vector<64x12xi32>
    %broadcast_in_dim3A = arith.constant 0.000000e+00 : f32
    %broadcast_in_dim3A_5 = vector.broadcast %broadcast_in_dim3A : f32 to vector<64x1024xf32>
    %broadcast_in_dim3A_6 = arith.constant 0.000000e+00 : f32
    %broadcast_in_dim3A_7 = vector.broadcast %broadcast_in_dim3A_6 : f32 to vector<64x1024xf32>
    %slice3A = vector.extract_strided_slice %get3A_4 {offsets = [0, 0], sizes = [64, 1], strides = [1, 1]} : vector<64x12xi32> to vector<64x1xi32>
    %eq3A = vector.broadcast %slice3A : vector<64x1xi32> to vector<64x1024xi32>
    %eq3A_8 = arith.cmpi eq, %eq3A, %iota3A : vector<64x1024xi32>
    %jit3A = arith.constant 2.048000e+03 : f32
    %jit3A_9 = arith.constant 0.000000e+00 : f32
    %broadcast_in_dim3A_10 = vector.broadcast %jit3A : f32 to vector<64x1024xf32>
    %broadcast_in_dim3A_11 = vector.broadcast %jit3A_9 : f32 to vector<64x1024xf32>
    %select_n3A = arith.select %eq3A_8, %broadcast_in_dim3A_10, %broadcast_in_dim3A_11 : vector<64x1024xi1>, vector<64x1024xf32>
    %add3A = arith.addf %broadcast_in_dim3A_5, %select_n3A : vector<64x1024xf32>
    %slice3A_12 = vector.extract_strided_slice %get3A_4 {offsets = [0, 1], sizes = [64, 1], strides = [1, 1]} : vector<64x12xi32> to vector<64x1xi32>
    %eq3A_13 = vector.broadcast %slice3A_12 : vector<64x1xi32> to vector<64x1024xi32>
    %eq3A_14 = arith.cmpi eq, %eq3A_13, %iota3A : vector<64x1024xi32>
    %jit3A_15 = arith.constant 1.024000e+03 : f32
    %jit3A_16 = arith.constant 0.000000e+00 : f32
    %broadcast_in_dim3A_17 = vector.broadcast %jit3A_15 : f32 to vector<64x1024xf32>
    %broadcast_in_dim3A_18 = vector.broadcast %jit3A_16 : f32 to vector<64x1024xf32>
    %select_n3A_19 = arith.select %eq3A_14, %broadcast_in_dim3A_17, %broadcast_in_dim3A_18 : vector<64x1024xi1>, vector<64x1024xf32>
    %add3A_20 = arith.addf %add3A, %select_n3A_19 : vector<64x1024xf32>
    %slice3A_21 = vector.extract_strided_slice %get3A_4 {offsets = [0, 2], sizes = [64, 1], strides = [1, 1]} : vector<64x12xi32> to vector<64x1xi32>
    %eq3A_22 = vector.broadcast %slice3A_21 : vector<64x1xi32> to vector<64x1024xi32>
    %eq3A_23 = arith.cmpi eq, %eq3A_22, %iota3A : vector<64x1024xi32>
    %jit3A_24 = arith.constant 5.120000e+02 : f32
    %jit3A_25 = arith.constant 0.000000e+00 : f32
    %broadcast_in_dim3A_26 = vector.broadcast %jit3A_24 : f32 to vector<64x1024xf32>
    %broadcast_in_dim3A_27 = vector.broadcast %jit3A_25 : f32 to vector<64x1024xf32>
    %select_n3A_28 = arith.select %eq3A_23, %broadcast_in_dim3A_26, %broadcast_in_dim3A_27 : vector<64x1024xi1>, vector<64x1024xf32>
    %add3A_29 = arith.addf %add3A_20, %select_n3A_28 : vector<64x1024xf32>
    %slice3A_30 = vector.extract_strided_slice %get3A_4 {offsets = [0, 3], sizes = [64, 1], strides = [1, 1]} : vector<64x12xi32> to vector<64x1xi32>
    %eq3A_31 = vector.broadcast %slice3A_30 : vector<64x1xi32> to vector<64x1024xi32>
    %eq3A_32 = arith.cmpi eq, %eq3A_31, %iota3A : vector<64x1024xi32>
    %jit3A_33 = arith.constant 2.560000e+02 : f32
    %jit3A_34 = arith.constant 0.000000e+00 : f32
    %broadcast_in_dim3A_35 = vector.broadcast %jit3A_33 : f32 to vector<64x1024xf32>
    %broadcast_in_dim3A_36 = vector.broadcast %jit3A_34 : f32 to vector<64x1024xf32>
    %select_n3A_37 = arith.select %eq3A_32, %broadcast_in_dim3A_35, %broadcast_in_dim3A_36 : vector<64x1024xi1>, vector<64x1024xf32>
    %add3A_38 = arith.addf %add3A_29, %select_n3A_37 : vector<64x1024xf32>
    %slice3A_39 = vector.extract_strided_slice %get3A_4 {offsets = [0, 4], sizes = [64, 1], strides = [1, 1]} : vector<64x12xi32> to vector<64x1xi32>
    %eq3A_40 = vector.broadcast %slice3A_39 : vector<64x1xi32> to vector<64x1024xi32>
    %eq3A_41 = arith.cmpi eq, %eq3A_40, %iota3A : vector<64x1024xi32>
    %jit3A_42 = arith.constant 1.280000e+02 : f32
    %jit3A_43 = arith.constant 0.000000e+00 : f32
    %broadcast_in_dim3A_44 = vector.broadcast %jit3A_42 : f32 to vector<64x1024xf32>
    %broadcast_in_dim3A_45 = vector.broadcast %jit3A_43 : f32 to vector<64x1024xf32>
    %select_n3A_46 = arith.select %eq3A_41, %broadcast_in_dim3A_44, %broadcast_in_dim3A_45 : vector<64x1024xi1>, vector<64x1024xf32>
    %add3A_47 = arith.addf %add3A_38, %select_n3A_46 : vector<64x1024xf32>
    %slice3A_48 = vector.extract_strided_slice %get3A_4 {offsets = [0, 5], sizes = [64, 1], strides = [1, 1]} : vector<64x12xi32> to vector<64x1xi32>
    %eq3A_49 = vector.broadcast %slice3A_48 : vector<64x1xi32> to vector<64x1024xi32>
    %eq3A_50 = arith.cmpi eq, %eq3A_49, %iota3A : vector<64x1024xi32>
    %jit3A_51 = arith.constant 6.400000e+01 : f32
    %jit3A_52 = arith.constant 0.000000e+00 : f32
    %broadcast_in_dim3A_53 = vector.broadcast %jit3A_51 : f32 to vector<64x1024xf32>
    %broadcast_in_dim3A_54 = vector.broadcast %jit3A_52 : f32 to vector<64x1024xf32>
    %select_n3A_55 = arith.select %eq3A_50, %broadcast_in_dim3A_53, %broadcast_in_dim3A_54 : vector<64x1024xi1>, vector<64x1024xf32>
    %add3A_56 = arith.addf %add3A_47, %select_n3A_55 : vector<64x1024xf32>
    %slice3A_57 = vector.extract_strided_slice %get3A_4 {offsets = [0, 6], sizes = [64, 1], strides = [1, 1]} : vector<64x12xi32> to vector<64x1xi32>
    %eq3A_58 = vector.broadcast %slice3A_57 : vector<64x1xi32> to vector<64x1024xi32>
    %eq3A_59 = arith.cmpi eq, %eq3A_58, %iota3A : vector<64x1024xi32>
    %jit3A_60 = arith.constant 3.200000e+01 : f32
    %jit3A_61 = arith.constant 0.000000e+00 : f32
    %broadcast_in_dim3A_62 = vector.broadcast %jit3A_60 : f32 to vector<64x1024xf32>
    %broadcast_in_dim3A_63 = vector.broadcast %jit3A_61 : f32 to vector<64x1024xf32>
    %select_n3A_64 = arith.select %eq3A_59, %broadcast_in_dim3A_62, %broadcast_in_dim3A_63 : vector<64x1024xi1>, vector<64x1024xf32>
    %add3A_65 = arith.addf %broadcast_in_dim3A_7, %select_n3A_64 : vector<64x1024xf32>
    %slice3A_66 = vector.extract_strided_slice %get3A_4 {offsets = [0, 7], sizes = [64, 1], strides = [1, 1]} : vector<64x12xi32> to vector<64x1xi32>
    %eq3A_67 = vector.broadcast %slice3A_66 : vector<64x1xi32> to vector<64x1024xi32>
    %eq3A_68 = arith.cmpi eq, %eq3A_67, %iota3A : vector<64x1024xi32>
    %jit3A_69 = arith.constant 1.600000e+01 : f32
    %jit3A_70 = arith.constant 0.000000e+00 : f32
    %broadcast_in_dim3A_71 = vector.broadcast %jit3A_69 : f32 to vector<64x1024xf32>
    %broadcast_in_dim3A_72 = vector.broadcast %jit3A_70 : f32 to vector<64x1024xf32>
    %select_n3A_73 = arith.select %eq3A_68, %broadcast_in_dim3A_71, %broadcast_in_dim3A_72 : vector<64x1024xi1>, vector<64x1024xf32>
    %add3A_74 = arith.addf %add3A_65, %select_n3A_73 : vector<64x1024xf32>
    %slice3A_75 = vector.extract_strided_slice %get3A_4 {offsets = [0, 8], sizes = [64, 1], strides = [1, 1]} : vector<64x12xi32> to vector<64x1xi32>
    %eq3A_76 = vector.broadcast %slice3A_75 : vector<64x1xi32> to vector<64x1024xi32>
    %eq3A_77 = arith.cmpi eq, %eq3A_76, %iota3A : vector<64x1024xi32>
    %jit3A_78 = arith.constant 8.000000e+00 : f32
    %jit3A_79 = arith.constant 0.000000e+00 : f32
    %broadcast_in_dim3A_80 = vector.broadcast %jit3A_78 : f32 to vector<64x1024xf32>
    %broadcast_in_dim3A_81 = vector.broadcast %jit3A_79 : f32 to vector<64x1024xf32>
    %select_n3A_82 = arith.select %eq3A_77, %broadcast_in_dim3A_80, %broadcast_in_dim3A_81 : vector<64x1024xi1>, vector<64x1024xf32>
    %add3A_83 = arith.addf %add3A_74, %select_n3A_82 : vector<64x1024xf32>
    %slice3A_84 = vector.extract_strided_slice %get3A_4 {offsets = [0, 9], sizes = [64, 1], strides = [1, 1]} : vector<64x12xi32> to vector<64x1xi32>
    %eq3A_85 = vector.broadcast %slice3A_84 : vector<64x1xi32> to vector<64x1024xi32>
    %eq3A_86 = arith.cmpi eq, %eq3A_85, %iota3A : vector<64x1024xi32>
    %jit3A_87 = arith.constant 4.000000e+00 : f32
    %jit3A_88 = arith.constant 0.000000e+00 : f32
    %broadcast_in_dim3A_89 = vector.broadcast %jit3A_87 : f32 to vector<64x1024xf32>
    %broadcast_in_dim3A_90 = vector.broadcast %jit3A_88 : f32 to vector<64x1024xf32>
    %select_n3A_91 = arith.select %eq3A_86, %broadcast_in_dim3A_89, %broadcast_in_dim3A_90 : vector<64x1024xi1>, vector<64x1024xf32>
    %add3A_92 = arith.addf %add3A_83, %select_n3A_91 : vector<64x1024xf32>
    %slice3A_93 = vector.extract_strided_slice %get3A_4 {offsets = [0, 10], sizes = [64, 1], strides = [1, 1]} : vector<64x12xi32> to vector<64x1xi32>
    %eq3A_94 = vector.broadcast %slice3A_93 : vector<64x1xi32> to vector<64x1024xi32>
    %eq3A_95 = arith.cmpi eq, %eq3A_94, %iota3A : vector<64x1024xi32>
    %jit3A_96 = arith.constant 2.000000e+00 : f32
    %jit3A_97 = arith.constant 0.000000e+00 : f32
    %broadcast_in_dim3A_98 = vector.broadcast %jit3A_96 : f32 to vector<64x1024xf32>
    %broadcast_in_dim3A_99 = vector.broadcast %jit3A_97 : f32 to vector<64x1024xf32>
    %select_n3A_100 = arith.select %eq3A_95, %broadcast_in_dim3A_98, %broadcast_in_dim3A_99 : vector<64x1024xi1>, vector<64x1024xf32>
    %add3A_101 = arith.addf %add3A_92, %select_n3A_100 : vector<64x1024xf32>
    %slice3A_102 = vector.extract_strided_slice %get3A_4 {offsets = [0, 11], sizes = [64, 1], strides = [1, 1]} : vector<64x12xi32> to vector<64x1xi32>
    %eq3A_103 = vector.broadcast %slice3A_102 : vector<64x1xi32> to vector<64x1024xi32>
    %eq3A_104 = arith.cmpi eq, %eq3A_103, %iota3A : vector<64x1024xi32>
    %jit3A_105 = arith.constant 1.000000e+00 : f32
    %jit3A_106 = arith.constant 0.000000e+00 : f32
    %broadcast_in_dim3A_107 = vector.broadcast %jit3A_105 : f32 to vector<64x1024xf32>
    %broadcast_in_dim3A_108 = vector.broadcast %jit3A_106 : f32 to vector<64x1024xf32>
    %select_n3A_109 = arith.select %eq3A_104, %broadcast_in_dim3A_107, %broadcast_in_dim3A_108 : vector<64x1024xi1>, vector<64x1024xf32>
    %add3A_110 = arith.addf %add3A_101, %select_n3A_109 : vector<64x1024xf32>
    %get3A_111 = arith.constant 0 : index
    %get3A_112 = arith.constant 0 : index
    %get3A_113 = vector.load %arg4[%get3A_111, %get3A_112] : memref<64x12xi32, #tpu.memory_space<vmem>>, vector<64x12xi32>
    %broadcast_in_dim3A_114 = arith.constant 0.000000e+00 : f32
    %broadcast_in_dim3A_115 = vector.broadcast %broadcast_in_dim3A_114 : f32 to vector<64x1024xf32>
    %broadcast_in_dim3A_116 = arith.constant 0.000000e+00 : f32
    %broadcast_in_dim3A_117 = vector.broadcast %broadcast_in_dim3A_116 : f32 to vector<64x1024xf32>
    %slice3A_118 = vector.extract_strided_slice %get3A_113 {offsets = [0, 0], sizes = [64, 1], strides = [1, 1]} : vector<64x12xi32> to vector<64x1xi32>
    %eq3A_119 = vector.broadcast %slice3A_118 : vector<64x1xi32> to vector<64x1024xi32>
    %eq3A_120 = arith.cmpi eq, %eq3A_119, %iota3A : vector<64x1024xi32>
    %jit3A_121 = arith.constant 2.048000e+03 : f32
    %jit3A_122 = arith.constant 0.000000e+00 : f32
    %broadcast_in_dim3A_123 = vector.broadcast %jit3A_121 : f32 to vector<64x1024xf32>
    %broadcast_in_dim3A_124 = vector.broadcast %jit3A_122 : f32 to vector<64x1024xf32>
    %select_n3A_125 = arith.select %eq3A_120, %broadcast_in_dim3A_123, %broadcast_in_dim3A_124 : vector<64x1024xi1>, vector<64x1024xf32>
    %add3A_126 = arith.addf %broadcast_in_dim3A_115, %select_n3A_125 : vector<64x1024xf32>
    %slice3A_127 = vector.extract_strided_slice %get3A_113 {offsets = [0, 1], sizes = [64, 1], strides = [1, 1]} : vector<64x12xi32> to vector<64x1xi32>
    %eq3A_128 = vector.broadcast %slice3A_127 : vector<64x1xi32> to vector<64x1024xi32>
    %eq3A_129 = arith.cmpi eq, %eq3A_128, %iota3A : vector<64x1024xi32>
    %jit3A_130 = arith.constant 1.024000e+03 : f32
    %jit3A_131 = arith.constant 0.000000e+00 : f32
    %broadcast_in_dim3A_132 = vector.broadcast %jit3A_130 : f32 to vector<64x1024xf32>
    %broadcast_in_dim3A_133 = vector.broadcast %jit3A_131 : f32 to vector<64x1024xf32>
    %select_n3A_134 = arith.select %eq3A_129, %broadcast_in_dim3A_132, %broadcast_in_dim3A_133 : vector<64x1024xi1>, vector<64x1024xf32>
    %add3A_135 = arith.addf %add3A_126, %select_n3A_134 : vector<64x1024xf32>
    %slice3A_136 = vector.extract_strided_slice %get3A_113 {offsets = [0, 2], sizes = [64, 1], strides = [1, 1]} : vector<64x12xi32> to vector<64x1xi32>
    %eq3A_137 = vector.broadcast %slice3A_136 : vector<64x1xi32> to vector<64x1024xi32>
    %eq3A_138 = arith.cmpi eq, %eq3A_137, %iota3A : vector<64x1024xi32>
    %jit3A_139 = arith.constant 5.120000e+02 : f32
    %jit3A_140 = arith.constant 0.000000e+00 : f32
    %broadcast_in_dim3A_141 = vector.broadcast %jit3A_139 : f32 to vector<64x1024xf32>
    %broadcast_in_dim3A_142 = vector.broadcast %jit3A_140 : f32 to vector<64x1024xf32>
    %select_n3A_143 = arith.select %eq3A_138, %broadcast_in_dim3A_141, %broadcast_in_dim3A_142 : vector<64x1024xi1>, vector<64x1024xf32>
    %add3A_144 = arith.addf %add3A_135, %select_n3A_143 : vector<64x1024xf32>
    %slice3A_145 = vector.extract_strided_slice %get3A_113 {offsets = [0, 3], sizes = [64, 1], strides = [1, 1]} : vector<64x12xi32> to vector<64x1xi32>
    %eq3A_146 = vector.broadcast %slice3A_145 : vector<64x1xi32> to vector<64x1024xi32>
    %eq3A_147 = arith.cmpi eq, %eq3A_146, %iota3A : vector<64x1024xi32>
    %jit3A_148 = arith.constant 2.560000e+02 : f32
    %jit3A_149 = arith.constant 0.000000e+00 : f32
    %broadcast_in_dim3A_150 = vector.broadcast %jit3A_148 : f32 to vector<64x1024xf32>
    %broadcast_in_dim3A_151 = vector.broadcast %jit3A_149 : f32 to vector<64x1024xf32>
    %select_n3A_152 = arith.select %eq3A_147, %broadcast_in_dim3A_150, %broadcast_in_dim3A_151 : vector<64x1024xi1>, vector<64x1024xf32>
    %add3A_153 = arith.addf %add3A_144, %select_n3A_152 : vector<64x1024xf32>
    %slice3A_154 = vector.extract_strided_slice %get3A_113 {offsets = [0, 4], sizes = [64, 1], strides = [1, 1]} : vector<64x12xi32> to vector<64x1xi32>
    %eq3A_155 = vector.broadcast %slice3A_154 : vector<64x1xi32> to vector<64x1024xi32>
    %eq3A_156 = arith.cmpi eq, %eq3A_155, %iota3A : vector<64x1024xi32>
    %jit3A_157 = arith.constant 1.280000e+02 : f32
    %jit3A_158 = arith.constant 0.000000e+00 : f32
    %broadcast_in_dim3A_159 = vector.broadcast %jit3A_157 : f32 to vector<64x1024xf32>
    %broadcast_in_dim3A_160 = vector.broadcast %jit3A_158 : f32 to vector<64x1024xf32>
    %select_n3A_161 = arith.select %eq3A_156, %broadcast_in_dim3A_159, %broadcast_in_dim3A_160 : vector<64x1024xi1>, vector<64x1024xf32>
    %add3A_162 = arith.addf %add3A_153, %select_n3A_161 : vector<64x1024xf32>
    %slice3A_163 = vector.extract_strided_slice %get3A_113 {offsets = [0, 5], sizes = [64, 1], strides = [1, 1]} : vector<64x12xi32> to vector<64x1xi32>
    %eq3A_164 = vector.broadcast %slice3A_163 : vector<64x1xi32> to vector<64x1024xi32>
    %eq3A_165 = arith.cmpi eq, %eq3A_164, %iota3A : vector<64x1024xi32>
    %jit3A_166 = arith.constant 6.400000e+01 : f32
    %jit3A_167 = arith.constant 0.000000e+00 : f32
    %broadcast_in_dim3A_168 = vector.broadcast %jit3A_166 : f32 to vector<64x1024xf32>
    %broadcast_in_dim3A_169 = vector.broadcast %jit3A_167 : f32 to vector<64x1024xf32>
    %select_n3A_170 = arith.select %eq3A_165, %broadcast_in_dim3A_168, %broadcast_in_dim3A_169 : vector<64x1024xi1>, vector<64x1024xf32>
    %add3A_171 = arith.addf %add3A_162, %select_n3A_170 : vector<64x1024xf32>
    %slice3A_172 = vector.extract_strided_slice %get3A_113 {offsets = [0, 6], sizes = [64, 1], strides = [1, 1]} : vector<64x12xi32> to vector<64x1xi32>
    %eq3A_173 = vector.broadcast %slice3A_172 : vector<64x1xi32> to vector<64x1024xi32>
    %eq3A_174 = arith.cmpi eq, %eq3A_173, %iota3A : vector<64x1024xi32>
    %jit3A_175 = arith.constant 3.200000e+01 : f32
    %jit3A_176 = arith.constant 0.000000e+00 : f32
    %broadcast_in_dim3A_177 = vector.broadcast %jit3A_175 : f32 to vector<64x1024xf32>
    %broadcast_in_dim3A_178 = vector.broadcast %jit3A_176 : f32 to vector<64x1024xf32>
    %select_n3A_179 = arith.select %eq3A_174, %broadcast_in_dim3A_177, %broadcast_in_dim3A_178 : vector<64x1024xi1>, vector<64x1024xf32>
    %add3A_180 = arith.addf %broadcast_in_dim3A_117, %select_n3A_179 : vector<64x1024xf32>
    %slice3A_181 = vector.extract_strided_slice %get3A_113 {offsets = [0, 7], sizes = [64, 1], strides = [1, 1]} : vector<64x12xi32> to vector<64x1xi32>
    %eq3A_182 = vector.broadcast %slice3A_181 : vector<64x1xi32> to vector<64x1024xi32>
    %eq3A_183 = arith.cmpi eq, %eq3A_182, %iota3A : vector<64x1024xi32>
    %jit3A_184 = arith.constant 1.600000e+01 : f32
    %jit3A_185 = arith.constant 0.000000e+00 : f32
    %broadcast_in_dim3A_186 = vector.broadcast %jit3A_184 : f32 to vector<64x1024xf32>
    %broadcast_in_dim3A_187 = vector.broadcast %jit3A_185 : f32 to vector<64x1024xf32>
    %select_n3A_188 = arith.select %eq3A_183, %broadcast_in_dim3A_186, %broadcast_in_dim3A_187 : vector<64x1024xi1>, vector<64x1024xf32>
    %add3A_189 = arith.addf %add3A_180, %select_n3A_188 : vector<64x1024xf32>
    %slice3A_190 = vector.extract_strided_slice %get3A_113 {offsets = [0, 8], sizes = [64, 1], strides = [1, 1]} : vector<64x12xi32> to vector<64x1xi32>
    %eq3A_191 = vector.broadcast %slice3A_190 : vector<64x1xi32> to vector<64x1024xi32>
    %eq3A_192 = arith.cmpi eq, %eq3A_191, %iota3A : vector<64x1024xi32>
    %jit3A_193 = arith.constant 8.000000e+00 : f32
    %jit3A_194 = arith.constant 0.000000e+00 : f32
    %broadcast_in_dim3A_195 = vector.broadcast %jit3A_193 : f32 to vector<64x1024xf32>
    %broadcast_in_dim3A_196 = vector.broadcast %jit3A_194 : f32 to vector<64x1024xf32>
    %select_n3A_197 = arith.select %eq3A_192, %broadcast_in_dim3A_195, %broadcast_in_dim3A_196 : vector<64x1024xi1>, vector<64x1024xf32>
    %add3A_198 = arith.addf %add3A_189, %select_n3A_197 : vector<64x1024xf32>
    %slice3A_199 = vector.extract_strided_slice %get3A_113 {offsets = [0, 9], sizes = [64, 1], strides = [1, 1]} : vector<64x12xi32> to vector<64x1xi32>
    %eq3A_200 = vector.broadcast %slice3A_199 : vector<64x1xi32> to vector<64x1024xi32>
    %eq3A_201 = arith.cmpi eq, %eq3A_200, %iota3A : vector<64x1024xi32>
    %jit3A_202 = arith.constant 4.000000e+00 : f32
    %jit3A_203 = arith.constant 0.000000e+00 : f32
    %broadcast_in_dim3A_204 = vector.broadcast %jit3A_202 : f32 to vector<64x1024xf32>
    %broadcast_in_dim3A_205 = vector.broadcast %jit3A_203 : f32 to vector<64x1024xf32>
    %select_n3A_206 = arith.select %eq3A_201, %broadcast_in_dim3A_204, %broadcast_in_dim3A_205 : vector<64x1024xi1>, vector<64x1024xf32>
    %add3A_207 = arith.addf %add3A_198, %select_n3A_206 : vector<64x1024xf32>
    %slice3A_208 = vector.extract_strided_slice %get3A_113 {offsets = [0, 10], sizes = [64, 1], strides = [1, 1]} : vector<64x12xi32> to vector<64x1xi32>
    %eq3A_209 = vector.broadcast %slice3A_208 : vector<64x1xi32> to vector<64x1024xi32>
    %eq3A_210 = arith.cmpi eq, %eq3A_209, %iota3A : vector<64x1024xi32>
    %jit3A_211 = arith.constant 2.000000e+00 : f32
    %jit3A_212 = arith.constant 0.000000e+00 : f32
    %broadcast_in_dim3A_213 = vector.broadcast %jit3A_211 : f32 to vector<64x1024xf32>
    %broadcast_in_dim3A_214 = vector.broadcast %jit3A_212 : f32 to vector<64x1024xf32>
    %select_n3A_215 = arith.select %eq3A_210, %broadcast_in_dim3A_213, %broadcast_in_dim3A_214 : vector<64x1024xi1>, vector<64x1024xf32>
    %add3A_216 = arith.addf %add3A_207, %select_n3A_215 : vector<64x1024xf32>
    %slice3A_217 = vector.extract_strided_slice %get3A_113 {offsets = [0, 11], sizes = [64, 1], strides = [1, 1]} : vector<64x12xi32> to vector<64x1xi32>
    %eq3A_218 = vector.broadcast %slice3A_217 : vector<64x1xi32> to vector<64x1024xi32>
    %eq3A_219 = arith.cmpi eq, %eq3A_218, %iota3A : vector<64x1024xi32>
    %jit3A_220 = arith.constant 1.000000e+00 : f32
    %jit3A_221 = arith.constant 0.000000e+00 : f32
    %broadcast_in_dim3A_222 = vector.broadcast %jit3A_220 : f32 to vector<64x1024xf32>
    %broadcast_in_dim3A_223 = vector.broadcast %jit3A_221 : f32 to vector<64x1024xf32>
    %select_n3A_224 = arith.select %eq3A_219, %broadcast_in_dim3A_222, %broadcast_in_dim3A_223 : vector<64x1024xi1>, vector<64x1024xf32>
    %add3A_225 = arith.addf %add3A_216, %select_n3A_224 : vector<64x1024xf32>
    %get3A_226 = arith.constant 0 : index
    %get3A_227 = arith.constant 0 : index
    %get3A_228 = vector.load %arg6[%get3A_226, %get3A_227] : memref<64x12xi32, #tpu.memory_space<vmem>>, vector<64x12xi32>
    %broadcast_in_dim3A_229 = arith.constant 0.000000e+00 : f32
    %broadcast_in_dim3A_230 = vector.broadcast %broadcast_in_dim3A_229 : f32 to vector<64x1024xf32>
    %broadcast_in_dim3A_231 = arith.constant 0.000000e+00 : f32
    %broadcast_in_dim3A_232 = vector.broadcast %broadcast_in_dim3A_231 : f32 to vector<64x1024xf32>
    %slice3A_233 = vector.extract_strided_slice %get3A_228 {offsets = [0, 0], sizes = [64, 1], strides = [1, 1]} : vector<64x12xi32> to vector<64x1xi32>
    %eq3A_234 = vector.broadcast %slice3A_233 : vector<64x1xi32> to vector<64x1024xi32>
    %eq3A_235 = arith.cmpi eq, %eq3A_234, %iota3A : vector<64x1024xi32>
    %jit3A_236 = arith.constant 2.048000e+03 : f32
    %jit3A_237 = arith.constant 0.000000e+00 : f32
    %broadcast_in_dim3A_238 = vector.broadcast %jit3A_236 : f32 to vector<64x1024xf32>
    %broadcast_in_dim3A_239 = vector.broadcast %jit3A_237 : f32 to vector<64x1024xf32>
    %select_n3A_240 = arith.select %eq3A_235, %broadcast_in_dim3A_238, %broadcast_in_dim3A_239 : vector<64x1024xi1>, vector<64x1024xf32>
    %add3A_241 = arith.addf %broadcast_in_dim3A_230, %select_n3A_240 : vector<64x1024xf32>
    %slice3A_242 = vector.extract_strided_slice %get3A_228 {offsets = [0, 1], sizes = [64, 1], strides = [1, 1]} : vector<64x12xi32> to vector<64x1xi32>
    %eq3A_243 = vector.broadcast %slice3A_242 : vector<64x1xi32> to vector<64x1024xi32>
    %eq3A_244 = arith.cmpi eq, %eq3A_243, %iota3A : vector<64x1024xi32>
    %jit3A_245 = arith.constant 1.024000e+03 : f32
    %jit3A_246 = arith.constant 0.000000e+00 : f32
    %broadcast_in_dim3A_247 = vector.broadcast %jit3A_245 : f32 to vector<64x1024xf32>
    %broadcast_in_dim3A_248 = vector.broadcast %jit3A_246 : f32 to vector<64x1024xf32>
    %select_n3A_249 = arith.select %eq3A_244, %broadcast_in_dim3A_247, %broadcast_in_dim3A_248 : vector<64x1024xi1>, vector<64x1024xf32>
    %add3A_250 = arith.addf %add3A_241, %select_n3A_249 : vector<64x1024xf32>
    %slice3A_251 = vector.extract_strided_slice %get3A_228 {offsets = [0, 2], sizes = [64, 1], strides = [1, 1]} : vector<64x12xi32> to vector<64x1xi32>
    %eq3A_252 = vector.broadcast %slice3A_251 : vector<64x1xi32> to vector<64x1024xi32>
    %eq3A_253 = arith.cmpi eq, %eq3A_252, %iota3A : vector<64x1024xi32>
    %jit3A_254 = arith.constant 5.120000e+02 : f32
    %jit3A_255 = arith.constant 0.000000e+00 : f32
    %broadcast_in_dim3A_256 = vector.broadcast %jit3A_254 : f32 to vector<64x1024xf32>
    %broadcast_in_dim3A_257 = vector.broadcast %jit3A_255 : f32 to vector<64x1024xf32>
    %select_n3A_258 = arith.select %eq3A_253, %broadcast_in_dim3A_256, %broadcast_in_dim3A_257 : vector<64x1024xi1>, vector<64x1024xf32>
    %add3A_259 = arith.addf %add3A_250, %select_n3A_258 : vector<64x1024xf32>
    %slice3A_260 = vector.extract_strided_slice %get3A_228 {offsets = [0, 3], sizes = [64, 1], strides = [1, 1]} : vector<64x12xi32> to vector<64x1xi32>
    %eq3A_261 = vector.broadcast %slice3A_260 : vector<64x1xi32> to vector<64x1024xi32>
    %eq3A_262 = arith.cmpi eq, %eq3A_261, %iota3A : vector<64x1024xi32>
    %jit3A_263 = arith.constant 2.560000e+02 : f32
    %jit3A_264 = arith.constant 0.000000e+00 : f32
    %broadcast_in_dim3A_265 = vector.broadcast %jit3A_263 : f32 to vector<64x1024xf32>
    %broadcast_in_dim3A_266 = vector.broadcast %jit3A_264 : f32 to vector<64x1024xf32>
    %select_n3A_267 = arith.select %eq3A_262, %broadcast_in_dim3A_265, %broadcast_in_dim3A_266 : vector<64x1024xi1>, vector<64x1024xf32>
    %add3A_268 = arith.addf %add3A_259, %select_n3A_267 : vector<64x1024xf32>
    %slice3A_269 = vector.extract_strided_slice %get3A_228 {offsets = [0, 4], sizes = [64, 1], strides = [1, 1]} : vector<64x12xi32> to vector<64x1xi32>
    %eq3A_270 = vector.broadcast %slice3A_269 : vector<64x1xi32> to vector<64x1024xi32>
    %eq3A_271 = arith.cmpi eq, %eq3A_270, %iota3A : vector<64x1024xi32>
    %jit3A_272 = arith.constant 1.280000e+02 : f32
    %jit3A_273 = arith.constant 0.000000e+00 : f32
    %broadcast_in_dim3A_274 = vector.broadcast %jit3A_272 : f32 to vector<64x1024xf32>
    %broadcast_in_dim3A_275 = vector.broadcast %jit3A_273 : f32 to vector<64x1024xf32>
    %select_n3A_276 = arith.select %eq3A_271, %broadcast_in_dim3A_274, %broadcast_in_dim3A_275 : vector<64x1024xi1>, vector<64x1024xf32>
    %add3A_277 = arith.addf %add3A_268, %select_n3A_276 : vector<64x1024xf32>
    %slice3A_278 = vector.extract_strided_slice %get3A_228 {offsets = [0, 5], sizes = [64, 1], strides = [1, 1]} : vector<64x12xi32> to vector<64x1xi32>
    %eq3A_279 = vector.broadcast %slice3A_278 : vector<64x1xi32> to vector<64x1024xi32>
    %eq3A_280 = arith.cmpi eq, %eq3A_279, %iota3A : vector<64x1024xi32>
    %jit3A_281 = arith.constant 6.400000e+01 : f32
    %jit3A_282 = arith.constant 0.000000e+00 : f32
    %broadcast_in_dim3A_283 = vector.broadcast %jit3A_281 : f32 to vector<64x1024xf32>
    %broadcast_in_dim3A_284 = vector.broadcast %jit3A_282 : f32 to vector<64x1024xf32>
    %select_n3A_285 = arith.select %eq3A_280, %broadcast_in_dim3A_283, %broadcast_in_dim3A_284 : vector<64x1024xi1>, vector<64x1024xf32>
    %add3A_286 = arith.addf %add3A_277, %select_n3A_285 : vector<64x1024xf32>
    %slice3A_287 = vector.extract_strided_slice %get3A_228 {offsets = [0, 6], sizes = [64, 1], strides = [1, 1]} : vector<64x12xi32> to vector<64x1xi32>
    %eq3A_288 = vector.broadcast %slice3A_287 : vector<64x1xi32> to vector<64x1024xi32>
    %eq3A_289 = arith.cmpi eq, %eq3A_288, %iota3A : vector<64x1024xi32>
    %jit3A_290 = arith.constant 3.200000e+01 : f32
    %jit3A_291 = arith.constant 0.000000e+00 : f32
    %broadcast_in_dim3A_292 = vector.broadcast %jit3A_290 : f32 to vector<64x1024xf32>
    %broadcast_in_dim3A_293 = vector.broadcast %jit3A_291 : f32 to vector<64x1024xf32>
    %select_n3A_294 = arith.select %eq3A_289, %broadcast_in_dim3A_292, %broadcast_in_dim3A_293 : vector<64x1024xi1>, vector<64x1024xf32>
    %add3A_295 = arith.addf %broadcast_in_dim3A_232, %select_n3A_294 : vector<64x1024xf32>
    %slice3A_296 = vector.extract_strided_slice %get3A_228 {offsets = [0, 7], sizes = [64, 1], strides = [1, 1]} : vector<64x12xi32> to vector<64x1xi32>
    %eq3A_297 = vector.broadcast %slice3A_296 : vector<64x1xi32> to vector<64x1024xi32>
    %eq3A_298 = arith.cmpi eq, %eq3A_297, %iota3A : vector<64x1024xi32>
    %jit3A_299 = arith.constant 1.600000e+01 : f32
    %jit3A_300 = arith.constant 0.000000e+00 : f32
    %broadcast_in_dim3A_301 = vector.broadcast %jit3A_299 : f32 to vector<64x1024xf32>
    %broadcast_in_dim3A_302 = vector.broadcast %jit3A_300 : f32 to vector<64x1024xf32>
    %select_n3A_303 = arith.select %eq3A_298, %broadcast_in_dim3A_301, %broadcast_in_dim3A_302 : vector<64x1024xi1>, vector<64x1024xf32>
    %add3A_304 = arith.addf %add3A_295, %select_n3A_303 : vector<64x1024xf32>
    %slice3A_305 = vector.extract_strided_slice %get3A_228 {offsets = [0, 8], sizes = [64, 1], strides = [1, 1]} : vector<64x12xi32> to vector<64x1xi32>
    %eq3A_306 = vector.broadcast %slice3A_305 : vector<64x1xi32> to vector<64x1024xi32>
    %eq3A_307 = arith.cmpi eq, %eq3A_306, %iota3A : vector<64x1024xi32>
    %jit3A_308 = arith.constant 8.000000e+00 : f32
    %jit3A_309 = arith.constant 0.000000e+00 : f32
    %broadcast_in_dim3A_310 = vector.broadcast %jit3A_308 : f32 to vector<64x1024xf32>
    %broadcast_in_dim3A_311 = vector.broadcast %jit3A_309 : f32 to vector<64x1024xf32>
    %select_n3A_312 = arith.select %eq3A_307, %broadcast_in_dim3A_310, %broadcast_in_dim3A_311 : vector<64x1024xi1>, vector<64x1024xf32>
    %add3A_313 = arith.addf %add3A_304, %select_n3A_312 : vector<64x1024xf32>
    %slice3A_314 = vector.extract_strided_slice %get3A_228 {offsets = [0, 9], sizes = [64, 1], strides = [1, 1]} : vector<64x12xi32> to vector<64x1xi32>
    %eq3A_315 = vector.broadcast %slice3A_314 : vector<64x1xi32> to vector<64x1024xi32>
    %eq3A_316 = arith.cmpi eq, %eq3A_315, %iota3A : vector<64x1024xi32>
    %jit3A_317 = arith.constant 4.000000e+00 : f32
    %jit3A_318 = arith.constant 0.000000e+00 : f32
    %broadcast_in_dim3A_319 = vector.broadcast %jit3A_317 : f32 to vector<64x1024xf32>
    %broadcast_in_dim3A_320 = vector.broadcast %jit3A_318 : f32 to vector<64x1024xf32>
    %select_n3A_321 = arith.select %eq3A_316, %broadcast_in_dim3A_319, %broadcast_in_dim3A_320 : vector<64x1024xi1>, vector<64x1024xf32>
    %add3A_322 = arith.addf %add3A_313, %select_n3A_321 : vector<64x1024xf32>
    %slice3A_323 = vector.extract_strided_slice %get3A_228 {offsets = [0, 10], sizes = [64, 1], strides = [1, 1]} : vector<64x12xi32> to vector<64x1xi32>
    %eq3A_324 = vector.broadcast %slice3A_323 : vector<64x1xi32> to vector<64x1024xi32>
    %eq3A_325 = arith.cmpi eq, %eq3A_324, %iota3A : vector<64x1024xi32>
    %jit3A_326 = arith.constant 2.000000e+00 : f32
    %jit3A_327 = arith.constant 0.000000e+00 : f32
    %broadcast_in_dim3A_328 = vector.broadcast %jit3A_326 : f32 to vector<64x1024xf32>
    %broadcast_in_dim3A_329 = vector.broadcast %jit3A_327 : f32 to vector<64x1024xf32>
    %select_n3A_330 = arith.select %eq3A_325, %broadcast_in_dim3A_328, %broadcast_in_dim3A_329 : vector<64x1024xi1>, vector<64x1024xf32>
    %add3A_331 = arith.addf %add3A_322, %select_n3A_330 : vector<64x1024xf32>
    %slice3A_332 = vector.extract_strided_slice %get3A_228 {offsets = [0, 11], sizes = [64, 1], strides = [1, 1]} : vector<64x12xi32> to vector<64x1xi32>
    %eq3A_333 = vector.broadcast %slice3A_332 : vector<64x1xi32> to vector<64x1024xi32>
    %eq3A_334 = arith.cmpi eq, %eq3A_333, %iota3A : vector<64x1024xi32>
    %jit3A_335 = arith.constant 1.000000e+00 : f32
    %jit3A_336 = arith.constant 0.000000e+00 : f32
    %broadcast_in_dim3A_337 = vector.broadcast %jit3A_335 : f32 to vector<64x1024xf32>
    %broadcast_in_dim3A_338 = vector.broadcast %jit3A_336 : f32 to vector<64x1024xf32>
    %select_n3A_339 = arith.select %eq3A_334, %broadcast_in_dim3A_337, %broadcast_in_dim3A_338 : vector<64x1024xi1>, vector<64x1024xf32>
    %add3A_340 = arith.addf %add3A_331, %select_n3A_339 : vector<64x1024xf32>
    %get3A_341 = arith.constant 0 : index
    %get3A_342 = arith.constant 0 : index
    %get3A_343 = vector.load %arg8[%get3A_341, %get3A_342] : memref<64x12xi32, #tpu.memory_space<vmem>>, vector<64x12xi32>
    %broadcast_in_dim3A_344 = arith.constant 0.000000e+00 : f32
    %broadcast_in_dim3A_345 = vector.broadcast %broadcast_in_dim3A_344 : f32 to vector<64x1024xf32>
    %broadcast_in_dim3A_346 = arith.constant 0.000000e+00 : f32
    %broadcast_in_dim3A_347 = vector.broadcast %broadcast_in_dim3A_346 : f32 to vector<64x1024xf32>
    %slice3A_348 = vector.extract_strided_slice %get3A_343 {offsets = [0, 0], sizes = [64, 1], strides = [1, 1]} : vector<64x12xi32> to vector<64x1xi32>
    %eq3A_349 = vector.broadcast %slice3A_348 : vector<64x1xi32> to vector<64x1024xi32>
    %eq3A_350 = arith.cmpi eq, %eq3A_349, %iota3A : vector<64x1024xi32>
    %jit3A_351 = arith.constant 2.048000e+03 : f32
    %jit3A_352 = arith.constant 0.000000e+00 : f32
    %broadcast_in_dim3A_353 = vector.broadcast %jit3A_351 : f32 to vector<64x1024xf32>
    %broadcast_in_dim3A_354 = vector.broadcast %jit3A_352 : f32 to vector<64x1024xf32>
    %select_n3A_355 = arith.select %eq3A_350, %broadcast_in_dim3A_353, %broadcast_in_dim3A_354 : vector<64x1024xi1>, vector<64x1024xf32>
    %add3A_356 = arith.addf %broadcast_in_dim3A_345, %select_n3A_355 : vector<64x1024xf32>
    %slice3A_357 = vector.extract_strided_slice %get3A_343 {offsets = [0, 1], sizes = [64, 1], strides = [1, 1]} : vector<64x12xi32> to vector<64x1xi32>
    %eq3A_358 = vector.broadcast %slice3A_357 : vector<64x1xi32> to vector<64x1024xi32>
    %eq3A_359 = arith.cmpi eq, %eq3A_358, %iota3A : vector<64x1024xi32>
    %jit3A_360 = arith.constant 1.024000e+03 : f32
    %jit3A_361 = arith.constant 0.000000e+00 : f32
    %broadcast_in_dim3A_362 = vector.broadcast %jit3A_360 : f32 to vector<64x1024xf32>
    %broadcast_in_dim3A_363 = vector.broadcast %jit3A_361 : f32 to vector<64x1024xf32>
    %select_n3A_364 = arith.select %eq3A_359, %broadcast_in_dim3A_362, %broadcast_in_dim3A_363 : vector<64x1024xi1>, vector<64x1024xf32>
    %add3A_365 = arith.addf %add3A_356, %select_n3A_364 : vector<64x1024xf32>
    %slice3A_366 = vector.extract_strided_slice %get3A_343 {offsets = [0, 2], sizes = [64, 1], strides = [1, 1]} : vector<64x12xi32> to vector<64x1xi32>
    %eq3A_367 = vector.broadcast %slice3A_366 : vector<64x1xi32> to vector<64x1024xi32>
    %eq3A_368 = arith.cmpi eq, %eq3A_367, %iota3A : vector<64x1024xi32>
    %jit3A_369 = arith.constant 5.120000e+02 : f32
    %jit3A_370 = arith.constant 0.000000e+00 : f32
    %broadcast_in_dim3A_371 = vector.broadcast %jit3A_369 : f32 to vector<64x1024xf32>
    %broadcast_in_dim3A_372 = vector.broadcast %jit3A_370 : f32 to vector<64x1024xf32>
    %select_n3A_373 = arith.select %eq3A_368, %broadcast_in_dim3A_371, %broadcast_in_dim3A_372 : vector<64x1024xi1>, vector<64x1024xf32>
    %add3A_374 = arith.addf %add3A_365, %select_n3A_373 : vector<64x1024xf32>
    %slice3A_375 = vector.extract_strided_slice %get3A_343 {offsets = [0, 3], sizes = [64, 1], strides = [1, 1]} : vector<64x12xi32> to vector<64x1xi32>
    %eq3A_376 = vector.broadcast %slice3A_375 : vector<64x1xi32> to vector<64x1024xi32>
    %eq3A_377 = arith.cmpi eq, %eq3A_376, %iota3A : vector<64x1024xi32>
    %jit3A_378 = arith.constant 2.560000e+02 : f32
    %jit3A_379 = arith.constant 0.000000e+00 : f32
    %broadcast_in_dim3A_380 = vector.broadcast %jit3A_378 : f32 to vector<64x1024xf32>
    %broadcast_in_dim3A_381 = vector.broadcast %jit3A_379 : f32 to vector<64x1024xf32>
    %select_n3A_382 = arith.select %eq3A_377, %broadcast_in_dim3A_380, %broadcast_in_dim3A_381 : vector<64x1024xi1>, vector<64x1024xf32>
    %add3A_383 = arith.addf %add3A_374, %select_n3A_382 : vector<64x1024xf32>
    %slice3A_384 = vector.extract_strided_slice %get3A_343 {offsets = [0, 4], sizes = [64, 1], strides = [1, 1]} : vector<64x12xi32> to vector<64x1xi32>
    %eq3A_385 = vector.broadcast %slice3A_384 : vector<64x1xi32> to vector<64x1024xi32>
    %eq3A_386 = arith.cmpi eq, %eq3A_385, %iota3A : vector<64x1024xi32>
    %jit3A_387 = arith.constant 1.280000e+02 : f32
    %jit3A_388 = arith.constant 0.000000e+00 : f32
    %broadcast_in_dim3A_389 = vector.broadcast %jit3A_387 : f32 to vector<64x1024xf32>
    %broadcast_in_dim3A_390 = vector.broadcast %jit3A_388 : f32 to vector<64x1024xf32>
    %select_n3A_391 = arith.select %eq3A_386, %broadcast_in_dim3A_389, %broadcast_in_dim3A_390 : vector<64x1024xi1>, vector<64x1024xf32>
    %add3A_392 = arith.addf %add3A_383, %select_n3A_391 : vector<64x1024xf32>
    %slice3A_393 = vector.extract_strided_slice %get3A_343 {offsets = [0, 5], sizes = [64, 1], strides = [1, 1]} : vector<64x12xi32> to vector<64x1xi32>
    %eq3A_394 = vector.broadcast %slice3A_393 : vector<64x1xi32> to vector<64x1024xi32>
    %eq3A_395 = arith.cmpi eq, %eq3A_394, %iota3A : vector<64x1024xi32>
    %jit3A_396 = arith.constant 6.400000e+01 : f32
    %jit3A_397 = arith.constant 0.000000e+00 : f32
    %broadcast_in_dim3A_398 = vector.broadcast %jit3A_396 : f32 to vector<64x1024xf32>
    %broadcast_in_dim3A_399 = vector.broadcast %jit3A_397 : f32 to vector<64x1024xf32>
    %select_n3A_400 = arith.select %eq3A_395, %broadcast_in_dim3A_398, %broadcast_in_dim3A_399 : vector<64x1024xi1>, vector<64x1024xf32>
    %add3A_401 = arith.addf %add3A_392, %select_n3A_400 : vector<64x1024xf32>
    %slice3A_402 = vector.extract_strided_slice %get3A_343 {offsets = [0, 6], sizes = [64, 1], strides = [1, 1]} : vector<64x12xi32> to vector<64x1xi32>
    %eq3A_403 = vector.broadcast %slice3A_402 : vector<64x1xi32> to vector<64x1024xi32>
    %eq3A_404 = arith.cmpi eq, %eq3A_403, %iota3A : vector<64x1024xi32>
    %jit3A_405 = arith.constant 3.200000e+01 : f32
    %jit3A_406 = arith.constant 0.000000e+00 : f32
    %broadcast_in_dim3A_407 = vector.broadcast %jit3A_405 : f32 to vector<64x1024xf32>
    %broadcast_in_dim3A_408 = vector.broadcast %jit3A_406 : f32 to vector<64x1024xf32>
    %select_n3A_409 = arith.select %eq3A_404, %broadcast_in_dim3A_407, %broadcast_in_dim3A_408 : vector<64x1024xi1>, vector<64x1024xf32>
    %add3A_410 = arith.addf %broadcast_in_dim3A_347, %select_n3A_409 : vector<64x1024xf32>
    %slice3A_411 = vector.extract_strided_slice %get3A_343 {offsets = [0, 7], sizes = [64, 1], strides = [1, 1]} : vector<64x12xi32> to vector<64x1xi32>
    %eq3A_412 = vector.broadcast %slice3A_411 : vector<64x1xi32> to vector<64x1024xi32>
    %eq3A_413 = arith.cmpi eq, %eq3A_412, %iota3A : vector<64x1024xi32>
    %jit3A_414 = arith.constant 1.600000e+01 : f32
    %jit3A_415 = arith.constant 0.000000e+00 : f32
    %broadcast_in_dim3A_416 = vector.broadcast %jit3A_414 : f32 to vector<64x1024xf32>
    %broadcast_in_dim3A_417 = vector.broadcast %jit3A_415 : f32 to vector<64x1024xf32>
    %select_n3A_418 = arith.select %eq3A_413, %broadcast_in_dim3A_416, %broadcast_in_dim3A_417 : vector<64x1024xi1>, vector<64x1024xf32>
    %add3A_419 = arith.addf %add3A_410, %select_n3A_418 : vector<64x1024xf32>
    %slice3A_420 = vector.extract_strided_slice %get3A_343 {offsets = [0, 8], sizes = [64, 1], strides = [1, 1]} : vector<64x12xi32> to vector<64x1xi32>
    %eq3A_421 = vector.broadcast %slice3A_420 : vector<64x1xi32> to vector<64x1024xi32>
    %eq3A_422 = arith.cmpi eq, %eq3A_421, %iota3A : vector<64x1024xi32>
    %jit3A_423 = arith.constant 8.000000e+00 : f32
    %jit3A_424 = arith.constant 0.000000e+00 : f32
    %broadcast_in_dim3A_425 = vector.broadcast %jit3A_423 : f32 to vector<64x1024xf32>
    %broadcast_in_dim3A_426 = vector.broadcast %jit3A_424 : f32 to vector<64x1024xf32>
    %select_n3A_427 = arith.select %eq3A_422, %broadcast_in_dim3A_425, %broadcast_in_dim3A_426 : vector<64x1024xi1>, vector<64x1024xf32>
    %add3A_428 = arith.addf %add3A_419, %select_n3A_427 : vector<64x1024xf32>
    %slice3A_429 = vector.extract_strided_slice %get3A_343 {offsets = [0, 9], sizes = [64, 1], strides = [1, 1]} : vector<64x12xi32> to vector<64x1xi32>
    %eq3A_430 = vector.broadcast %slice3A_429 : vector<64x1xi32> to vector<64x1024xi32>
    %eq3A_431 = arith.cmpi eq, %eq3A_430, %iota3A : vector<64x1024xi32>
    %jit3A_432 = arith.constant 4.000000e+00 : f32
    %jit3A_433 = arith.constant 0.000000e+00 : f32
    %broadcast_in_dim3A_434 = vector.broadcast %jit3A_432 : f32 to vector<64x1024xf32>
    %broadcast_in_dim3A_435 = vector.broadcast %jit3A_433 : f32 to vector<64x1024xf32>
    %select_n3A_436 = arith.select %eq3A_431, %broadcast_in_dim3A_434, %broadcast_in_dim3A_435 : vector<64x1024xi1>, vector<64x1024xf32>
    %add3A_437 = arith.addf %add3A_428, %select_n3A_436 : vector<64x1024xf32>
    %slice3A_438 = vector.extract_strided_slice %get3A_343 {offsets = [0, 10], sizes = [64, 1], strides = [1, 1]} : vector<64x12xi32> to vector<64x1xi32>
    %eq3A_439 = vector.broadcast %slice3A_438 : vector<64x1xi32> to vector<64x1024xi32>
    %eq3A_440 = arith.cmpi eq, %eq3A_439, %iota3A : vector<64x1024xi32>
    %jit3A_441 = arith.constant 2.000000e+00 : f32
    %jit3A_442 = arith.constant 0.000000e+00 : f32
    %broadcast_in_dim3A_443 = vector.broadcast %jit3A_441 : f32 to vector<64x1024xf32>
    %broadcast_in_dim3A_444 = vector.broadcast %jit3A_442 : f32 to vector<64x1024xf32>
    %select_n3A_445 = arith.select %eq3A_440, %broadcast_in_dim3A_443, %broadcast_in_dim3A_444 : vector<64x1024xi1>, vector<64x1024xf32>
    %add3A_446 = arith.addf %add3A_437, %select_n3A_445 : vector<64x1024xf32>
    %slice3A_447 = vector.extract_strided_slice %get3A_343 {offsets = [0, 11], sizes = [64, 1], strides = [1, 1]} : vector<64x12xi32> to vector<64x1xi32>
    %eq3A_448 = vector.broadcast %slice3A_447 : vector<64x1xi32> to vector<64x1024xi32>
    %eq3A_449 = arith.cmpi eq, %eq3A_448, %iota3A : vector<64x1024xi32>
    %jit3A_450 = arith.constant 1.000000e+00 : f32
    %jit3A_451 = arith.constant 0.000000e+00 : f32
    %broadcast_in_dim3A_452 = vector.broadcast %jit3A_450 : f32 to vector<64x1024xf32>
    %broadcast_in_dim3A_453 = vector.broadcast %jit3A_451 : f32 to vector<64x1024xf32>
    %select_n3A_454 = arith.select %eq3A_449, %broadcast_in_dim3A_452, %broadcast_in_dim3A_453 : vector<64x1024xi1>, vector<64x1024xf32>
    %add3A_455 = arith.addf %add3A_446, %select_n3A_454 : vector<64x1024xf32>
    %concatenate3A = tpu.concatenate %add3A_56, %add3A_171, %add3A_286, %add3A_401 in 0 : vector<64x1024xf32>, vector<64x1024xf32>, vector<64x1024xf32>, vector<64x1024xf32> -> vector<256x1024xf32>
    %convert_element_type3A_456 = arith.truncf %concatenate3A : vector<256x1024xf32> to vector<256x1024xbf16>
    %concatenate3A_457 = tpu.concatenate %add3A_110, %add3A_225, %add3A_340, %add3A_455 in 0 : vector<64x1024xf32>, vector<64x1024xf32>, vector<64x1024xf32>, vector<64x1024xf32> -> vector<256x1024xf32>
    %convert_element_type3A_458 = arith.truncf %concatenate3A_457 : vector<256x1024xf32> to vector<256x1024xbf16>
    %get3A_459 = arith.constant 0 : index
    %get3A_460 = arith.constant 0 : index
    %get3A_461 = vector.load %arg3[%get3A_459, %get3A_460] : memref<64x12xi32, #tpu.memory_space<vmem>>, vector<64x12xi32>
    %broadcast_in_dim3A_462 = arith.constant 0.000000e+00 : f32
    %broadcast_in_dim3A_463 = vector.broadcast %broadcast_in_dim3A_462 : f32 to vector<64x1024xf32>
    %broadcast_in_dim3A_464 = arith.constant 0.000000e+00 : f32
    %broadcast_in_dim3A_465 = vector.broadcast %broadcast_in_dim3A_464 : f32 to vector<64x1024xf32>
    %slice3A_466 = vector.extract_strided_slice %get3A_461 {offsets = [0, 0], sizes = [64, 1], strides = [1, 1]} : vector<64x12xi32> to vector<64x1xi32>
    %eq3A_467 = vector.broadcast %slice3A_466 : vector<64x1xi32> to vector<64x1024xi32>
    %eq3A_468 = arith.cmpi eq, %eq3A_467, %iota3A : vector<64x1024xi32>
    %jit3A_469 = arith.constant 2.048000e+03 : f32
    %jit3A_470 = arith.constant 0.000000e+00 : f32
    %broadcast_in_dim3A_471 = vector.broadcast %jit3A_469 : f32 to vector<64x1024xf32>
    %broadcast_in_dim3A_472 = vector.broadcast %jit3A_470 : f32 to vector<64x1024xf32>
    %select_n3A_473 = arith.select %eq3A_468, %broadcast_in_dim3A_471, %broadcast_in_dim3A_472 : vector<64x1024xi1>, vector<64x1024xf32>
    %add3A_474 = arith.addf %broadcast_in_dim3A_463, %select_n3A_473 : vector<64x1024xf32>
    %slice3A_475 = vector.extract_strided_slice %get3A_461 {offsets = [0, 1], sizes = [64, 1], strides = [1, 1]} : vector<64x12xi32> to vector<64x1xi32>
    %eq3A_476 = vector.broadcast %slice3A_475 : vector<64x1xi32> to vector<64x1024xi32>
    %eq3A_477 = arith.cmpi eq, %eq3A_476, %iota3A : vector<64x1024xi32>
    %jit3A_478 = arith.constant 1.024000e+03 : f32
    %jit3A_479 = arith.constant 0.000000e+00 : f32
    %broadcast_in_dim3A_480 = vector.broadcast %jit3A_478 : f32 to vector<64x1024xf32>
    %broadcast_in_dim3A_481 = vector.broadcast %jit3A_479 : f32 to vector<64x1024xf32>
    %select_n3A_482 = arith.select %eq3A_477, %broadcast_in_dim3A_480, %broadcast_in_dim3A_481 : vector<64x1024xi1>, vector<64x1024xf32>
    %add3A_483 = arith.addf %add3A_474, %select_n3A_482 : vector<64x1024xf32>
    %slice3A_484 = vector.extract_strided_slice %get3A_461 {offsets = [0, 2], sizes = [64, 1], strides = [1, 1]} : vector<64x12xi32> to vector<64x1xi32>
    %eq3A_485 = vector.broadcast %slice3A_484 : vector<64x1xi32> to vector<64x1024xi32>
    %eq3A_486 = arith.cmpi eq, %eq3A_485, %iota3A : vector<64x1024xi32>
    %jit3A_487 = arith.constant 5.120000e+02 : f32
    %jit3A_488 = arith.constant 0.000000e+00 : f32
    %broadcast_in_dim3A_489 = vector.broadcast %jit3A_487 : f32 to vector<64x1024xf32>
    %broadcast_in_dim3A_490 = vector.broadcast %jit3A_488 : f32 to vector<64x1024xf32>
    %select_n3A_491 = arith.select %eq3A_486, %broadcast_in_dim3A_489, %broadcast_in_dim3A_490 : vector<64x1024xi1>, vector<64x1024xf32>
    %add3A_492 = arith.addf %add3A_483, %select_n3A_491 : vector<64x1024xf32>
    %slice3A_493 = vector.extract_strided_slice %get3A_461 {offsets = [0, 3], sizes = [64, 1], strides = [1, 1]} : vector<64x12xi32> to vector<64x1xi32>
    %eq3A_494 = vector.broadcast %slice3A_493 : vector<64x1xi32> to vector<64x1024xi32>
    %eq3A_495 = arith.cmpi eq, %eq3A_494, %iota3A : vector<64x1024xi32>
    %jit3A_496 = arith.constant 2.560000e+02 : f32
    %jit3A_497 = arith.constant 0.000000e+00 : f32
    %broadcast_in_dim3A_498 = vector.broadcast %jit3A_496 : f32 to vector<64x1024xf32>
    %broadcast_in_dim3A_499 = vector.broadcast %jit3A_497 : f32 to vector<64x1024xf32>
    %select_n3A_500 = arith.select %eq3A_495, %broadcast_in_dim3A_498, %broadcast_in_dim3A_499 : vector<64x1024xi1>, vector<64x1024xf32>
    %add3A_501 = arith.addf %add3A_492, %select_n3A_500 : vector<64x1024xf32>
    %slice3A_502 = vector.extract_strided_slice %get3A_461 {offsets = [0, 4], sizes = [64, 1], strides = [1, 1]} : vector<64x12xi32> to vector<64x1xi32>
    %eq3A_503 = vector.broadcast %slice3A_502 : vector<64x1xi32> to vector<64x1024xi32>
    %eq3A_504 = arith.cmpi eq, %eq3A_503, %iota3A : vector<64x1024xi32>
    %jit3A_505 = arith.constant 1.280000e+02 : f32
    %jit3A_506 = arith.constant 0.000000e+00 : f32
    %broadcast_in_dim3A_507 = vector.broadcast %jit3A_505 : f32 to vector<64x1024xf32>
    %broadcast_in_dim3A_508 = vector.broadcast %jit3A_506 : f32 to vector<64x1024xf32>
    %select_n3A_509 = arith.select %eq3A_504, %broadcast_in_dim3A_507, %broadcast_in_dim3A_508 : vector<64x1024xi1>, vector<64x1024xf32>
    %add3A_510 = arith.addf %add3A_501, %select_n3A_509 : vector<64x1024xf32>
    %slice3A_511 = vector.extract_strided_slice %get3A_461 {offsets = [0, 5], sizes = [64, 1], strides = [1, 1]} : vector<64x12xi32> to vector<64x1xi32>
    %eq3A_512 = vector.broadcast %slice3A_511 : vector<64x1xi32> to vector<64x1024xi32>
    %eq3A_513 = arith.cmpi eq, %eq3A_512, %iota3A : vector<64x1024xi32>
    %jit3A_514 = arith.constant 6.400000e+01 : f32
    %jit3A_515 = arith.constant 0.000000e+00 : f32
    %broadcast_in_dim3A_516 = vector.broadcast %jit3A_514 : f32 to vector<64x1024xf32>
    %broadcast_in_dim3A_517 = vector.broadcast %jit3A_515 : f32 to vector<64x1024xf32>
    %select_n3A_518 = arith.select %eq3A_513, %broadcast_in_dim3A_516, %broadcast_in_dim3A_517 : vector<64x1024xi1>, vector<64x1024xf32>
    %add3A_519 = arith.addf %add3A_510, %select_n3A_518 : vector<64x1024xf32>
    %slice3A_520 = vector.extract_strided_slice %get3A_461 {offsets = [0, 6], sizes = [64, 1], strides = [1, 1]} : vector<64x12xi32> to vector<64x1xi32>
    %eq3A_521 = vector.broadcast %slice3A_520 : vector<64x1xi32> to vector<64x1024xi32>
    %eq3A_522 = arith.cmpi eq, %eq3A_521, %iota3A : vector<64x1024xi32>
    %jit3A_523 = arith.constant 3.200000e+01 : f32
    %jit3A_524 = arith.constant 0.000000e+00 : f32
    %broadcast_in_dim3A_525 = vector.broadcast %jit3A_523 : f32 to vector<64x1024xf32>
    %broadcast_in_dim3A_526 = vector.broadcast %jit3A_524 : f32 to vector<64x1024xf32>
    %select_n3A_527 = arith.select %eq3A_522, %broadcast_in_dim3A_525, %broadcast_in_dim3A_526 : vector<64x1024xi1>, vector<64x1024xf32>
    %add3A_528 = arith.addf %broadcast_in_dim3A_465, %select_n3A_527 : vector<64x1024xf32>
    %slice3A_529 = vector.extract_strided_slice %get3A_461 {offsets = [0, 7], sizes = [64, 1], strides = [1, 1]} : vector<64x12xi32> to vector<64x1xi32>
    %eq3A_530 = vector.broadcast %slice3A_529 : vector<64x1xi32> to vector<64x1024xi32>
    %eq3A_531 = arith.cmpi eq, %eq3A_530, %iota3A : vector<64x1024xi32>
    %jit3A_532 = arith.constant 1.600000e+01 : f32
    %jit3A_533 = arith.constant 0.000000e+00 : f32
    %broadcast_in_dim3A_534 = vector.broadcast %jit3A_532 : f32 to vector<64x1024xf32>
    %broadcast_in_dim3A_535 = vector.broadcast %jit3A_533 : f32 to vector<64x1024xf32>
    %select_n3A_536 = arith.select %eq3A_531, %broadcast_in_dim3A_534, %broadcast_in_dim3A_535 : vector<64x1024xi1>, vector<64x1024xf32>
    %add3A_537 = arith.addf %add3A_528, %select_n3A_536 : vector<64x1024xf32>
    %slice3A_538 = vector.extract_strided_slice %get3A_461 {offsets = [0, 8], sizes = [64, 1], strides = [1, 1]} : vector<64x12xi32> to vector<64x1xi32>
    %eq3A_539 = vector.broadcast %slice3A_538 : vector<64x1xi32> to vector<64x1024xi32>
    %eq3A_540 = arith.cmpi eq, %eq3A_539, %iota3A : vector<64x1024xi32>
    %jit3A_541 = arith.constant 8.000000e+00 : f32
    %jit3A_542 = arith.constant 0.000000e+00 : f32
    %broadcast_in_dim3A_543 = vector.broadcast %jit3A_541 : f32 to vector<64x1024xf32>
    %broadcast_in_dim3A_544 = vector.broadcast %jit3A_542 : f32 to vector<64x1024xf32>
    %select_n3A_545 = arith.select %eq3A_540, %broadcast_in_dim3A_543, %broadcast_in_dim3A_544 : vector<64x1024xi1>, vector<64x1024xf32>
    %add3A_546 = arith.addf %add3A_537, %select_n3A_545 : vector<64x1024xf32>
    %slice3A_547 = vector.extract_strided_slice %get3A_461 {offsets = [0, 9], sizes = [64, 1], strides = [1, 1]} : vector<64x12xi32> to vector<64x1xi32>
    %eq3A_548 = vector.broadcast %slice3A_547 : vector<64x1xi32> to vector<64x1024xi32>
    %eq3A_549 = arith.cmpi eq, %eq3A_548, %iota3A : vector<64x1024xi32>
    %jit3A_550 = arith.constant 4.000000e+00 : f32
    %jit3A_551 = arith.constant 0.000000e+00 : f32
    %broadcast_in_dim3A_552 = vector.broadcast %jit3A_550 : f32 to vector<64x1024xf32>
    %broadcast_in_dim3A_553 = vector.broadcast %jit3A_551 : f32 to vector<64x1024xf32>
    %select_n3A_554 = arith.select %eq3A_549, %broadcast_in_dim3A_552, %broadcast_in_dim3A_553 : vector<64x1024xi1>, vector<64x1024xf32>
    %add3A_555 = arith.addf %add3A_546, %select_n3A_554 : vector<64x1024xf32>
    %slice3A_556 = vector.extract_strided_slice %get3A_461 {offsets = [0, 10], sizes = [64, 1], strides = [1, 1]} : vector<64x12xi32> to vector<64x1xi32>
    %eq3A_557 = vector.broadcast %slice3A_556 : vector<64x1xi32> to vector<64x1024xi32>
    %eq3A_558 = arith.cmpi eq, %eq3A_557, %iota3A : vector<64x1024xi32>
    %jit3A_559 = arith.constant 2.000000e+00 : f32
    %jit3A_560 = arith.constant 0.000000e+00 : f32
    %broadcast_in_dim3A_561 = vector.broadcast %jit3A_559 : f32 to vector<64x1024xf32>
    %broadcast_in_dim3A_562 = vector.broadcast %jit3A_560 : f32 to vector<64x1024xf32>
    %select_n3A_563 = arith.select %eq3A_558, %broadcast_in_dim3A_561, %broadcast_in_dim3A_562 : vector<64x1024xi1>, vector<64x1024xf32>
    %add3A_564 = arith.addf %add3A_555, %select_n3A_563 : vector<64x1024xf32>
    %slice3A_565 = vector.extract_strided_slice %get3A_461 {offsets = [0, 11], sizes = [64, 1], strides = [1, 1]} : vector<64x12xi32> to vector<64x1xi32>
    %eq3A_566 = vector.broadcast %slice3A_565 : vector<64x1xi32> to vector<64x1024xi32>
    %eq3A_567 = arith.cmpi eq, %eq3A_566, %iota3A : vector<64x1024xi32>
    %jit3A_568 = arith.constant 1.000000e+00 : f32
    %jit3A_569 = arith.constant 0.000000e+00 : f32
    %broadcast_in_dim3A_570 = vector.broadcast %jit3A_568 : f32 to vector<64x1024xf32>
    %broadcast_in_dim3A_571 = vector.broadcast %jit3A_569 : f32 to vector<64x1024xf32>
    %select_n3A_572 = arith.select %eq3A_567, %broadcast_in_dim3A_570, %broadcast_in_dim3A_571 : vector<64x1024xi1>, vector<64x1024xf32>
    %add3A_573 = arith.addf %add3A_564, %select_n3A_572 : vector<64x1024xf32>
    %get3A_574 = arith.constant 0 : index
    %get3A_575 = arith.constant 0 : index
    %get3A_576 = vector.load %arg5[%get3A_574, %get3A_575] : memref<64x12xi32, #tpu.memory_space<vmem>>, vector<64x12xi32>
    %broadcast_in_dim3A_577 = arith.constant 0.000000e+00 : f32
    %broadcast_in_dim3A_578 = vector.broadcast %broadcast_in_dim3A_577 : f32 to vector<64x1024xf32>
    %broadcast_in_dim3A_579 = arith.constant 0.000000e+00 : f32
    %broadcast_in_dim3A_580 = vector.broadcast %broadcast_in_dim3A_579 : f32 to vector<64x1024xf32>
    %slice3A_581 = vector.extract_strided_slice %get3A_576 {offsets = [0, 0], sizes = [64, 1], strides = [1, 1]} : vector<64x12xi32> to vector<64x1xi32>
    %eq3A_582 = vector.broadcast %slice3A_581 : vector<64x1xi32> to vector<64x1024xi32>
    %eq3A_583 = arith.cmpi eq, %eq3A_582, %iota3A : vector<64x1024xi32>
    %jit3A_584 = arith.constant 2.048000e+03 : f32
    %jit3A_585 = arith.constant 0.000000e+00 : f32
    %broadcast_in_dim3A_586 = vector.broadcast %jit3A_584 : f32 to vector<64x1024xf32>
    %broadcast_in_dim3A_587 = vector.broadcast %jit3A_585 : f32 to vector<64x1024xf32>
    %select_n3A_588 = arith.select %eq3A_583, %broadcast_in_dim3A_586, %broadcast_in_dim3A_587 : vector<64x1024xi1>, vector<64x1024xf32>
    %add3A_589 = arith.addf %broadcast_in_dim3A_578, %select_n3A_588 : vector<64x1024xf32>
    %slice3A_590 = vector.extract_strided_slice %get3A_576 {offsets = [0, 1], sizes = [64, 1], strides = [1, 1]} : vector<64x12xi32> to vector<64x1xi32>
    %eq3A_591 = vector.broadcast %slice3A_590 : vector<64x1xi32> to vector<64x1024xi32>
    %eq3A_592 = arith.cmpi eq, %eq3A_591, %iota3A : vector<64x1024xi32>
    %jit3A_593 = arith.constant 1.024000e+03 : f32
    %jit3A_594 = arith.constant 0.000000e+00 : f32
    %broadcast_in_dim3A_595 = vector.broadcast %jit3A_593 : f32 to vector<64x1024xf32>
    %broadcast_in_dim3A_596 = vector.broadcast %jit3A_594 : f32 to vector<64x1024xf32>
    %select_n3A_597 = arith.select %eq3A_592, %broadcast_in_dim3A_595, %broadcast_in_dim3A_596 : vector<64x1024xi1>, vector<64x1024xf32>
    %add3A_598 = arith.addf %add3A_589, %select_n3A_597 : vector<64x1024xf32>
    %slice3A_599 = vector.extract_strided_slice %get3A_576 {offsets = [0, 2], sizes = [64, 1], strides = [1, 1]} : vector<64x12xi32> to vector<64x1xi32>
    %eq3A_600 = vector.broadcast %slice3A_599 : vector<64x1xi32> to vector<64x1024xi32>
    %eq3A_601 = arith.cmpi eq, %eq3A_600, %iota3A : vector<64x1024xi32>
    %jit3A_602 = arith.constant 5.120000e+02 : f32
    %jit3A_603 = arith.constant 0.000000e+00 : f32
    %broadcast_in_dim3A_604 = vector.broadcast %jit3A_602 : f32 to vector<64x1024xf32>
    %broadcast_in_dim3A_605 = vector.broadcast %jit3A_603 : f32 to vector<64x1024xf32>
    %select_n3A_606 = arith.select %eq3A_601, %broadcast_in_dim3A_604, %broadcast_in_dim3A_605 : vector<64x1024xi1>, vector<64x1024xf32>
    %add3A_607 = arith.addf %add3A_598, %select_n3A_606 : vector<64x1024xf32>
    %slice3A_608 = vector.extract_strided_slice %get3A_576 {offsets = [0, 3], sizes = [64, 1], strides = [1, 1]} : vector<64x12xi32> to vector<64x1xi32>
    %eq3A_609 = vector.broadcast %slice3A_608 : vector<64x1xi32> to vector<64x1024xi32>
    %eq3A_610 = arith.cmpi eq, %eq3A_609, %iota3A : vector<64x1024xi32>
    %jit3A_611 = arith.constant 2.560000e+02 : f32
    %jit3A_612 = arith.constant 0.000000e+00 : f32
    %broadcast_in_dim3A_613 = vector.broadcast %jit3A_611 : f32 to vector<64x1024xf32>
    %broadcast_in_dim3A_614 = vector.broadcast %jit3A_612 : f32 to vector<64x1024xf32>
    %select_n3A_615 = arith.select %eq3A_610, %broadcast_in_dim3A_613, %broadcast_in_dim3A_614 : vector<64x1024xi1>, vector<64x1024xf32>
    %add3A_616 = arith.addf %add3A_607, %select_n3A_615 : vector<64x1024xf32>
    %slice3A_617 = vector.extract_strided_slice %get3A_576 {offsets = [0, 4], sizes = [64, 1], strides = [1, 1]} : vector<64x12xi32> to vector<64x1xi32>
    %eq3A_618 = vector.broadcast %slice3A_617 : vector<64x1xi32> to vector<64x1024xi32>
    %eq3A_619 = arith.cmpi eq, %eq3A_618, %iota3A : vector<64x1024xi32>
    %jit3A_620 = arith.constant 1.280000e+02 : f32
    %jit3A_621 = arith.constant 0.000000e+00 : f32
    %broadcast_in_dim3A_622 = vector.broadcast %jit3A_620 : f32 to vector<64x1024xf32>
    %broadcast_in_dim3A_623 = vector.broadcast %jit3A_621 : f32 to vector<64x1024xf32>
    %select_n3A_624 = arith.select %eq3A_619, %broadcast_in_dim3A_622, %broadcast_in_dim3A_623 : vector<64x1024xi1>, vector<64x1024xf32>
    %add3A_625 = arith.addf %add3A_616, %select_n3A_624 : vector<64x1024xf32>
    %slice3A_626 = vector.extract_strided_slice %get3A_576 {offsets = [0, 5], sizes = [64, 1], strides = [1, 1]} : vector<64x12xi32> to vector<64x1xi32>
    %eq3A_627 = vector.broadcast %slice3A_626 : vector<64x1xi32> to vector<64x1024xi32>
    %eq3A_628 = arith.cmpi eq, %eq3A_627, %iota3A : vector<64x1024xi32>
    %jit3A_629 = arith.constant 6.400000e+01 : f32
    %jit3A_630 = arith.constant 0.000000e+00 : f32
    %broadcast_in_dim3A_631 = vector.broadcast %jit3A_629 : f32 to vector<64x1024xf32>
    %broadcast_in_dim3A_632 = vector.broadcast %jit3A_630 : f32 to vector<64x1024xf32>
    %select_n3A_633 = arith.select %eq3A_628, %broadcast_in_dim3A_631, %broadcast_in_dim3A_632 : vector<64x1024xi1>, vector<64x1024xf32>
    %add3A_634 = arith.addf %add3A_625, %select_n3A_633 : vector<64x1024xf32>
    %slice3A_635 = vector.extract_strided_slice %get3A_576 {offsets = [0, 6], sizes = [64, 1], strides = [1, 1]} : vector<64x12xi32> to vector<64x1xi32>
    %eq3A_636 = vector.broadcast %slice3A_635 : vector<64x1xi32> to vector<64x1024xi32>
    %eq3A_637 = arith.cmpi eq, %eq3A_636, %iota3A : vector<64x1024xi32>
    %jit3A_638 = arith.constant 3.200000e+01 : f32
    %jit3A_639 = arith.constant 0.000000e+00 : f32
    %broadcast_in_dim3A_640 = vector.broadcast %jit3A_638 : f32 to vector<64x1024xf32>
    %broadcast_in_dim3A_641 = vector.broadcast %jit3A_639 : f32 to vector<64x1024xf32>
    %select_n3A_642 = arith.select %eq3A_637, %broadcast_in_dim3A_640, %broadcast_in_dim3A_641 : vector<64x1024xi1>, vector<64x1024xf32>
    %add3A_643 = arith.addf %broadcast_in_dim3A_580, %select_n3A_642 : vector<64x1024xf32>
    %slice3A_644 = vector.extract_strided_slice %get3A_576 {offsets = [0, 7], sizes = [64, 1], strides = [1, 1]} : vector<64x12xi32> to vector<64x1xi32>
    %eq3A_645 = vector.broadcast %slice3A_644 : vector<64x1xi32> to vector<64x1024xi32>
    %eq3A_646 = arith.cmpi eq, %eq3A_645, %iota3A : vector<64x1024xi32>
    %jit3A_647 = arith.constant 1.600000e+01 : f32
    %jit3A_648 = arith.constant 0.000000e+00 : f32
    %broadcast_in_dim3A_649 = vector.broadcast %jit3A_647 : f32 to vector<64x1024xf32>
    %broadcast_in_dim3A_650 = vector.broadcast %jit3A_648 : f32 to vector<64x1024xf32>
    %select_n3A_651 = arith.select %eq3A_646, %broadcast_in_dim3A_649, %broadcast_in_dim3A_650 : vector<64x1024xi1>, vector<64x1024xf32>
    %add3A_652 = arith.addf %add3A_643, %select_n3A_651 : vector<64x1024xf32>
    %slice3A_653 = vector.extract_strided_slice %get3A_576 {offsets = [0, 8], sizes = [64, 1], strides = [1, 1]} : vector<64x12xi32> to vector<64x1xi32>
    %eq3A_654 = vector.broadcast %slice3A_653 : vector<64x1xi32> to vector<64x1024xi32>
    %eq3A_655 = arith.cmpi eq, %eq3A_654, %iota3A : vector<64x1024xi32>
    %jit3A_656 = arith.constant 8.000000e+00 : f32
    %jit3A_657 = arith.constant 0.000000e+00 : f32
    %broadcast_in_dim3A_658 = vector.broadcast %jit3A_656 : f32 to vector<64x1024xf32>
    %broadcast_in_dim3A_659 = vector.broadcast %jit3A_657 : f32 to vector<64x1024xf32>
    %select_n3A_660 = arith.select %eq3A_655, %broadcast_in_dim3A_658, %broadcast_in_dim3A_659 : vector<64x1024xi1>, vector<64x1024xf32>
    %add3A_661 = arith.addf %add3A_652, %select_n3A_660 : vector<64x1024xf32>
    %slice3A_662 = vector.extract_strided_slice %get3A_576 {offsets = [0, 9], sizes = [64, 1], strides = [1, 1]} : vector<64x12xi32> to vector<64x1xi32>
    %eq3A_663 = vector.broadcast %slice3A_662 : vector<64x1xi32> to vector<64x1024xi32>
    %eq3A_664 = arith.cmpi eq, %eq3A_663, %iota3A : vector<64x1024xi32>
    %jit3A_665 = arith.constant 4.000000e+00 : f32
    %jit3A_666 = arith.constant 0.000000e+00 : f32
    %broadcast_in_dim3A_667 = vector.broadcast %jit3A_665 : f32 to vector<64x1024xf32>
    %broadcast_in_dim3A_668 = vector.broadcast %jit3A_666 : f32 to vector<64x1024xf32>
    %select_n3A_669 = arith.select %eq3A_664, %broadcast_in_dim3A_667, %broadcast_in_dim3A_668 : vector<64x1024xi1>, vector<64x1024xf32>
    %add3A_670 = arith.addf %add3A_661, %select_n3A_669 : vector<64x1024xf32>
    %slice3A_671 = vector.extract_strided_slice %get3A_576 {offsets = [0, 10], sizes = [64, 1], strides = [1, 1]} : vector<64x12xi32> to vector<64x1xi32>
    %eq3A_672 = vector.broadcast %slice3A_671 : vector<64x1xi32> to vector<64x1024xi32>
    %eq3A_673 = arith.cmpi eq, %eq3A_672, %iota3A : vector<64x1024xi32>
    %jit3A_674 = arith.constant 2.000000e+00 : f32
    %jit3A_675 = arith.constant 0.000000e+00 : f32
    %broadcast_in_dim3A_676 = vector.broadcast %jit3A_674 : f32 to vector<64x1024xf32>
    %broadcast_in_dim3A_677 = vector.broadcast %jit3A_675 : f32 to vector<64x1024xf32>
    %select_n3A_678 = arith.select %eq3A_673, %broadcast_in_dim3A_676, %broadcast_in_dim3A_677 : vector<64x1024xi1>, vector<64x1024xf32>
    %add3A_679 = arith.addf %add3A_670, %select_n3A_678 : vector<64x1024xf32>
    %slice3A_680 = vector.extract_strided_slice %get3A_576 {offsets = [0, 11], sizes = [64, 1], strides = [1, 1]} : vector<64x12xi32> to vector<64x1xi32>
    %eq3A_681 = vector.broadcast %slice3A_680 : vector<64x1xi32> to vector<64x1024xi32>
    %eq3A_682 = arith.cmpi eq, %eq3A_681, %iota3A : vector<64x1024xi32>
    %jit3A_683 = arith.constant 1.000000e+00 : f32
    %jit3A_684 = arith.constant 0.000000e+00 : f32
    %broadcast_in_dim3A_685 = vector.broadcast %jit3A_683 : f32 to vector<64x1024xf32>
    %broadcast_in_dim3A_686 = vector.broadcast %jit3A_684 : f32 to vector<64x1024xf32>
    %select_n3A_687 = arith.select %eq3A_682, %broadcast_in_dim3A_685, %broadcast_in_dim3A_686 : vector<64x1024xi1>, vector<64x1024xf32>
    %add3A_688 = arith.addf %add3A_679, %select_n3A_687 : vector<64x1024xf32>
    %get3A_689 = arith.constant 0 : index
    %get3A_690 = arith.constant 0 : index
    %get3A_691 = vector.load %arg7[%get3A_689, %get3A_690] : memref<64x12xi32, #tpu.memory_space<vmem>>, vector<64x12xi32>
    %broadcast_in_dim3A_692 = arith.constant 0.000000e+00 : f32
    %broadcast_in_dim3A_693 = vector.broadcast %broadcast_in_dim3A_692 : f32 to vector<64x1024xf32>
    %broadcast_in_dim3A_694 = arith.constant 0.000000e+00 : f32
    %broadcast_in_dim3A_695 = vector.broadcast %broadcast_in_dim3A_694 : f32 to vector<64x1024xf32>
    %slice3A_696 = vector.extract_strided_slice %get3A_691 {offsets = [0, 0], sizes = [64, 1], strides = [1, 1]} : vector<64x12xi32> to vector<64x1xi32>
    %eq3A_697 = vector.broadcast %slice3A_696 : vector<64x1xi32> to vector<64x1024xi32>
    %eq3A_698 = arith.cmpi eq, %eq3A_697, %iota3A : vector<64x1024xi32>
    %jit3A_699 = arith.constant 2.048000e+03 : f32
    %jit3A_700 = arith.constant 0.000000e+00 : f32
    %broadcast_in_dim3A_701 = vector.broadcast %jit3A_699 : f32 to vector<64x1024xf32>
    %broadcast_in_dim3A_702 = vector.broadcast %jit3A_700 : f32 to vector<64x1024xf32>
    %select_n3A_703 = arith.select %eq3A_698, %broadcast_in_dim3A_701, %broadcast_in_dim3A_702 : vector<64x1024xi1>, vector<64x1024xf32>
    %add3A_704 = arith.addf %broadcast_in_dim3A_693, %select_n3A_703 : vector<64x1024xf32>
    %slice3A_705 = vector.extract_strided_slice %get3A_691 {offsets = [0, 1], sizes = [64, 1], strides = [1, 1]} : vector<64x12xi32> to vector<64x1xi32>
    %eq3A_706 = vector.broadcast %slice3A_705 : vector<64x1xi32> to vector<64x1024xi32>
    %eq3A_707 = arith.cmpi eq, %eq3A_706, %iota3A : vector<64x1024xi32>
    %jit3A_708 = arith.constant 1.024000e+03 : f32
    %jit3A_709 = arith.constant 0.000000e+00 : f32
    %broadcast_in_dim3A_710 = vector.broadcast %jit3A_708 : f32 to vector<64x1024xf32>
    %broadcast_in_dim3A_711 = vector.broadcast %jit3A_709 : f32 to vector<64x1024xf32>
    %select_n3A_712 = arith.select %eq3A_707, %broadcast_in_dim3A_710, %broadcast_in_dim3A_711 : vector<64x1024xi1>, vector<64x1024xf32>
    %add3A_713 = arith.addf %add3A_704, %select_n3A_712 : vector<64x1024xf32>
    %slice3A_714 = vector.extract_strided_slice %get3A_691 {offsets = [0, 2], sizes = [64, 1], strides = [1, 1]} : vector<64x12xi32> to vector<64x1xi32>
    %eq3A_715 = vector.broadcast %slice3A_714 : vector<64x1xi32> to vector<64x1024xi32>
    %eq3A_716 = arith.cmpi eq, %eq3A_715, %iota3A : vector<64x1024xi32>
    %jit3A_717 = arith.constant 5.120000e+02 : f32
    %jit3A_718 = arith.constant 0.000000e+00 : f32
    %broadcast_in_dim3A_719 = vector.broadcast %jit3A_717 : f32 to vector<64x1024xf32>
    %broadcast_in_dim3A_720 = vector.broadcast %jit3A_718 : f32 to vector<64x1024xf32>
    %select_n3A_721 = arith.select %eq3A_716, %broadcast_in_dim3A_719, %broadcast_in_dim3A_720 : vector<64x1024xi1>, vector<64x1024xf32>
    %add3A_722 = arith.addf %add3A_713, %select_n3A_721 : vector<64x1024xf32>
    %slice3A_723 = vector.extract_strided_slice %get3A_691 {offsets = [0, 3], sizes = [64, 1], strides = [1, 1]} : vector<64x12xi32> to vector<64x1xi32>
    %eq3A_724 = vector.broadcast %slice3A_723 : vector<64x1xi32> to vector<64x1024xi32>
    %eq3A_725 = arith.cmpi eq, %eq3A_724, %iota3A : vector<64x1024xi32>
    %jit3A_726 = arith.constant 2.560000e+02 : f32
    %jit3A_727 = arith.constant 0.000000e+00 : f32
    %broadcast_in_dim3A_728 = vector.broadcast %jit3A_726 : f32 to vector<64x1024xf32>
    %broadcast_in_dim3A_729 = vector.broadcast %jit3A_727 : f32 to vector<64x1024xf32>
    %select_n3A_730 = arith.select %eq3A_725, %broadcast_in_dim3A_728, %broadcast_in_dim3A_729 : vector<64x1024xi1>, vector<64x1024xf32>
    %add3A_731 = arith.addf %add3A_722, %select_n3A_730 : vector<64x1024xf32>
    %slice3A_732 = vector.extract_strided_slice %get3A_691 {offsets = [0, 4], sizes = [64, 1], strides = [1, 1]} : vector<64x12xi32> to vector<64x1xi32>
    %eq3A_733 = vector.broadcast %slice3A_732 : vector<64x1xi32> to vector<64x1024xi32>
    %eq3A_734 = arith.cmpi eq, %eq3A_733, %iota3A : vector<64x1024xi32>
    %jit3A_735 = arith.constant 1.280000e+02 : f32
    %jit3A_736 = arith.constant 0.000000e+00 : f32
    %broadcast_in_dim3A_737 = vector.broadcast %jit3A_735 : f32 to vector<64x1024xf32>
    %broadcast_in_dim3A_738 = vector.broadcast %jit3A_736 : f32 to vector<64x1024xf32>
    %select_n3A_739 = arith.select %eq3A_734, %broadcast_in_dim3A_737, %broadcast_in_dim3A_738 : vector<64x1024xi1>, vector<64x1024xf32>
    %add3A_740 = arith.addf %add3A_731, %select_n3A_739 : vector<64x1024xf32>
    %slice3A_741 = vector.extract_strided_slice %get3A_691 {offsets = [0, 5], sizes = [64, 1], strides = [1, 1]} : vector<64x12xi32> to vector<64x1xi32>
    %eq3A_742 = vector.broadcast %slice3A_741 : vector<64x1xi32> to vector<64x1024xi32>
    %eq3A_743 = arith.cmpi eq, %eq3A_742, %iota3A : vector<64x1024xi32>
    %jit3A_744 = arith.constant 6.400000e+01 : f32
    %jit3A_745 = arith.constant 0.000000e+00 : f32
    %broadcast_in_dim3A_746 = vector.broadcast %jit3A_744 : f32 to vector<64x1024xf32>
    %broadcast_in_dim3A_747 = vector.broadcast %jit3A_745 : f32 to vector<64x1024xf32>
    %select_n3A_748 = arith.select %eq3A_743, %broadcast_in_dim3A_746, %broadcast_in_dim3A_747 : vector<64x1024xi1>, vector<64x1024xf32>
    %add3A_749 = arith.addf %add3A_740, %select_n3A_748 : vector<64x1024xf32>
    %slice3A_750 = vector.extract_strided_slice %get3A_691 {offsets = [0, 6], sizes = [64, 1], strides = [1, 1]} : vector<64x12xi32> to vector<64x1xi32>
    %eq3A_751 = vector.broadcast %slice3A_750 : vector<64x1xi32> to vector<64x1024xi32>
    %eq3A_752 = arith.cmpi eq, %eq3A_751, %iota3A : vector<64x1024xi32>
    %jit3A_753 = arith.constant 3.200000e+01 : f32
    %jit3A_754 = arith.constant 0.000000e+00 : f32
    %broadcast_in_dim3A_755 = vector.broadcast %jit3A_753 : f32 to vector<64x1024xf32>
    %broadcast_in_dim3A_756 = vector.broadcast %jit3A_754 : f32 to vector<64x1024xf32>
    %select_n3A_757 = arith.select %eq3A_752, %broadcast_in_dim3A_755, %broadcast_in_dim3A_756 : vector<64x1024xi1>, vector<64x1024xf32>
    %add3A_758 = arith.addf %broadcast_in_dim3A_695, %select_n3A_757 : vector<64x1024xf32>
    %slice3A_759 = vector.extract_strided_slice %get3A_691 {offsets = [0, 7], sizes = [64, 1], strides = [1, 1]} : vector<64x12xi32> to vector<64x1xi32>
    %eq3A_760 = vector.broadcast %slice3A_759 : vector<64x1xi32> to vector<64x1024xi32>
    %eq3A_761 = arith.cmpi eq, %eq3A_760, %iota3A : vector<64x1024xi32>
    %jit3A_762 = arith.constant 1.600000e+01 : f32
    %jit3A_763 = arith.constant 0.000000e+00 : f32
    %broadcast_in_dim3A_764 = vector.broadcast %jit3A_762 : f32 to vector<64x1024xf32>
    %broadcast_in_dim3A_765 = vector.broadcast %jit3A_763 : f32 to vector<64x1024xf32>
    %select_n3A_766 = arith.select %eq3A_761, %broadcast_in_dim3A_764, %broadcast_in_dim3A_765 : vector<64x1024xi1>, vector<64x1024xf32>
    %add3A_767 = arith.addf %add3A_758, %select_n3A_766 : vector<64x1024xf32>
    %slice3A_768 = vector.extract_strided_slice %get3A_691 {offsets = [0, 8], sizes = [64, 1], strides = [1, 1]} : vector<64x12xi32> to vector<64x1xi32>
    %eq3A_769 = vector.broadcast %slice3A_768 : vector<64x1xi32> to vector<64x1024xi32>
    %eq3A_770 = arith.cmpi eq, %eq3A_769, %iota3A : vector<64x1024xi32>
    %jit3A_771 = arith.constant 8.000000e+00 : f32
    %jit3A_772 = arith.constant 0.000000e+00 : f32
    %broadcast_in_dim3A_773 = vector.broadcast %jit3A_771 : f32 to vector<64x1024xf32>
    %broadcast_in_dim3A_774 = vector.broadcast %jit3A_772 : f32 to vector<64x1024xf32>
    %select_n3A_775 = arith.select %eq3A_770, %broadcast_in_dim3A_773, %broadcast_in_dim3A_774 : vector<64x1024xi1>, vector<64x1024xf32>
    %add3A_776 = arith.addf %add3A_767, %select_n3A_775 : vector<64x1024xf32>
    %slice3A_777 = vector.extract_strided_slice %get3A_691 {offsets = [0, 9], sizes = [64, 1], strides = [1, 1]} : vector<64x12xi32> to vector<64x1xi32>
    %eq3A_778 = vector.broadcast %slice3A_777 : vector<64x1xi32> to vector<64x1024xi32>
    %eq3A_779 = arith.cmpi eq, %eq3A_778, %iota3A : vector<64x1024xi32>
    %jit3A_780 = arith.constant 4.000000e+00 : f32
    %jit3A_781 = arith.constant 0.000000e+00 : f32
    %broadcast_in_dim3A_782 = vector.broadcast %jit3A_780 : f32 to vector<64x1024xf32>
    %broadcast_in_dim3A_783 = vector.broadcast %jit3A_781 : f32 to vector<64x1024xf32>
    %select_n3A_784 = arith.select %eq3A_779, %broadcast_in_dim3A_782, %broadcast_in_dim3A_783 : vector<64x1024xi1>, vector<64x1024xf32>
    %add3A_785 = arith.addf %add3A_776, %select_n3A_784 : vector<64x1024xf32>
    %slice3A_786 = vector.extract_strided_slice %get3A_691 {offsets = [0, 10], sizes = [64, 1], strides = [1, 1]} : vector<64x12xi32> to vector<64x1xi32>
    %eq3A_787 = vector.broadcast %slice3A_786 : vector<64x1xi32> to vector<64x1024xi32>
    %eq3A_788 = arith.cmpi eq, %eq3A_787, %iota3A : vector<64x1024xi32>
    %jit3A_789 = arith.constant 2.000000e+00 : f32
    %jit3A_790 = arith.constant 0.000000e+00 : f32
    %broadcast_in_dim3A_791 = vector.broadcast %jit3A_789 : f32 to vector<64x1024xf32>
    %broadcast_in_dim3A_792 = vector.broadcast %jit3A_790 : f32 to vector<64x1024xf32>
    %select_n3A_793 = arith.select %eq3A_788, %broadcast_in_dim3A_791, %broadcast_in_dim3A_792 : vector<64x1024xi1>, vector<64x1024xf32>
    %add3A_794 = arith.addf %add3A_785, %select_n3A_793 : vector<64x1024xf32>
    %slice3A_795 = vector.extract_strided_slice %get3A_691 {offsets = [0, 11], sizes = [64, 1], strides = [1, 1]} : vector<64x12xi32> to vector<64x1xi32>
    %eq3A_796 = vector.broadcast %slice3A_795 : vector<64x1xi32> to vector<64x1024xi32>
    %eq3A_797 = arith.cmpi eq, %eq3A_796, %iota3A : vector<64x1024xi32>
    %jit3A_798 = arith.constant 1.000000e+00 : f32
    %jit3A_799 = arith.constant 0.000000e+00 : f32
    %broadcast_in_dim3A_800 = vector.broadcast %jit3A_798 : f32 to vector<64x1024xf32>
    %broadcast_in_dim3A_801 = vector.broadcast %jit3A_799 : f32 to vector<64x1024xf32>
    %select_n3A_802 = arith.select %eq3A_797, %broadcast_in_dim3A_800, %broadcast_in_dim3A_801 : vector<64x1024xi1>, vector<64x1024xf32>
    %add3A_803 = arith.addf %add3A_794, %select_n3A_802 : vector<64x1024xf32>
    %get3A_804 = arith.constant 0 : index
    %get3A_805 = arith.constant 0 : index
    %get3A_806 = vector.load %arg9[%get3A_804, %get3A_805] : memref<64x12xi32, #tpu.memory_space<vmem>>, vector<64x12xi32>
    %broadcast_in_dim3A_807 = arith.constant 0.000000e+00 : f32
    %broadcast_in_dim3A_808 = vector.broadcast %broadcast_in_dim3A_807 : f32 to vector<64x1024xf32>
    %broadcast_in_dim3A_809 = arith.constant 0.000000e+00 : f32
    %broadcast_in_dim3A_810 = vector.broadcast %broadcast_in_dim3A_809 : f32 to vector<64x1024xf32>
    %slice3A_811 = vector.extract_strided_slice %get3A_806 {offsets = [0, 0], sizes = [64, 1], strides = [1, 1]} : vector<64x12xi32> to vector<64x1xi32>
    %eq3A_812 = vector.broadcast %slice3A_811 : vector<64x1xi32> to vector<64x1024xi32>
    %eq3A_813 = arith.cmpi eq, %eq3A_812, %iota3A : vector<64x1024xi32>
    %jit3A_814 = arith.constant 2.048000e+03 : f32
    %jit3A_815 = arith.constant 0.000000e+00 : f32
    %broadcast_in_dim3A_816 = vector.broadcast %jit3A_814 : f32 to vector<64x1024xf32>
    %broadcast_in_dim3A_817 = vector.broadcast %jit3A_815 : f32 to vector<64x1024xf32>
    %select_n3A_818 = arith.select %eq3A_813, %broadcast_in_dim3A_816, %broadcast_in_dim3A_817 : vector<64x1024xi1>, vector<64x1024xf32>
    %add3A_819 = arith.addf %broadcast_in_dim3A_808, %select_n3A_818 : vector<64x1024xf32>
    %slice3A_820 = vector.extract_strided_slice %get3A_806 {offsets = [0, 1], sizes = [64, 1], strides = [1, 1]} : vector<64x12xi32> to vector<64x1xi32>
    %eq3A_821 = vector.broadcast %slice3A_820 : vector<64x1xi32> to vector<64x1024xi32>
    %eq3A_822 = arith.cmpi eq, %eq3A_821, %iota3A : vector<64x1024xi32>
    %jit3A_823 = arith.constant 1.024000e+03 : f32
    %jit3A_824 = arith.constant 0.000000e+00 : f32
    %broadcast_in_dim3A_825 = vector.broadcast %jit3A_823 : f32 to vector<64x1024xf32>
    %broadcast_in_dim3A_826 = vector.broadcast %jit3A_824 : f32 to vector<64x1024xf32>
    %select_n3A_827 = arith.select %eq3A_822, %broadcast_in_dim3A_825, %broadcast_in_dim3A_826 : vector<64x1024xi1>, vector<64x1024xf32>
    %add3A_828 = arith.addf %add3A_819, %select_n3A_827 : vector<64x1024xf32>
    %slice3A_829 = vector.extract_strided_slice %get3A_806 {offsets = [0, 2], sizes = [64, 1], strides = [1, 1]} : vector<64x12xi32> to vector<64x1xi32>
    %eq3A_830 = vector.broadcast %slice3A_829 : vector<64x1xi32> to vector<64x1024xi32>
    %eq3A_831 = arith.cmpi eq, %eq3A_830, %iota3A : vector<64x1024xi32>
    %jit3A_832 = arith.constant 5.120000e+02 : f32
    %jit3A_833 = arith.constant 0.000000e+00 : f32
    %broadcast_in_dim3A_834 = vector.broadcast %jit3A_832 : f32 to vector<64x1024xf32>
    %broadcast_in_dim3A_835 = vector.broadcast %jit3A_833 : f32 to vector<64x1024xf32>
    %select_n3A_836 = arith.select %eq3A_831, %broadcast_in_dim3A_834, %broadcast_in_dim3A_835 : vector<64x1024xi1>, vector<64x1024xf32>
    %add3A_837 = arith.addf %add3A_828, %select_n3A_836 : vector<64x1024xf32>
    %slice3A_838 = vector.extract_strided_slice %get3A_806 {offsets = [0, 3], sizes = [64, 1], strides = [1, 1]} : vector<64x12xi32> to vector<64x1xi32>
    %eq3A_839 = vector.broadcast %slice3A_838 : vector<64x1xi32> to vector<64x1024xi32>
    %eq3A_840 = arith.cmpi eq, %eq3A_839, %iota3A : vector<64x1024xi32>
    %jit3A_841 = arith.constant 2.560000e+02 : f32
    %jit3A_842 = arith.constant 0.000000e+00 : f32
    %broadcast_in_dim3A_843 = vector.broadcast %jit3A_841 : f32 to vector<64x1024xf32>
    %broadcast_in_dim3A_844 = vector.broadcast %jit3A_842 : f32 to vector<64x1024xf32>
    %select_n3A_845 = arith.select %eq3A_840, %broadcast_in_dim3A_843, %broadcast_in_dim3A_844 : vector<64x1024xi1>, vector<64x1024xf32>
    %add3A_846 = arith.addf %add3A_837, %select_n3A_845 : vector<64x1024xf32>
    %slice3A_847 = vector.extract_strided_slice %get3A_806 {offsets = [0, 4], sizes = [64, 1], strides = [1, 1]} : vector<64x12xi32> to vector<64x1xi32>
    %eq3A_848 = vector.broadcast %slice3A_847 : vector<64x1xi32> to vector<64x1024xi32>
    %eq3A_849 = arith.cmpi eq, %eq3A_848, %iota3A : vector<64x1024xi32>
    %jit3A_850 = arith.constant 1.280000e+02 : f32
    %jit3A_851 = arith.constant 0.000000e+00 : f32
    %broadcast_in_dim3A_852 = vector.broadcast %jit3A_850 : f32 to vector<64x1024xf32>
    %broadcast_in_dim3A_853 = vector.broadcast %jit3A_851 : f32 to vector<64x1024xf32>
    %select_n3A_854 = arith.select %eq3A_849, %broadcast_in_dim3A_852, %broadcast_in_dim3A_853 : vector<64x1024xi1>, vector<64x1024xf32>
    %add3A_855 = arith.addf %add3A_846, %select_n3A_854 : vector<64x1024xf32>
    %slice3A_856 = vector.extract_strided_slice %get3A_806 {offsets = [0, 5], sizes = [64, 1], strides = [1, 1]} : vector<64x12xi32> to vector<64x1xi32>
    %eq3A_857 = vector.broadcast %slice3A_856 : vector<64x1xi32> to vector<64x1024xi32>
    %eq3A_858 = arith.cmpi eq, %eq3A_857, %iota3A : vector<64x1024xi32>
    %jit3A_859 = arith.constant 6.400000e+01 : f32
    %jit3A_860 = arith.constant 0.000000e+00 : f32
    %broadcast_in_dim3A_861 = vector.broadcast %jit3A_859 : f32 to vector<64x1024xf32>
    %broadcast_in_dim3A_862 = vector.broadcast %jit3A_860 : f32 to vector<64x1024xf32>
    %select_n3A_863 = arith.select %eq3A_858, %broadcast_in_dim3A_861, %broadcast_in_dim3A_862 : vector<64x1024xi1>, vector<64x1024xf32>
    %add3A_864 = arith.addf %add3A_855, %select_n3A_863 : vector<64x1024xf32>
    %slice3A_865 = vector.extract_strided_slice %get3A_806 {offsets = [0, 6], sizes = [64, 1], strides = [1, 1]} : vector<64x12xi32> to vector<64x1xi32>
    %eq3A_866 = vector.broadcast %slice3A_865 : vector<64x1xi32> to vector<64x1024xi32>
    %eq3A_867 = arith.cmpi eq, %eq3A_866, %iota3A : vector<64x1024xi32>
    %jit3A_868 = arith.constant 3.200000e+01 : f32
    %jit3A_869 = arith.constant 0.000000e+00 : f32
    %broadcast_in_dim3A_870 = vector.broadcast %jit3A_868 : f32 to vector<64x1024xf32>
    %broadcast_in_dim3A_871 = vector.broadcast %jit3A_869 : f32 to vector<64x1024xf32>
    %select_n3A_872 = arith.select %eq3A_867, %broadcast_in_dim3A_870, %broadcast_in_dim3A_871 : vector<64x1024xi1>, vector<64x1024xf32>
    %add3A_873 = arith.addf %broadcast_in_dim3A_810, %select_n3A_872 : vector<64x1024xf32>
    %slice3A_874 = vector.extract_strided_slice %get3A_806 {offsets = [0, 7], sizes = [64, 1], strides = [1, 1]} : vector<64x12xi32> to vector<64x1xi32>
    %eq3A_875 = vector.broadcast %slice3A_874 : vector<64x1xi32> to vector<64x1024xi32>
    %eq3A_876 = arith.cmpi eq, %eq3A_875, %iota3A : vector<64x1024xi32>
    %jit3A_877 = arith.constant 1.600000e+01 : f32
    %jit3A_878 = arith.constant 0.000000e+00 : f32
    %broadcast_in_dim3A_879 = vector.broadcast %jit3A_877 : f32 to vector<64x1024xf32>
    %broadcast_in_dim3A_880 = vector.broadcast %jit3A_878 : f32 to vector<64x1024xf32>
    %select_n3A_881 = arith.select %eq3A_876, %broadcast_in_dim3A_879, %broadcast_in_dim3A_880 : vector<64x1024xi1>, vector<64x1024xf32>
    %add3A_882 = arith.addf %add3A_873, %select_n3A_881 : vector<64x1024xf32>
    %slice3A_883 = vector.extract_strided_slice %get3A_806 {offsets = [0, 8], sizes = [64, 1], strides = [1, 1]} : vector<64x12xi32> to vector<64x1xi32>
    %eq3A_884 = vector.broadcast %slice3A_883 : vector<64x1xi32> to vector<64x1024xi32>
    %eq3A_885 = arith.cmpi eq, %eq3A_884, %iota3A : vector<64x1024xi32>
    %jit3A_886 = arith.constant 8.000000e+00 : f32
    %jit3A_887 = arith.constant 0.000000e+00 : f32
    %broadcast_in_dim3A_888 = vector.broadcast %jit3A_886 : f32 to vector<64x1024xf32>
    %broadcast_in_dim3A_889 = vector.broadcast %jit3A_887 : f32 to vector<64x1024xf32>
    %select_n3A_890 = arith.select %eq3A_885, %broadcast_in_dim3A_888, %broadcast_in_dim3A_889 : vector<64x1024xi1>, vector<64x1024xf32>
    %add3A_891 = arith.addf %add3A_882, %select_n3A_890 : vector<64x1024xf32>
    %slice3A_892 = vector.extract_strided_slice %get3A_806 {offsets = [0, 9], sizes = [64, 1], strides = [1, 1]} : vector<64x12xi32> to vector<64x1xi32>
    %eq3A_893 = vector.broadcast %slice3A_892 : vector<64x1xi32> to vector<64x1024xi32>
    %eq3A_894 = arith.cmpi eq, %eq3A_893, %iota3A : vector<64x1024xi32>
    %jit3A_895 = arith.constant 4.000000e+00 : f32
    %jit3A_896 = arith.constant 0.000000e+00 : f32
    %broadcast_in_dim3A_897 = vector.broadcast %jit3A_895 : f32 to vector<64x1024xf32>
    %broadcast_in_dim3A_898 = vector.broadcast %jit3A_896 : f32 to vector<64x1024xf32>
    %select_n3A_899 = arith.select %eq3A_894, %broadcast_in_dim3A_897, %broadcast_in_dim3A_898 : vector<64x1024xi1>, vector<64x1024xf32>
    %add3A_900 = arith.addf %add3A_891, %select_n3A_899 : vector<64x1024xf32>
    %slice3A_901 = vector.extract_strided_slice %get3A_806 {offsets = [0, 10], sizes = [64, 1], strides = [1, 1]} : vector<64x12xi32> to vector<64x1xi32>
    %eq3A_902 = vector.broadcast %slice3A_901 : vector<64x1xi32> to vector<64x1024xi32>
    %eq3A_903 = arith.cmpi eq, %eq3A_902, %iota3A : vector<64x1024xi32>
    %jit3A_904 = arith.constant 2.000000e+00 : f32
    %jit3A_905 = arith.constant 0.000000e+00 : f32
    %broadcast_in_dim3A_906 = vector.broadcast %jit3A_904 : f32 to vector<64x1024xf32>
    %broadcast_in_dim3A_907 = vector.broadcast %jit3A_905 : f32 to vector<64x1024xf32>
    %select_n3A_908 = arith.select %eq3A_903, %broadcast_in_dim3A_906, %broadcast_in_dim3A_907 : vector<64x1024xi1>, vector<64x1024xf32>
    %add3A_909 = arith.addf %add3A_900, %select_n3A_908 : vector<64x1024xf32>
    %slice3A_910 = vector.extract_strided_slice %get3A_806 {offsets = [0, 11], sizes = [64, 1], strides = [1, 1]} : vector<64x12xi32> to vector<64x1xi32>
    %eq3A_911 = vector.broadcast %slice3A_910 : vector<64x1xi32> to vector<64x1024xi32>
    %eq3A_912 = arith.cmpi eq, %eq3A_911, %iota3A : vector<64x1024xi32>
    %jit3A_913 = arith.constant 1.000000e+00 : f32
    %jit3A_914 = arith.constant 0.000000e+00 : f32
    %broadcast_in_dim3A_915 = vector.broadcast %jit3A_913 : f32 to vector<64x1024xf32>
    %broadcast_in_dim3A_916 = vector.broadcast %jit3A_914 : f32 to vector<64x1024xf32>
    %select_n3A_917 = arith.select %eq3A_912, %broadcast_in_dim3A_915, %broadcast_in_dim3A_916 : vector<64x1024xi1>, vector<64x1024xf32>
    %add3A_918 = arith.addf %add3A_909, %select_n3A_917 : vector<64x1024xf32>
    %concatenate3A_919 = tpu.concatenate %add3A_519, %add3A_634, %add3A_749, %add3A_864 in 0 : vector<64x1024xf32>, vector<64x1024xf32>, vector<64x1024xf32>, vector<64x1024xf32> -> vector<256x1024xf32>
    %convert_element_type3A_920 = arith.truncf %concatenate3A_919 : vector<256x1024xf32> to vector<256x1024xbf16>
    %concatenate3A_921 = tpu.concatenate %add3A_573, %add3A_688, %add3A_803, %add3A_918 in 0 : vector<64x1024xf32>, vector<64x1024xf32>, vector<64x1024xf32>, vector<64x1024xf32> -> vector<256x1024xf32>
    %convert_element_type3A_922 = arith.truncf %concatenate3A_921 : vector<256x1024xf32> to vector<256x1024xbf16>
    %dot_general3A = arith.constant dense<0.000000e+00> : vector<1024x256xf32>
    %dot_general3A_923 = tpu.matmul %convert_element_type3A, %convert_element_type3A_456, %dot_general3A {dimension_numbers = #tpu.dot_dimension_numbers<[1], [1], [0], [0], [0, 0, 1, 0], [], []>, transpose_lhs_hint = false} : vector<1024x1024xbf16>, vector<256x1024xbf16>, vector<1024x256xf32> -> vector<1024x256xf32>
    %dot_general3A_924 = arith.constant dense<0.000000e+00> : vector<1024x256xf32>
    %dot_general3A_925 = tpu.matmul %convert_element_type3A, %convert_element_type3A_458, %dot_general3A_924 {dimension_numbers = #tpu.dot_dimension_numbers<[1], [1], [0], [0], [0, 0, 1, 0], [], []>, transpose_lhs_hint = false} : vector<1024x1024xbf16>, vector<256x1024xbf16>, vector<1024x256xf32> -> vector<1024x256xf32>
    %add3A_926 = arith.addf %dot_general3A_923, %dot_general3A_925 : vector<1024x256xf32>
    %dot_general3A_927 = arith.constant dense<0.000000e+00> : vector<1024x256xf32>
    %dot_general3A_928 = tpu.matmul %convert_element_type3A, %convert_element_type3A_920, %dot_general3A_927 {dimension_numbers = #tpu.dot_dimension_numbers<[1], [1], [0], [0], [0, 0, 1, 0], [], []>, transpose_lhs_hint = false} : vector<1024x1024xbf16>, vector<256x1024xbf16>, vector<1024x256xf32> -> vector<1024x256xf32>
    %dot_general3A_929 = arith.constant dense<0.000000e+00> : vector<1024x256xf32>
    %dot_general3A_930 = tpu.matmul %convert_element_type3A, %convert_element_type3A_922, %dot_general3A_929 {dimension_numbers = #tpu.dot_dimension_numbers<[1], [1], [0], [0], [0, 0, 1, 0], [], []>, transpose_lhs_hint = false} : vector<1024x1024xbf16>, vector<256x1024xbf16>, vector<1024x256xf32> -> vector<1024x256xf32>
    %add3A_931 = arith.addf %dot_general3A_928, %dot_general3A_930 : vector<1024x256xf32>
    %convert_element_type3A_932 = arith.fptosi %add3A_926 : vector<1024x256xf32> to vector<1024x256xi32>
    %convert_element_type3A_933 = arith.fptosi %add3A_931 : vector<1024x256xf32> to vector<1024x256xi32>
    %shift_left3A = arith.constant 16 : i32
    %shift_left3A_934 = vector.broadcast %shift_left3A : i32 to vector<1024x256xi32>
    %shift_left3A_935 = arith.shli %convert_element_type3A_933, %shift_left3A_934 : vector<1024x256xi32>
    %or3A = arith.ori %convert_element_type3A_932, %shift_left3A_935 : vector<1024x256xi32>
    %swap3A = arith.constant 0 : index
    %swap3A_936 = arith.constant 0 : index
    %swap3A_937 = vector.load %arg10[%swap3A, %swap3A_936] : memref<1024x256xi32, #tpu.memory_space<vmem>>, vector<1024x256xi32>
    tpu.vector_store %arg10[%swap3A, %swap3A_936], %or3A {strides = array<i32>} : memref<1024x256xi32, #tpu.memory_space<vmem>>, vector<1024x256xi32>,
    return
  }
  func.func @transform_0(%arg0: i32) -> (i32, i32) {
    %c0_i32 = arith.constant 0 : i32
    %c0_i32_0 = arith.constant 0 : i32
    %c0_i32_1 = arith.constant 0 : i32
    return %c0_i32, %c0_i32_0 : i32, i32
  }
  func.func @transform_1(%arg0: i32) -> (i32, i32) {
    %mul3A = arith.constant 8 : i32
    %mul3A_0 = arith.muli %mul3A, %arg0 : i32
    %add3A = arith.constant 0 : i32
    %add3A_1 = arith.addi %mul3A_0, %add3A : i32
    %add3A_2 = arith.constant 0 : i32
    %add3A_3 = arith.addi %add3A_1, %add3A_2 : i32
    %c0_i32 = arith.constant 0 : i32
    %c0_i32_4 = arith.constant 0 : i32
    return %add3A_3, %c0_i32 : i32, i32
  }
  func.func @transform_2(%arg0: i32) -> (i32, i32) {
    %mul3A = arith.constant 8 : i32
    %mul3A_0 = arith.muli %mul3A, %arg0 : i32
    %add3A = arith.constant 0 : i32
    %add3A_1 = arith.addi %mul3A_0, %add3A : i32
    %add3A_2 = arith.constant 1 : i32
    %add3A_3 = arith.addi %add3A_1, %add3A_2 : i32
    %c0_i32 = arith.constant 0 : i32
    %c0_i32_4 = arith.constant 0 : i32
    return %add3A_3, %c0_i32 : i32, i32
  }
  func.func @transform_3(%arg0: i32) -> (i32, i32) {
    %mul3A = arith.constant 8 : i32
    %mul3A_0 = arith.muli %mul3A, %arg0 : i32
    %add3A = arith.constant 2 : i32
    %add3A_1 = arith.addi %mul3A_0, %add3A : i32
    %add3A_2 = arith.constant 0 : i32
    %add3A_3 = arith.addi %add3A_1, %add3A_2 : i32
    %c0_i32 = arith.constant 0 : i32
    %c0_i32_4 = arith.constant 0 : i32
    return %add3A_3, %c0_i32 : i32, i32
  }
  func.func @transform_4(%arg0: i32) -> (i32, i32) {
    %mul3A = arith.constant 8 : i32
    %mul3A_0 = arith.muli %mul3A, %arg0 : i32
    %add3A = arith.constant 2 : i32
    %add3A_1 = arith.addi %mul3A_0, %add3A : i32
    %add3A_2 = arith.constant 1 : i32
    %add3A_3 = arith.addi %add3A_1, %add3A_2 : i32
    %c0_i32 = arith.constant 0 : i32
    %c0_i32_4 = arith.constant 0 : i32
    return %add3A_3, %c0_i32 : i32, i32
  }
  func.func @transform_5(%arg0: i32) -> (i32, i32) {
    %mul3A = arith.constant 8 : i32
    %mul3A_0 = arith.muli %mul3A, %arg0 : i32
    %add3A = arith.constant 4 : i32
    %add3A_1 = arith.addi %mul3A_0, %add3A : i32
    %add3A_2 = arith.constant 0 : i32
    %add3A_3 = arith.addi %add3A_1, %add3A_2 : i32
    %c0_i32 = arith.constant 0 : i32
    %c0_i32_4 = arith.constant 0 : i32
    return %add3A_3, %c0_i32 : i32, i32
  }
  func.func @transform_6(%arg0: i32) -> (i32, i32) {
    %mul3A = arith.constant 8 : i32
    %mul3A_0 = arith.muli %mul3A, %arg0 : i32
    %add3A = arith.constant 4 : i32
    %add3A_1 = arith.addi %mul3A_0, %add3A : i32
    %add3A_2 = arith.constant 1 : i32
    %add3A_3 = arith.addi %add3A_1, %add3A_2 : i32
    %c0_i32 = arith.constant 0 : i32
    %c0_i32_4 = arith.constant 0 : i32
    return %add3A_3, %c0_i32 : i32, i32
  }
  func.func @transform_7(%arg0: i32) -> (i32, i32) {
    %mul3A = arith.constant 8 : i32
    %mul3A_0 = arith.muli %mul3A, %arg0 : i32
    %add3A = arith.constant 6 : i32
    %add3A_1 = arith.addi %mul3A_0, %add3A : i32
    %add3A_2 = arith.constant 0 : i32
    %add3A_3 = arith.addi %add3A_1, %add3A_2 : i32
    %c0_i32 = arith.constant 0 : i32
    %c0_i32_4 = arith.constant 0 : i32
    return %add3A_3, %c0_i32 : i32, i32
  }
  func.func @transform_8(%arg0: i32) -> (i32, i32) {
    %mul3A = arith.constant 8 : i32
    %mul3A_0 = arith.muli %mul3A, %arg0 : i32
    %add3A = arith.constant 6 : i32
    %add3A_1 = arith.addi %mul3A_0, %add3A : i32
    %add3A_2 = arith.constant 1 : i32
    %add3A_3 = arith.addi %add3A_1, %add3A_2 : i32
    %c0_i32 = arith.constant 0 : i32
    %c0_i32_4 = arith.constant 0 : i32
    return %add3A_3, %c0_i32 : i32, i32
  }
  func.func @transform_9(%arg0: i32) -> (i32, i32) {
    %c0_i32 = arith.constant 0 : i32
    %c0_i32_0 = arith.constant 0 : i32
    return %c0_i32, %arg0 : i32, i32
  }
}

</mosaic_0001>

<sc_bundles>
// kernel: kernel.5.cloned.1.call-start
scs
__scs_entry_jumppad:
0x0: {  	(pc) =	sbr.rel $0x88, $3  }
0x1: {  	(tag) =	ssettag $0x0;
	lr =	simm.s32 $0x1  }
0x2: {  	[smem:$0x3F9E] =	sst lr;
	_ =	strace $0xD0000000  }
0x3: {  	_ = 	snop  }
0x4: {  	_ = 	snop  }
0x5: {  	_ = 	snop  }
0x6: {  	_ = 	snop  }
0x7: {  	_ = 	snop  }
__scs_overlays_trampoline_lowered:
0x8: {  	[smem:$0x3FAD] =	sst s0  }
0x9: {  	[smem:$0x3FAE] =	sst s1  }
0xa: {  	[smem:$0x3FAF] =	sst s2  }
0xb: {  	[smem:$0x3FB0] =	sst s3  }
0xc: {  	[smem:$0x3FB1] =	sst s4  }
0xd: {  	[smem:$0x3FB2] =	sst s5  }
0xe: {  	[smem:$0x3FB3] =	sst s6  }
0xf: {  	[smem:$0x3FB4] =	sst s7  }
0x10: {  	[smem:$0x3FB5] =	sst s8  }
0x11: {  	[smem:$0x3FB6] =	sst s9;
	s0 =	simm.s32 @!p0 $0x0  }
0x12: {  	s1 =	sld [smem:$0x3F9C];
	s0 =	simm.s32 @p0 $0x1  }
0x13: {  	[smem:$0x3FB7] =	sst s0;
	s0 =	simm.s32 @!p1 $0x0  }
0x14: {  	s2 =	sld [smem:$0x3F9B];
	s0 =	simm.s32 @p1 $0x1  }
0x15: {  	[smem:$0x3FB8] =	sst s0;
	s0 =	simm.s32 @!p2 $0x0  }
0x16: {  	s3 =	sld [smem:$0x3FDB];
	s0 =	simm.s32 @p2 $0x1  }
0x17: {  	s4 =	simm.s32 $0x1BF5;
	[smem:$0x3FBA] =	sst s0  }
0x18: {  	s0 =	sld [smem:$0x3F9D];
	_ =	swait.ge [sflag:s4], $0x0  }
0x19: {  	s7 =	sld [smem:$0x3F9E]  }
0x1a: {  	s8 =	sadd.s32 $0xFFFFE003, lr  }
0x1b: {  	s9 =	sadd.s32 $0xFFFFFEF7, lr;
	s5 =	simm.s32 $0xFFFFFFFF;
	p2 =	slt.u32 s8, $0xFFFFF086  }
0x1c: {  	p1 =	slt.u32 s9, $0xF7A;
	s5 =	simm.s32 @!p2 $0x0  }
0x1d: {  	s5 =	simm.s32 @p1 $0x1;
	p0 =	seq.s32 s7, s2  }
0x1e: {  	s7 =	smul.u32 @!p0 $0xF7A, s2;
	p2 =	seq.s32 @!p0 s5, $0x0  }
0x1f: {  	s9 =	smul.u32 $0xF7A, s1;
	s8 =	simm.s32 @!p0 $0x1BF5;
	p2 =	por !p2, p0  }
0x20: {  	[sflag:s8] =	ssyncset.s32 @!p0 $0xFFFFF086;
	s6 =	sadd.s32 @!p0 s3, s7;
	s7 =	simm.s32 @!p0 $0x108  }
0x21: {  	s3 =	sadd.s32 s3, s9;
	s6 =	sadd.s32 @!p0 $0x88, s6;
	s7 =	simm.s32 @p2 $0x1082  }
0x22: {  	[simem:s7], [sflag:s8] =	dma.local @!p0 [hbm:s6], $0xF7A  }
0x23: {  	s9 =	sor.u32 $0xD0000000, s2;
	s6 =	simm.s32 $0x108;
	_ =	swait.ge @!p0 [sflag:s8], $0x0  }
0x24: {  	s3 =	sadd.s32 $0x88, s3;
	s6 =	simm.s32 @!p1 $0x1082;
	[sflag:s4] =	ssyncset.s32 $0xFFFFF086  }
0x25: {  	[simem:s6], [sflag:s4] =	dma.local [hbm:s3], $0xF7A  }
0x26: {  	[smem:$0x3F9E] =	sst s1;
	(tag) =	ssettag s2;
	_ =	strace s9  }
0x27: {  	s1 =	sld [smem:$0x3FAE]  }
0x28: {  	s2 =	sld [smem:$0x3FAF]  }
0x29: {  	s4 =	sld [smem:$0x3FB1]  }
0x2a: {  	p0 =	seq.s32 s5, $0x0;
	s5 =	sld [smem:$0x3FB2]  }
0x2b: {  	s6 =	sld [smem:$0x3FB3]  }
0x2c: {  	s7 =	sld [smem:$0x3FB4]  }
0x2d: {  	s3 =	simm.s32 $0x108;
	s8 =	sld [smem:$0x3FB5]  }
0x2e: {  	s3 =	simm.s32 @!p0 $0x1082;
	s9 =	sld [smem:$0x3FB6]  }
0x2f: {  	lr =	sadd.s32 s0, s3;
	s0 =	sld [smem:$0x3FAD]  }
0x30: {  	s3 =	sld [smem:$0x3FB0]  }
0x31: {  	[smem:$0x3FB9] =	sst s10  }
0x32: {  	s10 =	sld [smem:$0x3FB7];
	_ =	sdelay $0x3  }
0x33: {  	p0 =	seq.s32 s10, $0x1;
	s10 =	sld [smem:$0x3FB9];
	_ =	sdelay $0x3  }
0x34: {  	[smem:$0x3FB9] =	sst s10  }
0x35: {  	s10 =	sld [smem:$0x3FB8];
	_ =	sdelay $0x3  }
0x36: {  	p1 =	seq.s32 s10, $0x1;
	s10 =	sld [smem:$0x3FB9];
	_ =	sdelay $0x3  }
0x37: {  	[smem:$0x3FB9] =	sst s10  }
0x38: {  	s10 =	sld [smem:$0x3FBA]  }
0x39: {  	_ = 	snop;
	(pc) =	sbr.ind lr, $3  }
0x3a: {  	_ = 	snop  }
0x3b: {  	_ = 	snop  }
0x3c: {  	p2 =	seq.s32 s10, $0x1;
	s10 =	sld [smem:$0x3FB9]  }
0x3d: {  	_ =	shalt  }
0x3e: {  	_ =	shalt  }
0x3f: {  	_ =	shalt  }
0x40: {  	_ =	shalt  }
0x41: {  	_ =	shalt  }
0x42: {  	_ =	shalt  }
0x43: {  	_ =	shalt  }
0x44: {  	_ =	shalt  }
0x45: {  	_ =	shalt  }
0x46: {  	_ =	shalt  }
0x47: {  	_ =	shalt  }
0x48: {  	_ =	shalt  }
0x49: {  	_ =	shalt  }
0x4a: {  	_ =	shalt  }
0x4b: {  	_ =	shalt  }
0x4c: {  	_ =	shalt  }
0x4d: {  	_ =	shalt  }
0x4e: {  	_ =	shalt  }
0x4f: {  	_ =	shalt  }
0x50: {  	_ =	shalt  }
0x51: {  	_ =	shalt  }
0x52: {  	_ =	shalt  }
0x53: {  	_ =	shalt  }
0x54: {  	_ =	shalt  }
0x55: {  	_ =	shalt  }
0x56: {  	_ =	shalt  }
0x57: {  	_ =	shalt  }
0x58: {  	_ =	shalt  }
0x59: {  	_ =	shalt  }
0x5a: {  	_ =	shalt  }
0x5b: {  	_ =	shalt  }
0x5c: {  	_ =	shalt  }
0x5d: {  	_ =	shalt  }
0x5e: {  	_ =	shalt  }
0x5f: {  	_ =	shalt  }
0x60: {  	_ =	shalt  }
0x61: {  	_ =	shalt  }
0x62: {  	_ =	shalt  }
0x63: {  	_ =	shalt  }
0x64: {  	_ =	shalt  }
0x65: {  	_ =	shalt  }
0x66: {  	_ =	shalt  }
0x67: {  	_ =	shalt  }
0x68: {  	_ =	shalt  }
0x69: {  	_ =	shalt  }
0x6a: {  	_ =	shalt  }
0x6b: {  	_ =	shalt  }
0x6c: {  	_ =	shalt  }
0x6d: {  	_ =	shalt  }
0x6e: {  	_ =	shalt  }
0x6f: {  	_ =	shalt  }
0x70: {  	_ =	shalt  }
0x71: {  	_ =	shalt  }
0x72: {  	_ =	shalt  }
0x73: {  	_ =	shalt  }
0x74: {  	_ =	shalt  }
0x75: {  	_ =	shalt  }
0x76: {  	_ =	shalt  }
0x77: {  	_ =	shalt  }
0x78: {  	_ =	shalt  }
0x79: {  	_ =	shalt  }
0x7a: {  	_ =	shalt  }
0x7b: {  	_ =	shalt  }
0x7c: {  	_ =	shalt  }
0x7d: {  	_ =	shalt  }
0x7e: {  	_ =	shalt  }
0x7f: {  	_ =	shalt  }
0x80: {  	_ =	shalt  }
0x81: {  	_ =	shalt  }
0x82: {  	_ =	shalt  }
0x83: {  	_ =	shalt  }
0x84: {  	_ =	shalt  }
0x85: {  	_ =	shalt  }
0x86: {  	_ =	shalt  }
0x87: {  	_ =	shalt  }
.Lfunc_end0:
.L_simem_size_0:
called_computation_lowered:
.L_overlay_start_0:
0x88: {  	s2 =	sld [smem:$0x3FD9]  }
0x89: {  	s3 =	sld [smem:$0x3FFE];
	_ =	sdelay $0x1  }
0x8a: {  	s1 =	srdreg.scid  }
0x8b: {  	s0 =	sand.u32 $0x1, s1  }
0x8c: {  	s17 =	sshll.u32 s0, $0xA;
	s2 =	sadd.s32 s3, s2  }
0x8d: {  	s2 =	sadd.s32 s2, s17  }
0x8e: {  	[smem:$0x3FC5] =	sst s2  }
0x8f: {  	_ = 	snop  }
0x90: {  	s2 =	sld [smem:$0x3FD0];
	(tm) =	ssettm $0x1  }
0x91: {  	s18 =	sld [smem:$0x3FFB];
	_ =	sdelay $0x3  }
0x92: {  	_ =	strace s18  }
0x93: {  	s3 =	sld [smem:$0x3FFC];
	_ =	sdelay $0x3  }
0x94: {  	_ =	strace s3  }
0x95: {  	s3 =	sld [smem:$0x3FFD];
	_ =	sdelay $0x3  }
0x96: {  	_ =	strace s3  }
0x97: {  	_ =	strace $0x8FFFFFFF  }
0x98: {  	s19 =	sld [smem:$0x3FDB];
	_ =	sdelay $0x1  }
0x99: {  	s4 =	simm.s32 $_scs_section_size  }
0x9a: {  	s5 =	simm.s32 $_size__tile_overlayer_lowered;
	s6 =	simm.s32 $_tile_overlayer_lowered  }
0x9b: {  	s22 =	simm.s32 $0x1BFF;
	s21 =	sshll.u32 s6, $0x1;
	s3 =	sadd.s32 s4, s19  }
0x9c: {  	s7 =	simm.s32 $0x0;
	s20 =	sshll.u32 s5, $0x1;
	s5 =	sadd.s32 s21, s3  }
0x9d: {  	[timem:s7], [sflag:s22] =	dma.local [hbm:s5], s20  }
0x9e: {  	_ =	swait.ge [sflag:s22], s20  }
0x9f: {  	s4 =	ssub.s32 $0x0, s20;
	[sflag:s22] =	ssyncset.done $0x0  }
0xa0: {  	[sflag:s22] =	ssyncadd.s32 s4;
	_ =	sdelay $0x1  }
0xa1: {  	s23 =	simm.s32 $0x1B8B  }
0xa2: {  	_ =	swait.ge [sflag:s23], $0x1  }
0xa3: {  	[sflag:s23] =	ssyncset.done $0x0  }
0xa4: {  	s25 =	simm.s32 $0x1B8E;
	s24 =	sld [smem:$0x3FFE];
	[sflag:s23] =	ssyncadd.s32 $0xFFFFFFFF  }
0xa5: {  	s26 =	simm.s32 $execute0_lowered;
	[smem:$0x3FD2] =	sst s25  }
0xa6: {  	s5 =	sshll.u32 s26, $0x1;
	_ =	strace $0x80000046;
	[dreg:$0x1] =	wrdreg $0xFFFFFFFF  }
0xa7: {  	s28 =	simm.s32 $_size_execute0_lowered;
	s3 =	sadd.s32 s3, s5;
	[dreg:$0x0] =	wrdreg $0x0  }
0xa8: {  	s5 =	sshll.u32 s28, $0x1;
	[dreg:$0x2] =	wrdreg s3  }
0xa9: {  	[dreg:$0x3] =	wrdreg s5  }
0xaa: {  	[dreg:$0x4] =	wrdreg $0xC0  }
0xab: {  	_ =	task [dreg:s7], $0x5FFFF  }
0xac: {  	[dreg:$0x1] =	wrdreg $0xFFFFFFFF  }
0xad: {  	[dreg:$0x0] =	wrdreg $0x60  }
0xae: {  	[dreg:$0x2] =	wrdreg s24  }
0xaf: {  	[dreg:$0x3] =	wrdreg s2  }
0xb0: {  	[dreg:$0x4] =	wrdreg $0x9  }
0xb1: {  	_ =	task.clear_ibuf [dreg:s7], $0x5FFFF;
	_ =	strace $0x90000046  }
0xb2: {  	s29 =	simm.s32 $0x9;
	_ =	strace $0x80000048  }
0xb3: {  	_ =	swait.ge [sflag:s29], $0x1  }
0xb4: {  	[sflag:s29] =	ssyncadd.s32 $0xFFFFFFFF  }
0xb5: {  	_ =	strace $0x90000048  }
0xb6: {  	_ =	sfence  }
0xb7: {  	s30 =	sld [smem:$0x0];
	_ =	sdelay $0x2  }
0xb8: {  	s31 =	sshll.u32 s1, $0xD;
	s1 =	sshrl.u32 s1, $0x2  }
0xb9: {  	s3 =	sand.u32 $0x4000, s31;
	s1 =	sadd.s32 s1, s30  }
0xba: {  	s0 =	sor.u32 s3, s0;
	s1 =	sshll.u32 s1, $0x11  }
0xbb: {  	s0 =	sor.u32 s1, s0  }
0xbc: {  	s0 =	sadd.s32 $0x8F2B, s0  }
0xbd: {  	[sflag:s0] =	ssyncadd.remote.s32 $0x1  }
0xbe: {  	_ =	sfence.sel $0xFFFF  }
0xbf: {  	[dreg:$0x0] =	wrdreg $0xFFFFFFFF;
	(pc) =	sbr.abs _section_cstart, $3  }
0xc0: {  	[dreg:$0x1] =	wrdreg $0xFFFFFFFF  }
0xc1: {  	_ =	task.clear_ibuf [dreg:s7], $0x2FFFF;
	_ =	strace $0x9FFFFFFF  }
0xc2: {  	(tm) =	ssettm $0x7FFFFFFF  }
0xc3: {  	_ =	shalt  }
tec
execute0_lowered:
.L_overlay_start_1:
0x0: {  	(tag) =	ssettag $0x1  }
0x1: {  	s3 =	rddreg [dreg:$0x0]  }
0x2: {  	s5 =	rddreg [dreg:$0x1]  }
0x3: {  	s0 =	rddreg [dreg:$0x2];
	s4 =	srdreg.scid  }
0x4: {  	s1 =	stileid.u32;
	s2 =	simm.s32 $0x0;
	s13 =	simm.s32 $0x40  }
0x5: {  	s14 =	simm.s32 $0x800;
	s15 =	simm.s32 $0x4000;
	s16 =	simm.s32 $0x8000  }
0x6: {  	s17 =	simm.s32 $0x5;
	s18 =	simm.s32 $0x1;
	s19 =	simm.s32 $0x80  }
0x7: {  	s20 =	simm.s32 $0x1000;
	s21 =	simm.s32 $0xC000;
	s22 =	simm.s32 $0x2  }
0x8: {  	s23 =	simm.s32 $0x14000;
	s24 =	simm.s32 $0x3;
	s25 =	simm.s32 $0x4  }
0x9: {  	s4 =	sand.u32 $0x1, s4;
	s6 =	sshll.u32 s1, $0x1;
	[smem:$0x7FF] =	sst s2  }
0xa: {  	s26 =	simm.s32 $0x0;
	s6 =	sor.u32 s4, s6;
	_ =	strace $0x80000047  }
0xb: {  	v0 =	vlaneseq.u32;
	s4 =	ssub.s32 $0x2, s4;
	s7 =	sshll.u32 s6, $0x3;
	s31 =	sshll.u32 s6, $0x4  }
0xc: {  	v0 =	vmul.u32 $0x80, v0;
	s8 =	sshrl.u32 s4, $0x1;
	s6 =	sshll.u32 s6, $0xB;
	s9 =	sadd.s32 s7, s3  }
0xd: {  	s11 =	sadd.s32 s31, s3;
	s12 =	ssub.s32 s4, s8;
	s5 =	sadd.s32 s5, s6  }
0xe: {  	v1 =	vor.u32 $0x2000, v0;
	s3 =	sadd.s32 $0x800, s9;
	s4 =	sadd.s32 $0x10800, s9;
	s6 =	sadd.s32 $0x40800, s11  }
0xf: {  	v2 =	vor.u32 $0x800, v0;
	v3 =	vor.u32 $0x2800, v0;
	v4 =	vor.u32 $0x1000, v0;
	s7 =	sadd.s32 $0x20800, s9;
	s8 =	sadd.s32 $0x60800, s11;
	s9 =	sadd.s32 $0x30800, s9  }
0x10: {  	v5 =	vor.u32 $0x3000, v0;
	v6 =	vor.u32 $0x1800, v0;
	v7 =	vor.u32 $0x3800, v0;
	s10 =	sadd.s32 $0x80800, s11;
	s11 =	sadd.s32 $0xA0800, s11;
	s12 =	smax.u32 s12, $0x1  }
.LBB2_1:
0x11: {  	[tilespmem:s15], [sflag:$0x1] =	stream.strided.gather [hbm4b:s3+s13], $0x4000, s14, s13, $0x38;
	[tilespmem:$0x1C000] =	vst v63  }
0x12: {  	_ = 	snop  }
0x13: {  	[tilespmem:s16], [sflag:$0x2] =	stream.strided.gather [hbm4b:s4+s13], $0x4000, s14, s13, $0x38;
	[tilespmem:$0x1C000] =	vst v63  }
0x14: {  	_ = 	snop  }
0x15: {  	[tilespmem:s2], [sflag:$0x5] =	stream.linear.gather [hbm4b:s5+s2], $0x4000, $0x38;
	[tilespmem:$0x1C000] =	vst v63  }
0x16: {  	_ =	swait.ge [sflag:s17], $0x4000  }
0x17: {  	[sflag:s17] =	ssyncset.done $0x0  }
0x18: {  	[sflag:s17] =	ssyncadd.s32 $0xFFFFC000  }
0x19: {  	_ =	swait.ge [sflag:s18], $0x4000  }
0x1a: {  	[sflag:s18] =	ssyncset.done $0x0  }
0x1b: {  	s29 =	simm.s32 $0x4100;
	[sflag:s18] =	ssyncadd.s32 $0xFFFFC000  }
0x1c: {  	v8 =	vld [tilespmem:s29+$0xC0]  }
0x1d: {  	v9 =	vld [tilespmem:s29+$0xFFFFFF40]  }
0x1e: {  	v10 =	vld [tilespmem:s29+$0xFFFFFF80]  }
0x1f: {  	v11 =	vld [tilespmem:s29+$0xFFFFFFC0]  }
0x20: {  	v13 =	vld [tilespmem:s29+$0x0]  }
0x21: {  	v14 =	vld [tilespmem:s29+$0xFFFFFF00]  }
0x22: {  	v15 =	vld [tilespmem:s29+$0x40]  }
0x23: {  	v19 =	vld [tilespmem:s29+$0x80];
	v12 =	vshrl.u32 v8, $0x5  }
0x24: {  	v12 =	vand.u32 $0x7F, v12  }
0x25: {  	v16 =	vshrl.u32 v9, $0x5;
	v12 =	vor.u32 v0, v12  }
0x26: {  	v17 =	vand.u32 $0x1F, v9;
	v18 =	vshrl.u32 v10, $0x5;
	v20 =	vshrl.u32 v11, $0x5  }
0x27: {  	v21 =	vshrl.u32 v13, $0x5;
	v22 =	vshrl.u32 v14, $0x5;
	v23 =	vshrl.u32 v15, $0x5  }
0x28: {  	v24 =	vshrl.u32 v8, $0x15;
	v25 =	vshrl.u32 v19, $0x5;
	v16 =	vand.u32 $0x7F, v16  }
0x29: {  	v26 =	vand.u32 $0x1F, v8;
	v18 =	vand.u32 $0x7F, v18;
	v16 =	vor.u32 v0, v16  }
0x2a: {  	v27 =	vand.u32 $0x1F, v14;
	v22 =	vand.u32 $0x7F, v22;
	v18 =	vor.u32 v0, v18;
	v12 =	vld.idx.msk [tilespmem:v12+s2+$0x0], $0xffff  }
0x2b: {  	v28 =	vand.u32 $0x1F, v11;
	v20 =	vand.u32 $0x7F, v20;
	v22 =	vor.u32 v0, v22  }
0x2c: {  	v29 =	vand.u32 $0x1F, v13;
	v30 =	vand.u32 $0x1F, v15;
	v20 =	vor.u32 v0, v20  }
0x2d: {  	v31 =	vshrl.u32 v14, $0x15;
	v32 =	vshrl.u32 v9, $0x15;
	v24 =	vadd.s32 v1, v24  }
0x2e: {  	v33 =	vshrl.u32 v10, $0x15;
	v34 =	vshrl.u32 v11, $0x15;
	v25 =	vand.u32 $0x7F, v25;
	v16 =	vld.idx.msk [tilespmem:v16+s2+$0x0], $0xffff  }
0x2f: {  	v23 =	vand.u32 $0x7F, v23;
	v25 =	vor.u32 v0, v25;
	v18 =	vld.idx.msk [tilespmem:v18+s2+$0x0], $0xffff;
	v12 =	vshrl.u32 v12, v26  }
0x30: {  	s28 =	simm.s32 $0xC200;
	v21 =	vand.u32 $0x7F, v21;
	v23 =	vor.u32 v0, v23;
	v22 =	vld.idx.msk [tilespmem:v22+s2+$0x0], $0xffff;
	v12 =	vand.u32 $0x1, v12  }
0x31: {  	v35 =	vshrl.u32 v13, $0x15;
	v8 =	vshrl.u32 v8, $0x10;
	v21 =	vor.u32 v0, v21;
	v20 =	vld.idx.msk [tilespmem:v20+s2+$0x0], $0xffff;
	[tilespmem:s28+$0x180] =	vst v12  }
0x32: {  	v14 =	vshrl.u32 v14, $0x10;
	v9 =	vshrl.u32 v9, $0x10;
	v13 =	vshrl.u32 v13, $0x10;
	v24 =	vld.idx.msk [tilespmem:v24+s2+$0x0], $0xffff  }
0x33: {  	v31 =	vadd.s32 v1, v31;
	v32 =	vadd.s32 v1, v32;
	v8 =	vand.u32 $0x1F, v8  }
0x34: {  	v14 =	vand.u32 $0x1F, v14;
	v9 =	vand.u32 $0x1F, v9;
	v25 =	vld.idx.msk [tilespmem:v25+s2+$0x0], $0xffff;
	v16 =	vshrl.u32 v16, v17  }
0x35: {  	v23 =	vld.idx.msk [tilespmem:v23+s2+$0x0], $0xffff;
	v26 =	vand.u32 $0x1F, v10;
	v22 =	vshrl.u32 v22, v27;
	v16 =	vand.u32 $0x1, v16  }
0x36: {  	v17 =	vld.idx.msk [tilespmem:v21+s2+$0x0], $0xffff;
	v21 =	vshrl.u32 v15, $0x15;
	v22 =	vand.u32 $0x1, v22;
	[tilespmem:s28+$0xFFFFFE80] =	vst v16;
	v16 =	vadd.s32 v1, v33  }
0x37: {  	v20 =	vshrl.u32 v20, v28;
	v18 =	vshrl.u32 v18, v26;
	[tilespmem:s28+$0xFFFFFE00] =	vst v22;
	v8 =	vshrl.u32 v24, v8  }
0x38: {  	v12 =	vand.u32 $0x1F, v19;
	v27 =	vld.idx.msk [tilespmem:v31+s2+$0x0], $0xffff;
	v24 =	vadd.s32 v1, v34;
	v8 =	vand.u32 $0x1, v8  }
0x39: {  	v18 =	vand.u32 $0x1, v18;
	v22 =	vadd.s32 v1, v35;
	v12 =	vshrl.u32 v25, v12;
	v25 =	vld.idx.msk [tilespmem:v32+s2+$0x0], $0xffff;
	[tilespmem:s28+$0x1C0] =	vst v8  }
0x3a: {  	v26 =	vshrl.u32 v19, $0x15;
	[tilespmem:s28+$0xFFFFFF00] =	vst v18;
	v18 =	vadd.s32 v1, v21;
	v8 =	vand.u32 $0x1, v20;
	v20 =	vld [tilespmem:s29+$0xD0]  }
0x3b: {  	v21 =	vshrl.u32 v23, v30;
	v23 =	vadd.s32 v1, v26;
	v17 =	vshrl.u32 v17, v29;
	v16 =	vld.idx.msk [tilespmem:v16+s2+$0x0], $0xffff  }
0x3c: {  	v13 =	vand.u32 $0x1F, v13;
	v10 =	vshrl.u32 v10, $0x10;
	v17 =	vand.u32 $0x1, v17;
	[tilespmem:s28+$0xFFFFFF80] =	vst v8  }
0x3d: {  	v10 =	vand.u32 $0x1F, v10;
	v12 =	vand.u32 $0x1, v12;
	[tilespmem:s28+$0x0] =	vst v17;
	v8 =	vand.u32 $0x1, v21;
	v17 =	vld.idx.msk [tilespmem:v24+s2+$0x0], $0xffff  }
0x3e: {  	v14 =	vshrl.u32 v27, v14;
	v9 =	vshrl.u32 v25, v9;
	[tilespmem:s28+$0x80] =	vst v8;
	v8 =	vshrl.u32 v11, $0x10;
	v11 =	vld.idx.msk [tilespmem:v22+s2+$0x0], $0xffff  }
0x3f: {  	[tilespmem:s28+$0x100] =	vst v12;
	v14 =	vand.u32 $0x1, v14;
	v9 =	vand.u32 $0x1, v9;
	v12 =	vld.idx.msk [tilespmem:v18+s2+$0x0], $0xffff;
	v18 =	vshrl.u32 v20, $0x5  }
0x40: {  	[tilespmem:s28+$0xFFFFFE40] =	vst v14;
	v21 =	vld.idx.msk [tilespmem:v23+s2+$0x0], $0xffff;
	v10 =	vshrl.u32 v16, v10;
	v8 =	vand.u32 $0x1F, v8;
	v14 =	vand.u32 $0x7F, v18  }
0x41: {  	[tilespmem:s28+$0xFFFFFEC0] =	vst v9;
	v9 =	vand.u32 $0x1, v10;
	v10 =	vshrl.u32 v15, $0x10;
	v18 =	vld [tilespmem:s29+$0xFFFFFF10];
	v14 =	vor.u32 v2, v14  }
0x42: {  	v15 =	vld [tilespmem:s29+$0xFFFFFF50];
	[tilespmem:s28+$0xFFFFFF40] =	vst v9;
	v9 =	vshrl.u32 v19, $0x10;
	v10 =	vand.u32 $0x1F, v10;
	v8 =	vshrl.u32 v17, v8  }
0x43: {  	v19 =	vshrl.u32 v20, $0x15;
	v11 =	vshrl.u32 v11, v13;
	v13 =	vld [tilespmem:s29+$0xFFFFFF90];
	v8 =	vand.u32 $0x1, v8  }
0x44: {  	v24 =	vand.u32 $0x1F, v20;
	v20 =	vshrl.u32 v20, $0x10;
	v19 =	vadd.s32 v3, v19;
	[tilespmem:s28+$0xFFFFFFC0] =	vst v8  }
0x45: {  	v10 =	vshrl.u32 v12, v10;
	v8 =	vand.u32 $0x1F, v9;
	v9 =	vand.u32 $0x1, v11;
	v11 =	vld [tilespmem:s29+$0xFFFFFFD0]  }
0x46: {  	[tilespmem:s28+$0x40] =	vst v9;
	v9 =	vand.u32 $0x1, v10;
	v8 =	vshrl.u32 v21, v8;
	v10 =	vshrl.u32 v18, $0x5;
	v12 =	vld.idx.msk [tilespmem:v14+s2+$0x0], $0xffff  }
0x47: {  	v20 =	vand.u32 $0x1F, v20;
	v8 =	vand.u32 $0x1, v8;
	v16 =	vld [tilespmem:s29+$0x10];
	[tilespmem:s28+$0xC0] =	vst v9;
	v10 =	vand.u32 $0x7F, v10  }
0x48: {  	v17 =	vand.u32 $0x1F, v15;
	v22 =	vshrl.u32 v13, $0x5;
	[tilespmem:s28+$0x140] =	vst v8;
	v8 =	vor.u32 v2, v10  }
0x49: {  	v30 =	vshrl.u32 v15, $0x15;
	v9 =	vshrl.u32 v15, $0x5;
	v21 =	vld [tilespmem:s29+$0x50];
	v22 =	vand.u32 $0x7F, v22  }
0x4a: {  	v27 =	vand.u32 $0x1F, v13;
	v9 =	vand.u32 $0x7F, v9;
	v22 =	vor.u32 v2, v22  }
0x4b: {  	v23 =	vld [tilespmem:s29+$0x90];
	v9 =	vor.u32 v2, v9;
	v12 =	vshrl.u32 v12, v24;
	v24 =	vshrl.u32 v11, $0x5  }
0x4c: {  	v25 =	vshrl.u32 v16, $0x5;
	v12 =	vand.u32 $0x1, v12;
	v24 =	vand.u32 $0x7F, v24  }
0x4d: {  	v54 =	vshrl.u32 v13, $0x15;
	v25 =	vand.u32 $0x7F, v25;
	v8 =	vld.idx.msk [tilespmem:v8+s2+$0x0], $0xffff;
	[tilespmem:s28+$0x190] =	vst v12;
	v12 =	vor.u32 v2, v24  }
0x4e: {  	v15 =	vshrl.u32 v15, $0x10;
	v25 =	vor.u32 v2, v25;
	v24 =	vshrl.u32 v21, $0x5;
	v19 =	vld.idx.msk [tilespmem:v19+s2+$0x0], $0xffff  }
0x4f: {  	v14 =	vand.u32 $0x1F, v18;
	v15 =	vand.u32 $0x1F, v15;
	v22 =	vld.idx.msk [tilespmem:v22+s2+$0x0], $0xffff;
	v24 =	vand.u32 $0x7F, v24  }
0x50: {  	v10 =	vshrl.u32 v18, $0x15;
	v26 =	vshrl.u32 v23, $0x5;
	v9 =	vld.idx.msk [tilespmem:v9+s2+$0x0], $0xffff;
	v24 =	vor.u32 v2, v24  }
0x51: {  	v18 =	vshrl.u32 v18, $0x10;
	v10 =	vadd.s32 v3, v10;
	v26 =	vand.u32 $0x7F, v26  }
0x52: {  	v18 =	vand.u32 $0x1F, v18;
	v28 =	vand.u32 $0x1F, v11;
	v26 =	vor.u32 v2, v26;
	v12 =	vld.idx.msk [tilespmem:v12+s2+$0x0], $0xffff  }
0x53: {  	v29 =	vand.u32 $0x1F, v16;
	v25 =	vld.idx.msk [tilespmem:v25+s2+$0x0], $0xffff;
	v8 =	vshrl.u32 v8, v14;
	v19 =	vshrl.u32 v19, v20  }
0x54: {  	v22 =	vshrl.u32 v22, v27;
	v27 =	vadd.s32 v3, v30;
	v19 =	vand.u32 $0x1, v19  }
0x55: {  	v55 =	vshrl.u32 v16, $0x15;
	v9 =	vshrl.u32 v9, v17;
	v8 =	vand.u32 $0x1, v8;
	v17 =	vld.idx.msk [tilespmem:v24+s2+$0x0], $0xffff;
	[tilespmem:s28+$0x1D0] =	vst v19  }
0x56: {  	v31 =	vand.u32 $0x1F, v21;
	v9 =	vand.u32 $0x1, v9;
	[tilespmem:s28+$0xFFFFFE10] =	vst v8;
	v8 =	vadd.s32 v3, v55;
	v19 =	vld [tilespmem:s29+$0xE0]  }
0x57: {  	v20 =	vshrl.u32 v11, $0x15;
	v26 =	vld.idx.msk [tilespmem:v26+s2+$0x0], $0xffff;
	v12 =	vshrl.u32 v12, v28;
	v28 =	vadd.s32 v3, v54  }
0x58: {  	v22 =	vand.u32 $0x1, v22;
	[tilespmem:s28+$0xFFFFFE90] =	vst v9;
	v20 =	vadd.s32 v3, v20;
	v10 =	vld.idx.msk [tilespmem:v10+s2+$0x0], $0xffff;
	v25 =	vshrl.u32 v25, v29  }
0x59: {  	v53 =	vand.u32 $0x1F, v23;
	v14 =	vshrl.u32 v21, $0x15;
	[tilespmem:s28+$0xFFFFFF10] =	vst v22;
	v22 =	vld.idx.msk [tilespmem:v27+s2+$0x0], $0xffff;
	v25 =	vand.u32 $0x1, v25  }
0x5a: {  	v14 =	vadd.s32 v3, v14;
	v24 =	vshrl.u32 v23, $0x15;
	v12 =	vand.u32 $0x1, v12;
	[tilespmem:s28+$0x10] =	vst v25  }
0x5b: {  	v9 =	vshrl.u32 v17, v31;
	v17 =	vadd.s32 v3, v24;
	v8 =	vld.idx.msk [tilespmem:v8+s2+$0x0], $0xffff;
	v24 =	vshrl.u32 v19, $0x5  }
0x5c: {  	[tilespmem:s28+$0xFFFFFF90] =	vst v12;
	v12 =	vshrl.u32 v26, v53;
	v9 =	vand.u32 $0x1, v9;
	v24 =	vand.u32 $0x7F, v24;
	v26 =	vld.idx.msk [tilespmem:v28+s2+$0x0], $0xffff  }
0x5d: {  	v10 =	vshrl.u32 v10, v18;
	v12 =	vand.u32 $0x1, v12;
	v20 =	vld.idx.msk [tilespmem:v20+s2+$0x0], $0xffff;
	[tilespmem:s28+$0x90] =	vst v9;
	v24 =	vor.u32 v4, v24  }
0x5e: {  	v13 =	vshrl.u32 v13, $0x10;
	v10 =	vand.u32 $0x1, v10;
	[tilespmem:s28+$0x110] =	vst v12;
	v15 =	vshrl.u32 v22, v15  }
0x5f: {  	v11 =	vshrl.u32 v11, $0x10;
	v9 =	vshrl.u32 v16, $0x10;
	[tilespmem:s28+$0xFFFFFE50] =	vst v10;
	v14 =	vld.idx.msk [tilespmem:v14+s2+$0x0], $0xffff;
	v10 =	vand.u32 $0x1, v15  }
0x60: {  	v13 =	vand.u32 $0x1F, v13;
	v11 =	vand.u32 $0x1F, v11;
	v9 =	vand.u32 $0x1F, v9;
	[tilespmem:s28+$0xFFFFFED0] =	vst v10;
	v17 =	vld.idx.msk [tilespmem:v17+s2+$0x0], $0xffff  }
0x61: {  	v16 =	vshrl.u32 v21, $0x10;
	v8 =	vshrl.u32 v8, v9;
	v9 =	vld [tilespmem:s29+$0xFFFFFF60];
	v13 =	vshrl.u32 v26, v13  }
0x62: {  	v12 =	vshrl.u32 v23, $0x10;
	v11 =	vshrl.u32 v20, v11;
	v15 =	vld.idx.msk [tilespmem:v24+s2+$0x0], $0xffff;
	v10 =	vand.u32 $0x1, v13  }
0x63: {  	v16 =	vand.u32 $0x1F, v16;
	v8 =	vand.u32 $0x1, v8;
	v13 =	vld [tilespmem:s29+$0xFFFFFF20];
	[tilespmem:s28+$0xFFFFFF50] =	vst v10;
	v10 =	vand.u32 $0x1, v11  }
0x64: {  	v11 =	vand.u32 $0x1F, v12;
	[tilespmem:s28+$0xFFFFFFD0] =	vst v10;
	v10 =	vshrl.u32 v14, v16;
	v16 =	vand.u32 $0x1F, v19  }
0x65: {  	[tilespmem:s28+$0x50] =	vst v8;
	v12 =	vld [tilespmem:s29+$0xFFFFFFA0];
	v8 =	vand.u32 $0x1, v10;
	v10 =	vshrl.u32 v17, v11;
	v11 =	vshrl.u32 v19, $0x15  }
0x66: {  	v14 =	vld [tilespmem:s29+$0xFFFFFFE0];
	v19 =	vshrl.u32 v19, $0x10;
	[tilespmem:s28+$0xD0] =	vst v8;
	v8 =	vand.u32 $0x1, v10;
	v10 =	vadd.s32 v5, v11  }
0x67: {  	v25 =	vand.u32 $0x1F, v9;
	v30 =	vshrl.u32 v9, $0x15;
	v19 =	vand.u32 $0x1F, v19  }
0x68: {  	v11 =	vld [tilespmem:s29+$0x20];
	v17 =	vshrl.u32 v13, $0x5;
	[tilespmem:s28+$0x150] =	vst v8;
	v8 =	vshrl.u32 v15, v16;
	v16 =	vshrl.u32 v9, $0x5  }
0x69: {  	v18 =	vand.u32 $0x1F, v13;
	v20 =	vld [tilespmem:s29+$0x60];
	v8 =	vand.u32 $0x1, v8;
	v16 =	vand.u32 $0x7F, v16  }
0x6a: {  	v15 =	vand.u32 $0x7F, v17;
	v21 =	vshrl.u32 v12, $0x5;
	[tilespmem:s28+$0x1A0] =	vst v8;
	v8 =	vor.u32 v4, v16  }
0x6b: {  	v15 =	vor.u32 v4, v15;
	v16 =	vand.u32 $0x7F, v21;
	v21 =	vshrl.u32 v14, $0x5;
	v10 =	vld.idx.msk [tilespmem:v10+s2+$0x0], $0xffff  }
0x6c: {  	v29 =	vshrl.u32 v13, $0x15;
	v17 =	vld [tilespmem:s29+$0xA0];
	v16 =	vor.u32 v4, v16;
	v21 =	vand.u32 $0x7F, v21  }
0x6d: {  	v13 =	vshrl.u32 v13, $0x10;
	v22 =	vshrl.u32 v11, $0x5;
	v21 =	vor.u32 v4, v21  }
0x6e: {  	v9 =	vshrl.u32 v9, $0x10;
	v22 =	vand.u32 $0x7F, v22;
	v23 =	vshrl.u32 v20, $0x5  }
0x6f: {  	v13 =	vand.u32 $0x1F, v13;
	v22 =	vor.u32 v4, v22;
	v23 =	vand.u32 $0x7F, v23;
	v8 =	vld.idx.msk [tilespmem:v8+s2+$0x0], $0xffff  }
0x70: {  	v26 =	vand.u32 $0x1F, v12;
	v23 =	vor.u32 v4, v23;
	v15 =	vld.idx.msk [tilespmem:v15+s2+$0x0], $0xffff;
	v10 =	vshrl.u32 v10, v19  }
0x71: {  	v31 =	vshrl.u32 v12, $0x15;
	v24 =	vshrl.u32 v17, $0x5;
	v16 =	vld.idx.msk [tilespmem:v16+s2+$0x0], $0xffff;
	v10 =	vand.u32 $0x1, v10  }
0x72: {  	v12 =	vshrl.u32 v12, $0x10;
	v56 =	vshrl.u32 v14, $0x15;
	v24 =	vand.u32 $0x7F, v24;
	v21 =	vld.idx.msk [tilespmem:v21+s2+$0x0], $0xffff;
	[tilespmem:s28+$0x1E0] =	vst v10  }
0x73: {  	v27 =	vand.u32 $0x1F, v11;
	v58 =	vshrl.u32 v11, $0x15;
	v24 =	vor.u32 v4, v24;
	v57 =	vld [tilespmem:s29+$0xF0]  }
0x74: {  	v28 =	vand.u32 $0x1F, v20;
	v22 =	vld.idx.msk [tilespmem:v22+s2+$0x0], $0xffff;
	v8 =	vshrl.u32 v8, v25;
	v25 =	vadd.s32 v5, v29  }
0x75: {  	v19 =	vand.u32 $0x1F, v14;
	v15 =	vshrl.u32 v15, v18;
	v18 =	vshrl.u32 v20, $0x15;
	v23 =	vld.idx.msk [tilespmem:v23+s2+$0x0], $0xffff  }
0x76: {  	v8 =	vand.u32 $0x1, v8;
	v16 =	vshrl.u32 v16, v26;
	v26 =	vadd.s32 v5, v30  }
0x77: {  	v15 =	vand.u32 $0x1, v15;
	[tilespmem:s28+$0xFFFFFEA0] =	vst v8;
	v8 =	vadd.s32 v5, v58;
	v16 =	vand.u32 $0x1, v16  }
0x78: {  	v24 =	vld.idx.msk [tilespmem:v24+s2+$0x0], $0xffff;
	[tilespmem:s28+$0xFFFFFE20] =	vst v15;
	v19 =	vshrl.u32 v21, v19;
	v21 =	vadd.s32 v5, v31;
	v29 =	vshrl.u32 v57, $0x5  }
0x79: {  	v22 =	vshrl.u32 v22, v27;
	v27 =	vadd.s32 v5, v56;
	v25 =	vld.idx.msk [tilespmem:v25+s2+$0x0], $0xffff;
	v29 =	vand.u32 $0x7F, v29  }
0x7a: {  	[tilespmem:s28+$0xFFFFFF20] =	vst v16;
	v15 =	vand.u32 $0x1, v22;
	v22 =	vshrl.u32 v23, v28;
	v23 =	vor.u32 v6, v29  }
0x7b: {  	v9 =	vand.u32 $0x1F, v9;
	v12 =	vand.u32 $0x1F, v12;
	v16 =	vadd.s32 v5, v18;
	[tilespmem:s28+$0x20] =	vst v15;
	v18 =	vld.idx.msk [tilespmem:v26+s2+$0x0], $0xffff  }
0x7c: {  	v59 =	vshrl.u32 v17, $0x15;
	v10 =	vand.u32 $0x1F, v17;
	v19 =	vand.u32 $0x1, v19;
	v8 =	vld.idx.msk [tilespmem:v8+s2+$0x0], $0xffff  }
0x7d: {  	[tilespmem:s28+$0xFFFFFFA0] =	vst v19;
	v19 =	vadd.s32 v5, v59;
	v22 =	vand.u32 $0x1, v22;
	v10 =	vshrl.u32 v24, v10;
	v21 =	vld.idx.msk [tilespmem:v21+s2+$0x0], $0xffff  }
0x7e: {  	v11 =	vshrl.u32 v11, $0x10;
	v10 =	vand.u32 $0x1, v10;
	[tilespmem:s28+$0xA0] =	vst v22;
	v24 =	vld.idx.msk [tilespmem:v27+s2+$0x0], $0xffff;
	v13 =	vshrl.u32 v25, v13  }
0x7f: {  	v14 =	vshrl.u32 v14, $0x10;
	v15 =	vshrl.u32 v17, $0x10;
	[tilespmem:s28+$0x120] =	vst v10;
	v10 =	vand.u32 $0x1, v13;
	v17 =	vld.idx.msk [tilespmem:v23+s2+$0x0], $0xffff  }
0x80: {  	v14 =	vand.u32 $0x1F, v14;
	v20 =	vshrl.u32 v20, $0x10;
	v16 =	vld.idx.msk [tilespmem:v16+s2+$0x0], $0xffff;
	v13 =	vshrl.u32 v57, $0x15;
	[tilespmem:s28+$0xFFFFFE60] =	vst v10  }
0x81: {  	v15 =	vand.u32 $0x1F, v15;
	v9 =	vshrl.u32 v18, v9;
	v13 =	vadd.s32 v7, v13;
	v25 =	vld [tilespmem:s29+$0xFFFFFF30]  }
0x82: {  	v18 =	vld.idx.msk [tilespmem:v19+s2+$0x0], $0xffff;
	v19 =	vand.u32 $0x1F, v11;
	v9 =	vand.u32 $0x1, v9;
	v10 =	vshrl.u32 v21, v12  }
0x83: {  	[tilespmem:s28+$0xFFFFFEE0] =	vst v9;
	v9 =	vand.u32 $0x1, v10;
	v12 =	vshrl.u32 v24, v14;
	v14 =	vand.u32 $0x1F, v57  }
0x84: {  	v8 =	vshrl.u32 v8, v19;
	v10 =	vld [tilespmem:s29+$0xFFFFFF70];
	[tilespmem:s28+$0xFFFFFF60] =	vst v9;
	v9 =	vand.u32 $0x1, v12;
	v12 =	vshrl.u32 v17, v14  }
0x85: {  	v19 =	vshrl.u32 v57, $0x10;
	v11 =	vld [tilespmem:s29+$0xFFFFFFB0];
	[tilespmem:s28+$0xFFFFFFE0] =	vst v9;
	v14 =	vand.u32 $0x1F, v20;
	v9 =	vand.u32 $0x1, v12  }
0x86: {  	v8 =	vand.u32 $0x1, v8;
	v12 =	vld [tilespmem:s29+$0xFFFFFFF0];
	v14 =	vshrl.u32 v16, v14;
	v24 =	vand.u32 $0x1F, v25;
	[tilespmem:s28+$0x1B0] =	vst v9  }
0x87: {  	[tilespmem:s28+$0x60] =	vst v8;
	v29 =	vshrl.u32 v25, $0x15;
	v8 =	vand.u32 $0x1, v14;
	v9 =	vshrl.u32 v18, v15;
	v14 =	vld.idx.msk [tilespmem:v13+s2+$0x0], $0xffff  }
0x88: {  	v15 =	vshrl.u32 v25, $0x5;
	v31 =	vadd.s32 v7, v29;
	v13 =	vld [tilespmem:s29+$0x30];
	[tilespmem:s28+$0xE0] =	vst v8;
	v9 =	vand.u32 $0x1, v9  }
0x89: {  	v15 =	vand.u32 $0x7F, v15;
	v16 =	vshrl.u32 v10, $0x5;
	v26 =	vand.u32 $0x1F, v10;
	v8 =	vld [tilespmem:s29+$0x70];
	[tilespmem:s28+$0x160] =	vst v9  }
0x8a: {  	v15 =	vor.u32 v6, v15;
	v16 =	vand.u32 $0x7F, v16;
	v17 =	vshrl.u32 v11, $0x5;
	v9 =	vld [tilespmem:s29+$0xB0]  }
0x8b: {  	v17 =	vand.u32 $0x7F, v17;
	v20 =	vor.u32 v6, v16;
	v18 =	vshrl.u32 v12, $0x5  }
0x8c: {  	v22 =	vor.u32 v6, v17;
	v16 =	vand.u32 $0x7F, v18;
	v18 =	vand.u32 $0x1F, v19  }
0x8d: {  	v17 =	vshrl.u32 v13, $0x5;
	v14 =	vshrl.u32 v14, v18;
	v23 =	vor.u32 v6, v16  }
0x8e: {  	v17 =	vand.u32 $0x7F, v17;
	v18 =	vshrl.u32 v8, $0x5;
	v28 =	vand.u32 $0x1, v14  }
0x8f: {  	v15 =	vld.idx.msk [tilespmem:v15+s2+$0x0], $0xffff;
	v14 =	vand.u32 $0x7F, v18;
	v16 =	vshrl.u32 v9, $0x5;
	v27 =	vor.u32 v6, v17  }
0x90: {  	v62 =	vshrl.u32 v10, $0x15;
	v30 =	vor.u32 v6, v14;
	v14 =	vand.u32 $0x7F, v16  }
0x91: {  	v63 =	vshrl.u32 v11, $0x15;
	v32 =	vadd.s32 v7, v62;
	v61 =	vld.idx.msk [tilespmem:v20+s2+$0x0], $0xffff;
	v60 =	vor.u32 v6, v14  }
0x92: {  	v29 =	vadd.s32 v7, v63;
	v36 =	vshrl.u32 v12, $0x15;
	v19 =	vand.u32 $0x1F, v13;
	v18 =	vld.idx.msk [tilespmem:v22+s2+$0x0], $0xffff  }
0x93: {  	v21 =	vand.u32 $0x1F, v8;
	v17 =	vand.u32 $0x1F, v12;
	v20 =	vshrl.u32 v8, $0x15;
	v23 =	vld.idx.msk [tilespmem:v23+s2+$0x0], $0xffff  }
0x94: {  	v16 =	vand.u32 $0x1F, v11;
	v22 =	vshrl.u32 v13, $0x15;
	v15 =	vshrl.u32 v15, v24;
	v27 =	vld.idx.msk [tilespmem:v27+s2+$0x0], $0xffff  }
0x95: {  	[tilespmem:s28+$0x1F0] =	vst v28;
	v14 =	vand.u32 $0x1F, v9;
	v24 =	vshrl.u32 v9, $0x15;
	v15 =	vand.u32 $0x1, v15;
	v28 =	vld.idx.msk [tilespmem:v30+s2+$0x0], $0xffff  }
0x96: {  	s30 =	simm.s32 $0x0;
	s31 =	simm.s32 $0x4300;
	s29 =	simm.s32 $0xC200;
	[tilespmem:s28+$0xFFFFFE30] =	vst v15;
	v15 =	vshrl.u32 v25, $0x10;
	v25 =	vshrl.u32 v61, v26;
	v30 =	vadd.s32 v7, v36;
	v33 =	vld.idx.msk [tilespmem:v60+s2+$0x0], $0xffff  }
.LBB2_2:
0x97: {  	v26 =	vld [tilespmem:s31+$0xC0];
	s30 =	sadd.s32 $0x8, s30;
	v25 =	vand.u32 $0x1, v25;
	v16 =	vshrl.u32 v18, v16;
	v34 =	vadd.s32 v7, v22  }
0x98: {  	v35 =	vadd.s32 v7, v20;
	v22 =	vld [tilespmem:s31+$0xFFFFFF40];
	p0 =	slt.u32 s30, $0xF8;
	[tilespmem:s28+$0xFFFFFEB0] =	vst v25;
	v18 =	vand.u32 $0x1, v16;
	v16 =	vadd.s32 v7, v24  }
0x99: {  	v20 =	vshrl.u32 v10, $0x10;
	v10 =	vshrl.u32 v23, v17;
	v24 =	vld [tilespmem:s31+$0xFFFFFF80];
	[tilespmem:s28+$0xFFFFFF30] =	vst v18;
	v18 =	vshrl.u32 v11, $0x10  }
0x9a: {  	v17 =	vshrl.u32 v12, $0x10;
	v10 =	vand.u32 $0x1, v10;
	v11 =	vshrl.u32 v27, v19;
	v25 =	vld [tilespmem:s31+$0xFFFFFFC0]  }
0x9b: {  	v19 =	vshrl.u32 v13, $0x10;
	v27 =	vld [tilespmem:s31+$0x0];
	[tilespmem:s28+$0xFFFFFFB0] =	vst v10;
	v10 =	vand.u32 $0x1, v11;
	v11 =	vshrl.u32 v28, v21  }
0x9c: {  	v23 =	vshrl.u32 v33, v14;
	v28 =	vld [tilespmem:s31+$0x40];
	v12 =	vshrl.u32 v26, $0x5;
	[tilespmem:s28+$0x30] =	vst v10;
	v10 =	vand.u32 $0x1, v11  }
0x9d: {  	v11 =	vshrl.u32 v22, $0x5;
	v13 =	vand.u32 $0x1F, v22;
	v33 =	vld [tilespmem:s31+$0x80];
	v12 =	vand.u32 $0x7F, v12;
	[tilespmem:s28+$0xB0] =	vst v10  }
0x9e: {  	v36 =	vld [tilespmem:s31+$0xFFFFFF00];
	v10 =	vand.u32 $0x7F, v11;
	v11 =	vshrl.u32 v24, $0x5;
	v14 =	vor.u32 v0, v12  }
0x9f: {  	v37 =	vor.u32 v0, v10;
	v10 =	vand.u32 $0x7F, v11;
	v11 =	vshrl.u32 v25, $0x5;
	v21 =	vld.idx.msk [tilespmem:v31+s2+$0x0], $0xffff  }
0xa0: {  	v31 =	vor.u32 v0, v10;
	v10 =	vand.u32 $0x7F, v11;
	v12 =	vshrl.u32 v27, $0x5;
	v11 =	vld.idx.msk [tilespmem:v32+s2+$0x0], $0xffff  }
0xa1: {  	v32 =	vor.u32 v0, v10;
	v10 =	vand.u32 $0x7F, v12;
	v38 =	vshrl.u32 v28, $0x5;
	v12 =	vld.idx.msk [tilespmem:v29+s2+$0x0], $0xffff  }
0xa2: {  	v29 =	vor.u32 v0, v10;
	v38 =	vand.u32 $0x7F, v38;
	v39 =	vshrl.u32 v33, $0x5;
	v10 =	vld.idx.msk [tilespmem:v30+s2+$0x0], $0xffff  }
0xa3: {  	v30 =	vshrl.u32 v36, $0x5;
	v38 =	vor.u32 v0, v38;
	v39 =	vand.u32 $0x7F, v39;
	v14 =	vld.idx.msk [tilespmem:v14+s2+$0x0], $0xffff  }
0xa4: {  	v40 =	vand.u32 $0x1F, v36;
	v30 =	vand.u32 $0x7F, v30;
	v37 =	vld.idx.msk [tilespmem:v37+s2+$0x0], $0xffff;
	v39 =	vor.u32 v0, v39  }
0xa5: {  	v41 =	vand.u32 $0x1F, v24;
	v42 =	vand.u32 $0x1F, v25;
	v30 =	vor.u32 v0, v30;
	v31 =	vld.idx.msk [tilespmem:v31+s2+$0x0], $0xffff  }
0xa6: {  	v45 =	vshrl.u32 v26, $0x15;
	v43 =	vand.u32 $0x1F, v27;
	v44 =	vand.u32 $0x1F, v28;
	v32 =	vld.idx.msk [tilespmem:v32+s2+$0x0], $0xffff  }
0xa7: {  	v45 =	vadd.s32 v1, v45;
	v47 =	vand.u32 $0x1F, v33;
	v46 =	vshrl.u32 v36, $0x15;
	v29 =	vld.idx.msk [tilespmem:v29+s2+$0x0], $0xffff  }
0xa8: {  	v50 =	vand.u32 $0x1F, v26;
	v48 =	vshrl.u32 v22, $0x15;
	v49 =	vshrl.u32 v24, $0x15;
	v38 =	vld.idx.msk [tilespmem:v38+s2+$0x0], $0xffff  }
0xa9: {  	v51 =	vshrl.u32 v25, $0x15;
	v52 =	vshrl.u32 v27, $0x15;
	v14 =	vshrl.u32 v14, v50;
	v39 =	vld.idx.msk [tilespmem:v39+s2+$0x0], $0xffff  }
0xaa: {  	s28 =	sadd.s32 $0x400, s28;
	v13 =	vshrl.u32 v37, v13;
	v37 =	vshrl.u32 v28, $0x15;
	v14 =	vand.u32 $0x1, v14;
	v30 =	vld.idx.msk [tilespmem:v30+s2+$0x0], $0xffff  }
0xab: {  	v50 =	vand.u32 $0x1, v13;
	v31 =	vshrl.u32 v31, v41;
	v41 =	vshrl.u32 v33, $0x15;
	[tilespmem:s28+$0x180] =	vst v14;
	v13 =	vld.idx.msk [tilespmem:v34+s2+$0x0], $0xffff  }
0xac: {  	v34 =	vadd.s32 v1, v46;
	v14 =	vand.u32 $0x1, v31;
	v31 =	vshrl.u32 v32, v42;
	[tilespmem:s28+$0xFFFFFE80] =	vst v50;
	v32 =	vld.idx.msk [tilespmem:v45+s2+$0x0], $0xffff  }
0xad: {  	v42 =	vadd.s32 v1, v48;
	v31 =	vand.u32 $0x1, v31;
	v29 =	vshrl.u32 v29, v43;
	[tilespmem:s28+$0xFFFFFF00] =	vst v14;
	v14 =	vld.idx.msk [tilespmem:v35+s2+$0x0], $0xffff  }
0xae: {  	v35 =	vadd.s32 v1, v49;
	v29 =	vand.u32 $0x1, v29;
	[tilespmem:s28+$0xFFFFFF80] =	vst v31;
	v31 =	vshrl.u32 v38, v44  }
0xaf: {  	v38 =	vadd.s32 v1, v51;
	[tilespmem:s28+$0x0] =	vst v29;
	v29 =	vand.u32 $0x1, v31;
	v31 =	vshrl.u32 v39, v47  }
0xb0: {  	v26 =	vshrl.u32 v26, $0x10;
	v30 =	vshrl.u32 v30, v40;
	[tilespmem:s28+$0x80] =	vst v29;
	v29 =	vand.u32 $0x1, v31  }
0xb1: {  	v26 =	vand.u32 $0x1F, v26;
	v30 =	vand.u32 $0x1, v30;
	v31 =	vadd.s32 v1, v52;
	[tilespmem:s28+$0x100] =	vst v29  }
0xb2: {  	v29 =	vadd.s32 v1, v37;
	v26 =	vshrl.u32 v32, v26;
	[tilespmem:s28+$0xFFFFFE00] =	vst v30;
	v30 =	vadd.s32 v1, v41  }
0xb3: {  	v22 =	vshrl.u32 v22, $0x10;
	v32 =	vshrl.u32 v36, $0x10;
	v26 =	vand.u32 $0x1, v26;
	v34 =	vld.idx.msk [tilespmem:v34+s2+$0x0], $0xffff  }
0xb4: {  	v25 =	vshrl.u32 v25, $0x10;
	v27 =	vshrl.u32 v27, $0x10;
	v37 =	vshrl.u32 v24, $0x10;
	v36 =	vld.idx.msk [tilespmem:v42+s2+$0x0], $0xffff;
	[tilespmem:s28+$0x1C0] =	vst v26  }
0xb5: {  	v28 =	vshrl.u32 v28, $0x10;
	v26 =	vand.u32 $0x1F, v32;
	v32 =	vshrl.u32 v33, $0x10;
	v24 =	vld [tilespmem:s31+$0xD0]  }
0xb6: {  	v22 =	vand.u32 $0x1F, v22;
	v25 =	vand.u32 $0x1F, v25;
	v33 =	vld.idx.msk [tilespmem:v35+s2+$0x0], $0xffff;
	v35 =	vand.u32 $0x1F, v37  }
0xb7: {  	v27 =	vand.u32 $0x1F, v27;
	v28 =	vand.u32 $0x1F, v28;
	v32 =	vand.u32 $0x1F, v32;
	v37 =	vld.idx.msk [tilespmem:v38+s2+$0x0], $0xffff  }
0xb8: {  	v39 =	vshrl.u32 v9, $0x10;
	v38 =	vshrl.u32 v8, $0x10;
	v8 =	vand.u32 $0x1, v23;
	v31 =	vld.idx.msk [tilespmem:v31+s2+$0x0], $0xffff  }
0xb9: {  	v9 =	vand.u32 $0x1F, v20;
	v23 =	vshrl.u32 v34, v26;
	v26 =	vld.idx.msk [tilespmem:v29+s2+$0x0], $0xffff;
	v29 =	vand.u32 $0x1F, v15;
	[tilespmem:s29+$0x130] =	vst v8  }
0xba: {  	v8 =	vand.u32 $0x1, v23;
	v15 =	vshrl.u32 v36, v22;
	v30 =	vld.idx.msk [tilespmem:v30+s2+$0x0], $0xffff;
	v20 =	vshrl.u32 v24, $0x5  }
0xbb: {  	v18 =	vand.u32 $0x1F, v18;
	v15 =	vand.u32 $0x1, v15;
	[tilespmem:s28+$0xFFFFFE40] =	vst v8;
	v20 =	vand.u32 $0x7F, v20;
	v8 =	vld.idx.msk [tilespmem:v16+s2+$0x0], $0xffff  }
0xbc: {  	v22 =	vld [tilespmem:s31+$0xFFFFFF10];
	[tilespmem:s28+$0xFFFFFEC0] =	vst v15;
	v15 =	vshrl.u32 v33, v35;
	v33 =	vor.u32 v2, v20;
	v20 =	vand.u32 $0x1F, v17  }
0xbd: {  	v19 =	vand.u32 $0x1F, v19;
	v16 =	vshrl.u32 v37, v25;
	v23 =	vld [tilespmem:s31+$0xFFFFFF50];
	v15 =	vand.u32 $0x1, v15  }
0xbe: {  	v17 =	vand.u32 $0x1F, v38;
	[tilespmem:s28+$0xFFFFFF40] =	vst v15;
	v15 =	vand.u32 $0x1, v16;
	v16 =	vshrl.u32 v31, v27  }
0xbf: {  	v26 =	vshrl.u32 v26, v28;
	v25 =	vld [tilespmem:s31+$0xFFFFFF90];
	[tilespmem:s28+$0xFFFFFFC0] =	vst v15;
	v16 =	vand.u32 $0x1, v16;
	v15 =	vand.u32 $0x1F, v39  }
0xc0: {  	v26 =	vand.u32 $0x1, v26;
	v28 =	vshrl.u32 v30, v32;
	v27 =	vld [tilespmem:s31+$0xFFFFFFD0];
	[tilespmem:s28+$0x40] =	vst v16;
	v16 =	vshrl.u32 v21, v29  }
0xc1: {  	v21 =	vshrl.u32 v22, $0x5;
	v29 =	vand.u32 $0x1F, v22;
	[tilespmem:s28+$0xC0] =	vst v26;
	v26 =	vand.u32 $0x1, v28;
	v28 =	vld.idx.msk [tilespmem:v33+s2+$0x0], $0xffff  }
0xc2: {  	v21 =	vand.u32 $0x7F, v21;
	v30 =	vshrl.u32 v23, $0x5;
	v31 =	vand.u32 $0x1F, v23;
	v32 =	vld [tilespmem:s31+$0x10];
	[tilespmem:s28+$0x140] =	vst v26  }
0xc3: {  	v26 =	vshrl.u32 v22, $0x15;
	v21 =	vor.u32 v2, v21;
	v30 =	vand.u32 $0x7F, v30;
	v33 =	vld [tilespmem:s31+$0x50]  }
0xc4: {  	v36 =	vshrl.u32 v24, $0x15;
	v30 =	vor.u32 v2, v30;
	v34 =	vshrl.u32 v25, $0x5;
	v35 =	vld [tilespmem:s31+$0x90]  }
0xc5: {  	v36 =	vadd.s32 v3, v36;
	v34 =	vand.u32 $0x7F, v34;
	v37 =	vshrl.u32 v27, $0x5  }
0xc6: {  	v38 =	vand.u32 $0x1F, v24;
	v34 =	vor.u32 v2, v34;
	v37 =	vand.u32 $0x7F, v37  }
0xc7: {  	v28 =	vshrl.u32 v28, v38;
	v37 =	vor.u32 v2, v37;
	v39 =	vshrl.u32 v32, $0x5  }
0xc8: {  	v28 =	vand.u32 $0x1, v28;
	v21 =	vld.idx.msk [tilespmem:v21+s2+$0x0], $0xffff;
	v38 =	vand.u32 $0x7F, v39;
	v39 =	vshrl.u32 v33, $0x5  }
0xc9: {  	v30 =	vld.idx.msk [tilespmem:v30+s2+$0x0], $0xffff;
	v38 =	vor.u32 v2, v38;
	v39 =	vand.u32 $0x7F, v39;
	v40 =	vshrl.u32 v35, $0x5;
	[tilespmem:s28+$0x190] =	vst v28  }
0xca: {  	v28 =	vand.u32 $0x1F, v25;
	v39 =	vor.u32 v2, v39;
	v40 =	vand.u32 $0x7F, v40;
	v36 =	vld.idx.msk [tilespmem:v36+s2+$0x0], $0xffff  }
0xcb: {  	v41 =	vand.u32 $0x1F, v27;
	v42 =	vand.u32 $0x1F, v32;
	v34 =	vld.idx.msk [tilespmem:v34+s2+$0x0], $0xffff;
	v40 =	vor.u32 v2, v40  }
0xcc: {  	v43 =	vshrl.u32 v23, $0x15;
	v44 =	vand.u32 $0x1F, v33;
	v45 =	vand.u32 $0x1F, v35;
	v37 =	vld.idx.msk [tilespmem:v37+s2+$0x0], $0xffff  }
0xcd: {  	v46 =	vshrl.u32 v25, $0x15;
	v47 =	vshrl.u32 v27, $0x15;
	v48 =	vshrl.u32 v32, $0x15  }
0xce: {  	v24 =	vshrl.u32 v24, $0x10;
	v21 =	vshrl.u32 v21, v29;
	v29 =	vld.idx.msk [tilespmem:v38+s2+$0x0], $0xffff;
	v38 =	vshrl.u32 v33, $0x15  }
0xcf: {  	v24 =	vand.u32 $0x1F, v24;
	v21 =	vand.u32 $0x1, v21;
	v30 =	vshrl.u32 v30, v31;
	v31 =	vld.idx.msk [tilespmem:v39+s2+$0x0], $0xffff  }
0xd0: {  	v39 =	vshrl.u32 v35, $0x15;
	v24 =	vshrl.u32 v36, v24;
	[tilespmem:s28+$0xFFFFFE10] =	vst v21;
	v21 =	vand.u32 $0x1, v30;
	v30 =	vld.idx.msk [tilespmem:v40+s2+$0x0], $0xffff  }
0xd1: {  	v26 =	vadd.s32 v3, v26;
	v24 =	vand.u32 $0x1, v24;
	[tilespmem:s28+$0xFFFFFE90] =	vst v21;
	v21 =	vshrl.u32 v34, v28  }
0xd2: {  	v28 =	vadd.s32 v3, v43;
	v34 =	vshrl.u32 v37, v41;
	v21 =	vand.u32 $0x1, v21;
	[tilespmem:s28+$0x1D0] =	vst v24  }
0xd3: {  	v36 =	vadd.s32 v3, v47;
	v24 =	vadd.s32 v3, v46;
	v34 =	vand.u32 $0x1, v34;
	[tilespmem:s28+$0xFFFFFF10] =	vst v21;
	v21 =	vld [tilespmem:s31+$0xE0]  }
0xd4: {  	v37 =	vadd.s32 v3, v38;
	v29 =	vshrl.u32 v29, v42;
	[tilespmem:s28+$0xFFFFFF90] =	vst v34;
	v34 =	vadd.s32 v3, v48  }
0xd5: {  	v38 =	vadd.s32 v3, v39;
	v29 =	vand.u32 $0x1, v29;
	v31 =	vshrl.u32 v31, v44  }
0xd6: {  	v22 =	vshrl.u32 v22, $0x10;
	v30 =	vshrl.u32 v30, v45;
	v26 =	vld.idx.msk [tilespmem:v26+s2+$0x0], $0xffff;
	[tilespmem:s28+$0x10] =	vst v29;
	v29 =	vand.u32 $0x1, v31  }
0xd7: {  	v23 =	vshrl.u32 v23, $0x10;
	v25 =	vshrl.u32 v25, $0x10;
	v28 =	vld.idx.msk [tilespmem:v28+s2+$0x0], $0xffff;
	[tilespmem:s28+$0x90] =	vst v29;
	v29 =	vand.u32 $0x1, v30  }
0xd8: {  	v27 =	vshrl.u32 v27, $0x10;
	v30 =	vshrl.u32 v32, $0x10;
	v24 =	vld.idx.msk [tilespmem:v24+s2+$0x0], $0xffff;
	[tilespmem:s28+$0x110] =	vst v29;
	v29 =	vshrl.u32 v21, $0x5  }
0xd9: {  	v32 =	vshrl.u32 v33, $0x10;
	v33 =	vshrl.u32 v35, $0x10;
	v31 =	vld.idx.msk [tilespmem:v36+s2+$0x0], $0xffff;
	v29 =	vand.u32 $0x7F, v29  }
0xda: {  	v22 =	vand.u32 $0x1F, v22;
	v23 =	vand.u32 $0x1F, v23;
	v34 =	vld.idx.msk [tilespmem:v34+s2+$0x0], $0xffff;
	v29 =	vor.u32 v4, v29  }
0xdb: {  	v27 =	vand.u32 $0x1F, v27;
	v25 =	vand.u32 $0x1F, v25;
	v30 =	vand.u32 $0x1F, v30;
	v35 =	vld.idx.msk [tilespmem:v37+s2+$0x0], $0xffff  }
0xdc: {  	v33 =	vand.u32 $0x1F, v33;
	v22 =	vshrl.u32 v26, v22;
	v26 =	vand.u32 $0x1F, v32;
	v32 =	vld.idx.msk [tilespmem:v38+s2+$0x0], $0xffff  }
0xdd: {  	v22 =	vand.u32 $0x1, v22;
	v23 =	vshrl.u32 v28, v23;
	v28 =	vshrl.u32 v11, v9  }
0xde: {  	v11 =	vshrl.u32 v12, v18;
	v9 =	vand.u32 $0x1, v23;
	[tilespmem:s28+$0xFFFFFE50] =	vst v22;
	v22 =	vshrl.u32 v24, v25  }
0xdf: {  	v18 =	vshrl.u32 v31, v27;
	[tilespmem:s28+$0xFFFFFED0] =	vst v9;
	v12 =	vand.u32 $0x1, v22;
	v22 =	vld.idx.msk [tilespmem:v29+s2+$0x0], $0xffff;
	v9 =	vshrl.u32 v10, v20  }
0xe0: {  	v20 =	vand.u32 $0x1, v18;
	v23 =	vshrl.u32 v34, v30;
	v10 =	vld [tilespmem:s31+$0xFFFFFF20];
	[tilespmem:s28+$0xFFFFFF50] =	vst v12;
	v12 =	vshrl.u32 v13, v19  }
0xe1: {  	v19 =	vand.u32 $0x1, v23;
	v13 =	vshrl.u32 v14, v17;
	v18 =	vld [tilespmem:s31+$0xFFFFFF60];
	[tilespmem:s28+$0xFFFFFFD0] =	vst v20;
	v20 =	vshrl.u32 v35, v26  }
0xe2: {  	v17 =	vld [tilespmem:s31+$0xFFFFFFA0];
	[tilespmem:s28+$0x50] =	vst v19;
	v14 =	vand.u32 $0x1, v20;
	v19 =	vshrl.u32 v32, v33;
	v20 =	vshrl.u32 v21, $0x15  }
0xe3: {  	v8 =	vshrl.u32 v8, v15;
	v23 =	vld [tilespmem:s31+$0xFFFFFFE0];
	[tilespmem:s28+$0xD0] =	vst v14;
	v14 =	vand.u32 $0x1, v19;
	v19 =	vadd.s32 v5, v20  }
0xe4: {  	v16 =	vand.u32 $0x1, v16;
	v20 =	vand.u32 $0x1, v28;
	v15 =	vld [tilespmem:s31+$0x20];
	[tilespmem:s28+$0x150] =	vst v14;
	v14 =	vand.u32 $0x1F, v21  }
0xe5: {  	v24 =	vshrl.u32 v10, $0x5;
	v25 =	vand.u32 $0x1F, v10;
	v26 =	vld [tilespmem:s31+$0x60];
	v14 =	vshrl.u32 v22, v14;
	[tilespmem:s29+$0xFFFFFE70] =	vst v16  }
0xe6: {  	v16 =	vand.u32 $0x7F, v24;
	v22 =	vshrl.u32 v18, $0x5;
	v24 =	vld [tilespmem:s31+$0xA0];
	v14 =	vand.u32 $0x1, v14;
	[tilespmem:s29+$0xFFFFFEF0] =	vst v20  }
0xe7: {  	v16 =	vor.u32 v4, v16;
	v20 =	vand.u32 $0x7F, v22;
	v22 =	vshrl.u32 v17, $0x5;
	[tilespmem:s28+$0x1A0] =	vst v14  }
0xe8: {  	v14 =	vor.u32 v4, v20;
	v20 =	vand.u32 $0x7F, v22;
	v22 =	vshrl.u32 v23, $0x5;
	v19 =	vld.idx.msk [tilespmem:v19+s2+$0x0], $0xffff  }
0xe9: {  	v20 =	vor.u32 v4, v20;
	v22 =	vand.u32 $0x7F, v22;
	v27 =	vshrl.u32 v15, $0x5  }
0xea: {  	v22 =	vor.u32 v4, v22;
	v27 =	vand.u32 $0x7F, v27;
	v28 =	vshrl.u32 v26, $0x5  }
0xeb: {  	v27 =	vor.u32 v4, v27;
	v28 =	vand.u32 $0x7F, v28;
	v29 =	vshrl.u32 v24, $0x5  }
0xec: {  	v21 =	vshrl.u32 v21, $0x10;
	v16 =	vld.idx.msk [tilespmem:v16+s2+$0x0], $0xffff;
	v28 =	vor.u32 v4, v28;
	v29 =	vand.u32 $0x7F, v29  }
0xed: {  	v31 =	vand.u32 $0x1F, v18;
	v30 =	vld.idx.msk [tilespmem:v14+s2+$0x0], $0xffff;
	v29 =	vor.u32 v4, v29;
	v14 =	vand.u32 $0x1F, v21  }
0xee: {  	v32 =	vand.u32 $0x1F, v23;
	v21 =	vand.u32 $0x1F, v17;
	v20 =	vld.idx.msk [tilespmem:v20+s2+$0x0], $0xffff;
	v14 =	vshrl.u32 v19, v14  }
0xef: {  	v33 =	vand.u32 $0x1F, v26;
	v19 =	vld.idx.msk [tilespmem:v22+s2+$0x0], $0xffff;
	v22 =	vand.u32 $0x1F, v15;
	v14 =	vand.u32 $0x1, v14  }
0xf0: {  	v34 =	vshrl.u32 v10, $0x15;
	v35 =	vshrl.u32 v18, $0x15;
	v36 =	vand.u32 $0x1F, v24;
	v27 =	vld.idx.msk [tilespmem:v27+s2+$0x0], $0xffff;
	[tilespmem:s28+$0x1E0] =	vst v14  }
0xf1: {  	v37 =	vshrl.u32 v17, $0x15;
	v38 =	vshrl.u32 v23, $0x15;
	v39 =	vshrl.u32 v15, $0x15;
	v14 =	vld [tilespmem:s31+$0xF0]  }
0xf2: {  	v40 =	vshrl.u32 v24, $0x15;
	v16 =	vshrl.u32 v16, v25;
	v25 =	vld.idx.msk [tilespmem:v28+s2+$0x0], $0xffff;
	v28 =	vshrl.u32 v26, $0x15  }
0xf3: {  	v34 =	vadd.s32 v5, v34;
	v16 =	vand.u32 $0x1, v16;
	v30 =	vshrl.u32 v30, v31;
	v29 =	vld.idx.msk [tilespmem:v29+s2+$0x0], $0xffff  }
0xf4: {  	v20 =	vshrl.u32 v20, v21;
	[tilespmem:s28+$0xFFFFFE20] =	vst v16;
	v16 =	vand.u32 $0x1, v30;
	v30 =	vadd.s32 v5, v35  }
0xf5: {  	v19 =	vshrl.u32 v19, v32;
	[tilespmem:s28+$0xFFFFFEA0] =	vst v16;
	v16 =	vand.u32 $0x1, v20;
	v20 =	vadd.s32 v5, v37  }
0xf6: {  	[tilespmem:s28+$0xFFFFFF20] =	vst v16;
	v16 =	vand.u32 $0x1, v19;
	v19 =	vshrl.u32 v27, v22;
	v21 =	vshrl.u32 v14, $0x5  }
0xf7: {  	[tilespmem:s28+$0xFFFFFFA0] =	vst v16;
	v16 =	vadd.s32 v5, v38;
	v19 =	vand.u32 $0x1, v19;
	v21 =	vand.u32 $0x7F, v21  }
0xf8: {  	v22 =	vshrl.u32 v25, v33;
	[tilespmem:s28+$0x20] =	vst v19;
	v19 =	vadd.s32 v5, v39;
	v21 =	vor.u32 v6, v21  }
0xf9: {  	v27 =	vadd.s32 v5, v28;
	v22 =	vand.u32 $0x1, v22;
	v28 =	vshrl.u32 v29, v36;
	v25 =	vld.idx.msk [tilespmem:v34+s2+$0x0], $0xffff  }
0xfa: {  	v10 =	vshrl.u32 v10, $0x10;
	v29 =	vld.idx.msk [tilespmem:v30+s2+$0x0], $0xffff;
	[tilespmem:s28+$0xA0] =	vst v22;
	v22 =	vand.u32 $0x1, v28;
	v28 =	vadd.s32 v5, v40  }
0xfb: {  	v18 =	vshrl.u32 v18, $0x10;
	v23 =	vshrl.u32 v23, $0x10;
	v17 =	vshrl.u32 v17, $0x10;
	v20 =	vld.idx.msk [tilespmem:v20+s2+$0x0], $0xffff;
	[tilespmem:s28+$0x120] =	vst v22  }
0xfc: {  	v24 =	vshrl.u32 v24, $0x10;
	v15 =	vshrl.u32 v15, $0x10;
	v22 =	vshrl.u32 v26, $0x10;
	v16 =	vld.idx.msk [tilespmem:v16+s2+$0x0], $0xffff  }
0xfd: {  	v10 =	vand.u32 $0x1F, v10;
	v18 =	vand.u32 $0x1F, v18;
	v17 =	vand.u32 $0x1F, v17;
	v21 =	vld.idx.msk [tilespmem:v21+s2+$0x0], $0xffff  }
0xfe: {  	v23 =	vand.u32 $0x1F, v23;
	v15 =	vand.u32 $0x1F, v15;
	v22 =	vand.u32 $0x1F, v22;
	v19 =	vld.idx.msk [tilespmem:v19+s2+$0x0], $0xffff  }
0xff: {  	v11 =	vand.u32 $0x1, v11;
	v24 =	vand.u32 $0x1F, v24;
	v10 =	vshrl.u32 v25, v10;
	v25 =	vld.idx.msk [tilespmem:v27+s2+$0x0], $0xffff  }
0x100: {  	v10 =	vand.u32 $0x1, v10;
	v18 =	vshrl.u32 v29, v18;
	v27 =	vshrl.u32 v14, $0x15;
	v26 =	vld.idx.msk [tilespmem:v28+s2+$0x0], $0xffff;
	[tilespmem:s29+$0xFFFFFF70] =	vst v11  }
0x101: {  	v11 =	vshrl.u32 v20, v17;
	v17 =	vadd.s32 v7, v27;
	[tilespmem:s28+$0xFFFFFE60] =	vst v10;
	v10 =	vand.u32 $0x1, v18  }
0x102: {  	v11 =	vand.u32 $0x1, v11;
	v16 =	vshrl.u32 v16, v23;
	v18 =	vand.u32 $0x1F, v14;
	v30 =	vld [tilespmem:s31+$0xFFFFFF30];
	[tilespmem:s28+$0xFFFFFEE0] =	vst v10  }
0x103: {  	v20 =	vand.u32 $0x1, v9;
	v16 =	vand.u32 $0x1, v16;
	v18 =	vshrl.u32 v21, v18;
	v10 =	vld [tilespmem:s31+$0xFFFFFF70];
	[tilespmem:s28+$0xFFFFFF60] =	vst v11  }
0x104: {  	v9 =	vshrl.u32 v19, v15;
	v15 =	vand.u32 $0x1, v18;
	v11 =	vld [tilespmem:s31+$0xFFFFFFB0];
	[tilespmem:s28+$0xFFFFFFE0] =	vst v16;
	v16 =	vand.u32 $0x1, v12  }
0x105: {  	v9 =	vand.u32 $0x1, v9;
	v18 =	vshrl.u32 v25, v22;
	v12 =	vld [tilespmem:s31+$0xFFFFFFF0];
	[tilespmem:s28+$0x1B0] =	vst v15;
	v15 =	vand.u32 $0x1, v13  }
0x106: {  	v19 =	vand.u32 $0x1, v8;
	[tilespmem:s28+$0x60] =	vst v9;
	v9 =	vand.u32 $0x1, v18;
	v18 =	vshrl.u32 v26, v24;
	v17 =	vld.idx.msk [tilespmem:v17+s2+$0x0], $0xffff  }
0x107: {  	v8 =	vshrl.u32 v30, $0x5;
	v24 =	vand.u32 $0x1F, v30;
	v13 =	vld [tilespmem:s31+$0x30];
	[tilespmem:s28+$0xE0] =	vst v9;
	v9 =	vand.u32 $0x1, v18  }
0x108: {  	v18 =	vand.u32 $0x7F, v8;
	v21 =	vshrl.u32 v10, $0x5;
	v25 =	vand.u32 $0x1F, v10;
	v8 =	vld [tilespmem:s31+$0x70];
	[tilespmem:s28+$0x160] =	vst v9  }
0x109: {  	v18 =	vor.u32 v6, v18;
	v21 =	vand.u32 $0x7F, v21;
	v22 =	vshrl.u32 v11, $0x5;
	v9 =	vld [tilespmem:s31+$0xB0];
	[tilespmem:s29+$0xFFFFFFF0] =	vst v20  }
0x10a: {  	v14 =	vshrl.u32 v14, $0x10;
	v20 =	vand.u32 $0x7F, v22;
	v22 =	vshrl.u32 v12, $0x5;
	[tilespmem:s29+$0x70] =	vst v16  }
0x10b: {  	v14 =	vand.u32 $0x1F, v14;
	v16 =	vor.u32 v6, v21;
	v21 =	vand.u32 $0x7F, v22;
	[tilespmem:s29+$0xF0] =	vst v15  }
0x10c: {  	v15 =	vor.u32 v6, v20;
	v14 =	vshrl.u32 v17, v14;
	v20 =	vshrl.u32 v13, $0x5;
	[tilespmem:s29+$0x170] =	vst v19;
	s29 =	smov.u32 s28  }
0x10d: {  	v14 =	vand.u32 $0x1, v14;
	v17 =	vand.u32 $0x7F, v20;
	v19 =	vshrl.u32 v8, $0x5  }
0x10e: {  	v20 =	vor.u32 v6, v21;
	v26 =	vld.idx.msk [tilespmem:v18+s2+$0x0], $0xffff;
	v18 =	vand.u32 $0x7F, v19;
	v19 =	vshrl.u32 v9, $0x5;
	[tilespmem:s28+$0x1F0] =	vst v14  }
0x10f: {  	v27 =	vor.u32 v6, v17;
	v28 =	vor.u32 v6, v18;
	v14 =	vand.u32 $0x7F, v19  }
0x110: {  	v17 =	vand.u32 $0x1F, v12;
	v33 =	vld.idx.msk [tilespmem:v16+s2+$0x0], $0xffff;
	v16 =	vand.u32 $0x1F, v11;
	v34 =	vor.u32 v6, v14  }
0x111: {  	v21 =	vand.u32 $0x1F, v8;
	v19 =	vand.u32 $0x1F, v13;
	v14 =	vand.u32 $0x1F, v9;
	v18 =	vld.idx.msk [tilespmem:v15+s2+$0x0], $0xffff  }
.Ltmp0:
0x112: {  	v29 =	vshrl.u32 v10, $0x15;
	v35 =	vshrl.u32 v11, $0x15;
	v15 =	vshrl.u32 v30, $0x15;
	(pc) =	sbr.rel @p0 .LBB2_2-.Ltmp0, $4  }
0x113: {  	v36 =	vshrl.u32 v12, $0x15;
	v22 =	vshrl.u32 v13, $0x15;
	v23 =	vld.idx.msk [tilespmem:v20+s2+$0x0], $0xffff;
	v20 =	vshrl.u32 v8, $0x15  }
0x114: {  	v31 =	vadd.s32 v7, v15;
	v26 =	vshrl.u32 v26, v24;
	v24 =	vshrl.u32 v9, $0x15;
	v27 =	vld.idx.msk [tilespmem:v27+s2+$0x0], $0xffff  }
0x115: {  	v32 =	vadd.s32 v7, v29;
	v29 =	vadd.s32 v7, v35;
	v15 =	vand.u32 $0x1, v26;
	v28 =	vld.idx.msk [tilespmem:v28+s2+$0x0], $0xffff  }
0x116: {  	s31 =	sadd.s32 $0x200, s31;
	v25 =	vshrl.u32 v33, v25;
	[tilespmem:s28+$0xFFFFFE30] =	vst v15;
	v15 =	vshrl.u32 v30, $0x10;
	v30 =	vadd.s32 v7, v36;
	v33 =	vld.idx.msk [tilespmem:v34+s2+$0x0], $0xffff  }
0x117: {  	_ =	sdelay $0x1  }
0x118: {  	v25 =	vand.u32 $0x1, v25;
	v16 =	vshrl.u32 v18, v16  }
0x119: {  	v18 =	vadd.s32 v7, v22;
	v20 =	vadd.s32 v7, v20;
	v22 =	vadd.s32 v7, v24  }
0x11a: {  	v10 =	vshrl.u32 v10, $0x10;
	v16 =	vand.u32 $0x1, v16;
	[tilespmem:s28+$0xFFFFFEB0] =	vst v25;
	v17 =	vshrl.u32 v23, v17;
	v23 =	vld.idx.msk [tilespmem:v31+s2+$0x0], $0xffff  }
0x11b: {  	v11 =	vshrl.u32 v11, $0x10;
	[tilespmem:s28+$0xFFFFFF30] =	vst v16;
	v16 =	vand.u32 $0x1, v17;
	v17 =	vshrl.u32 v27, v19;
	v19 =	vld.idx.msk [tilespmem:v32+s2+$0x0], $0xffff  }
0x11c: {  	v12 =	vshrl.u32 v12, $0x10;
	[tilespmem:s28+$0xFFFFFFB0] =	vst v16;
	v16 =	vand.u32 $0x1, v17;
	v17 =	vshrl.u32 v28, v21;
	v21 =	vld.idx.msk [tilespmem:v29+s2+$0x0], $0xffff  }
0x11d: {  	v13 =	vshrl.u32 v13, $0x10;
	[tilespmem:s28+$0x30] =	vst v16;
	v16 =	vand.u32 $0x1, v17;
	v14 =	vshrl.u32 v33, v14;
	v17 =	vld.idx.msk [tilespmem:v30+s2+$0x0], $0xffff  }
0x11e: {  	v8 =	vshrl.u32 v8, $0x10;
	v15 =	vand.u32 $0x1F, v15;
	[tilespmem:s28+$0xB0] =	vst v16;
	v16 =	vld.idx.msk [tilespmem:v18+s2+$0x0], $0xffff;
	v14 =	vand.u32 $0x1, v14  }
0x11f: {  	v9 =	vshrl.u32 v9, $0x10;
	v10 =	vand.u32 $0x1F, v10;
	v18 =	vld.idx.msk [tilespmem:v20+s2+$0x0], $0xffff;
	[tilespmem:s29+$0x130] =	vst v14;
	v14 =	vshrl.u32 v23, v15  }
0x120: {  	v11 =	vand.u32 $0x1F, v11;
	v15 =	vld.idx.msk [tilespmem:v22+s2+$0x0], $0xffff;
	v10 =	vshrl.u32 v19, v10;
	v14 =	vand.u32 $0x1, v14  }
0x121: {  	v12 =	vand.u32 $0x1F, v12;
	v11 =	vshrl.u32 v21, v11;
	v10 =	vand.u32 $0x1, v10;
	[tilespmem:s29+$0xFFFFFE70] =	vst v14  }
0x122: {  	v13 =	vand.u32 $0x1F, v13;
	v12 =	vshrl.u32 v17, v12;
	[tilespmem:s29+$0xFFFFFEF0] =	vst v10;
	v10 =	vand.u32 $0x1, v11  }
0x123: {  	v8 =	vand.u32 $0x1F, v8;
	v11 =	vshrl.u32 v16, v13;
	[tilespmem:s29+$0xFFFFFF70] =	vst v10;
	v10 =	vand.u32 $0x1, v12  }
0x124: {  	v9 =	vand.u32 $0x1F, v9;
	v8 =	vshrl.u32 v18, v8;
	v11 =	vand.u32 $0x1, v11;
	[tilespmem:s29+$0xFFFFFFF0] =	vst v10  }
0x125: {  	v9 =	vshrl.u32 v15, v9;
	v8 =	vand.u32 $0x1, v8;
	[tilespmem:s29+$0x70] =	vst v11  }
0x126: {  	v9 =	vand.u32 $0x1, v9;
	[tilespmem:s29+$0xF0] =	vst v8  }
0x127: {  	[tilespmem:s29+$0x170] =	vst v9  }
0x128: {  	[hbm4b:s6+s19] =	stream.strided.scatter [tilespmem:s21], [sflag:$0x3], $0x8000, s20, s19, $0x38;
	[tilespmem:$0x1C000] =	vst v63  }
0x129: {  	_ = 	snop  }
0x12a: {  	[tilespmem:s15], [sflag:$0x1] =	stream.strided.gather [hbm4b:s7+s13], $0x4000, s14, s13, $0x38;
	[tilespmem:$0x1C000] =	vst v63  }
0x12b: {  	_ =	swait.ge [sflag:s22], $0x4000  }
0x12c: {  	[sflag:s22] =	ssyncset.done $0x0  }
0x12d: {  	s29 =	simm.s32 $0x8100;
	[sflag:s22] =	ssyncadd.s32 $0xFFFFC000  }
0x12e: {  	v8 =	vld [tilespmem:s29+$0xC0]  }
0x12f: {  	v9 =	vld [tilespmem:s29+$0xFFFFFF40]  }
0x130: {  	v10 =	vld [tilespmem:s29+$0xFFFFFF80]  }
0x131: {  	v11 =	vld [tilespmem:s29+$0xFFFFFFC0]  }
0x132: {  	v13 =	vld [tilespmem:s29+$0x0]  }
0x133: {  	v14 =	vld [tilespmem:s29+$0xFFFFFF00]  }
0x134: {  	v15 =	vld [tilespmem:s29+$0x40]  }
0x135: {  	v19 =	vld [tilespmem:s29+$0x80];
	v12 =	vshrl.u32 v8, $0x5  }
0x136: {  	v12 =	vand.u32 $0x7F, v12  }
0x137: {  	v16 =	vshrl.u32 v9, $0x5;
	v12 =	vor.u32 v0, v12  }
0x138: {  	v17 =	vand.u32 $0x1F, v9;
	v18 =	vshrl.u32 v10, $0x5;
	v20 =	vshrl.u32 v11, $0x5  }
0x139: {  	v21 =	vshrl.u32 v13, $0x5;
	v22 =	vshrl.u32 v14, $0x5;
	v23 =	vshrl.u32 v15, $0x5  }
0x13a: {  	v24 =	vshrl.u32 v8, $0x15;
	v25 =	vshrl.u32 v19, $0x5;
	v16 =	vand.u32 $0x7F, v16  }
0x13b: {  	v26 =	vand.u32 $0x1F, v8;
	v18 =	vand.u32 $0x7F, v18;
	v16 =	vor.u32 v0, v16  }
0x13c: {  	v27 =	vand.u32 $0x1F, v14;
	v22 =	vand.u32 $0x7F, v22;
	v18 =	vor.u32 v0, v18;
	v12 =	vld.idx.msk [tilespmem:v12+s2+$0x0], $0xffff  }
0x13d: {  	v28 =	vand.u32 $0x1F, v11;
	v20 =	vand.u32 $0x7F, v20;
	v22 =	vor.u32 v0, v22  }
0x13e: {  	v29 =	vand.u32 $0x1F, v13;
	v30 =	vand.u32 $0x1F, v15;
	v20 =	vor.u32 v0, v20  }
0x13f: {  	v31 =	vshrl.u32 v14, $0x15;
	v51 =	vshrl.u32 v9, $0x15;
	v24 =	vadd.s32 v1, v24  }
0x140: {  	v52 =	vshrl.u32 v10, $0x15;
	v34 =	vshrl.u32 v11, $0x15;
	v25 =	vand.u32 $0x7F, v25;
	v16 =	vld.idx.msk [tilespmem:v16+s2+$0x0], $0xffff  }
0x141: {  	v23 =	vand.u32 $0x7F, v23;
	v25 =	vor.u32 v0, v25;
	v18 =	vld.idx.msk [tilespmem:v18+s2+$0x0], $0xffff;
	v12 =	vshrl.u32 v12, v26  }
0x142: {  	s28 =	simm.s32 $0x14200;
	v21 =	vand.u32 $0x7F, v21;
	v23 =	vor.u32 v0, v23;
	v22 =	vld.idx.msk [tilespmem:v22+s2+$0x0], $0xffff;
	v12 =	vand.u32 $0x1, v12  }
0x143: {  	v35 =	vshrl.u32 v13, $0x15;
	v8 =	vshrl.u32 v8, $0x10;
	v21 =	vor.u32 v0, v21;
	v20 =	vld.idx.msk [tilespmem:v20+s2+$0x0], $0xffff;
	[tilespmem:s28+$0x180] =	vst v12  }
0x144: {  	v14 =	vshrl.u32 v14, $0x10;
	v9 =	vshrl.u32 v9, $0x10;
	v13 =	vshrl.u32 v13, $0x10;
	v24 =	vld.idx.msk [tilespmem:v24+s2+$0x0], $0xffff  }
0x145: {  	v31 =	vadd.s32 v1, v31;
	v32 =	vadd.s32 v1, v51;
	v8 =	vand.u32 $0x1F, v8  }
0x146: {  	v14 =	vand.u32 $0x1F, v14;
	v9 =	vand.u32 $0x1F, v9;
	v25 =	vld.idx.msk [tilespmem:v25+s2+$0x0], $0xffff;
	v16 =	vshrl.u32 v16, v17  }
0x147: {  	v23 =	vld.idx.msk [tilespmem:v23+s2+$0x0], $0xffff;
	v26 =	vand.u32 $0x1F, v10;
	v22 =	vshrl.u32 v22, v27;
	v16 =	vand.u32 $0x1, v16  }
0x148: {  	v17 =	vld.idx.msk [tilespmem:v21+s2+$0x0], $0xffff;
	v21 =	vshrl.u32 v15, $0x15;
	v22 =	vand.u32 $0x1, v22;
	[tilespmem:s28+$0xFFFFFE80] =	vst v16;
	v16 =	vadd.s32 v1, v52  }
0x149: {  	v20 =	vshrl.u32 v20, v28;
	v18 =	vshrl.u32 v18, v26;
	[tilespmem:s28+$0xFFFFFE00] =	vst v22;
	v8 =	vshrl.u32 v24, v8  }
0x14a: {  	v12 =	vand.u32 $0x1F, v19;
	v27 =	vld.idx.msk [tilespmem:v31+s2+$0x0], $0xffff;
	v24 =	vadd.s32 v1, v34;
	v8 =	vand.u32 $0x1, v8  }
0x14b: {  	v18 =	vand.u32 $0x1, v18;
	v22 =	vadd.s32 v1, v35;
	v12 =	vshrl.u32 v25, v12;
	v25 =	vld.idx.msk [tilespmem:v32+s2+$0x0], $0xffff;
	[tilespmem:s28+$0x1C0] =	vst v8  }
0x14c: {  	v26 =	vshrl.u32 v19, $0x15;
	[tilespmem:s28+$0xFFFFFF00] =	vst v18;
	v18 =	vadd.s32 v1, v21;
	v8 =	vand.u32 $0x1, v20;
	v20 =	vld [tilespmem:s29+$0xD0]  }
0x14d: {  	v21 =	vshrl.u32 v23, v30;
	v23 =	vadd.s32 v1, v26;
	v17 =	vshrl.u32 v17, v29;
	v16 =	vld.idx.msk [tilespmem:v16+s2+$0x0], $0xffff  }
0x14e: {  	v13 =	vand.u32 $0x1F, v13;
	v10 =	vshrl.u32 v10, $0x10;
	v17 =	vand.u32 $0x1, v17;
	[tilespmem:s28+$0xFFFFFF80] =	vst v8  }
0x14f: {  	v10 =	vand.u32 $0x1F, v10;
	v12 =	vand.u32 $0x1, v12;
	[tilespmem:s28+$0x0] =	vst v17;
	v8 =	vand.u32 $0x1, v21;
	v17 =	vld.idx.msk [tilespmem:v24+s2+$0x0], $0xffff  }
0x150: {  	v14 =	vshrl.u32 v27, v14;
	v9 =	vshrl.u32 v25, v9;
	[tilespmem:s28+$0x80] =	vst v8;
	v8 =	vshrl.u32 v11, $0x10;
	v11 =	vld.idx.msk [tilespmem:v22+s2+$0x0], $0xffff  }
0x151: {  	[tilespmem:s28+$0x100] =	vst v12;
	v14 =	vand.u32 $0x1, v14;
	v9 =	vand.u32 $0x1, v9;
	v12 =	vld.idx.msk [tilespmem:v18+s2+$0x0], $0xffff;
	v18 =	vshrl.u32 v20, $0x5  }
0x152: {  	[tilespmem:s28+$0xFFFFFE40] =	vst v14;
	v21 =	vld.idx.msk [tilespmem:v23+s2+$0x0], $0xffff;
	v10 =	vshrl.u32 v16, v10;
	v8 =	vand.u32 $0x1F, v8;
	v14 =	vand.u32 $0x7F, v18  }
0x153: {  	[tilespmem:s28+$0xFFFFFEC0] =	vst v9;
	v9 =	vand.u32 $0x1, v10;
	v10 =	vshrl.u32 v15, $0x10;
	v18 =	vld [tilespmem:s29+$0xFFFFFF10];
	v14 =	vor.u32 v2, v14  }
0x154: {  	v15 =	vld [tilespmem:s29+$0xFFFFFF50];
	[tilespmem:s28+$0xFFFFFF40] =	vst v9;
	v9 =	vshrl.u32 v19, $0x10;
	v10 =	vand.u32 $0x1F, v10;
	v8 =	vshrl.u32 v17, v8  }
0x155: {  	v19 =	vshrl.u32 v20, $0x15;
	v11 =	vshrl.u32 v11, v13;
	v13 =	vld [tilespmem:s29+$0xFFFFFF90];
	v8 =	vand.u32 $0x1, v8  }
0x156: {  	v24 =	vand.u32 $0x1F, v20;
	v20 =	vshrl.u32 v20, $0x10;
	v19 =	vadd.s32 v3, v19;
	[tilespmem:s28+$0xFFFFFFC0] =	vst v8  }
0x157: {  	v10 =	vshrl.u32 v12, v10;
	v8 =	vand.u32 $0x1F, v9;
	v9 =	vand.u32 $0x1, v11;
	v11 =	vld [tilespmem:s29+$0xFFFFFFD0]  }
0x158: {  	[tilespmem:s28+$0x40] =	vst v9;
	v9 =	vand.u32 $0x1, v10;
	v8 =	vshrl.u32 v21, v8;
	v10 =	vshrl.u32 v18, $0x5;
	v12 =	vld.idx.msk [tilespmem:v14+s2+$0x0], $0xffff  }
0x159: {  	v20 =	vand.u32 $0x1F, v20;
	v8 =	vand.u32 $0x1, v8;
	v16 =	vld [tilespmem:s29+$0x10];
	[tilespmem:s28+$0xC0] =	vst v9;
	v10 =	vand.u32 $0x7F, v10  }
0x15a: {  	v17 =	vand.u32 $0x1F, v15;
	v22 =	vshrl.u32 v13, $0x5;
	[tilespmem:s28+$0x140] =	vst v8;
	v8 =	vor.u32 v2, v10  }
0x15b: {  	v30 =	vshrl.u32 v15, $0x15;
	v9 =	vshrl.u32 v15, $0x5;
	v21 =	vld [tilespmem:s29+$0x50];
	v22 =	vand.u32 $0x7F, v22  }
0x15c: {  	v27 =	vand.u32 $0x1F, v13;
	v9 =	vand.u32 $0x7F, v9;
	v22 =	vor.u32 v2, v22  }
0x15d: {  	v23 =	vld [tilespmem:s29+$0x90];
	v9 =	vor.u32 v2, v9;
	v12 =	vshrl.u32 v12, v24;
	v24 =	vshrl.u32 v11, $0x5  }
0x15e: {  	v25 =	vshrl.u32 v16, $0x5;
	v12 =	vand.u32 $0x1, v12;
	v24 =	vand.u32 $0x7F, v24  }
0x15f: {  	v54 =	vshrl.u32 v13, $0x15;
	v25 =	vand.u32 $0x7F, v25;
	v8 =	vld.idx.msk [tilespmem:v8+s2+$0x0], $0xffff;
	[tilespmem:s28+$0x190] =	vst v12;
	v12 =	vor.u32 v2, v24  }
0x160: {  	v15 =	vshrl.u32 v15, $0x10;
	v25 =	vor.u32 v2, v25;
	v24 =	vshrl.u32 v21, $0x5;
	v19 =	vld.idx.msk [tilespmem:v19+s2+$0x0], $0xffff  }
0x161: {  	v14 =	vand.u32 $0x1F, v18;
	v15 =	vand.u32 $0x1F, v15;
	v22 =	vld.idx.msk [tilespmem:v22+s2+$0x0], $0xffff;
	v24 =	vand.u32 $0x7F, v24  }
0x162: {  	v10 =	vshrl.u32 v18, $0x15;
	v26 =	vshrl.u32 v23, $0x5;
	v9 =	vld.idx.msk [tilespmem:v9+s2+$0x0], $0xffff;
	v24 =	vor.u32 v2, v24  }
0x163: {  	v18 =	vshrl.u32 v18, $0x10;
	v10 =	vadd.s32 v3, v10;
	v26 =	vand.u32 $0x7F, v26  }
0x164: {  	v18 =	vand.u32 $0x1F, v18;
	v28 =	vand.u32 $0x1F, v11;
	v26 =	vor.u32 v2, v26;
	v12 =	vld.idx.msk [tilespmem:v12+s2+$0x0], $0xffff  }
0x165: {  	v29 =	vand.u32 $0x1F, v16;
	v25 =	vld.idx.msk [tilespmem:v25+s2+$0x0], $0xffff;
	v8 =	vshrl.u32 v8, v14;
	v19 =	vshrl.u32 v19, v20  }
0x166: {  	v22 =	vshrl.u32 v22, v27;
	v27 =	vadd.s32 v3, v30;
	v19 =	vand.u32 $0x1, v19  }
0x167: {  	v55 =	vshrl.u32 v16, $0x15;
	v9 =	vshrl.u32 v9, v17;
	v8 =	vand.u32 $0x1, v8;
	v17 =	vld.idx.msk [tilespmem:v24+s2+$0x0], $0xffff;
	[tilespmem:s28+$0x1D0] =	vst v19  }
0x168: {  	v31 =	vand.u32 $0x1F, v21;
	v9 =	vand.u32 $0x1, v9;
	[tilespmem:s28+$0xFFFFFE10] =	vst v8;
	v8 =	vadd.s32 v3, v55;
	v19 =	vld [tilespmem:s29+$0xE0]  }
0x169: {  	v20 =	vshrl.u32 v11, $0x15;
	v26 =	vld.idx.msk [tilespmem:v26+s2+$0x0], $0xffff;
	v12 =	vshrl.u32 v12, v28;
	v28 =	vadd.s32 v3, v54  }
0x16a: {  	v22 =	vand.u32 $0x1, v22;
	[tilespmem:s28+$0xFFFFFE90] =	vst v9;
	v20 =	vadd.s32 v3, v20;
	v10 =	vld.idx.msk [tilespmem:v10+s2+$0x0], $0xffff;
	v25 =	vshrl.u32 v25, v29  }
0x16b: {  	v53 =	vand.u32 $0x1F, v23;
	v14 =	vshrl.u32 v21, $0x15;
	[tilespmem:s28+$0xFFFFFF10] =	vst v22;
	v22 =	vld.idx.msk [tilespmem:v27+s2+$0x0], $0xffff;
	v25 =	vand.u32 $0x1, v25  }
0x16c: {  	v14 =	vadd.s32 v3, v14;
	v24 =	vshrl.u32 v23, $0x15;
	v12 =	vand.u32 $0x1, v12;
	[tilespmem:s28+$0x10] =	vst v25  }
0x16d: {  	v9 =	vshrl.u32 v17, v31;
	v17 =	vadd.s32 v3, v24;
	v8 =	vld.idx.msk [tilespmem:v8+s2+$0x0], $0xffff;
	v24 =	vshrl.u32 v19, $0x5  }
0x16e: {  	[tilespmem:s28+$0xFFFFFF90] =	vst v12;
	v12 =	vshrl.u32 v26, v53;
	v9 =	vand.u32 $0x1, v9;
	v24 =	vand.u32 $0x7F, v24;
	v26 =	vld.idx.msk [tilespmem:v28+s2+$0x0], $0xffff  }
0x16f: {  	v10 =	vshrl.u32 v10, v18;
	v12 =	vand.u32 $0x1, v12;
	v20 =	vld.idx.msk [tilespmem:v20+s2+$0x0], $0xffff;
	[tilespmem:s28+$0x90] =	vst v9;
	v24 =	vor.u32 v4, v24  }
0x170: {  	v13 =	vshrl.u32 v13, $0x10;
	v10 =	vand.u32 $0x1, v10;
	[tilespmem:s28+$0x110] =	vst v12;
	v15 =	vshrl.u32 v22, v15  }
0x171: {  	v11 =	vshrl.u32 v11, $0x10;
	v9 =	vshrl.u32 v16, $0x10;
	[tilespmem:s28+$0xFFFFFE50] =	vst v10;
	v14 =	vld.idx.msk [tilespmem:v14+s2+$0x0], $0xffff;
	v10 =	vand.u32 $0x1, v15  }
0x172: {  	v13 =	vand.u32 $0x1F, v13;
	v11 =	vand.u32 $0x1F, v11;
	v9 =	vand.u32 $0x1F, v9;
	[tilespmem:s28+$0xFFFFFED0] =	vst v10;
	v17 =	vld.idx.msk [tilespmem:v17+s2+$0x0], $0xffff  }
0x173: {  	v16 =	vshrl.u32 v21, $0x10;
	v8 =	vshrl.u32 v8, v9;
	v9 =	vld [tilespmem:s29+$0xFFFFFF60];
	v13 =	vshrl.u32 v26, v13  }
0x174: {  	v12 =	vshrl.u32 v23, $0x10;
	v11 =	vshrl.u32 v20, v11;
	v15 =	vld.idx.msk [tilespmem:v24+s2+$0x0], $0xffff;
	v10 =	vand.u32 $0x1, v13  }
0x175: {  	v16 =	vand.u32 $0x1F, v16;
	v8 =	vand.u32 $0x1, v8;
	v13 =	vld [tilespmem:s29+$0xFFFFFF20];
	[tilespmem:s28+$0xFFFFFF50] =	vst v10;
	v10 =	vand.u32 $0x1, v11  }
0x176: {  	v11 =	vand.u32 $0x1F, v12;
	[tilespmem:s28+$0xFFFFFFD0] =	vst v10;
	v10 =	vshrl.u32 v14, v16;
	v16 =	vand.u32 $0x1F, v19  }
0x177: {  	[tilespmem:s28+$0x50] =	vst v8;
	v12 =	vld [tilespmem:s29+$0xFFFFFFA0];
	v8 =	vand.u32 $0x1, v10;
	v10 =	vshrl.u32 v17, v11;
	v11 =	vshrl.u32 v19, $0x15  }
0x178: {  	v14 =	vld [tilespmem:s29+$0xFFFFFFE0];
	v19 =	vshrl.u32 v19, $0x10;
	[tilespmem:s28+$0xD0] =	vst v8;
	v8 =	vand.u32 $0x1, v10;
	v10 =	vadd.s32 v5, v11  }
0x179: {  	v25 =	vand.u32 $0x1F, v9;
	v30 =	vshrl.u32 v9, $0x15;
	v19 =	vand.u32 $0x1F, v19  }
0x17a: {  	v11 =	vld [tilespmem:s29+$0x20];
	v17 =	vshrl.u32 v13, $0x5;
	[tilespmem:s28+$0x150] =	vst v8;
	v8 =	vshrl.u32 v15, v16;
	v16 =	vshrl.u32 v9, $0x5  }
0x17b: {  	v18 =	vand.u32 $0x1F, v13;
	v20 =	vld [tilespmem:s29+$0x60];
	v8 =	vand.u32 $0x1, v8;
	v16 =	vand.u32 $0x7F, v16  }
0x17c: {  	v15 =	vand.u32 $0x7F, v17;
	v21 =	vshrl.u32 v12, $0x5;
	[tilespmem:s28+$0x1A0] =	vst v8;
	v8 =	vor.u32 v4, v16  }
0x17d: {  	v15 =	vor.u32 v4, v15;
	v16 =	vand.u32 $0x7F, v21;
	v21 =	vshrl.u32 v14, $0x5;
	v10 =	vld.idx.msk [tilespmem:v10+s2+$0x0], $0xffff  }
0x17e: {  	v29 =	vshrl.u32 v13, $0x15;
	v17 =	vld [tilespmem:s29+$0xA0];
	v16 =	vor.u32 v4, v16;
	v21 =	vand.u32 $0x7F, v21  }
0x17f: {  	v13 =	vshrl.u32 v13, $0x10;
	v22 =	vshrl.u32 v11, $0x5;
	v21 =	vor.u32 v4, v21  }
0x180: {  	v9 =	vshrl.u32 v9, $0x10;
	v22 =	vand.u32 $0x7F, v22;
	v23 =	vshrl.u32 v20, $0x5  }
0x181: {  	v13 =	vand.u32 $0x1F, v13;
	v22 =	vor.u32 v4, v22;
	v23 =	vand.u32 $0x7F, v23;
	v8 =	vld.idx.msk [tilespmem:v8+s2+$0x0], $0xffff  }
0x182: {  	v26 =	vand.u32 $0x1F, v12;
	v23 =	vor.u32 v4, v23;
	v15 =	vld.idx.msk [tilespmem:v15+s2+$0x0], $0xffff;
	v10 =	vshrl.u32 v10, v19  }
0x183: {  	v31 =	vshrl.u32 v12, $0x15;
	v24 =	vshrl.u32 v17, $0x5;
	v16 =	vld.idx.msk [tilespmem:v16+s2+$0x0], $0xffff;
	v10 =	vand.u32 $0x1, v10  }
0x184: {  	v12 =	vshrl.u32 v12, $0x10;
	v56 =	vshrl.u32 v14, $0x15;
	v24 =	vand.u32 $0x7F, v24;
	v21 =	vld.idx.msk [tilespmem:v21+s2+$0x0], $0xffff;
	[tilespmem:s28+$0x1E0] =	vst v10  }
0x185: {  	v27 =	vand.u32 $0x1F, v11;
	v58 =	vshrl.u32 v11, $0x15;
	v24 =	vor.u32 v4, v24;
	v57 =	vld [tilespmem:s29+$0xF0]  }
0x186: {  	v28 =	vand.u32 $0x1F, v20;
	v22 =	vld.idx.msk [tilespmem:v22+s2+$0x0], $0xffff;
	v8 =	vshrl.u32 v8, v25;
	v25 =	vadd.s32 v5, v29  }
0x187: {  	v19 =	vand.u32 $0x1F, v14;
	v15 =	vshrl.u32 v15, v18;
	v18 =	vshrl.u32 v20, $0x15;
	v23 =	vld.idx.msk [tilespmem:v23+s2+$0x0], $0xffff  }
0x188: {  	v8 =	vand.u32 $0x1, v8;
	v16 =	vshrl.u32 v16, v26;
	v26 =	vadd.s32 v5, v30  }
0x189: {  	v15 =	vand.u32 $0x1, v15;
	[tilespmem:s28+$0xFFFFFEA0] =	vst v8;
	v8 =	vadd.s32 v5, v58;
	v16 =	vand.u32 $0x1, v16  }
0x18a: {  	v24 =	vld.idx.msk [tilespmem:v24+s2+$0x0], $0xffff;
	[tilespmem:s28+$0xFFFFFE20] =	vst v15;
	v19 =	vshrl.u32 v21, v19;
	v21 =	vadd.s32 v5, v31;
	v29 =	vshrl.u32 v57, $0x5  }
0x18b: {  	v22 =	vshrl.u32 v22, v27;
	v27 =	vadd.s32 v5, v56;
	v25 =	vld.idx.msk [tilespmem:v25+s2+$0x0], $0xffff;
	v29 =	vand.u32 $0x7F, v29  }
0x18c: {  	[tilespmem:s28+$0xFFFFFF20] =	vst v16;
	v15 =	vand.u32 $0x1, v22;
	v22 =	vshrl.u32 v23, v28;
	v23 =	vor.u32 v6, v29  }
0x18d: {  	v9 =	vand.u32 $0x1F, v9;
	v12 =	vand.u32 $0x1F, v12;
	v16 =	vadd.s32 v5, v18;
	[tilespmem:s28+$0x20] =	vst v15;
	v18 =	vld.idx.msk [tilespmem:v26+s2+$0x0], $0xffff  }
0x18e: {  	v59 =	vshrl.u32 v17, $0x15;
	v10 =	vand.u32 $0x1F, v17;
	v19 =	vand.u32 $0x1, v19;
	v8 =	vld.idx.msk [tilespmem:v8+s2+$0x0], $0xffff  }
0x18f: {  	[tilespmem:s28+$0xFFFFFFA0] =	vst v19;
	v19 =	vadd.s32 v5, v59;
	v22 =	vand.u32 $0x1, v22;
	v10 =	vshrl.u32 v24, v10;
	v21 =	vld.idx.msk [tilespmem:v21+s2+$0x0], $0xffff  }
0x190: {  	v11 =	vshrl.u32 v11, $0x10;
	v10 =	vand.u32 $0x1, v10;
	[tilespmem:s28+$0xA0] =	vst v22;
	v24 =	vld.idx.msk [tilespmem:v27+s2+$0x0], $0xffff;
	v13 =	vshrl.u32 v25, v13  }
0x191: {  	v14 =	vshrl.u32 v14, $0x10;
	v15 =	vshrl.u32 v17, $0x10;
	[tilespmem:s28+$0x120] =	vst v10;
	v10 =	vand.u32 $0x1, v13;
	v17 =	vld.idx.msk [tilespmem:v23+s2+$0x0], $0xffff  }
0x192: {  	v14 =	vand.u32 $0x1F, v14;
	v20 =	vshrl.u32 v20, $0x10;
	v16 =	vld.idx.msk [tilespmem:v16+s2+$0x0], $0xffff;
	v13 =	vshrl.u32 v57, $0x15;
	[tilespmem:s28+$0xFFFFFE60] =	vst v10  }
0x193: {  	v15 =	vand.u32 $0x1F, v15;
	v9 =	vshrl.u32 v18, v9;
	v13 =	vadd.s32 v7, v13;
	v25 =	vld [tilespmem:s29+$0xFFFFFF30]  }
0x194: {  	v18 =	vld.idx.msk [tilespmem:v19+s2+$0x0], $0xffff;
	v19 =	vand.u32 $0x1F, v11;
	v9 =	vand.u32 $0x1, v9;
	v10 =	vshrl.u32 v21, v12  }
0x195: {  	[tilespmem:s28+$0xFFFFFEE0] =	vst v9;
	v9 =	vand.u32 $0x1, v10;
	v12 =	vshrl.u32 v24, v14;
	v14 =	vand.u32 $0x1F, v57  }
0x196: {  	v8 =	vshrl.u32 v8, v19;
	v10 =	vld [tilespmem:s29+$0xFFFFFF70];
	[tilespmem:s28+$0xFFFFFF60] =	vst v9;
	v9 =	vand.u32 $0x1, v12;
	v12 =	vshrl.u32 v17, v14  }
0x197: {  	v19 =	vshrl.u32 v57, $0x10;
	v11 =	vld [tilespmem:s29+$0xFFFFFFB0];
	[tilespmem:s28+$0xFFFFFFE0] =	vst v9;
	v14 =	vand.u32 $0x1F, v20;
	v9 =	vand.u32 $0x1, v12  }
0x198: {  	v8 =	vand.u32 $0x1, v8;
	v12 =	vld [tilespmem:s29+$0xFFFFFFF0];
	v14 =	vshrl.u32 v16, v14;
	v24 =	vand.u32 $0x1F, v25;
	[tilespmem:s28+$0x1B0] =	vst v9  }
0x199: {  	[tilespmem:s28+$0x60] =	vst v8;
	v29 =	vshrl.u32 v25, $0x15;
	v8 =	vand.u32 $0x1, v14;
	v9 =	vshrl.u32 v18, v15;
	v14 =	vld.idx.msk [tilespmem:v13+s2+$0x0], $0xffff  }
0x19a: {  	v15 =	vshrl.u32 v25, $0x5;
	v31 =	vadd.s32 v7, v29;
	v13 =	vld [tilespmem:s29+$0x30];
	[tilespmem:s28+$0xE0] =	vst v8;
	v9 =	vand.u32 $0x1, v9  }
0x19b: {  	v15 =	vand.u32 $0x7F, v15;
	v16 =	vshrl.u32 v10, $0x5;
	v26 =	vand.u32 $0x1F, v10;
	v8 =	vld [tilespmem:s29+$0x70];
	[tilespmem:s28+$0x160] =	vst v9  }
0x19c: {  	v15 =	vor.u32 v6, v15;
	v16 =	vand.u32 $0x7F, v16;
	v17 =	vshrl.u32 v11, $0x5;
	v9 =	vld [tilespmem:s29+$0xB0]  }
0x19d: {  	v17 =	vand.u32 $0x7F, v17;
	v20 =	vor.u32 v6, v16;
	v18 =	vshrl.u32 v12, $0x5  }
0x19e: {  	v22 =	vor.u32 v6, v17;
	v16 =	vand.u32 $0x7F, v18;
	v18 =	vand.u32 $0x1F, v19  }
0x19f: {  	v17 =	vshrl.u32 v13, $0x5;
	v14 =	vshrl.u32 v14, v18;
	v23 =	vor.u32 v6, v16  }
0x1a0: {  	v17 =	vand.u32 $0x7F, v17;
	v18 =	vshrl.u32 v8, $0x5;
	v28 =	vand.u32 $0x1, v14  }
0x1a1: {  	v15 =	vld.idx.msk [tilespmem:v15+s2+$0x0], $0xffff;
	v14 =	vand.u32 $0x7F, v18;
	v16 =	vshrl.u32 v9, $0x5;
	v27 =	vor.u32 v6, v17  }
0x1a2: {  	v62 =	vshrl.u32 v10, $0x15;
	v30 =	vor.u32 v6, v14;
	v14 =	vand.u32 $0x7F, v16  }
0x1a3: {  	v63 =	vshrl.u32 v11, $0x15;
	v32 =	vadd.s32 v7, v62;
	v61 =	vld.idx.msk [tilespmem:v20+s2+$0x0], $0xffff;
	v60 =	vor.u32 v6, v14  }
0x1a4: {  	v29 =	vadd.s32 v7, v63;
	v36 =	vshrl.u32 v12, $0x15;
	v19 =	vand.u32 $0x1F, v13;
	v18 =	vld.idx.msk [tilespmem:v22+s2+$0x0], $0xffff  }
0x1a5: {  	v21 =	vand.u32 $0x1F, v8;
	v17 =	vand.u32 $0x1F, v12;
	v20 =	vshrl.u32 v8, $0x15;
	v23 =	vld.idx.msk [tilespmem:v23+s2+$0x0], $0xffff  }
0x1a6: {  	v16 =	vand.u32 $0x1F, v11;
	v22 =	vshrl.u32 v13, $0x15;
	v15 =	vshrl.u32 v15, v24;
	v27 =	vld.idx.msk [tilespmem:v27+s2+$0x0], $0xffff  }
0x1a7: {  	[tilespmem:s28+$0x1F0] =	vst v28;
	v14 =	vand.u32 $0x1F, v9;
	v24 =	vshrl.u32 v9, $0x15;
	v15 =	vand.u32 $0x1, v15;
	v28 =	vld.idx.msk [tilespmem:v30+s2+$0x0], $0xffff  }
0x1a8: {  	s30 =	simm.s32 $0x0;
	s31 =	simm.s32 $0x8300;
	s29 =	simm.s32 $0x14200;
	[tilespmem:s28+$0xFFFFFE30] =	vst v15;
	v15 =	vshrl.u32 v25, $0x10;
	v25 =	vshrl.u32 v61, v26;
	v30 =	vadd.s32 v7, v36;
	v33 =	vld.idx.msk [tilespmem:v60+s2+$0x0], $0xffff  }
.LBB2_4:
0x1a9: {  	v26 =	vld [tilespmem:s31+$0xC0];
	s30 =	sadd.s32 $0x8, s30;
	v25 =	vand.u32 $0x1, v25;
	v16 =	vshrl.u32 v18, v16;
	v34 =	vadd.s32 v7, v22  }
0x1aa: {  	v35 =	vadd.s32 v7, v20;
	v22 =	vld [tilespmem:s31+$0xFFFFFF40];
	p0 =	slt.u32 s30, $0xF8;
	[tilespmem:s28+$0xFFFFFEB0] =	vst v25;
	v18 =	vand.u32 $0x1, v16;
	v16 =	vadd.s32 v7, v24  }
0x1ab: {  	v20 =	vshrl.u32 v10, $0x10;
	v10 =	vshrl.u32 v23, v17;
	v24 =	vld [tilespmem:s31+$0xFFFFFF80];
	[tilespmem:s28+$0xFFFFFF30] =	vst v18;
	v18 =	vshrl.u32 v11, $0x10  }
0x1ac: {  	v17 =	vshrl.u32 v12, $0x10;
	v10 =	vand.u32 $0x1, v10;
	v11 =	vshrl.u32 v27, v19;
	v25 =	vld [tilespmem:s31+$0xFFFFFFC0]  }
0x1ad: {  	v19 =	vshrl.u32 v13, $0x10;
	v27 =	vld [tilespmem:s31+$0x0];
	[tilespmem:s28+$0xFFFFFFB0] =	vst v10;
	v10 =	vand.u32 $0x1, v11;
	v11 =	vshrl.u32 v28, v21  }
0x1ae: {  	v23 =	vshrl.u32 v33, v14;
	v28 =	vld [tilespmem:s31+$0x40];
	v12 =	vshrl.u32 v26, $0x5;
	[tilespmem:s28+$0x30] =	vst v10;
	v10 =	vand.u32 $0x1, v11  }
0x1af: {  	v11 =	vshrl.u32 v22, $0x5;
	v13 =	vand.u32 $0x1F, v22;
	v33 =	vld [tilespmem:s31+$0x80];
	v12 =	vand.u32 $0x7F, v12;
	[tilespmem:s28+$0xB0] =	vst v10  }
0x1b0: {  	v36 =	vld [tilespmem:s31+$0xFFFFFF00];
	v10 =	vand.u32 $0x7F, v11;
	v11 =	vshrl.u32 v24, $0x5;
	v14 =	vor.u32 v0, v12  }
0x1b1: {  	v37 =	vor.u32 v0, v10;
	v10 =	vand.u32 $0x7F, v11;
	v11 =	vshrl.u32 v25, $0x5;
	v21 =	vld.idx.msk [tilespmem:v31+s2+$0x0], $0xffff  }
0x1b2: {  	v31 =	vor.u32 v0, v10;
	v10 =	vand.u32 $0x7F, v11;
	v12 =	vshrl.u32 v27, $0x5;
	v11 =	vld.idx.msk [tilespmem:v32+s2+$0x0], $0xffff  }
0x1b3: {  	v32 =	vor.u32 v0, v10;
	v10 =	vand.u32 $0x7F, v12;
	v38 =	vshrl.u32 v28, $0x5;
	v12 =	vld.idx.msk [tilespmem:v29+s2+$0x0], $0xffff  }
0x1b4: {  	v29 =	vor.u32 v0, v10;
	v38 =	vand.u32 $0x7F, v38;
	v39 =	vshrl.u32 v33, $0x5;
	v10 =	vld.idx.msk [tilespmem:v30+s2+$0x0], $0xffff  }
0x1b5: {  	v30 =	vshrl.u32 v36, $0x5;
	v38 =	vor.u32 v0, v38;
	v39 =	vand.u32 $0x7F, v39;
	v14 =	vld.idx.msk [tilespmem:v14+s2+$0x0], $0xffff  }
0x1b6: {  	v40 =	vand.u32 $0x1F, v36;
	v30 =	vand.u32 $0x7F, v30;
	v37 =	vld.idx.msk [tilespmem:v37+s2+$0x0], $0xffff;
	v39 =	vor.u32 v0, v39  }
0x1b7: {  	v41 =	vand.u32 $0x1F, v24;
	v42 =	vand.u32 $0x1F, v25;
	v30 =	vor.u32 v0, v30;
	v31 =	vld.idx.msk [tilespmem:v31+s2+$0x0], $0xffff  }
0x1b8: {  	v45 =	vshrl.u32 v26, $0x15;
	v43 =	vand.u32 $0x1F, v27;
	v44 =	vand.u32 $0x1F, v28;
	v32 =	vld.idx.msk [tilespmem:v32+s2+$0x0], $0xffff  }
0x1b9: {  	v45 =	vadd.s32 v1, v45;
	v47 =	vand.u32 $0x1F, v33;
	v46 =	vshrl.u32 v36, $0x15;
	v29 =	vld.idx.msk [tilespmem:v29+s2+$0x0], $0xffff  }
0x1ba: {  	v50 =	vand.u32 $0x1F, v26;
	v48 =	vshrl.u32 v22, $0x15;
	v49 =	vshrl.u32 v24, $0x15;
	v38 =	vld.idx.msk [tilespmem:v38+s2+$0x0], $0xffff  }
0x1bb: {  	v51 =	vshrl.u32 v25, $0x15;
	v52 =	vshrl.u32 v27, $0x15;
	v14 =	vshrl.u32 v14, v50;
	v39 =	vld.idx.msk [tilespmem:v39+s2+$0x0], $0xffff  }
0x1bc: {  	s28 =	sadd.s32 $0x400, s28;
	v13 =	vshrl.u32 v37, v13;
	v37 =	vshrl.u32 v28, $0x15;
	v14 =	vand.u32 $0x1, v14;
	v30 =	vld.idx.msk [tilespmem:v30+s2+$0x0], $0xffff  }
0x1bd: {  	v50 =	vand.u32 $0x1, v13;
	v31 =	vshrl.u32 v31, v41;
	v41 =	vshrl.u32 v33, $0x15;
	[tilespmem:s28+$0x180] =	vst v14;
	v13 =	vld.idx.msk [tilespmem:v34+s2+$0x0], $0xffff  }
0x1be: {  	v34 =	vadd.s32 v1, v46;
	v14 =	vand.u32 $0x1, v31;
	v31 =	vshrl.u32 v32, v42;
	[tilespmem:s28+$0xFFFFFE80] =	vst v50;
	v32 =	vld.idx.msk [tilespmem:v45+s2+$0x0], $0xffff  }
0x1bf: {  	v42 =	vadd.s32 v1, v48;
	v31 =	vand.u32 $0x1, v31;
	v29 =	vshrl.u32 v29, v43;
	[tilespmem:s28+$0xFFFFFF00] =	vst v14;
	v14 =	vld.idx.msk [tilespmem:v35+s2+$0x0], $0xffff  }
0x1c0: {  	v35 =	vadd.s32 v1, v49;
	v29 =	vand.u32 $0x1, v29;
	[tilespmem:s28+$0xFFFFFF80] =	vst v31;
	v31 =	vshrl.u32 v38, v44  }
0x1c1: {  	v38 =	vadd.s32 v1, v51;
	[tilespmem:s28+$0x0] =	vst v29;
	v29 =	vand.u32 $0x1, v31;
	v31 =	vshrl.u32 v39, v47  }
0x1c2: {  	v26 =	vshrl.u32 v26, $0x10;
	v30 =	vshrl.u32 v30, v40;
	[tilespmem:s28+$0x80] =	vst v29;
	v29 =	vand.u32 $0x1, v31  }
0x1c3: {  	v26 =	vand.u32 $0x1F, v26;
	v30 =	vand.u32 $0x1, v30;
	v31 =	vadd.s32 v1, v52;
	[tilespmem:s28+$0x100] =	vst v29  }
0x1c4: {  	v29 =	vadd.s32 v1, v37;
	v26 =	vshrl.u32 v32, v26;
	[tilespmem:s28+$0xFFFFFE00] =	vst v30;
	v30 =	vadd.s32 v1, v41  }
0x1c5: {  	v22 =	vshrl.u32 v22, $0x10;
	v32 =	vshrl.u32 v36, $0x10;
	v26 =	vand.u32 $0x1, v26;
	v34 =	vld.idx.msk [tilespmem:v34+s2+$0x0], $0xffff  }
0x1c6: {  	v25 =	vshrl.u32 v25, $0x10;
	v27 =	vshrl.u32 v27, $0x10;
	v37 =	vshrl.u32 v24, $0x10;
	v36 =	vld.idx.msk [tilespmem:v42+s2+$0x0], $0xffff;
	[tilespmem:s28+$0x1C0] =	vst v26  }
0x1c7: {  	v28 =	vshrl.u32 v28, $0x10;
	v26 =	vand.u32 $0x1F, v32;
	v32 =	vshrl.u32 v33, $0x10;
	v24 =	vld [tilespmem:s31+$0xD0]  }
0x1c8: {  	v22 =	vand.u32 $0x1F, v22;
	v25 =	vand.u32 $0x1F, v25;
	v33 =	vld.idx.msk [tilespmem:v35+s2+$0x0], $0xffff;
	v35 =	vand.u32 $0x1F, v37  }
0x1c9: {  	v27 =	vand.u32 $0x1F, v27;
	v28 =	vand.u32 $0x1F, v28;
	v32 =	vand.u32 $0x1F, v32;
	v37 =	vld.idx.msk [tilespmem:v38+s2+$0x0], $0xffff  }
0x1ca: {  	v39 =	vshrl.u32 v9, $0x10;
	v38 =	vshrl.u32 v8, $0x10;
	v8 =	vand.u32 $0x1, v23;
	v31 =	vld.idx.msk [tilespmem:v31+s2+$0x0], $0xffff  }
0x1cb: {  	v9 =	vand.u32 $0x1F, v20;
	v23 =	vshrl.u32 v34, v26;
	v26 =	vld.idx.msk [tilespmem:v29+s2+$0x0], $0xffff;
	v29 =	vand.u32 $0x1F, v15;
	[tilespmem:s29+$0x130] =	vst v8  }
0x1cc: {  	v8 =	vand.u32 $0x1, v23;
	v15 =	vshrl.u32 v36, v22;
	v30 =	vld.idx.msk [tilespmem:v30+s2+$0x0], $0xffff;
	v20 =	vshrl.u32 v24, $0x5  }
0x1cd: {  	v18 =	vand.u32 $0x1F, v18;
	v15 =	vand.u32 $0x1, v15;
	[tilespmem:s28+$0xFFFFFE40] =	vst v8;
	v20 =	vand.u32 $0x7F, v20;
	v8 =	vld.idx.msk [tilespmem:v16+s2+$0x0], $0xffff  }
0x1ce: {  	v22 =	vld [tilespmem:s31+$0xFFFFFF10];
	[tilespmem:s28+$0xFFFFFEC0] =	vst v15;
	v15 =	vshrl.u32 v33, v35;
	v33 =	vor.u32 v2, v20;
	v20 =	vand.u32 $0x1F, v17  }
0x1cf: {  	v19 =	vand.u32 $0x1F, v19;
	v16 =	vshrl.u32 v37, v25;
	v23 =	vld [tilespmem:s31+$0xFFFFFF50];
	v15 =	vand.u32 $0x1, v15  }
0x1d0: {  	v17 =	vand.u32 $0x1F, v38;
	[tilespmem:s28+$0xFFFFFF40] =	vst v15;
	v15 =	vand.u32 $0x1, v16;
	v16 =	vshrl.u32 v31, v27  }
0x1d1: {  	v26 =	vshrl.u32 v26, v28;
	v25 =	vld [tilespmem:s31+$0xFFFFFF90];
	[tilespmem:s28+$0xFFFFFFC0] =	vst v15;
	v16 =	vand.u32 $0x1, v16;
	v15 =	vand.u32 $0x1F, v39  }
0x1d2: {  	v26 =	vand.u32 $0x1, v26;
	v28 =	vshrl.u32 v30, v32;
	v27 =	vld [tilespmem:s31+$0xFFFFFFD0];
	[tilespmem:s28+$0x40] =	vst v16;
	v16 =	vshrl.u32 v21, v29  }
0x1d3: {  	v21 =	vshrl.u32 v22, $0x5;
	v29 =	vand.u32 $0x1F, v22;
	[tilespmem:s28+$0xC0] =	vst v26;
	v26 =	vand.u32 $0x1, v28;
	v28 =	vld.idx.msk [tilespmem:v33+s2+$0x0], $0xffff  }
0x1d4: {  	v21 =	vand.u32 $0x7F, v21;
	v30 =	vshrl.u32 v23, $0x5;
	v31 =	vand.u32 $0x1F, v23;
	v32 =	vld [tilespmem:s31+$0x10];
	[tilespmem:s28+$0x140] =	vst v26  }
0x1d5: {  	v26 =	vshrl.u32 v22, $0x15;
	v21 =	vor.u32 v2, v21;
	v30 =	vand.u32 $0x7F, v30;
	v33 =	vld [tilespmem:s31+$0x50]  }
0x1d6: {  	v36 =	vshrl.u32 v24, $0x15;
	v30 =	vor.u32 v2, v30;
	v34 =	vshrl.u32 v25, $0x5;
	v35 =	vld [tilespmem:s31+$0x90]  }
0x1d7: {  	v36 =	vadd.s32 v3, v36;
	v34 =	vand.u32 $0x7F, v34;
	v37 =	vshrl.u32 v27, $0x5  }
0x1d8: {  	v38 =	vand.u32 $0x1F, v24;
	v34 =	vor.u32 v2, v34;
	v37 =	vand.u32 $0x7F, v37  }
0x1d9: {  	v28 =	vshrl.u32 v28, v38;
	v37 =	vor.u32 v2, v37;
	v39 =	vshrl.u32 v32, $0x5  }
0x1da: {  	v28 =	vand.u32 $0x1, v28;
	v21 =	vld.idx.msk [tilespmem:v21+s2+$0x0], $0xffff;
	v38 =	vand.u32 $0x7F, v39;
	v39 =	vshrl.u32 v33, $0x5  }
0x1db: {  	v30 =	vld.idx.msk [tilespmem:v30+s2+$0x0], $0xffff;
	v38 =	vor.u32 v2, v38;
	v39 =	vand.u32 $0x7F, v39;
	v40 =	vshrl.u32 v35, $0x5;
	[tilespmem:s28+$0x190] =	vst v28  }
0x1dc: {  	v28 =	vand.u32 $0x1F, v25;
	v39 =	vor.u32 v2, v39;
	v40 =	vand.u32 $0x7F, v40;
	v36 =	vld.idx.msk [tilespmem:v36+s2+$0x0], $0xffff  }
0x1dd: {  	v41 =	vand.u32 $0x1F, v27;
	v42 =	vand.u32 $0x1F, v32;
	v34 =	vld.idx.msk [tilespmem:v34+s2+$0x0], $0xffff;
	v40 =	vor.u32 v2, v40  }
0x1de: {  	v43 =	vshrl.u32 v23, $0x15;
	v44 =	vand.u32 $0x1F, v33;
	v45 =	vand.u32 $0x1F, v35;
	v37 =	vld.idx.msk [tilespmem:v37+s2+$0x0], $0xffff  }
0x1df: {  	v46 =	vshrl.u32 v25, $0x15;
	v47 =	vshrl.u32 v27, $0x15;
	v48 =	vshrl.u32 v32, $0x15  }
0x1e0: {  	v24 =	vshrl.u32 v24, $0x10;
	v21 =	vshrl.u32 v21, v29;
	v29 =	vld.idx.msk [tilespmem:v38+s2+$0x0], $0xffff;
	v38 =	vshrl.u32 v33, $0x15  }
0x1e1: {  	v24 =	vand.u32 $0x1F, v24;
	v21 =	vand.u32 $0x1, v21;
	v30 =	vshrl.u32 v30, v31;
	v31 =	vld.idx.msk [tilespmem:v39+s2+$0x0], $0xffff  }
0x1e2: {  	v39 =	vshrl.u32 v35, $0x15;
	v24 =	vshrl.u32 v36, v24;
	[tilespmem:s28+$0xFFFFFE10] =	vst v21;
	v21 =	vand.u32 $0x1, v30;
	v30 =	vld.idx.msk [tilespmem:v40+s2+$0x0], $0xffff  }
0x1e3: {  	v26 =	vadd.s32 v3, v26;
	v24 =	vand.u32 $0x1, v24;
	[tilespmem:s28+$0xFFFFFE90] =	vst v21;
	v21 =	vshrl.u32 v34, v28  }
0x1e4: {  	v28 =	vadd.s32 v3, v43;
	v34 =	vshrl.u32 v37, v41;
	v21 =	vand.u32 $0x1, v21;
	[tilespmem:s28+$0x1D0] =	vst v24  }
0x1e5: {  	v36 =	vadd.s32 v3, v47;
	v24 =	vadd.s32 v3, v46;
	v34 =	vand.u32 $0x1, v34;
	[tilespmem:s28+$0xFFFFFF10] =	vst v21;
	v21 =	vld [tilespmem:s31+$0xE0]  }
0x1e6: {  	v37 =	vadd.s32 v3, v38;
	v29 =	vshrl.u32 v29, v42;
	[tilespmem:s28+$0xFFFFFF90] =	vst v34;
	v34 =	vadd.s32 v3, v48  }
0x1e7: {  	v38 =	vadd.s32 v3, v39;
	v29 =	vand.u32 $0x1, v29;
	v31 =	vshrl.u32 v31, v44  }
0x1e8: {  	v22 =	vshrl.u32 v22, $0x10;
	v30 =	vshrl.u32 v30, v45;
	v26 =	vld.idx.msk [tilespmem:v26+s2+$0x0], $0xffff;
	[tilespmem:s28+$0x10] =	vst v29;
	v29 =	vand.u32 $0x1, v31  }
0x1e9: {  	v23 =	vshrl.u32 v23, $0x10;
	v25 =	vshrl.u32 v25, $0x10;
	v28 =	vld.idx.msk [tilespmem:v28+s2+$0x0], $0xffff;
	[tilespmem:s28+$0x90] =	vst v29;
	v29 =	vand.u32 $0x1, v30  }
0x1ea: {  	v27 =	vshrl.u32 v27, $0x10;
	v30 =	vshrl.u32 v32, $0x10;
	v24 =	vld.idx.msk [tilespmem:v24+s2+$0x0], $0xffff;
	[tilespmem:s28+$0x110] =	vst v29;
	v29 =	vshrl.u32 v21, $0x5  }
0x1eb: {  	v32 =	vshrl.u32 v33, $0x10;
	v33 =	vshrl.u32 v35, $0x10;
	v31 =	vld.idx.msk [tilespmem:v36+s2+$0x0], $0xffff;
	v29 =	vand.u32 $0x7F, v29  }
0x1ec: {  	v22 =	vand.u32 $0x1F, v22;
	v23 =	vand.u32 $0x1F, v23;
	v34 =	vld.idx.msk [tilespmem:v34+s2+$0x0], $0xffff;
	v29 =	vor.u32 v4, v29  }
0x1ed: {  	v27 =	vand.u32 $0x1F, v27;
	v25 =	vand.u32 $0x1F, v25;
	v30 =	vand.u32 $0x1F, v30;
	v35 =	vld.idx.msk [tilespmem:v37+s2+$0x0], $0xffff  }
0x1ee: {  	v33 =	vand.u32 $0x1F, v33;
	v22 =	vshrl.u32 v26, v22;
	v26 =	vand.u32 $0x1F, v32;
	v32 =	vld.idx.msk [tilespmem:v38+s2+$0x0], $0xffff  }
0x1ef: {  	v22 =	vand.u32 $0x1, v22;
	v23 =	vshrl.u32 v28, v23;
	v28 =	vshrl.u32 v11, v9  }
0x1f0: {  	v11 =	vshrl.u32 v12, v18;
	v9 =	vand.u32 $0x1, v23;
	[tilespmem:s28+$0xFFFFFE50] =	vst v22;
	v22 =	vshrl.u32 v24, v25  }
0x1f1: {  	v18 =	vshrl.u32 v31, v27;
	[tilespmem:s28+$0xFFFFFED0] =	vst v9;
	v12 =	vand.u32 $0x1, v22;
	v22 =	vld.idx.msk [tilespmem:v29+s2+$0x0], $0xffff;
	v9 =	vshrl.u32 v10, v20  }
0x1f2: {  	v20 =	vand.u32 $0x1, v18;
	v23 =	vshrl.u32 v34, v30;
	v10 =	vld [tilespmem:s31+$0xFFFFFF20];
	[tilespmem:s28+$0xFFFFFF50] =	vst v12;
	v12 =	vshrl.u32 v13, v19  }
0x1f3: {  	v19 =	vand.u32 $0x1, v23;
	v13 =	vshrl.u32 v14, v17;
	v18 =	vld [tilespmem:s31+$0xFFFFFF60];
	[tilespmem:s28+$0xFFFFFFD0] =	vst v20;
	v20 =	vshrl.u32 v35, v26  }
0x1f4: {  	v17 =	vld [tilespmem:s31+$0xFFFFFFA0];
	[tilespmem:s28+$0x50] =	vst v19;
	v14 =	vand.u32 $0x1, v20;
	v19 =	vshrl.u32 v32, v33;
	v20 =	vshrl.u32 v21, $0x15  }
0x1f5: {  	v8 =	vshrl.u32 v8, v15;
	v23 =	vld [tilespmem:s31+$0xFFFFFFE0];
	[tilespmem:s28+$0xD0] =	vst v14;
	v14 =	vand.u32 $0x1, v19;
	v19 =	vadd.s32 v5, v20  }
0x1f6: {  	v16 =	vand.u32 $0x1, v16;
	v20 =	vand.u32 $0x1, v28;
	v15 =	vld [tilespmem:s31+$0x20];
	[tilespmem:s28+$0x150] =	vst v14;
	v14 =	vand.u32 $0x1F, v21  }
0x1f7: {  	v24 =	vshrl.u32 v10, $0x5;
	v25 =	vand.u32 $0x1F, v10;
	v26 =	vld [tilespmem:s31+$0x60];
	v14 =	vshrl.u32 v22, v14;
	[tilespmem:s29+$0xFFFFFE70] =	vst v16  }
0x1f8: {  	v16 =	vand.u32 $0x7F, v24;
	v22 =	vshrl.u32 v18, $0x5;
	v24 =	vld [tilespmem:s31+$0xA0];
	v14 =	vand.u32 $0x1, v14;
	[tilespmem:s29+$0xFFFFFEF0] =	vst v20  }
0x1f9: {  	v16 =	vor.u32 v4, v16;
	v20 =	vand.u32 $0x7F, v22;
	v22 =	vshrl.u32 v17, $0x5;
	[tilespmem:s28+$0x1A0] =	vst v14  }
0x1fa: {  	v14 =	vor.u32 v4, v20;
	v20 =	vand.u32 $0x7F, v22;
	v22 =	vshrl.u32 v23, $0x5;
	v19 =	vld.idx.msk [tilespmem:v19+s2+$0x0], $0xffff  }
0x1fb: {  	v20 =	vor.u32 v4, v20;
	v22 =	vand.u32 $0x7F, v22;
	v27 =	vshrl.u32 v15, $0x5  }
0x1fc: {  	v22 =	vor.u32 v4, v22;
	v27 =	vand.u32 $0x7F, v27;
	v28 =	vshrl.u32 v26, $0x5  }
0x1fd: {  	v27 =	vor.u32 v4, v27;
	v28 =	vand.u32 $0x7F, v28;
	v29 =	vshrl.u32 v24, $0x5  }
0x1fe: {  	v21 =	vshrl.u32 v21, $0x10;
	v16 =	vld.idx.msk [tilespmem:v16+s2+$0x0], $0xffff;
	v28 =	vor.u32 v4, v28;
	v29 =	vand.u32 $0x7F, v29  }
0x1ff: {  	v31 =	vand.u32 $0x1F, v18;
	v30 =	vld.idx.msk [tilespmem:v14+s2+$0x0], $0xffff;
	v29 =	vor.u32 v4, v29;
	v14 =	vand.u32 $0x1F, v21  }
0x200: {  	v32 =	vand.u32 $0x1F, v23;
	v21 =	vand.u32 $0x1F, v17;
	v20 =	vld.idx.msk [tilespmem:v20+s2+$0x0], $0xffff;
	v14 =	vshrl.u32 v19, v14  }
0x201: {  	v33 =	vand.u32 $0x1F, v26;
	v19 =	vld.idx.msk [tilespmem:v22+s2+$0x0], $0xffff;
	v22 =	vand.u32 $0x1F, v15;
	v14 =	vand.u32 $0x1, v14  }
0x202: {  	v34 =	vshrl.u32 v10, $0x15;
	v35 =	vshrl.u32 v18, $0x15;
	v36 =	vand.u32 $0x1F, v24;
	v27 =	vld.idx.msk [tilespmem:v27+s2+$0x0], $0xffff;
	[tilespmem:s28+$0x1E0] =	vst v14  }
0x203: {  	v37 =	vshrl.u32 v17, $0x15;
	v38 =	vshrl.u32 v23, $0x15;
	v39 =	vshrl.u32 v15, $0x15;
	v14 =	vld [tilespmem:s31+$0xF0]  }
0x204: {  	v40 =	vshrl.u32 v24, $0x15;
	v16 =	vshrl.u32 v16, v25;
	v25 =	vld.idx.msk [tilespmem:v28+s2+$0x0], $0xffff;
	v28 =	vshrl.u32 v26, $0x15  }
0x205: {  	v34 =	vadd.s32 v5, v34;
	v16 =	vand.u32 $0x1, v16;
	v30 =	vshrl.u32 v30, v31;
	v29 =	vld.idx.msk [tilespmem:v29+s2+$0x0], $0xffff  }
0x206: {  	v20 =	vshrl.u32 v20, v21;
	[tilespmem:s28+$0xFFFFFE20] =	vst v16;
	v16 =	vand.u32 $0x1, v30;
	v30 =	vadd.s32 v5, v35  }
0x207: {  	v19 =	vshrl.u32 v19, v32;
	[tilespmem:s28+$0xFFFFFEA0] =	vst v16;
	v16 =	vand.u32 $0x1, v20;
	v20 =	vadd.s32 v5, v37  }
0x208: {  	[tilespmem:s28+$0xFFFFFF20] =	vst v16;
	v16 =	vand.u32 $0x1, v19;
	v19 =	vshrl.u32 v27, v22;
	v21 =	vshrl.u32 v14, $0x5  }
0x209: {  	[tilespmem:s28+$0xFFFFFFA0] =	vst v16;
	v16 =	vadd.s32 v5, v38;
	v19 =	vand.u32 $0x1, v19;
	v21 =	vand.u32 $0x7F, v21  }
0x20a: {  	v22 =	vshrl.u32 v25, v33;
	[tilespmem:s28+$0x20] =	vst v19;
	v19 =	vadd.s32 v5, v39;
	v21 =	vor.u32 v6, v21  }
0x20b: {  	v27 =	vadd.s32 v5, v28;
	v22 =	vand.u32 $0x1, v22;
	v28 =	vshrl.u32 v29, v36;
	v25 =	vld.idx.msk [tilespmem:v34+s2+$0x0], $0xffff  }
0x20c: {  	v10 =	vshrl.u32 v10, $0x10;
	v29 =	vld.idx.msk [tilespmem:v30+s2+$0x0], $0xffff;
	[tilespmem:s28+$0xA0] =	vst v22;
	v22 =	vand.u32 $0x1, v28;
	v28 =	vadd.s32 v5, v40  }
0x20d: {  	v18 =	vshrl.u32 v18, $0x10;
	v23 =	vshrl.u32 v23, $0x10;
	v17 =	vshrl.u32 v17, $0x10;
	v20 =	vld.idx.msk [tilespmem:v20+s2+$0x0], $0xffff;
	[tilespmem:s28+$0x120] =	vst v22  }
0x20e: {  	v24 =	vshrl.u32 v24, $0x10;
	v15 =	vshrl.u32 v15, $0x10;
	v22 =	vshrl.u32 v26, $0x10;
	v16 =	vld.idx.msk [tilespmem:v16+s2+$0x0], $0xffff  }
0x20f: {  	v10 =	vand.u32 $0x1F, v10;
	v18 =	vand.u32 $0x1F, v18;
	v17 =	vand.u32 $0x1F, v17;
	v21 =	vld.idx.msk [tilespmem:v21+s2+$0x0], $0xffff  }
0x210: {  	v23 =	vand.u32 $0x1F, v23;
	v15 =	vand.u32 $0x1F, v15;
	v22 =	vand.u32 $0x1F, v22;
	v19 =	vld.idx.msk [tilespmem:v19+s2+$0x0], $0xffff  }
0x211: {  	v11 =	vand.u32 $0x1, v11;
	v24 =	vand.u32 $0x1F, v24;
	v10 =	vshrl.u32 v25, v10;
	v25 =	vld.idx.msk [tilespmem:v27+s2+$0x0], $0xffff  }
0x212: {  	v10 =	vand.u32 $0x1, v10;
	v18 =	vshrl.u32 v29, v18;
	v27 =	vshrl.u32 v14, $0x15;
	v26 =	vld.idx.msk [tilespmem:v28+s2+$0x0], $0xffff;
	[tilespmem:s29+$0xFFFFFF70] =	vst v11  }
0x213: {  	v11 =	vshrl.u32 v20, v17;
	v17 =	vadd.s32 v7, v27;
	[tilespmem:s28+$0xFFFFFE60] =	vst v10;
	v10 =	vand.u32 $0x1, v18  }
0x214: {  	v11 =	vand.u32 $0x1, v11;
	v16 =	vshrl.u32 v16, v23;
	v18 =	vand.u32 $0x1F, v14;
	v30 =	vld [tilespmem:s31+$0xFFFFFF30];
	[tilespmem:s28+$0xFFFFFEE0] =	vst v10  }
0x215: {  	v20 =	vand.u32 $0x1, v9;
	v16 =	vand.u32 $0x1, v16;
	v18 =	vshrl.u32 v21, v18;
	v10 =	vld [tilespmem:s31+$0xFFFFFF70];
	[tilespmem:s28+$0xFFFFFF60] =	vst v11  }
0x216: {  	v9 =	vshrl.u32 v19, v15;
	v15 =	vand.u32 $0x1, v18;
	v11 =	vld [tilespmem:s31+$0xFFFFFFB0];
	[tilespmem:s28+$0xFFFFFFE0] =	vst v16;
	v16 =	vand.u32 $0x1, v12  }
0x217: {  	v9 =	vand.u32 $0x1, v9;
	v18 =	vshrl.u32 v25, v22;
	v12 =	vld [tilespmem:s31+$0xFFFFFFF0];
	[tilespmem:s28+$0x1B0] =	vst v15;
	v15 =	vand.u32 $0x1, v13  }
0x218: {  	v19 =	vand.u32 $0x1, v8;
	[tilespmem:s28+$0x60] =	vst v9;
	v9 =	vand.u32 $0x1, v18;
	v18 =	vshrl.u32 v26, v24;
	v17 =	vld.idx.msk [tilespmem:v17+s2+$0x0], $0xffff  }
0x219: {  	v8 =	vshrl.u32 v30, $0x5;
	v24 =	vand.u32 $0x1F, v30;
	v13 =	vld [tilespmem:s31+$0x30];
	[tilespmem:s28+$0xE0] =	vst v9;
	v9 =	vand.u32 $0x1, v18  }
0x21a: {  	v18 =	vand.u32 $0x7F, v8;
	v21 =	vshrl.u32 v10, $0x5;
	v25 =	vand.u32 $0x1F, v10;
	v8 =	vld [tilespmem:s31+$0x70];
	[tilespmem:s28+$0x160] =	vst v9  }
0x21b: {  	v18 =	vor.u32 v6, v18;
	v21 =	vand.u32 $0x7F, v21;
	v22 =	vshrl.u32 v11, $0x5;
	v9 =	vld [tilespmem:s31+$0xB0];
	[tilespmem:s29+$0xFFFFFFF0] =	vst v20  }
0x21c: {  	v14 =	vshrl.u32 v14, $0x10;
	v20 =	vand.u32 $0x7F, v22;
	v22 =	vshrl.u32 v12, $0x5;
	[tilespmem:s29+$0x70] =	vst v16  }
0x21d: {  	v14 =	vand.u32 $0x1F, v14;
	v16 =	vor.u32 v6, v21;
	v21 =	vand.u32 $0x7F, v22;
	[tilespmem:s29+$0xF0] =	vst v15  }
0x21e: {  	v15 =	vor.u32 v6, v20;
	v14 =	vshrl.u32 v17, v14;
	v20 =	vshrl.u32 v13, $0x5;
	[tilespmem:s29+$0x170] =	vst v19;
	s29 =	smov.u32 s28  }
0x21f: {  	v14 =	vand.u32 $0x1, v14;
	v17 =	vand.u32 $0x7F, v20;
	v19 =	vshrl.u32 v8, $0x5  }
0x220: {  	v20 =	vor.u32 v6, v21;
	v26 =	vld.idx.msk [tilespmem:v18+s2+$0x0], $0xffff;
	v18 =	vand.u32 $0x7F, v19;
	v19 =	vshrl.u32 v9, $0x5;
	[tilespmem:s28+$0x1F0] =	vst v14  }
0x221: {  	v27 =	vor.u32 v6, v17;
	v28 =	vor.u32 v6, v18;
	v14 =	vand.u32 $0x7F, v19  }
0x222: {  	v17 =	vand.u32 $0x1F, v12;
	v33 =	vld.idx.msk [tilespmem:v16+s2+$0x0], $0xffff;
	v16 =	vand.u32 $0x1F, v11;
	v34 =	vor.u32 v6, v14  }
0x223: {  	v21 =	vand.u32 $0x1F, v8;
	v19 =	vand.u32 $0x1F, v13;
	v14 =	vand.u32 $0x1F, v9;
	v18 =	vld.idx.msk [tilespmem:v15+s2+$0x0], $0xffff  }
.Ltmp1:
0x224: {  	v29 =	vshrl.u32 v10, $0x15;
	v35 =	vshrl.u32 v11, $0x15;
	v15 =	vshrl.u32 v30, $0x15;
	(pc) =	sbr.rel @p0 .LBB2_4-.Ltmp1, $4  }
0x225: {  	v36 =	vshrl.u32 v12, $0x15;
	v22 =	vshrl.u32 v13, $0x15;
	v23 =	vld.idx.msk [tilespmem:v20+s2+$0x0], $0xffff;
	v20 =	vshrl.u32 v8, $0x15  }
0x226: {  	v31 =	vadd.s32 v7, v15;
	v26 =	vshrl.u32 v26, v24;
	v24 =	vshrl.u32 v9, $0x15;
	v27 =	vld.idx.msk [tilespmem:v27+s2+$0x0], $0xffff  }
0x227: {  	v32 =	vadd.s32 v7, v29;
	v29 =	vadd.s32 v7, v35;
	v15 =	vand.u32 $0x1, v26;
	v28 =	vld.idx.msk [tilespmem:v28+s2+$0x0], $0xffff  }
0x228: {  	s31 =	sadd.s32 $0x200, s31;
	v25 =	vshrl.u32 v33, v25;
	[tilespmem:s28+$0xFFFFFE30] =	vst v15;
	v15 =	vshrl.u32 v30, $0x10;
	v30 =	vadd.s32 v7, v36;
	v33 =	vld.idx.msk [tilespmem:v34+s2+$0x0], $0xffff  }
0x229: {  	_ =	sdelay $0x1  }
0x22a: {  	v25 =	vand.u32 $0x1, v25;
	v16 =	vshrl.u32 v18, v16  }
0x22b: {  	v18 =	vadd.s32 v7, v22;
	v20 =	vadd.s32 v7, v20;
	v22 =	vadd.s32 v7, v24  }
0x22c: {  	v10 =	vshrl.u32 v10, $0x10;
	v16 =	vand.u32 $0x1, v16;
	[tilespmem:s28+$0xFFFFFEB0] =	vst v25;
	v17 =	vshrl.u32 v23, v17;
	v23 =	vld.idx.msk [tilespmem:v31+s2+$0x0], $0xffff  }
0x22d: {  	v11 =	vshrl.u32 v11, $0x10;
	[tilespmem:s28+$0xFFFFFF30] =	vst v16;
	v16 =	vand.u32 $0x1, v17;
	v17 =	vshrl.u32 v27, v19;
	v19 =	vld.idx.msk [tilespmem:v32+s2+$0x0], $0xffff  }
0x22e: {  	v12 =	vshrl.u32 v12, $0x10;
	[tilespmem:s28+$0xFFFFFFB0] =	vst v16;
	v16 =	vand.u32 $0x1, v17;
	v17 =	vshrl.u32 v28, v21;
	v21 =	vld.idx.msk [tilespmem:v29+s2+$0x0], $0xffff  }
0x22f: {  	v13 =	vshrl.u32 v13, $0x10;
	[tilespmem:s28+$0x30] =	vst v16;
	v16 =	vand.u32 $0x1, v17;
	v14 =	vshrl.u32 v33, v14;
	v17 =	vld.idx.msk [tilespmem:v30+s2+$0x0], $0xffff  }
0x230: {  	v8 =	vshrl.u32 v8, $0x10;
	v15 =	vand.u32 $0x1F, v15;
	[tilespmem:s28+$0xB0] =	vst v16;
	v16 =	vld.idx.msk [tilespmem:v18+s2+$0x0], $0xffff;
	v14 =	vand.u32 $0x1, v14  }
0x231: {  	v9 =	vshrl.u32 v9, $0x10;
	v10 =	vand.u32 $0x1F, v10;
	v18 =	vld.idx.msk [tilespmem:v20+s2+$0x0], $0xffff;
	[tilespmem:s29+$0x130] =	vst v14;
	v14 =	vshrl.u32 v23, v15  }
0x232: {  	v11 =	vand.u32 $0x1F, v11;
	v15 =	vld.idx.msk [tilespmem:v22+s2+$0x0], $0xffff;
	v10 =	vshrl.u32 v19, v10;
	v14 =	vand.u32 $0x1, v14  }
0x233: {  	v12 =	vand.u32 $0x1F, v12;
	v11 =	vshrl.u32 v21, v11;
	v10 =	vand.u32 $0x1, v10;
	[tilespmem:s29+$0xFFFFFE70] =	vst v14  }
0x234: {  	v13 =	vand.u32 $0x1F, v13;
	v12 =	vshrl.u32 v17, v12;
	[tilespmem:s29+$0xFFFFFEF0] =	vst v10;
	v10 =	vand.u32 $0x1, v11  }
0x235: {  	v8 =	vand.u32 $0x1F, v8;
	v11 =	vshrl.u32 v16, v13;
	[tilespmem:s29+$0xFFFFFF70] =	vst v10;
	v10 =	vand.u32 $0x1, v12  }
0x236: {  	v9 =	vand.u32 $0x1F, v9;
	v8 =	vshrl.u32 v18, v8;
	v11 =	vand.u32 $0x1, v11;
	[tilespmem:s29+$0xFFFFFFF0] =	vst v10  }
0x237: {  	v9 =	vshrl.u32 v15, v9;
	v8 =	vand.u32 $0x1, v8;
	[tilespmem:s29+$0x70] =	vst v11  }
0x238: {  	v9 =	vand.u32 $0x1, v9;
	[tilespmem:s29+$0xF0] =	vst v8  }
0x239: {  	[tilespmem:s29+$0x170] =	vst v9  }
0x23a: {  	[hbm4b:s8+s19] =	stream.strided.scatter [tilespmem:s23], [sflag:$0x4], $0x8000, s20, s19, $0x38;
	[tilespmem:$0x1C000] =	vst v63  }
0x23b: {  	_ = 	snop  }
0x23c: {  	[tilespmem:s16], [sflag:$0x2] =	stream.strided.gather [hbm4b:s9+s13], $0x4000, s14, s13, $0x38;
	[tilespmem:$0x1C000] =	vst v63  }
0x23d: {  	_ =	swait.ge [sflag:s18], $0x4000  }
0x23e: {  	[sflag:s18] =	ssyncset.done $0x0  }
0x23f: {  	[sflag:s18] =	ssyncadd.s32 $0xFFFFC000  }
0x240: {  	_ =	swait.ge [sflag:s24], $0x8000  }
0x241: {  	[sflag:s24] =	ssyncset.done $0x0  }
0x242: {  	s29 =	simm.s32 $0x4100;
	[sflag:s24] =	ssyncadd.s32 $0xFFFF8000  }
0x243: {  	v8 =	vld [tilespmem:s29+$0xC0]  }
0x244: {  	v9 =	vld [tilespmem:s29+$0xFFFFFF40]  }
0x245: {  	v10 =	vld [tilespmem:s29+$0xFFFFFF80]  }
0x246: {  	v11 =	vld [tilespmem:s29+$0xFFFFFFC0]  }
0x247: {  	v13 =	vld [tilespmem:s29+$0x0]  }
0x248: {  	v14 =	vld [tilespmem:s29+$0xFFFFFF00]  }
0x249: {  	v15 =	vld [tilespmem:s29+$0x40]  }
0x24a: {  	v19 =	vld [tilespmem:s29+$0x80];
	v12 =	vshrl.u32 v8, $0x5  }
0x24b: {  	v12 =	vand.u32 $0x7F, v12  }
0x24c: {  	v16 =	vshrl.u32 v9, $0x5;
	v12 =	vor.u32 v0, v12  }
0x24d: {  	v17 =	vand.u32 $0x1F, v9;
	v18 =	vshrl.u32 v10, $0x5;
	v20 =	vshrl.u32 v11, $0x5  }
0x24e: {  	v21 =	vshrl.u32 v13, $0x5;
	v22 =	vshrl.u32 v14, $0x5;
	v23 =	vshrl.u32 v15, $0x5  }
0x24f: {  	v24 =	vshrl.u32 v8, $0x15;
	v25 =	vshrl.u32 v19, $0x5;
	v16 =	vand.u32 $0x7F, v16  }
0x250: {  	v26 =	vand.u32 $0x1F, v8;
	v18 =	vand.u32 $0x7F, v18;
	v16 =	vor.u32 v0, v16  }
0x251: {  	v27 =	vand.u32 $0x1F, v14;
	v22 =	vand.u32 $0x7F, v22;
	v18 =	vor.u32 v0, v18;
	v12 =	vld.idx.msk [tilespmem:v12+s2+$0x0], $0xffff  }
0x252: {  	v28 =	vand.u32 $0x1F, v11;
	v20 =	vand.u32 $0x7F, v20;
	v22 =	vor.u32 v0, v22  }
0x253: {  	v29 =	vand.u32 $0x1F, v13;
	v30 =	vand.u32 $0x1F, v15;
	v20 =	vor.u32 v0, v20  }
0x254: {  	v31 =	vshrl.u32 v14, $0x15;
	v51 =	vshrl.u32 v9, $0x15;
	v24 =	vadd.s32 v1, v24  }
0x255: {  	v52 =	vshrl.u32 v10, $0x15;
	v34 =	vshrl.u32 v11, $0x15;
	v25 =	vand.u32 $0x7F, v25;
	v16 =	vld.idx.msk [tilespmem:v16+s2+$0x0], $0xffff  }
0x256: {  	v23 =	vand.u32 $0x7F, v23;
	v25 =	vor.u32 v0, v25;
	v18 =	vld.idx.msk [tilespmem:v18+s2+$0x0], $0xffff;
	v12 =	vshrl.u32 v12, v26  }
0x257: {  	s28 =	simm.s32 $0xC200;
	v21 =	vand.u32 $0x7F, v21;
	v23 =	vor.u32 v0, v23;
	v22 =	vld.idx.msk [tilespmem:v22+s2+$0x0], $0xffff;
	v12 =	vand.u32 $0x1, v12  }
0x258: {  	v35 =	vshrl.u32 v13, $0x15;
	v8 =	vshrl.u32 v8, $0x10;
	v21 =	vor.u32 v0, v21;
	v20 =	vld.idx.msk [tilespmem:v20+s2+$0x0], $0xffff;
	[tilespmem:s28+$0x180] =	vst v12  }
0x259: {  	v14 =	vshrl.u32 v14, $0x10;
	v9 =	vshrl.u32 v9, $0x10;
	v13 =	vshrl.u32 v13, $0x10;
	v24 =	vld.idx.msk [tilespmem:v24+s2+$0x0], $0xffff  }
0x25a: {  	v31 =	vadd.s32 v1, v31;
	v32 =	vadd.s32 v1, v51;
	v8 =	vand.u32 $0x1F, v8  }
0x25b: {  	v14 =	vand.u32 $0x1F, v14;
	v9 =	vand.u32 $0x1F, v9;
	v25 =	vld.idx.msk [tilespmem:v25+s2+$0x0], $0xffff;
	v16 =	vshrl.u32 v16, v17  }
0x25c: {  	v23 =	vld.idx.msk [tilespmem:v23+s2+$0x0], $0xffff;
	v26 =	vand.u32 $0x1F, v10;
	v22 =	vshrl.u32 v22, v27;
	v16 =	vand.u32 $0x1, v16  }
0x25d: {  	v17 =	vld.idx.msk [tilespmem:v21+s2+$0x0], $0xffff;
	v21 =	vshrl.u32 v15, $0x15;
	v22 =	vand.u32 $0x1, v22;
	[tilespmem:s28+$0xFFFFFE80] =	vst v16;
	v16 =	vadd.s32 v1, v52  }
0x25e: {  	v20 =	vshrl.u32 v20, v28;
	v18 =	vshrl.u32 v18, v26;
	[tilespmem:s28+$0xFFFFFE00] =	vst v22;
	v8 =	vshrl.u32 v24, v8  }
0x25f: {  	v12 =	vand.u32 $0x1F, v19;
	v27 =	vld.idx.msk [tilespmem:v31+s2+$0x0], $0xffff;
	v24 =	vadd.s32 v1, v34;
	v8 =	vand.u32 $0x1, v8  }
0x260: {  	v18 =	vand.u32 $0x1, v18;
	v22 =	vadd.s32 v1, v35;
	v12 =	vshrl.u32 v25, v12;
	v25 =	vld.idx.msk [tilespmem:v32+s2+$0x0], $0xffff;
	[tilespmem:s28+$0x1C0] =	vst v8  }
0x261: {  	v26 =	vshrl.u32 v19, $0x15;
	[tilespmem:s28+$0xFFFFFF00] =	vst v18;
	v18 =	vadd.s32 v1, v21;
	v8 =	vand.u32 $0x1, v20;
	v20 =	vld [tilespmem:s29+$0xD0]  }
0x262: {  	v21 =	vshrl.u32 v23, v30;
	v23 =	vadd.s32 v1, v26;
	v17 =	vshrl.u32 v17, v29;
	v16 =	vld.idx.msk [tilespmem:v16+s2+$0x0], $0xffff  }
0x263: {  	v13 =	vand.u32 $0x1F, v13;
	v10 =	vshrl.u32 v10, $0x10;
	v17 =	vand.u32 $0x1, v17;
	[tilespmem:s28+$0xFFFFFF80] =	vst v8  }
0x264: {  	v10 =	vand.u32 $0x1F, v10;
	v12 =	vand.u32 $0x1, v12;
	[tilespmem:s28+$0x0] =	vst v17;
	v8 =	vand.u32 $0x1, v21;
	v17 =	vld.idx.msk [tilespmem:v24+s2+$0x0], $0xffff  }
0x265: {  	v14 =	vshrl.u32 v27, v14;
	v9 =	vshrl.u32 v25, v9;
	[tilespmem:s28+$0x80] =	vst v8;
	v8 =	vshrl.u32 v11, $0x10;
	v11 =	vld.idx.msk [tilespmem:v22+s2+$0x0], $0xffff  }
0x266: {  	[tilespmem:s28+$0x100] =	vst v12;
	v14 =	vand.u32 $0x1, v14;
	v9 =	vand.u32 $0x1, v9;
	v12 =	vld.idx.msk [tilespmem:v18+s2+$0x0], $0xffff;
	v18 =	vshrl.u32 v20, $0x5  }
0x267: {  	[tilespmem:s28+$0xFFFFFE40] =	vst v14;
	v21 =	vld.idx.msk [tilespmem:v23+s2+$0x0], $0xffff;
	v10 =	vshrl.u32 v16, v10;
	v8 =	vand.u32 $0x1F, v8;
	v14 =	vand.u32 $0x7F, v18  }
0x268: {  	[tilespmem:s28+$0xFFFFFEC0] =	vst v9;
	v9 =	vand.u32 $0x1, v10;
	v10 =	vshrl.u32 v15, $0x10;
	v18 =	vld [tilespmem:s29+$0xFFFFFF10];
	v14 =	vor.u32 v2, v14  }
0x269: {  	v15 =	vld [tilespmem:s29+$0xFFFFFF50];
	[tilespmem:s28+$0xFFFFFF40] =	vst v9;
	v9 =	vshrl.u32 v19, $0x10;
	v10 =	vand.u32 $0x1F, v10;
	v8 =	vshrl.u32 v17, v8  }
0x26a: {  	v19 =	vshrl.u32 v20, $0x15;
	v11 =	vshrl.u32 v11, v13;
	v13 =	vld [tilespmem:s29+$0xFFFFFF90];
	v8 =	vand.u32 $0x1, v8  }
0x26b: {  	v24 =	vand.u32 $0x1F, v20;
	v20 =	vshrl.u32 v20, $0x10;
	v19 =	vadd.s32 v3, v19;
	[tilespmem:s28+$0xFFFFFFC0] =	vst v8  }
0x26c: {  	v10 =	vshrl.u32 v12, v10;
	v8 =	vand.u32 $0x1F, v9;
	v9 =	vand.u32 $0x1, v11;
	v11 =	vld [tilespmem:s29+$0xFFFFFFD0]  }
0x26d: {  	[tilespmem:s28+$0x40] =	vst v9;
	v9 =	vand.u32 $0x1, v10;
	v8 =	vshrl.u32 v21, v8;
	v10 =	vshrl.u32 v18, $0x5;
	v12 =	vld.idx.msk [tilespmem:v14+s2+$0x0], $0xffff  }
0x26e: {  	v20 =	vand.u32 $0x1F, v20;
	v8 =	vand.u32 $0x1, v8;
	v16 =	vld [tilespmem:s29+$0x10];
	[tilespmem:s28+$0xC0] =	vst v9;
	v10 =	vand.u32 $0x7F, v10  }
0x26f: {  	v17 =	vand.u32 $0x1F, v15;
	v22 =	vshrl.u32 v13, $0x5;
	[tilespmem:s28+$0x140] =	vst v8;
	v8 =	vor.u32 v2, v10  }
0x270: {  	v30 =	vshrl.u32 v15, $0x15;
	v9 =	vshrl.u32 v15, $0x5;
	v21 =	vld [tilespmem:s29+$0x50];
	v22 =	vand.u32 $0x7F, v22  }
0x271: {  	v27 =	vand.u32 $0x1F, v13;
	v9 =	vand.u32 $0x7F, v9;
	v22 =	vor.u32 v2, v22  }
0x272: {  	v23 =	vld [tilespmem:s29+$0x90];
	v9 =	vor.u32 v2, v9;
	v12 =	vshrl.u32 v12, v24;
	v24 =	vshrl.u32 v11, $0x5  }
0x273: {  	v25 =	vshrl.u32 v16, $0x5;
	v12 =	vand.u32 $0x1, v12;
	v24 =	vand.u32 $0x7F, v24  }
0x274: {  	v54 =	vshrl.u32 v13, $0x15;
	v25 =	vand.u32 $0x7F, v25;
	v8 =	vld.idx.msk [tilespmem:v8+s2+$0x0], $0xffff;
	[tilespmem:s28+$0x190] =	vst v12;
	v12 =	vor.u32 v2, v24  }
0x275: {  	v15 =	vshrl.u32 v15, $0x10;
	v25 =	vor.u32 v2, v25;
	v24 =	vshrl.u32 v21, $0x5;
	v19 =	vld.idx.msk [tilespmem:v19+s2+$0x0], $0xffff  }
0x276: {  	v14 =	vand.u32 $0x1F, v18;
	v15 =	vand.u32 $0x1F, v15;
	v22 =	vld.idx.msk [tilespmem:v22+s2+$0x0], $0xffff;
	v24 =	vand.u32 $0x7F, v24  }
0x277: {  	v10 =	vshrl.u32 v18, $0x15;
	v26 =	vshrl.u32 v23, $0x5;
	v9 =	vld.idx.msk [tilespmem:v9+s2+$0x0], $0xffff;
	v24 =	vor.u32 v2, v24  }
0x278: {  	v18 =	vshrl.u32 v18, $0x10;
	v10 =	vadd.s32 v3, v10;
	v26 =	vand.u32 $0x7F, v26  }
0x279: {  	v18 =	vand.u32 $0x1F, v18;
	v28 =	vand.u32 $0x1F, v11;
	v26 =	vor.u32 v2, v26;
	v12 =	vld.idx.msk [tilespmem:v12+s2+$0x0], $0xffff  }
0x27a: {  	v29 =	vand.u32 $0x1F, v16;
	v25 =	vld.idx.msk [tilespmem:v25+s2+$0x0], $0xffff;
	v8 =	vshrl.u32 v8, v14;
	v19 =	vshrl.u32 v19, v20  }
0x27b: {  	v22 =	vshrl.u32 v22, v27;
	v27 =	vadd.s32 v3, v30;
	v19 =	vand.u32 $0x1, v19  }
0x27c: {  	v55 =	vshrl.u32 v16, $0x15;
	v9 =	vshrl.u32 v9, v17;
	v8 =	vand.u32 $0x1, v8;
	v17 =	vld.idx.msk [tilespmem:v24+s2+$0x0], $0xffff;
	[tilespmem:s28+$0x1D0] =	vst v19  }
0x27d: {  	v31 =	vand.u32 $0x1F, v21;
	v9 =	vand.u32 $0x1, v9;
	[tilespmem:s28+$0xFFFFFE10] =	vst v8;
	v8 =	vadd.s32 v3, v55;
	v19 =	vld [tilespmem:s29+$0xE0]  }
0x27e: {  	v20 =	vshrl.u32 v11, $0x15;
	v26 =	vld.idx.msk [tilespmem:v26+s2+$0x0], $0xffff;
	v12 =	vshrl.u32 v12, v28;
	v28 =	vadd.s32 v3, v54  }
0x27f: {  	v22 =	vand.u32 $0x1, v22;
	[tilespmem:s28+$0xFFFFFE90] =	vst v9;
	v20 =	vadd.s32 v3, v20;
	v10 =	vld.idx.msk [tilespmem:v10+s2+$0x0], $0xffff;
	v25 =	vshrl.u32 v25, v29  }
0x280: {  	v53 =	vand.u32 $0x1F, v23;
	v14 =	vshrl.u32 v21, $0x15;
	[tilespmem:s28+$0xFFFFFF10] =	vst v22;
	v22 =	vld.idx.msk [tilespmem:v27+s2+$0x0], $0xffff;
	v25 =	vand.u32 $0x1, v25  }
0x281: {  	v14 =	vadd.s32 v3, v14;
	v24 =	vshrl.u32 v23, $0x15;
	v12 =	vand.u32 $0x1, v12;
	[tilespmem:s28+$0x10] =	vst v25  }
0x282: {  	v9 =	vshrl.u32 v17, v31;
	v17 =	vadd.s32 v3, v24;
	v8 =	vld.idx.msk [tilespmem:v8+s2+$0x0], $0xffff;
	v24 =	vshrl.u32 v19, $0x5  }
0x283: {  	[tilespmem:s28+$0xFFFFFF90] =	vst v12;
	v12 =	vshrl.u32 v26, v53;
	v9 =	vand.u32 $0x1, v9;
	v24 =	vand.u32 $0x7F, v24;
	v26 =	vld.idx.msk [tilespmem:v28+s2+$0x0], $0xffff  }
0x284: {  	v10 =	vshrl.u32 v10, v18;
	v12 =	vand.u32 $0x1, v12;
	v20 =	vld.idx.msk [tilespmem:v20+s2+$0x0], $0xffff;
	[tilespmem:s28+$0x90] =	vst v9;
	v24 =	vor.u32 v4, v24  }
0x285: {  	v13 =	vshrl.u32 v13, $0x10;
	v10 =	vand.u32 $0x1, v10;
	[tilespmem:s28+$0x110] =	vst v12;
	v15 =	vshrl.u32 v22, v15  }
0x286: {  	v11 =	vshrl.u32 v11, $0x10;
	v9 =	vshrl.u32 v16, $0x10;
	[tilespmem:s28+$0xFFFFFE50] =	vst v10;
	v14 =	vld.idx.msk [tilespmem:v14+s2+$0x0], $0xffff;
	v10 =	vand.u32 $0x1, v15  }
0x287: {  	v13 =	vand.u32 $0x1F, v13;
	v11 =	vand.u32 $0x1F, v11;
	v9 =	vand.u32 $0x1F, v9;
	[tilespmem:s28+$0xFFFFFED0] =	vst v10;
	v17 =	vld.idx.msk [tilespmem:v17+s2+$0x0], $0xffff  }
0x288: {  	v16 =	vshrl.u32 v21, $0x10;
	v8 =	vshrl.u32 v8, v9;
	v9 =	vld [tilespmem:s29+$0xFFFFFF60];
	v13 =	vshrl.u32 v26, v13  }
0x289: {  	v12 =	vshrl.u32 v23, $0x10;
	v11 =	vshrl.u32 v20, v11;
	v15 =	vld.idx.msk [tilespmem:v24+s2+$0x0], $0xffff;
	v10 =	vand.u32 $0x1, v13  }
0x28a: {  	v16 =	vand.u32 $0x1F, v16;
	v8 =	vand.u32 $0x1, v8;
	v13 =	vld [tilespmem:s29+$0xFFFFFF20];
	[tilespmem:s28+$0xFFFFFF50] =	vst v10;
	v10 =	vand.u32 $0x1, v11  }
0x28b: {  	v11 =	vand.u32 $0x1F, v12;
	[tilespmem:s28+$0xFFFFFFD0] =	vst v10;
	v10 =	vshrl.u32 v14, v16;
	v16 =	vand.u32 $0x1F, v19  }
0x28c: {  	[tilespmem:s28+$0x50] =	vst v8;
	v12 =	vld [tilespmem:s29+$0xFFFFFFA0];
	v8 =	vand.u32 $0x1, v10;
	v10 =	vshrl.u32 v17, v11;
	v11 =	vshrl.u32 v19, $0x15  }
0x28d: {  	v14 =	vld [tilespmem:s29+$0xFFFFFFE0];
	v19 =	vshrl.u32 v19, $0x10;
	[tilespmem:s28+$0xD0] =	vst v8;
	v8 =	vand.u32 $0x1, v10;
	v10 =	vadd.s32 v5, v11  }
0x28e: {  	v25 =	vand.u32 $0x1F, v9;
	v30 =	vshrl.u32 v9, $0x15;
	v19 =	vand.u32 $0x1F, v19  }
0x28f: {  	v11 =	vld [tilespmem:s29+$0x20];
	v17 =	vshrl.u32 v13, $0x5;
	[tilespmem:s28+$0x150] =	vst v8;
	v8 =	vshrl.u32 v15, v16;
	v16 =	vshrl.u32 v9, $0x5  }
0x290: {  	v18 =	vand.u32 $0x1F, v13;
	v20 =	vld [tilespmem:s29+$0x60];
	v8 =	vand.u32 $0x1, v8;
	v16 =	vand.u32 $0x7F, v16  }
0x291: {  	v15 =	vand.u32 $0x7F, v17;
	v21 =	vshrl.u32 v12, $0x5;
	[tilespmem:s28+$0x1A0] =	vst v8;
	v8 =	vor.u32 v4, v16  }
0x292: {  	v15 =	vor.u32 v4, v15;
	v16 =	vand.u32 $0x7F, v21;
	v21 =	vshrl.u32 v14, $0x5;
	v10 =	vld.idx.msk [tilespmem:v10+s2+$0x0], $0xffff  }
0x293: {  	v29 =	vshrl.u32 v13, $0x15;
	v17 =	vld [tilespmem:s29+$0xA0];
	v16 =	vor.u32 v4, v16;
	v21 =	vand.u32 $0x7F, v21  }
0x294: {  	v13 =	vshrl.u32 v13, $0x10;
	v22 =	vshrl.u32 v11, $0x5;
	v21 =	vor.u32 v4, v21  }
0x295: {  	v9 =	vshrl.u32 v9, $0x10;
	v22 =	vand.u32 $0x7F, v22;
	v23 =	vshrl.u32 v20, $0x5  }
0x296: {  	v13 =	vand.u32 $0x1F, v13;
	v22 =	vor.u32 v4, v22;
	v23 =	vand.u32 $0x7F, v23;
	v8 =	vld.idx.msk [tilespmem:v8+s2+$0x0], $0xffff  }
0x297: {  	v26 =	vand.u32 $0x1F, v12;
	v23 =	vor.u32 v4, v23;
	v15 =	vld.idx.msk [tilespmem:v15+s2+$0x0], $0xffff;
	v10 =	vshrl.u32 v10, v19  }
0x298: {  	v31 =	vshrl.u32 v12, $0x15;
	v24 =	vshrl.u32 v17, $0x5;
	v16 =	vld.idx.msk [tilespmem:v16+s2+$0x0], $0xffff;
	v10 =	vand.u32 $0x1, v10  }
0x299: {  	v12 =	vshrl.u32 v12, $0x10;
	v56 =	vshrl.u32 v14, $0x15;
	v24 =	vand.u32 $0x7F, v24;
	v21 =	vld.idx.msk [tilespmem:v21+s2+$0x0], $0xffff;
	[tilespmem:s28+$0x1E0] =	vst v10  }
0x29a: {  	v27 =	vand.u32 $0x1F, v11;
	v58 =	vshrl.u32 v11, $0x15;
	v24 =	vor.u32 v4, v24;
	v57 =	vld [tilespmem:s29+$0xF0]  }
0x29b: {  	v28 =	vand.u32 $0x1F, v20;
	v22 =	vld.idx.msk [tilespmem:v22+s2+$0x0], $0xffff;
	v8 =	vshrl.u32 v8, v25;
	v25 =	vadd.s32 v5, v29  }
0x29c: {  	v19 =	vand.u32 $0x1F, v14;
	v15 =	vshrl.u32 v15, v18;
	v18 =	vshrl.u32 v20, $0x15;
	v23 =	vld.idx.msk [tilespmem:v23+s2+$0x0], $0xffff  }
0x29d: {  	v8 =	vand.u32 $0x1, v8;
	v16 =	vshrl.u32 v16, v26;
	v26 =	vadd.s32 v5, v30  }
0x29e: {  	v15 =	vand.u32 $0x1, v15;
	[tilespmem:s28+$0xFFFFFEA0] =	vst v8;
	v8 =	vadd.s32 v5, v58;
	v16 =	vand.u32 $0x1, v16  }
0x29f: {  	v24 =	vld.idx.msk [tilespmem:v24+s2+$0x0], $0xffff;
	[tilespmem:s28+$0xFFFFFE20] =	vst v15;
	v19 =	vshrl.u32 v21, v19;
	v21 =	vadd.s32 v5, v31;
	v29 =	vshrl.u32 v57, $0x5  }
0x2a0: {  	v22 =	vshrl.u32 v22, v27;
	v27 =	vadd.s32 v5, v56;
	v25 =	vld.idx.msk [tilespmem:v25+s2+$0x0], $0xffff;
	v29 =	vand.u32 $0x7F, v29  }
0x2a1: {  	[tilespmem:s28+$0xFFFFFF20] =	vst v16;
	v15 =	vand.u32 $0x1, v22;
	v22 =	vshrl.u32 v23, v28;
	v23 =	vor.u32 v6, v29  }
0x2a2: {  	v9 =	vand.u32 $0x1F, v9;
	v12 =	vand.u32 $0x1F, v12;
	v16 =	vadd.s32 v5, v18;
	[tilespmem:s28+$0x20] =	vst v15;
	v18 =	vld.idx.msk [tilespmem:v26+s2+$0x0], $0xffff  }
0x2a3: {  	v59 =	vshrl.u32 v17, $0x15;
	v10 =	vand.u32 $0x1F, v17;
	v19 =	vand.u32 $0x1, v19;
	v8 =	vld.idx.msk [tilespmem:v8+s2+$0x0], $0xffff  }
0x2a4: {  	[tilespmem:s28+$0xFFFFFFA0] =	vst v19;
	v19 =	vadd.s32 v5, v59;
	v22 =	vand.u32 $0x1, v22;
	v10 =	vshrl.u32 v24, v10;
	v21 =	vld.idx.msk [tilespmem:v21+s2+$0x0], $0xffff  }
0x2a5: {  	v11 =	vshrl.u32 v11, $0x10;
	v10 =	vand.u32 $0x1, v10;
	[tilespmem:s28+$0xA0] =	vst v22;
	v24 =	vld.idx.msk [tilespmem:v27+s2+$0x0], $0xffff;
	v13 =	vshrl.u32 v25, v13  }
0x2a6: {  	v14 =	vshrl.u32 v14, $0x10;
	v15 =	vshrl.u32 v17, $0x10;
	[tilespmem:s28+$0x120] =	vst v10;
	v10 =	vand.u32 $0x1, v13;
	v17 =	vld.idx.msk [tilespmem:v23+s2+$0x0], $0xffff  }
0x2a7: {  	v14 =	vand.u32 $0x1F, v14;
	v20 =	vshrl.u32 v20, $0x10;
	v16 =	vld.idx.msk [tilespmem:v16+s2+$0x0], $0xffff;
	v13 =	vshrl.u32 v57, $0x15;
	[tilespmem:s28+$0xFFFFFE60] =	vst v10  }
0x2a8: {  	v15 =	vand.u32 $0x1F, v15;
	v9 =	vshrl.u32 v18, v9;
	v13 =	vadd.s32 v7, v13;
	v25 =	vld [tilespmem:s29+$0xFFFFFF30]  }
0x2a9: {  	v18 =	vld.idx.msk [tilespmem:v19+s2+$0x0], $0xffff;
	v19 =	vand.u32 $0x1F, v11;
	v9 =	vand.u32 $0x1, v9;
	v10 =	vshrl.u32 v21, v12  }
0x2aa: {  	[tilespmem:s28+$0xFFFFFEE0] =	vst v9;
	v9 =	vand.u32 $0x1, v10;
	v12 =	vshrl.u32 v24, v14;
	v14 =	vand.u32 $0x1F, v57  }
0x2ab: {  	v8 =	vshrl.u32 v8, v19;
	v10 =	vld [tilespmem:s29+$0xFFFFFF70];
	[tilespmem:s28+$0xFFFFFF60] =	vst v9;
	v9 =	vand.u32 $0x1, v12;
	v12 =	vshrl.u32 v17, v14  }
0x2ac: {  	v19 =	vshrl.u32 v57, $0x10;
	v11 =	vld [tilespmem:s29+$0xFFFFFFB0];
	[tilespmem:s28+$0xFFFFFFE0] =	vst v9;
	v14 =	vand.u32 $0x1F, v20;
	v9 =	vand.u32 $0x1, v12  }
0x2ad: {  	v8 =	vand.u32 $0x1, v8;
	v12 =	vld [tilespmem:s29+$0xFFFFFFF0];
	v14 =	vshrl.u32 v16, v14;
	v24 =	vand.u32 $0x1F, v25;
	[tilespmem:s28+$0x1B0] =	vst v9  }
0x2ae: {  	[tilespmem:s28+$0x60] =	vst v8;
	v29 =	vshrl.u32 v25, $0x15;
	v8 =	vand.u32 $0x1, v14;
	v9 =	vshrl.u32 v18, v15;
	v14 =	vld.idx.msk [tilespmem:v13+s2+$0x0], $0xffff  }
0x2af: {  	v15 =	vshrl.u32 v25, $0x5;
	v31 =	vadd.s32 v7, v29;
	v13 =	vld [tilespmem:s29+$0x30];
	[tilespmem:s28+$0xE0] =	vst v8;
	v9 =	vand.u32 $0x1, v9  }
0x2b0: {  	v15 =	vand.u32 $0x7F, v15;
	v16 =	vshrl.u32 v10, $0x5;
	v26 =	vand.u32 $0x1F, v10;
	v8 =	vld [tilespmem:s29+$0x70];
	[tilespmem:s28+$0x160] =	vst v9  }
0x2b1: {  	v15 =	vor.u32 v6, v15;
	v16 =	vand.u32 $0x7F, v16;
	v17 =	vshrl.u32 v11, $0x5;
	v9 =	vld [tilespmem:s29+$0xB0]  }
0x2b2: {  	v17 =	vand.u32 $0x7F, v17;
	v20 =	vor.u32 v6, v16;
	v18 =	vshrl.u32 v12, $0x5  }
0x2b3: {  	v22 =	vor.u32 v6, v17;
	v16 =	vand.u32 $0x7F, v18;
	v18 =	vand.u32 $0x1F, v19  }
0x2b4: {  	v17 =	vshrl.u32 v13, $0x5;
	v14 =	vshrl.u32 v14, v18;
	v23 =	vor.u32 v6, v16  }
0x2b5: {  	v17 =	vand.u32 $0x7F, v17;
	v18 =	vshrl.u32 v8, $0x5;
	v28 =	vand.u32 $0x1, v14  }
0x2b6: {  	v15 =	vld.idx.msk [tilespmem:v15+s2+$0x0], $0xffff;
	v14 =	vand.u32 $0x7F, v18;
	v16 =	vshrl.u32 v9, $0x5;
	v27 =	vor.u32 v6, v17  }
0x2b7: {  	v62 =	vshrl.u32 v10, $0x15;
	v30 =	vor.u32 v6, v14;
	v14 =	vand.u32 $0x7F, v16  }
0x2b8: {  	v63 =	vshrl.u32 v11, $0x15;
	v32 =	vadd.s32 v7, v62;
	v61 =	vld.idx.msk [tilespmem:v20+s2+$0x0], $0xffff;
	v60 =	vor.u32 v6, v14  }
0x2b9: {  	v29 =	vadd.s32 v7, v63;
	v36 =	vshrl.u32 v12, $0x15;
	v19 =	vand.u32 $0x1F, v13;
	v18 =	vld.idx.msk [tilespmem:v22+s2+$0x0], $0xffff  }
0x2ba: {  	v21 =	vand.u32 $0x1F, v8;
	v17 =	vand.u32 $0x1F, v12;
	v20 =	vshrl.u32 v8, $0x15;
	v23 =	vld.idx.msk [tilespmem:v23+s2+$0x0], $0xffff  }
0x2bb: {  	v16 =	vand.u32 $0x1F, v11;
	v22 =	vshrl.u32 v13, $0x15;
	v15 =	vshrl.u32 v15, v24;
	v27 =	vld.idx.msk [tilespmem:v27+s2+$0x0], $0xffff  }
0x2bc: {  	[tilespmem:s28+$0x1F0] =	vst v28;
	v14 =	vand.u32 $0x1F, v9;
	v24 =	vshrl.u32 v9, $0x15;
	v15 =	vand.u32 $0x1, v15;
	v28 =	vld.idx.msk [tilespmem:v30+s2+$0x0], $0xffff  }
0x2bd: {  	s30 =	simm.s32 $0x0;
	s31 =	simm.s32 $0x4300;
	s29 =	simm.s32 $0xC200;
	[tilespmem:s28+$0xFFFFFE30] =	vst v15;
	v15 =	vshrl.u32 v25, $0x10;
	v25 =	vshrl.u32 v61, v26;
	v30 =	vadd.s32 v7, v36;
	v33 =	vld.idx.msk [tilespmem:v60+s2+$0x0], $0xffff  }
.LBB2_6:
0x2be: {  	v26 =	vld [tilespmem:s31+$0xC0];
	s30 =	sadd.s32 $0x8, s30;
	v25 =	vand.u32 $0x1, v25;
	v16 =	vshrl.u32 v18, v16;
	v34 =	vadd.s32 v7, v22  }
0x2bf: {  	v35 =	vadd.s32 v7, v20;
	v22 =	vld [tilespmem:s31+$0xFFFFFF40];
	p0 =	slt.u32 s30, $0xF8;
	[tilespmem:s28+$0xFFFFFEB0] =	vst v25;
	v18 =	vand.u32 $0x1, v16;
	v16 =	vadd.s32 v7, v24  }
0x2c0: {  	v20 =	vshrl.u32 v10, $0x10;
	v10 =	vshrl.u32 v23, v17;
	v24 =	vld [tilespmem:s31+$0xFFFFFF80];
	[tilespmem:s28+$0xFFFFFF30] =	vst v18;
	v18 =	vshrl.u32 v11, $0x10  }
0x2c1: {  	v17 =	vshrl.u32 v12, $0x10;
	v10 =	vand.u32 $0x1, v10;
	v11 =	vshrl.u32 v27, v19;
	v25 =	vld [tilespmem:s31+$0xFFFFFFC0]  }
0x2c2: {  	v19 =	vshrl.u32 v13, $0x10;
	v27 =	vld [tilespmem:s31+$0x0];
	[tilespmem:s28+$0xFFFFFFB0] =	vst v10;
	v10 =	vand.u32 $0x1, v11;
	v11 =	vshrl.u32 v28, v21  }
0x2c3: {  	v23 =	vshrl.u32 v33, v14;
	v28 =	vld [tilespmem:s31+$0x40];
	v12 =	vshrl.u32 v26, $0x5;
	[tilespmem:s28+$0x30] =	vst v10;
	v10 =	vand.u32 $0x1, v11  }
0x2c4: {  	v11 =	vshrl.u32 v22, $0x5;
	v13 =	vand.u32 $0x1F, v22;
	v33 =	vld [tilespmem:s31+$0x80];
	v12 =	vand.u32 $0x7F, v12;
	[tilespmem:s28+$0xB0] =	vst v10  }
0x2c5: {  	v36 =	vld [tilespmem:s31+$0xFFFFFF00];
	v10 =	vand.u32 $0x7F, v11;
	v11 =	vshrl.u32 v24, $0x5;
	v14 =	vor.u32 v0, v12  }
0x2c6: {  	v37 =	vor.u32 v0, v10;
	v10 =	vand.u32 $0x7F, v11;
	v11 =	vshrl.u32 v25, $0x5;
	v21 =	vld.idx.msk [tilespmem:v31+s2+$0x0], $0xffff  }
0x2c7: {  	v31 =	vor.u32 v0, v10;
	v10 =	vand.u32 $0x7F, v11;
	v12 =	vshrl.u32 v27, $0x5;
	v11 =	vld.idx.msk [tilespmem:v32+s2+$0x0], $0xffff  }
0x2c8: {  	v32 =	vor.u32 v0, v10;
	v10 =	vand.u32 $0x7F, v12;
	v38 =	vshrl.u32 v28, $0x5;
	v12 =	vld.idx.msk [tilespmem:v29+s2+$0x0], $0xffff  }
0x2c9: {  	v29 =	vor.u32 v0, v10;
	v38 =	vand.u32 $0x7F, v38;
	v39 =	vshrl.u32 v33, $0x5;
	v10 =	vld.idx.msk [tilespmem:v30+s2+$0x0], $0xffff  }
0x2ca: {  	v30 =	vshrl.u32 v36, $0x5;
	v38 =	vor.u32 v0, v38;
	v39 =	vand.u32 $0x7F, v39;
	v14 =	vld.idx.msk [tilespmem:v14+s2+$0x0], $0xffff  }
0x2cb: {  	v40 =	vand.u32 $0x1F, v36;
	v30 =	vand.u32 $0x7F, v30;
	v37 =	vld.idx.msk [tilespmem:v37+s2+$0x0], $0xffff;
	v39 =	vor.u32 v0, v39  }
0x2cc: {  	v41 =	vand.u32 $0x1F, v24;
	v42 =	vand.u32 $0x1F, v25;
	v30 =	vor.u32 v0, v30;
	v31 =	vld.idx.msk [tilespmem:v31+s2+$0x0], $0xffff  }
0x2cd: {  	v45 =	vshrl.u32 v26, $0x15;
	v43 =	vand.u32 $0x1F, v27;
	v44 =	vand.u32 $0x1F, v28;
	v32 =	vld.idx.msk [tilespmem:v32+s2+$0x0], $0xffff  }
0x2ce: {  	v45 =	vadd.s32 v1, v45;
	v47 =	vand.u32 $0x1F, v33;
	v46 =	vshrl.u32 v36, $0x15;
	v29 =	vld.idx.msk [tilespmem:v29+s2+$0x0], $0xffff  }
0x2cf: {  	v50 =	vand.u32 $0x1F, v26;
	v48 =	vshrl.u32 v22, $0x15;
	v49 =	vshrl.u32 v24, $0x15;
	v38 =	vld.idx.msk [tilespmem:v38+s2+$0x0], $0xffff  }
0x2d0: {  	v51 =	vshrl.u32 v25, $0x15;
	v52 =	vshrl.u32 v27, $0x15;
	v14 =	vshrl.u32 v14, v50;
	v39 =	vld.idx.msk [tilespmem:v39+s2+$0x0], $0xffff  }
0x2d1: {  	s28 =	sadd.s32 $0x400, s28;
	v13 =	vshrl.u32 v37, v13;
	v37 =	vshrl.u32 v28, $0x15;
	v14 =	vand.u32 $0x1, v14;
	v30 =	vld.idx.msk [tilespmem:v30+s2+$0x0], $0xffff  }
0x2d2: {  	v50 =	vand.u32 $0x1, v13;
	v31 =	vshrl.u32 v31, v41;
	v41 =	vshrl.u32 v33, $0x15;
	[tilespmem:s28+$0x180] =	vst v14;
	v13 =	vld.idx.msk [tilespmem:v34+s2+$0x0], $0xffff  }
0x2d3: {  	v34 =	vadd.s32 v1, v46;
	v14 =	vand.u32 $0x1, v31;
	v31 =	vshrl.u32 v32, v42;
	[tilespmem:s28+$0xFFFFFE80] =	vst v50;
	v32 =	vld.idx.msk [tilespmem:v45+s2+$0x0], $0xffff  }
0x2d4: {  	v42 =	vadd.s32 v1, v48;
	v31 =	vand.u32 $0x1, v31;
	v29 =	vshrl.u32 v29, v43;
	[tilespmem:s28+$0xFFFFFF00] =	vst v14;
	v14 =	vld.idx.msk [tilespmem:v35+s2+$0x0], $0xffff  }
0x2d5: {  	v35 =	vadd.s32 v1, v49;
	v29 =	vand.u32 $0x1, v29;
	[tilespmem:s28+$0xFFFFFF80] =	vst v31;
	v31 =	vshrl.u32 v38, v44  }
0x2d6: {  	v38 =	vadd.s32 v1, v51;
	[tilespmem:s28+$0x0] =	vst v29;
	v29 =	vand.u32 $0x1, v31;
	v31 =	vshrl.u32 v39, v47  }
0x2d7: {  	v26 =	vshrl.u32 v26, $0x10;
	v30 =	vshrl.u32 v30, v40;
	[tilespmem:s28+$0x80] =	vst v29;
	v29 =	vand.u32 $0x1, v31  }
0x2d8: {  	v26 =	vand.u32 $0x1F, v26;
	v30 =	vand.u32 $0x1, v30;
	v31 =	vadd.s32 v1, v52;
	[tilespmem:s28+$0x100] =	vst v29  }
0x2d9: {  	v29 =	vadd.s32 v1, v37;
	v26 =	vshrl.u32 v32, v26;
	[tilespmem:s28+$0xFFFFFE00] =	vst v30;
	v30 =	vadd.s32 v1, v41  }
0x2da: {  	v22 =	vshrl.u32 v22, $0x10;
	v32 =	vshrl.u32 v36, $0x10;
	v26 =	vand.u32 $0x1, v26;
	v34 =	vld.idx.msk [tilespmem:v34+s2+$0x0], $0xffff  }
0x2db: {  	v25 =	vshrl.u32 v25, $0x10;
	v27 =	vshrl.u32 v27, $0x10;
	v37 =	vshrl.u32 v24, $0x10;
	v36 =	vld.idx.msk [tilespmem:v42+s2+$0x0], $0xffff;
	[tilespmem:s28+$0x1C0] =	vst v26  }
0x2dc: {  	v28 =	vshrl.u32 v28, $0x10;
	v26 =	vand.u32 $0x1F, v32;
	v32 =	vshrl.u32 v33, $0x10;
	v24 =	vld [tilespmem:s31+$0xD0]  }
0x2dd: {  	v22 =	vand.u32 $0x1F, v22;
	v25 =	vand.u32 $0x1F, v25;
	v33 =	vld.idx.msk [tilespmem:v35+s2+$0x0], $0xffff;
	v35 =	vand.u32 $0x1F, v37  }
0x2de: {  	v27 =	vand.u32 $0x1F, v27;
	v28 =	vand.u32 $0x1F, v28;
	v32 =	vand.u32 $0x1F, v32;
	v37 =	vld.idx.msk [tilespmem:v38+s2+$0x0], $0xffff  }
0x2df: {  	v39 =	vshrl.u32 v9, $0x10;
	v38 =	vshrl.u32 v8, $0x10;
	v8 =	vand.u32 $0x1, v23;
	v31 =	vld.idx.msk [tilespmem:v31+s2+$0x0], $0xffff  }
0x2e0: {  	v9 =	vand.u32 $0x1F, v20;
	v23 =	vshrl.u32 v34, v26;
	v26 =	vld.idx.msk [tilespmem:v29+s2+$0x0], $0xffff;
	v29 =	vand.u32 $0x1F, v15;
	[tilespmem:s29+$0x130] =	vst v8  }
0x2e1: {  	v8 =	vand.u32 $0x1, v23;
	v15 =	vshrl.u32 v36, v22;
	v30 =	vld.idx.msk [tilespmem:v30+s2+$0x0], $0xffff;
	v20 =	vshrl.u32 v24, $0x5  }
0x2e2: {  	v18 =	vand.u32 $0x1F, v18;
	v15 =	vand.u32 $0x1, v15;
	[tilespmem:s28+$0xFFFFFE40] =	vst v8;
	v20 =	vand.u32 $0x7F, v20;
	v8 =	vld.idx.msk [tilespmem:v16+s2+$0x0], $0xffff  }
0x2e3: {  	v22 =	vld [tilespmem:s31+$0xFFFFFF10];
	[tilespmem:s28+$0xFFFFFEC0] =	vst v15;
	v15 =	vshrl.u32 v33, v35;
	v33 =	vor.u32 v2, v20;
	v20 =	vand.u32 $0x1F, v17  }
0x2e4: {  	v19 =	vand.u32 $0x1F, v19;
	v16 =	vshrl.u32 v37, v25;
	v23 =	vld [tilespmem:s31+$0xFFFFFF50];
	v15 =	vand.u32 $0x1, v15  }
0x2e5: {  	v17 =	vand.u32 $0x1F, v38;
	[tilespmem:s28+$0xFFFFFF40] =	vst v15;
	v15 =	vand.u32 $0x1, v16;
	v16 =	vshrl.u32 v31, v27  }
0x2e6: {  	v26 =	vshrl.u32 v26, v28;
	v25 =	vld [tilespmem:s31+$0xFFFFFF90];
	[tilespmem:s28+$0xFFFFFFC0] =	vst v15;
	v16 =	vand.u32 $0x1, v16;
	v15 =	vand.u32 $0x1F, v39  }
0x2e7: {  	v26 =	vand.u32 $0x1, v26;
	v28 =	vshrl.u32 v30, v32;
	v27 =	vld [tilespmem:s31+$0xFFFFFFD0];
	[tilespmem:s28+$0x40] =	vst v16;
	v16 =	vshrl.u32 v21, v29  }
0x2e8: {  	v21 =	vshrl.u32 v22, $0x5;
	v29 =	vand.u32 $0x1F, v22;
	[tilespmem:s28+$0xC0] =	vst v26;
	v26 =	vand.u32 $0x1, v28;
	v28 =	vld.idx.msk [tilespmem:v33+s2+$0x0], $0xffff  }
0x2e9: {  	v21 =	vand.u32 $0x7F, v21;
	v30 =	vshrl.u32 v23, $0x5;
	v31 =	vand.u32 $0x1F, v23;
	v32 =	vld [tilespmem:s31+$0x10];
	[tilespmem:s28+$0x140] =	vst v26  }
0x2ea: {  	v26 =	vshrl.u32 v22, $0x15;
	v21 =	vor.u32 v2, v21;
	v30 =	vand.u32 $0x7F, v30;
	v33 =	vld [tilespmem:s31+$0x50]  }
0x2eb: {  	v36 =	vshrl.u32 v24, $0x15;
	v30 =	vor.u32 v2, v30;
	v34 =	vshrl.u32 v25, $0x5;
	v35 =	vld [tilespmem:s31+$0x90]  }
0x2ec: {  	v36 =	vadd.s32 v3, v36;
	v34 =	vand.u32 $0x7F, v34;
	v37 =	vshrl.u32 v27, $0x5  }
0x2ed: {  	v38 =	vand.u32 $0x1F, v24;
	v34 =	vor.u32 v2, v34;
	v37 =	vand.u32 $0x7F, v37  }
0x2ee: {  	v28 =	vshrl.u32 v28, v38;
	v37 =	vor.u32 v2, v37;
	v39 =	vshrl.u32 v32, $0x5  }
0x2ef: {  	v28 =	vand.u32 $0x1, v28;
	v21 =	vld.idx.msk [tilespmem:v21+s2+$0x0], $0xffff;
	v38 =	vand.u32 $0x7F, v39;
	v39 =	vshrl.u32 v33, $0x5  }
0x2f0: {  	v30 =	vld.idx.msk [tilespmem:v30+s2+$0x0], $0xffff;
	v38 =	vor.u32 v2, v38;
	v39 =	vand.u32 $0x7F, v39;
	v40 =	vshrl.u32 v35, $0x5;
	[tilespmem:s28+$0x190] =	vst v28  }
0x2f1: {  	v28 =	vand.u32 $0x1F, v25;
	v39 =	vor.u32 v2, v39;
	v40 =	vand.u32 $0x7F, v40;
	v36 =	vld.idx.msk [tilespmem:v36+s2+$0x0], $0xffff  }
0x2f2: {  	v41 =	vand.u32 $0x1F, v27;
	v42 =	vand.u32 $0x1F, v32;
	v34 =	vld.idx.msk [tilespmem:v34+s2+$0x0], $0xffff;
	v40 =	vor.u32 v2, v40  }
0x2f3: {  	v43 =	vshrl.u32 v23, $0x15;
	v44 =	vand.u32 $0x1F, v33;
	v45 =	vand.u32 $0x1F, v35;
	v37 =	vld.idx.msk [tilespmem:v37+s2+$0x0], $0xffff  }
0x2f4: {  	v46 =	vshrl.u32 v25, $0x15;
	v47 =	vshrl.u32 v27, $0x15;
	v48 =	vshrl.u32 v32, $0x15  }
0x2f5: {  	v24 =	vshrl.u32 v24, $0x10;
	v21 =	vshrl.u32 v21, v29;
	v29 =	vld.idx.msk [tilespmem:v38+s2+$0x0], $0xffff;
	v38 =	vshrl.u32 v33, $0x15  }
0x2f6: {  	v24 =	vand.u32 $0x1F, v24;
	v21 =	vand.u32 $0x1, v21;
	v30 =	vshrl.u32 v30, v31;
	v31 =	vld.idx.msk [tilespmem:v39+s2+$0x0], $0xffff  }
0x2f7: {  	v39 =	vshrl.u32 v35, $0x15;
	v24 =	vshrl.u32 v36, v24;
	[tilespmem:s28+$0xFFFFFE10] =	vst v21;
	v21 =	vand.u32 $0x1, v30;
	v30 =	vld.idx.msk [tilespmem:v40+s2+$0x0], $0xffff  }
0x2f8: {  	v26 =	vadd.s32 v3, v26;
	v24 =	vand.u32 $0x1, v24;
	[tilespmem:s28+$0xFFFFFE90] =	vst v21;
	v21 =	vshrl.u32 v34, v28  }
0x2f9: {  	v28 =	vadd.s32 v3, v43;
	v34 =	vshrl.u32 v37, v41;
	v21 =	vand.u32 $0x1, v21;
	[tilespmem:s28+$0x1D0] =	vst v24  }
0x2fa: {  	v36 =	vadd.s32 v3, v47;
	v24 =	vadd.s32 v3, v46;
	v34 =	vand.u32 $0x1, v34;
	[tilespmem:s28+$0xFFFFFF10] =	vst v21;
	v21 =	vld [tilespmem:s31+$0xE0]  }
0x2fb: {  	v37 =	vadd.s32 v3, v38;
	v29 =	vshrl.u32 v29, v42;
	[tilespmem:s28+$0xFFFFFF90] =	vst v34;
	v34 =	vadd.s32 v3, v48  }
0x2fc: {  	v38 =	vadd.s32 v3, v39;
	v29 =	vand.u32 $0x1, v29;
	v31 =	vshrl.u32 v31, v44  }
0x2fd: {  	v22 =	vshrl.u32 v22, $0x10;
	v30 =	vshrl.u32 v30, v45;
	v26 =	vld.idx.msk [tilespmem:v26+s2+$0x0], $0xffff;
	[tilespmem:s28+$0x10] =	vst v29;
	v29 =	vand.u32 $0x1, v31  }
0x2fe: {  	v23 =	vshrl.u32 v23, $0x10;
	v25 =	vshrl.u32 v25, $0x10;
	v28 =	vld.idx.msk [tilespmem:v28+s2+$0x0], $0xffff;
	[tilespmem:s28+$0x90] =	vst v29;
	v29 =	vand.u32 $0x1, v30  }
0x2ff: {  	v27 =	vshrl.u32 v27, $0x10;
	v30 =	vshrl.u32 v32, $0x10;
	v24 =	vld.idx.msk [tilespmem:v24+s2+$0x0], $0xffff;
	[tilespmem:s28+$0x110] =	vst v29;
	v29 =	vshrl.u32 v21, $0x5  }
0x300: {  	v32 =	vshrl.u32 v33, $0x10;
	v33 =	vshrl.u32 v35, $0x10;
	v31 =	vld.idx.msk [tilespmem:v36+s2+$0x0], $0xffff;
	v29 =	vand.u32 $0x7F, v29  }
0x301: {  	v22 =	vand.u32 $0x1F, v22;
	v23 =	vand.u32 $0x1F, v23;
	v34 =	vld.idx.msk [tilespmem:v34+s2+$0x0], $0xffff;
	v29 =	vor.u32 v4, v29  }
0x302: {  	v27 =	vand.u32 $0x1F, v27;
	v25 =	vand.u32 $0x1F, v25;
	v30 =	vand.u32 $0x1F, v30;
	v35 =	vld.idx.msk [tilespmem:v37+s2+$0x0], $0xffff  }
0x303: {  	v33 =	vand.u32 $0x1F, v33;
	v22 =	vshrl.u32 v26, v22;
	v26 =	vand.u32 $0x1F, v32;
	v32 =	vld.idx.msk [tilespmem:v38+s2+$0x0], $0xffff  }
0x304: {  	v22 =	vand.u32 $0x1, v22;
	v23 =	vshrl.u32 v28, v23;
	v28 =	vshrl.u32 v11, v9  }
0x305: {  	v11 =	vshrl.u32 v12, v18;
	v9 =	vand.u32 $0x1, v23;
	[tilespmem:s28+$0xFFFFFE50] =	vst v22;
	v22 =	vshrl.u32 v24, v25  }
0x306: {  	v18 =	vshrl.u32 v31, v27;
	[tilespmem:s28+$0xFFFFFED0] =	vst v9;
	v12 =	vand.u32 $0x1, v22;
	v22 =	vld.idx.msk [tilespmem:v29+s2+$0x0], $0xffff;
	v9 =	vshrl.u32 v10, v20  }
0x307: {  	v20 =	vand.u32 $0x1, v18;
	v23 =	vshrl.u32 v34, v30;
	v10 =	vld [tilespmem:s31+$0xFFFFFF20];
	[tilespmem:s28+$0xFFFFFF50] =	vst v12;
	v12 =	vshrl.u32 v13, v19  }
0x308: {  	v19 =	vand.u32 $0x1, v23;
	v13 =	vshrl.u32 v14, v17;
	v18 =	vld [tilespmem:s31+$0xFFFFFF60];
	[tilespmem:s28+$0xFFFFFFD0] =	vst v20;
	v20 =	vshrl.u32 v35, v26  }
0x309: {  	v17 =	vld [tilespmem:s31+$0xFFFFFFA0];
	[tilespmem:s28+$0x50] =	vst v19;
	v14 =	vand.u32 $0x1, v20;
	v19 =	vshrl.u32 v32, v33;
	v20 =	vshrl.u32 v21, $0x15  }
0x30a: {  	v8 =	vshrl.u32 v8, v15;
	v23 =	vld [tilespmem:s31+$0xFFFFFFE0];
	[tilespmem:s28+$0xD0] =	vst v14;
	v14 =	vand.u32 $0x1, v19;
	v19 =	vadd.s32 v5, v20  }
0x30b: {  	v16 =	vand.u32 $0x1, v16;
	v20 =	vand.u32 $0x1, v28;
	v15 =	vld [tilespmem:s31+$0x20];
	[tilespmem:s28+$0x150] =	vst v14;
	v14 =	vand.u32 $0x1F, v21  }
0x30c: {  	v24 =	vshrl.u32 v10, $0x5;
	v25 =	vand.u32 $0x1F, v10;
	v26 =	vld [tilespmem:s31+$0x60];
	v14 =	vshrl.u32 v22, v14;
	[tilespmem:s29+$0xFFFFFE70] =	vst v16  }
0x30d: {  	v16 =	vand.u32 $0x7F, v24;
	v22 =	vshrl.u32 v18, $0x5;
	v24 =	vld [tilespmem:s31+$0xA0];
	v14 =	vand.u32 $0x1, v14;
	[tilespmem:s29+$0xFFFFFEF0] =	vst v20  }
0x30e: {  	v16 =	vor.u32 v4, v16;
	v20 =	vand.u32 $0x7F, v22;
	v22 =	vshrl.u32 v17, $0x5;
	[tilespmem:s28+$0x1A0] =	vst v14  }
0x30f: {  	v14 =	vor.u32 v4, v20;
	v20 =	vand.u32 $0x7F, v22;
	v22 =	vshrl.u32 v23, $0x5;
	v19 =	vld.idx.msk [tilespmem:v19+s2+$0x0], $0xffff  }
0x310: {  	v20 =	vor.u32 v4, v20;
	v22 =	vand.u32 $0x7F, v22;
	v27 =	vshrl.u32 v15, $0x5  }
0x311: {  	v22 =	vor.u32 v4, v22;
	v27 =	vand.u32 $0x7F, v27;
	v28 =	vshrl.u32 v26, $0x5  }
0x312: {  	v27 =	vor.u32 v4, v27;
	v28 =	vand.u32 $0x7F, v28;
	v29 =	vshrl.u32 v24, $0x5  }
0x313: {  	v21 =	vshrl.u32 v21, $0x10;
	v16 =	vld.idx.msk [tilespmem:v16+s2+$0x0], $0xffff;
	v28 =	vor.u32 v4, v28;
	v29 =	vand.u32 $0x7F, v29  }
0x314: {  	v31 =	vand.u32 $0x1F, v18;
	v30 =	vld.idx.msk [tilespmem:v14+s2+$0x0], $0xffff;
	v29 =	vor.u32 v4, v29;
	v14 =	vand.u32 $0x1F, v21  }
0x315: {  	v32 =	vand.u32 $0x1F, v23;
	v21 =	vand.u32 $0x1F, v17;
	v20 =	vld.idx.msk [tilespmem:v20+s2+$0x0], $0xffff;
	v14 =	vshrl.u32 v19, v14  }
0x316: {  	v33 =	vand.u32 $0x1F, v26;
	v19 =	vld.idx.msk [tilespmem:v22+s2+$0x0], $0xffff;
	v22 =	vand.u32 $0x1F, v15;
	v14 =	vand.u32 $0x1, v14  }
0x317: {  	v34 =	vshrl.u32 v10, $0x15;
	v35 =	vshrl.u32 v18, $0x15;
	v36 =	vand.u32 $0x1F, v24;
	v27 =	vld.idx.msk [tilespmem:v27+s2+$0x0], $0xffff;
	[tilespmem:s28+$0x1E0] =	vst v14  }
0x318: {  	v37 =	vshrl.u32 v17, $0x15;
	v38 =	vshrl.u32 v23, $0x15;
	v39 =	vshrl.u32 v15, $0x15;
	v14 =	vld [tilespmem:s31+$0xF0]  }
0x319: {  	v40 =	vshrl.u32 v24, $0x15;
	v16 =	vshrl.u32 v16, v25;
	v25 =	vld.idx.msk [tilespmem:v28+s2+$0x0], $0xffff;
	v28 =	vshrl.u32 v26, $0x15  }
0x31a: {  	v34 =	vadd.s32 v5, v34;
	v16 =	vand.u32 $0x1, v16;
	v30 =	vshrl.u32 v30, v31;
	v29 =	vld.idx.msk [tilespmem:v29+s2+$0x0], $0xffff  }
0x31b: {  	v20 =	vshrl.u32 v20, v21;
	[tilespmem:s28+$0xFFFFFE20] =	vst v16;
	v16 =	vand.u32 $0x1, v30;
	v30 =	vadd.s32 v5, v35  }
0x31c: {  	v19 =	vshrl.u32 v19, v32;
	[tilespmem:s28+$0xFFFFFEA0] =	vst v16;
	v16 =	vand.u32 $0x1, v20;
	v20 =	vadd.s32 v5, v37  }
0x31d: {  	[tilespmem:s28+$0xFFFFFF20] =	vst v16;
	v16 =	vand.u32 $0x1, v19;
	v19 =	vshrl.u32 v27, v22;
	v21 =	vshrl.u32 v14, $0x5  }
0x31e: {  	[tilespmem:s28+$0xFFFFFFA0] =	vst v16;
	v16 =	vadd.s32 v5, v38;
	v19 =	vand.u32 $0x1, v19;
	v21 =	vand.u32 $0x7F, v21  }
0x31f: {  	v22 =	vshrl.u32 v25, v33;
	[tilespmem:s28+$0x20] =	vst v19;
	v19 =	vadd.s32 v5, v39;
	v21 =	vor.u32 v6, v21  }
0x320: {  	v27 =	vadd.s32 v5, v28;
	v22 =	vand.u32 $0x1, v22;
	v28 =	vshrl.u32 v29, v36;
	v25 =	vld.idx.msk [tilespmem:v34+s2+$0x0], $0xffff  }
0x321: {  	v10 =	vshrl.u32 v10, $0x10;
	v29 =	vld.idx.msk [tilespmem:v30+s2+$0x0], $0xffff;
	[tilespmem:s28+$0xA0] =	vst v22;
	v22 =	vand.u32 $0x1, v28;
	v28 =	vadd.s32 v5, v40  }
0x322: {  	v18 =	vshrl.u32 v18, $0x10;
	v23 =	vshrl.u32 v23, $0x10;
	v17 =	vshrl.u32 v17, $0x10;
	v20 =	vld.idx.msk [tilespmem:v20+s2+$0x0], $0xffff;
	[tilespmem:s28+$0x120] =	vst v22  }
0x323: {  	v24 =	vshrl.u32 v24, $0x10;
	v15 =	vshrl.u32 v15, $0x10;
	v22 =	vshrl.u32 v26, $0x10;
	v16 =	vld.idx.msk [tilespmem:v16+s2+$0x0], $0xffff  }
0x324: {  	v10 =	vand.u32 $0x1F, v10;
	v18 =	vand.u32 $0x1F, v18;
	v17 =	vand.u32 $0x1F, v17;
	v21 =	vld.idx.msk [tilespmem:v21+s2+$0x0], $0xffff  }
0x325: {  	v23 =	vand.u32 $0x1F, v23;
	v15 =	vand.u32 $0x1F, v15;
	v22 =	vand.u32 $0x1F, v22;
	v19 =	vld.idx.msk [tilespmem:v19+s2+$0x0], $0xffff  }
0x326: {  	v11 =	vand.u32 $0x1, v11;
	v24 =	vand.u32 $0x1F, v24;
	v10 =	vshrl.u32 v25, v10;
	v25 =	vld.idx.msk [tilespmem:v27+s2+$0x0], $0xffff  }
0x327: {  	v10 =	vand.u32 $0x1, v10;
	v18 =	vshrl.u32 v29, v18;
	v27 =	vshrl.u32 v14, $0x15;
	v26 =	vld.idx.msk [tilespmem:v28+s2+$0x0], $0xffff;
	[tilespmem:s29+$0xFFFFFF70] =	vst v11  }
0x328: {  	v11 =	vshrl.u32 v20, v17;
	v17 =	vadd.s32 v7, v27;
	[tilespmem:s28+$0xFFFFFE60] =	vst v10;
	v10 =	vand.u32 $0x1, v18  }
0x329: {  	v11 =	vand.u32 $0x1, v11;
	v16 =	vshrl.u32 v16, v23;
	v18 =	vand.u32 $0x1F, v14;
	v30 =	vld [tilespmem:s31+$0xFFFFFF30];
	[tilespmem:s28+$0xFFFFFEE0] =	vst v10  }
0x32a: {  	v20 =	vand.u32 $0x1, v9;
	v16 =	vand.u32 $0x1, v16;
	v18 =	vshrl.u32 v21, v18;
	v10 =	vld [tilespmem:s31+$0xFFFFFF70];
	[tilespmem:s28+$0xFFFFFF60] =	vst v11  }
0x32b: {  	v9 =	vshrl.u32 v19, v15;
	v15 =	vand.u32 $0x1, v18;
	v11 =	vld [tilespmem:s31+$0xFFFFFFB0];
	[tilespmem:s28+$0xFFFFFFE0] =	vst v16;
	v16 =	vand.u32 $0x1, v12  }
0x32c: {  	v9 =	vand.u32 $0x1, v9;
	v18 =	vshrl.u32 v25, v22;
	v12 =	vld [tilespmem:s31+$0xFFFFFFF0];
	[tilespmem:s28+$0x1B0] =	vst v15;
	v15 =	vand.u32 $0x1, v13  }
0x32d: {  	v19 =	vand.u32 $0x1, v8;
	[tilespmem:s28+$0x60] =	vst v9;
	v9 =	vand.u32 $0x1, v18;
	v18 =	vshrl.u32 v26, v24;
	v17 =	vld.idx.msk [tilespmem:v17+s2+$0x0], $0xffff  }
0x32e: {  	v8 =	vshrl.u32 v30, $0x5;
	v24 =	vand.u32 $0x1F, v30;
	v13 =	vld [tilespmem:s31+$0x30];
	[tilespmem:s28+$0xE0] =	vst v9;
	v9 =	vand.u32 $0x1, v18  }
0x32f: {  	v18 =	vand.u32 $0x7F, v8;
	v21 =	vshrl.u32 v10, $0x5;
	v25 =	vand.u32 $0x1F, v10;
	v8 =	vld [tilespmem:s31+$0x70];
	[tilespmem:s28+$0x160] =	vst v9  }
0x330: {  	v18 =	vor.u32 v6, v18;
	v21 =	vand.u32 $0x7F, v21;
	v22 =	vshrl.u32 v11, $0x5;
	v9 =	vld [tilespmem:s31+$0xB0];
	[tilespmem:s29+$0xFFFFFFF0] =	vst v20  }
0x331: {  	v14 =	vshrl.u32 v14, $0x10;
	v20 =	vand.u32 $0x7F, v22;
	v22 =	vshrl.u32 v12, $0x5;
	[tilespmem:s29+$0x70] =	vst v16  }
0x332: {  	v14 =	vand.u32 $0x1F, v14;
	v16 =	vor.u32 v6, v21;
	v21 =	vand.u32 $0x7F, v22;
	[tilespmem:s29+$0xF0] =	vst v15  }
0x333: {  	v15 =	vor.u32 v6, v20;
	v14 =	vshrl.u32 v17, v14;
	v20 =	vshrl.u32 v13, $0x5;
	[tilespmem:s29+$0x170] =	vst v19;
	s29 =	smov.u32 s28  }
0x334: {  	v14 =	vand.u32 $0x1, v14;
	v17 =	vand.u32 $0x7F, v20;
	v19 =	vshrl.u32 v8, $0x5  }
0x335: {  	v20 =	vor.u32 v6, v21;
	v26 =	vld.idx.msk [tilespmem:v18+s2+$0x0], $0xffff;
	v18 =	vand.u32 $0x7F, v19;
	v19 =	vshrl.u32 v9, $0x5;
	[tilespmem:s28+$0x1F0] =	vst v14  }
0x336: {  	v27 =	vor.u32 v6, v17;
	v28 =	vor.u32 v6, v18;
	v14 =	vand.u32 $0x7F, v19  }
0x337: {  	v17 =	vand.u32 $0x1F, v12;
	v33 =	vld.idx.msk [tilespmem:v16+s2+$0x0], $0xffff;
	v16 =	vand.u32 $0x1F, v11;
	v34 =	vor.u32 v6, v14  }
0x338: {  	v21 =	vand.u32 $0x1F, v8;
	v19 =	vand.u32 $0x1F, v13;
	v14 =	vand.u32 $0x1F, v9;
	v18 =	vld.idx.msk [tilespmem:v15+s2+$0x0], $0xffff  }
.Ltmp2:
0x339: {  	v29 =	vshrl.u32 v10, $0x15;
	v35 =	vshrl.u32 v11, $0x15;
	v15 =	vshrl.u32 v30, $0x15;
	(pc) =	sbr.rel @p0 .LBB2_6-.Ltmp2, $4  }
0x33a: {  	v36 =	vshrl.u32 v12, $0x15;
	v22 =	vshrl.u32 v13, $0x15;
	v23 =	vld.idx.msk [tilespmem:v20+s2+$0x0], $0xffff;
	v20 =	vshrl.u32 v8, $0x15  }
0x33b: {  	v31 =	vadd.s32 v7, v15;
	v26 =	vshrl.u32 v26, v24;
	v24 =	vshrl.u32 v9, $0x15;
	v27 =	vld.idx.msk [tilespmem:v27+s2+$0x0], $0xffff  }
0x33c: {  	v32 =	vadd.s32 v7, v29;
	v29 =	vadd.s32 v7, v35;
	v15 =	vand.u32 $0x1, v26;
	v28 =	vld.idx.msk [tilespmem:v28+s2+$0x0], $0xffff  }
0x33d: {  	s31 =	sadd.s32 $0x200, s31;
	v25 =	vshrl.u32 v33, v25;
	[tilespmem:s28+$0xFFFFFE30] =	vst v15;
	v15 =	vshrl.u32 v30, $0x10;
	v30 =	vadd.s32 v7, v36;
	v33 =	vld.idx.msk [tilespmem:v34+s2+$0x0], $0xffff  }
0x33e: {  	_ =	sdelay $0x1  }
0x33f: {  	v25 =	vand.u32 $0x1, v25;
	v16 =	vshrl.u32 v18, v16  }
0x340: {  	v18 =	vadd.s32 v7, v22;
	v20 =	vadd.s32 v7, v20;
	v22 =	vadd.s32 v7, v24  }
0x341: {  	v10 =	vshrl.u32 v10, $0x10;
	v16 =	vand.u32 $0x1, v16;
	[tilespmem:s28+$0xFFFFFEB0] =	vst v25;
	v17 =	vshrl.u32 v23, v17;
	v23 =	vld.idx.msk [tilespmem:v31+s2+$0x0], $0xffff  }
0x342: {  	v11 =	vshrl.u32 v11, $0x10;
	[tilespmem:s28+$0xFFFFFF30] =	vst v16;
	v16 =	vand.u32 $0x1, v17;
	v17 =	vshrl.u32 v27, v19;
	v19 =	vld.idx.msk [tilespmem:v32+s2+$0x0], $0xffff  }
0x343: {  	v12 =	vshrl.u32 v12, $0x10;
	[tilespmem:s28+$0xFFFFFFB0] =	vst v16;
	v16 =	vand.u32 $0x1, v17;
	v17 =	vshrl.u32 v28, v21;
	v21 =	vld.idx.msk [tilespmem:v29+s2+$0x0], $0xffff  }
0x344: {  	v13 =	vshrl.u32 v13, $0x10;
	[tilespmem:s28+$0x30] =	vst v16;
	v16 =	vand.u32 $0x1, v17;
	v14 =	vshrl.u32 v33, v14;
	v17 =	vld.idx.msk [tilespmem:v30+s2+$0x0], $0xffff  }
0x345: {  	v8 =	vshrl.u32 v8, $0x10;
	v15 =	vand.u32 $0x1F, v15;
	[tilespmem:s28+$0xB0] =	vst v16;
	v16 =	vld.idx.msk [tilespmem:v18+s2+$0x0], $0xffff;
	v14 =	vand.u32 $0x1, v14  }
0x346: {  	v9 =	vshrl.u32 v9, $0x10;
	v10 =	vand.u32 $0x1F, v10;
	v18 =	vld.idx.msk [tilespmem:v20+s2+$0x0], $0xffff;
	[tilespmem:s29+$0x130] =	vst v14;
	v14 =	vshrl.u32 v23, v15  }
0x347: {  	v11 =	vand.u32 $0x1F, v11;
	v15 =	vld.idx.msk [tilespmem:v22+s2+$0x0], $0xffff;
	v10 =	vshrl.u32 v19, v10;
	v14 =	vand.u32 $0x1, v14  }
0x348: {  	v12 =	vand.u32 $0x1F, v12;
	v11 =	vshrl.u32 v21, v11;
	v10 =	vand.u32 $0x1, v10;
	[tilespmem:s29+$0xFFFFFE70] =	vst v14  }
0x349: {  	v13 =	vand.u32 $0x1F, v13;
	v12 =	vshrl.u32 v17, v12;
	[tilespmem:s29+$0xFFFFFEF0] =	vst v10;
	v10 =	vand.u32 $0x1, v11  }
0x34a: {  	v8 =	vand.u32 $0x1F, v8;
	v11 =	vshrl.u32 v16, v13;
	[tilespmem:s29+$0xFFFFFF70] =	vst v10;
	v10 =	vand.u32 $0x1, v12  }
0x34b: {  	v9 =	vand.u32 $0x1F, v9;
	v8 =	vshrl.u32 v18, v8;
	v11 =	vand.u32 $0x1, v11;
	[tilespmem:s29+$0xFFFFFFF0] =	vst v10  }
0x34c: {  	v9 =	vshrl.u32 v15, v9;
	v8 =	vand.u32 $0x1, v8;
	[tilespmem:s29+$0x70] =	vst v11  }
0x34d: {  	v9 =	vand.u32 $0x1, v9;
	[tilespmem:s29+$0xF0] =	vst v8  }
0x34e: {  	[tilespmem:s29+$0x170] =	vst v9  }
0x34f: {  	[hbm4b:s10+s19] =	stream.strided.scatter [tilespmem:s21], [sflag:$0x3], $0x8000, s20, s19, $0x38;
	[tilespmem:$0x1C000] =	vst v63  }
0x350: {  	_ =	swait.ge [sflag:s22], $0x4000  }
0x351: {  	[sflag:s22] =	ssyncset.done $0x0  }
0x352: {  	[sflag:s22] =	ssyncadd.s32 $0xFFFFC000  }
0x353: {  	_ =	swait.ge [sflag:s25], $0x8000  }
0x354: {  	[sflag:s25] =	ssyncset.done $0x0  }
0x355: {  	s29 =	simm.s32 $0x8100;
	[sflag:s25] =	ssyncadd.s32 $0xFFFF8000  }
0x356: {  	v8 =	vld [tilespmem:s29+$0xC0]  }
0x357: {  	v9 =	vld [tilespmem:s29+$0xFFFFFF40]  }
0x358: {  	v10 =	vld [tilespmem:s29+$0xFFFFFF80]  }
0x359: {  	v11 =	vld [tilespmem:s29+$0xFFFFFFC0]  }
0x35a: {  	v13 =	vld [tilespmem:s29+$0x0]  }
0x35b: {  	v14 =	vld [tilespmem:s29+$0xFFFFFF00]  }
0x35c: {  	v15 =	vld [tilespmem:s29+$0x40]  }
0x35d: {  	v19 =	vld [tilespmem:s29+$0x80];
	v12 =	vshrl.u32 v8, $0x5  }
0x35e: {  	v12 =	vand.u32 $0x7F, v12  }
0x35f: {  	v16 =	vshrl.u32 v9, $0x5;
	v12 =	vor.u32 v0, v12  }
0x360: {  	v17 =	vand.u32 $0x1F, v9;
	v18 =	vshrl.u32 v10, $0x5;
	v20 =	vshrl.u32 v11, $0x5  }
0x361: {  	v21 =	vshrl.u32 v13, $0x5;
	v22 =	vshrl.u32 v14, $0x5;
	v23 =	vshrl.u32 v15, $0x5  }
0x362: {  	v24 =	vshrl.u32 v8, $0x15;
	v25 =	vshrl.u32 v19, $0x5;
	v16 =	vand.u32 $0x7F, v16  }
0x363: {  	v26 =	vand.u32 $0x1F, v8;
	v18 =	vand.u32 $0x7F, v18;
	v16 =	vor.u32 v0, v16  }
0x364: {  	v27 =	vand.u32 $0x1F, v14;
	v22 =	vand.u32 $0x7F, v22;
	v18 =	vor.u32 v0, v18;
	v12 =	vld.idx.msk [tilespmem:v12+s2+$0x0], $0xffff  }
0x365: {  	v28 =	vand.u32 $0x1F, v11;
	v20 =	vand.u32 $0x7F, v20;
	v22 =	vor.u32 v0, v22  }
0x366: {  	v29 =	vand.u32 $0x1F, v13;
	v30 =	vand.u32 $0x1F, v15;
	v20 =	vor.u32 v0, v20  }
0x367: {  	v31 =	vshrl.u32 v14, $0x15;
	v51 =	vshrl.u32 v9, $0x15;
	v24 =	vadd.s32 v1, v24  }
0x368: {  	v52 =	vshrl.u32 v10, $0x15;
	v34 =	vshrl.u32 v11, $0x15;
	v25 =	vand.u32 $0x7F, v25;
	v16 =	vld.idx.msk [tilespmem:v16+s2+$0x0], $0xffff  }
0x369: {  	v23 =	vand.u32 $0x7F, v23;
	v25 =	vor.u32 v0, v25;
	v18 =	vld.idx.msk [tilespmem:v18+s2+$0x0], $0xffff;
	v12 =	vshrl.u32 v12, v26  }
0x36a: {  	s28 =	simm.s32 $0x14200;
	v21 =	vand.u32 $0x7F, v21;
	v23 =	vor.u32 v0, v23;
	v22 =	vld.idx.msk [tilespmem:v22+s2+$0x0], $0xffff;
	v12 =	vand.u32 $0x1, v12  }
0x36b: {  	v35 =	vshrl.u32 v13, $0x15;
	v8 =	vshrl.u32 v8, $0x10;
	v21 =	vor.u32 v0, v21;
	v20 =	vld.idx.msk [tilespmem:v20+s2+$0x0], $0xffff;
	[tilespmem:s28+$0x180] =	vst v12  }
0x36c: {  	v14 =	vshrl.u32 v14, $0x10;
	v9 =	vshrl.u32 v9, $0x10;
	v13 =	vshrl.u32 v13, $0x10;
	v24 =	vld.idx.msk [tilespmem:v24+s2+$0x0], $0xffff  }
0x36d: {  	v31 =	vadd.s32 v1, v31;
	v32 =	vadd.s32 v1, v51;
	v8 =	vand.u32 $0x1F, v8  }
0x36e: {  	v14 =	vand.u32 $0x1F, v14;
	v9 =	vand.u32 $0x1F, v9;
	v25 =	vld.idx.msk [tilespmem:v25+s2+$0x0], $0xffff;
	v16 =	vshrl.u32 v16, v17  }
0x36f: {  	v23 =	vld.idx.msk [tilespmem:v23+s2+$0x0], $0xffff;
	v26 =	vand.u32 $0x1F, v10;
	v22 =	vshrl.u32 v22, v27;
	v16 =	vand.u32 $0x1, v16  }
0x370: {  	v17 =	vld.idx.msk [tilespmem:v21+s2+$0x0], $0xffff;
	v21 =	vshrl.u32 v15, $0x15;
	v22 =	vand.u32 $0x1, v22;
	[tilespmem:s28+$0xFFFFFE80] =	vst v16;
	v16 =	vadd.s32 v1, v52  }
0x371: {  	v20 =	vshrl.u32 v20, v28;
	v18 =	vshrl.u32 v18, v26;
	[tilespmem:s28+$0xFFFFFE00] =	vst v22;
	v8 =	vshrl.u32 v24, v8  }
0x372: {  	v12 =	vand.u32 $0x1F, v19;
	v27 =	vld.idx.msk [tilespmem:v31+s2+$0x0], $0xffff;
	v24 =	vadd.s32 v1, v34;
	v8 =	vand.u32 $0x1, v8  }
0x373: {  	v18 =	vand.u32 $0x1, v18;
	v22 =	vadd.s32 v1, v35;
	v12 =	vshrl.u32 v25, v12;
	v25 =	vld.idx.msk [tilespmem:v32+s2+$0x0], $0xffff;
	[tilespmem:s28+$0x1C0] =	vst v8  }
0x374: {  	v26 =	vshrl.u32 v19, $0x15;
	[tilespmem:s28+$0xFFFFFF00] =	vst v18;
	v18 =	vadd.s32 v1, v21;
	v8 =	vand.u32 $0x1, v20;
	v20 =	vld [tilespmem:s29+$0xD0]  }
0x375: {  	v21 =	vshrl.u32 v23, v30;
	v23 =	vadd.s32 v1, v26;
	v17 =	vshrl.u32 v17, v29;
	v16 =	vld.idx.msk [tilespmem:v16+s2+$0x0], $0xffff  }
0x376: {  	v13 =	vand.u32 $0x1F, v13;
	v10 =	vshrl.u32 v10, $0x10;
	v17 =	vand.u32 $0x1, v17;
	[tilespmem:s28+$0xFFFFFF80] =	vst v8  }
0x377: {  	v10 =	vand.u32 $0x1F, v10;
	v12 =	vand.u32 $0x1, v12;
	[tilespmem:s28+$0x0] =	vst v17;
	v8 =	vand.u32 $0x1, v21;
	v17 =	vld.idx.msk [tilespmem:v24+s2+$0x0], $0xffff  }
0x378: {  	v14 =	vshrl.u32 v27, v14;
	v9 =	vshrl.u32 v25, v9;
	[tilespmem:s28+$0x80] =	vst v8;
	v8 =	vshrl.u32 v11, $0x10;
	v11 =	vld.idx.msk [tilespmem:v22+s2+$0x0], $0xffff  }
0x379: {  	[tilespmem:s28+$0x100] =	vst v12;
	v14 =	vand.u32 $0x1, v14;
	v9 =	vand.u32 $0x1, v9;
	v12 =	vld.idx.msk [tilespmem:v18+s2+$0x0], $0xffff;
	v18 =	vshrl.u32 v20, $0x5  }
0x37a: {  	[tilespmem:s28+$0xFFFFFE40] =	vst v14;
	v21 =	vld.idx.msk [tilespmem:v23+s2+$0x0], $0xffff;
	v10 =	vshrl.u32 v16, v10;
	v8 =	vand.u32 $0x1F, v8;
	v14 =	vand.u32 $0x7F, v18  }
0x37b: {  	[tilespmem:s28+$0xFFFFFEC0] =	vst v9;
	v9 =	vand.u32 $0x1, v10;
	v10 =	vshrl.u32 v15, $0x10;
	v18 =	vld [tilespmem:s29+$0xFFFFFF10];
	v14 =	vor.u32 v2, v14  }
0x37c: {  	v15 =	vld [tilespmem:s29+$0xFFFFFF50];
	[tilespmem:s28+$0xFFFFFF40] =	vst v9;
	v9 =	vshrl.u32 v19, $0x10;
	v10 =	vand.u32 $0x1F, v10;
	v8 =	vshrl.u32 v17, v8  }
0x37d: {  	v19 =	vshrl.u32 v20, $0x15;
	v11 =	vshrl.u32 v11, v13;
	v13 =	vld [tilespmem:s29+$0xFFFFFF90];
	v8 =	vand.u32 $0x1, v8  }
0x37e: {  	v24 =	vand.u32 $0x1F, v20;
	v20 =	vshrl.u32 v20, $0x10;
	v19 =	vadd.s32 v3, v19;
	[tilespmem:s28+$0xFFFFFFC0] =	vst v8  }
0x37f: {  	v10 =	vshrl.u32 v12, v10;
	v8 =	vand.u32 $0x1F, v9;
	v9 =	vand.u32 $0x1, v11;
	v11 =	vld [tilespmem:s29+$0xFFFFFFD0]  }
0x380: {  	[tilespmem:s28+$0x40] =	vst v9;
	v9 =	vand.u32 $0x1, v10;
	v8 =	vshrl.u32 v21, v8;
	v10 =	vshrl.u32 v18, $0x5;
	v12 =	vld.idx.msk [tilespmem:v14+s2+$0x0], $0xffff  }
0x381: {  	v20 =	vand.u32 $0x1F, v20;
	v8 =	vand.u32 $0x1, v8;
	v16 =	vld [tilespmem:s29+$0x10];
	[tilespmem:s28+$0xC0] =	vst v9;
	v10 =	vand.u32 $0x7F, v10  }
0x382: {  	v17 =	vand.u32 $0x1F, v15;
	v22 =	vshrl.u32 v13, $0x5;
	[tilespmem:s28+$0x140] =	vst v8;
	v8 =	vor.u32 v2, v10  }
0x383: {  	v30 =	vshrl.u32 v15, $0x15;
	v9 =	vshrl.u32 v15, $0x5;
	v21 =	vld [tilespmem:s29+$0x50];
	v22 =	vand.u32 $0x7F, v22  }
0x384: {  	v27 =	vand.u32 $0x1F, v13;
	v9 =	vand.u32 $0x7F, v9;
	v22 =	vor.u32 v2, v22  }
0x385: {  	v23 =	vld [tilespmem:s29+$0x90];
	v9 =	vor.u32 v2, v9;
	v12 =	vshrl.u32 v12, v24;
	v24 =	vshrl.u32 v11, $0x5  }
0x386: {  	v25 =	vshrl.u32 v16, $0x5;
	v12 =	vand.u32 $0x1, v12;
	v24 =	vand.u32 $0x7F, v24  }
0x387: {  	v54 =	vshrl.u32 v13, $0x15;
	v25 =	vand.u32 $0x7F, v25;
	v8 =	vld.idx.msk [tilespmem:v8+s2+$0x0], $0xffff;
	[tilespmem:s28+$0x190] =	vst v12;
	v12 =	vor.u32 v2, v24  }
0x388: {  	v15 =	vshrl.u32 v15, $0x10;
	v25 =	vor.u32 v2, v25;
	v24 =	vshrl.u32 v21, $0x5;
	v19 =	vld.idx.msk [tilespmem:v19+s2+$0x0], $0xffff  }
0x389: {  	v14 =	vand.u32 $0x1F, v18;
	v15 =	vand.u32 $0x1F, v15;
	v22 =	vld.idx.msk [tilespmem:v22+s2+$0x0], $0xffff;
	v24 =	vand.u32 $0x7F, v24  }
0x38a: {  	v10 =	vshrl.u32 v18, $0x15;
	v26 =	vshrl.u32 v23, $0x5;
	v9 =	vld.idx.msk [tilespmem:v9+s2+$0x0], $0xffff;
	v24 =	vor.u32 v2, v24  }
0x38b: {  	v18 =	vshrl.u32 v18, $0x10;
	v10 =	vadd.s32 v3, v10;
	v26 =	vand.u32 $0x7F, v26  }
0x38c: {  	v18 =	vand.u32 $0x1F, v18;
	v28 =	vand.u32 $0x1F, v11;
	v26 =	vor.u32 v2, v26;
	v12 =	vld.idx.msk [tilespmem:v12+s2+$0x0], $0xffff  }
0x38d: {  	v29 =	vand.u32 $0x1F, v16;
	v25 =	vld.idx.msk [tilespmem:v25+s2+$0x0], $0xffff;
	v8 =	vshrl.u32 v8, v14;
	v19 =	vshrl.u32 v19, v20  }
0x38e: {  	v22 =	vshrl.u32 v22, v27;
	v27 =	vadd.s32 v3, v30;
	v19 =	vand.u32 $0x1, v19  }
0x38f: {  	v55 =	vshrl.u32 v16, $0x15;
	v9 =	vshrl.u32 v9, v17;
	v8 =	vand.u32 $0x1, v8;
	v17 =	vld.idx.msk [tilespmem:v24+s2+$0x0], $0xffff;
	[tilespmem:s28+$0x1D0] =	vst v19  }
0x390: {  	v31 =	vand.u32 $0x1F, v21;
	v9 =	vand.u32 $0x1, v9;
	[tilespmem:s28+$0xFFFFFE10] =	vst v8;
	v8 =	vadd.s32 v3, v55;
	v19 =	vld [tilespmem:s29+$0xE0]  }
0x391: {  	v20 =	vshrl.u32 v11, $0x15;
	v26 =	vld.idx.msk [tilespmem:v26+s2+$0x0], $0xffff;
	v12 =	vshrl.u32 v12, v28;
	v28 =	vadd.s32 v3, v54  }
0x392: {  	v22 =	vand.u32 $0x1, v22;
	[tilespmem:s28+$0xFFFFFE90] =	vst v9;
	v20 =	vadd.s32 v3, v20;
	v10 =	vld.idx.msk [tilespmem:v10+s2+$0x0], $0xffff;
	v25 =	vshrl.u32 v25, v29  }
0x393: {  	v53 =	vand.u32 $0x1F, v23;
	v14 =	vshrl.u32 v21, $0x15;
	[tilespmem:s28+$0xFFFFFF10] =	vst v22;
	v22 =	vld.idx.msk [tilespmem:v27+s2+$0x0], $0xffff;
	v25 =	vand.u32 $0x1, v25  }
0x394: {  	v14 =	vadd.s32 v3, v14;
	v24 =	vshrl.u32 v23, $0x15;
	v12 =	vand.u32 $0x1, v12;
	[tilespmem:s28+$0x10] =	vst v25  }
0x395: {  	v9 =	vshrl.u32 v17, v31;
	v17 =	vadd.s32 v3, v24;
	v8 =	vld.idx.msk [tilespmem:v8+s2+$0x0], $0xffff;
	v24 =	vshrl.u32 v19, $0x5  }
0x396: {  	[tilespmem:s28+$0xFFFFFF90] =	vst v12;
	v12 =	vshrl.u32 v26, v53;
	v9 =	vand.u32 $0x1, v9;
	v24 =	vand.u32 $0x7F, v24;
	v26 =	vld.idx.msk [tilespmem:v28+s2+$0x0], $0xffff  }
0x397: {  	v10 =	vshrl.u32 v10, v18;
	v12 =	vand.u32 $0x1, v12;
	v20 =	vld.idx.msk [tilespmem:v20+s2+$0x0], $0xffff;
	[tilespmem:s28+$0x90] =	vst v9;
	v24 =	vor.u32 v4, v24  }
0x398: {  	v13 =	vshrl.u32 v13, $0x10;
	v10 =	vand.u32 $0x1, v10;
	[tilespmem:s28+$0x110] =	vst v12;
	v15 =	vshrl.u32 v22, v15  }
0x399: {  	v11 =	vshrl.u32 v11, $0x10;
	v9 =	vshrl.u32 v16, $0x10;
	[tilespmem:s28+$0xFFFFFE50] =	vst v10;
	v14 =	vld.idx.msk [tilespmem:v14+s2+$0x0], $0xffff;
	v10 =	vand.u32 $0x1, v15  }
0x39a: {  	v13 =	vand.u32 $0x1F, v13;
	v11 =	vand.u32 $0x1F, v11;
	v9 =	vand.u32 $0x1F, v9;
	[tilespmem:s28+$0xFFFFFED0] =	vst v10;
	v17 =	vld.idx.msk [tilespmem:v17+s2+$0x0], $0xffff  }
0x39b: {  	v16 =	vshrl.u32 v21, $0x10;
	v8 =	vshrl.u32 v8, v9;
	v9 =	vld [tilespmem:s29+$0xFFFFFF60];
	v13 =	vshrl.u32 v26, v13  }
0x39c: {  	v12 =	vshrl.u32 v23, $0x10;
	v11 =	vshrl.u32 v20, v11;
	v15 =	vld.idx.msk [tilespmem:v24+s2+$0x0], $0xffff;
	v10 =	vand.u32 $0x1, v13  }
0x39d: {  	v16 =	vand.u32 $0x1F, v16;
	v8 =	vand.u32 $0x1, v8;
	v13 =	vld [tilespmem:s29+$0xFFFFFF20];
	[tilespmem:s28+$0xFFFFFF50] =	vst v10;
	v10 =	vand.u32 $0x1, v11  }
0x39e: {  	v11 =	vand.u32 $0x1F, v12;
	[tilespmem:s28+$0xFFFFFFD0] =	vst v10;
	v10 =	vshrl.u32 v14, v16;
	v16 =	vand.u32 $0x1F, v19  }
0x39f: {  	[tilespmem:s28+$0x50] =	vst v8;
	v12 =	vld [tilespmem:s29+$0xFFFFFFA0];
	v8 =	vand.u32 $0x1, v10;
	v10 =	vshrl.u32 v17, v11;
	v11 =	vshrl.u32 v19, $0x15  }
0x3a0: {  	v14 =	vld [tilespmem:s29+$0xFFFFFFE0];
	v19 =	vshrl.u32 v19, $0x10;
	[tilespmem:s28+$0xD0] =	vst v8;
	v8 =	vand.u32 $0x1, v10;
	v10 =	vadd.s32 v5, v11  }
0x3a1: {  	v25 =	vand.u32 $0x1F, v9;
	v30 =	vshrl.u32 v9, $0x15;
	v19 =	vand.u32 $0x1F, v19  }
0x3a2: {  	v11 =	vld [tilespmem:s29+$0x20];
	v17 =	vshrl.u32 v13, $0x5;
	[tilespmem:s28+$0x150] =	vst v8;
	v8 =	vshrl.u32 v15, v16;
	v16 =	vshrl.u32 v9, $0x5  }
0x3a3: {  	v18 =	vand.u32 $0x1F, v13;
	v20 =	vld [tilespmem:s29+$0x60];
	v8 =	vand.u32 $0x1, v8;
	v16 =	vand.u32 $0x7F, v16  }
0x3a4: {  	v15 =	vand.u32 $0x7F, v17;
	v21 =	vshrl.u32 v12, $0x5;
	[tilespmem:s28+$0x1A0] =	vst v8;
	v8 =	vor.u32 v4, v16  }
0x3a5: {  	v15 =	vor.u32 v4, v15;
	v16 =	vand.u32 $0x7F, v21;
	v21 =	vshrl.u32 v14, $0x5;
	v10 =	vld.idx.msk [tilespmem:v10+s2+$0x0], $0xffff  }
0x3a6: {  	v29 =	vshrl.u32 v13, $0x15;
	v17 =	vld [tilespmem:s29+$0xA0];
	v16 =	vor.u32 v4, v16;
	v21 =	vand.u32 $0x7F, v21  }
0x3a7: {  	v13 =	vshrl.u32 v13, $0x10;
	v22 =	vshrl.u32 v11, $0x5;
	v21 =	vor.u32 v4, v21  }
0x3a8: {  	v9 =	vshrl.u32 v9, $0x10;
	v22 =	vand.u32 $0x7F, v22;
	v23 =	vshrl.u32 v20, $0x5  }
0x3a9: {  	v13 =	vand.u32 $0x1F, v13;
	v22 =	vor.u32 v4, v22;
	v23 =	vand.u32 $0x7F, v23;
	v8 =	vld.idx.msk [tilespmem:v8+s2+$0x0], $0xffff  }
0x3aa: {  	v26 =	vand.u32 $0x1F, v12;
	v23 =	vor.u32 v4, v23;
	v15 =	vld.idx.msk [tilespmem:v15+s2+$0x0], $0xffff;
	v10 =	vshrl.u32 v10, v19  }
0x3ab: {  	v31 =	vshrl.u32 v12, $0x15;
	v24 =	vshrl.u32 v17, $0x5;
	v16 =	vld.idx.msk [tilespmem:v16+s2+$0x0], $0xffff;
	v10 =	vand.u32 $0x1, v10  }
0x3ac: {  	v12 =	vshrl.u32 v12, $0x10;
	v56 =	vshrl.u32 v14, $0x15;
	v24 =	vand.u32 $0x7F, v24;
	v21 =	vld.idx.msk [tilespmem:v21+s2+$0x0], $0xffff;
	[tilespmem:s28+$0x1E0] =	vst v10  }
0x3ad: {  	v27 =	vand.u32 $0x1F, v11;
	v58 =	vshrl.u32 v11, $0x15;
	v24 =	vor.u32 v4, v24;
	v57 =	vld [tilespmem:s29+$0xF0]  }
0x3ae: {  	v28 =	vand.u32 $0x1F, v20;
	v22 =	vld.idx.msk [tilespmem:v22+s2+$0x0], $0xffff;
	v8 =	vshrl.u32 v8, v25;
	v25 =	vadd.s32 v5, v29  }
0x3af: {  	v19 =	vand.u32 $0x1F, v14;
	v15 =	vshrl.u32 v15, v18;
	v18 =	vshrl.u32 v20, $0x15;
	v23 =	vld.idx.msk [tilespmem:v23+s2+$0x0], $0xffff  }
0x3b0: {  	v8 =	vand.u32 $0x1, v8;
	v16 =	vshrl.u32 v16, v26;
	v26 =	vadd.s32 v5, v30  }
0x3b1: {  	v15 =	vand.u32 $0x1, v15;
	[tilespmem:s28+$0xFFFFFEA0] =	vst v8;
	v8 =	vadd.s32 v5, v58;
	v16 =	vand.u32 $0x1, v16  }
0x3b2: {  	v24 =	vld.idx.msk [tilespmem:v24+s2+$0x0], $0xffff;
	[tilespmem:s28+$0xFFFFFE20] =	vst v15;
	v19 =	vshrl.u32 v21, v19;
	v21 =	vadd.s32 v5, v31;
	v29 =	vshrl.u32 v57, $0x5  }
0x3b3: {  	v22 =	vshrl.u32 v22, v27;
	v27 =	vadd.s32 v5, v56;
	v25 =	vld.idx.msk [tilespmem:v25+s2+$0x0], $0xffff;
	v29 =	vand.u32 $0x7F, v29  }
0x3b4: {  	[tilespmem:s28+$0xFFFFFF20] =	vst v16;
	v15 =	vand.u32 $0x1, v22;
	v22 =	vshrl.u32 v23, v28;
	v23 =	vor.u32 v6, v29  }
0x3b5: {  	v9 =	vand.u32 $0x1F, v9;
	v12 =	vand.u32 $0x1F, v12;
	v16 =	vadd.s32 v5, v18;
	[tilespmem:s28+$0x20] =	vst v15;
	v18 =	vld.idx.msk [tilespmem:v26+s2+$0x0], $0xffff  }
0x3b6: {  	v59 =	vshrl.u32 v17, $0x15;
	v10 =	vand.u32 $0x1F, v17;
	v19 =	vand.u32 $0x1, v19;
	v8 =	vld.idx.msk [tilespmem:v8+s2+$0x0], $0xffff  }
0x3b7: {  	[tilespmem:s28+$0xFFFFFFA0] =	vst v19;
	v19 =	vadd.s32 v5, v59;
	v22 =	vand.u32 $0x1, v22;
	v10 =	vshrl.u32 v24, v10;
	v21 =	vld.idx.msk [tilespmem:v21+s2+$0x0], $0xffff  }
0x3b8: {  	v11 =	vshrl.u32 v11, $0x10;
	v10 =	vand.u32 $0x1, v10;
	[tilespmem:s28+$0xA0] =	vst v22;
	v24 =	vld.idx.msk [tilespmem:v27+s2+$0x0], $0xffff;
	v13 =	vshrl.u32 v25, v13  }
0x3b9: {  	v14 =	vshrl.u32 v14, $0x10;
	v15 =	vshrl.u32 v17, $0x10;
	[tilespmem:s28+$0x120] =	vst v10;
	v10 =	vand.u32 $0x1, v13;
	v17 =	vld.idx.msk [tilespmem:v23+s2+$0x0], $0xffff  }
0x3ba: {  	v14 =	vand.u32 $0x1F, v14;
	v20 =	vshrl.u32 v20, $0x10;
	v16 =	vld.idx.msk [tilespmem:v16+s2+$0x0], $0xffff;
	v13 =	vshrl.u32 v57, $0x15;
	[tilespmem:s28+$0xFFFFFE60] =	vst v10  }
0x3bb: {  	v15 =	vand.u32 $0x1F, v15;
	v9 =	vshrl.u32 v18, v9;
	v13 =	vadd.s32 v7, v13;
	v25 =	vld [tilespmem:s29+$0xFFFFFF30]  }
0x3bc: {  	v18 =	vld.idx.msk [tilespmem:v19+s2+$0x0], $0xffff;
	v19 =	vand.u32 $0x1F, v11;
	v9 =	vand.u32 $0x1, v9;
	v10 =	vshrl.u32 v21, v12  }
0x3bd: {  	[tilespmem:s28+$0xFFFFFEE0] =	vst v9;
	v9 =	vand.u32 $0x1, v10;
	v12 =	vshrl.u32 v24, v14;
	v14 =	vand.u32 $0x1F, v57  }
0x3be: {  	v8 =	vshrl.u32 v8, v19;
	v10 =	vld [tilespmem:s29+$0xFFFFFF70];
	[tilespmem:s28+$0xFFFFFF60] =	vst v9;
	v9 =	vand.u32 $0x1, v12;
	v12 =	vshrl.u32 v17, v14  }
0x3bf: {  	v19 =	vshrl.u32 v57, $0x10;
	v11 =	vld [tilespmem:s29+$0xFFFFFFB0];
	[tilespmem:s28+$0xFFFFFFE0] =	vst v9;
	v14 =	vand.u32 $0x1F, v20;
	v9 =	vand.u32 $0x1, v12  }
0x3c0: {  	v8 =	vand.u32 $0x1, v8;
	v12 =	vld [tilespmem:s29+$0xFFFFFFF0];
	v14 =	vshrl.u32 v16, v14;
	v24 =	vand.u32 $0x1F, v25;
	[tilespmem:s28+$0x1B0] =	vst v9  }
0x3c1: {  	[tilespmem:s28+$0x60] =	vst v8;
	v29 =	vshrl.u32 v25, $0x15;
	v8 =	vand.u32 $0x1, v14;
	v9 =	vshrl.u32 v18, v15;
	v14 =	vld.idx.msk [tilespmem:v13+s2+$0x0], $0xffff  }
0x3c2: {  	v15 =	vshrl.u32 v25, $0x5;
	v31 =	vadd.s32 v7, v29;
	v13 =	vld [tilespmem:s29+$0x30];
	[tilespmem:s28+$0xE0] =	vst v8;
	v9 =	vand.u32 $0x1, v9  }
0x3c3: {  	v15 =	vand.u32 $0x7F, v15;
	v16 =	vshrl.u32 v10, $0x5;
	v26 =	vand.u32 $0x1F, v10;
	v8 =	vld [tilespmem:s29+$0x70];
	[tilespmem:s28+$0x160] =	vst v9  }
0x3c4: {  	v15 =	vor.u32 v6, v15;
	v16 =	vand.u32 $0x7F, v16;
	v17 =	vshrl.u32 v11, $0x5;
	v9 =	vld [tilespmem:s29+$0xB0]  }
0x3c5: {  	v17 =	vand.u32 $0x7F, v17;
	v20 =	vor.u32 v6, v16;
	v18 =	vshrl.u32 v12, $0x5  }
0x3c6: {  	v22 =	vor.u32 v6, v17;
	v16 =	vand.u32 $0x7F, v18;
	v18 =	vand.u32 $0x1F, v19  }
0x3c7: {  	v17 =	vshrl.u32 v13, $0x5;
	v14 =	vshrl.u32 v14, v18;
	v23 =	vor.u32 v6, v16  }
0x3c8: {  	v17 =	vand.u32 $0x7F, v17;
	v18 =	vshrl.u32 v8, $0x5;
	v28 =	vand.u32 $0x1, v14  }
0x3c9: {  	v15 =	vld.idx.msk [tilespmem:v15+s2+$0x0], $0xffff;
	v14 =	vand.u32 $0x7F, v18;
	v16 =	vshrl.u32 v9, $0x5;
	v27 =	vor.u32 v6, v17  }
0x3ca: {  	v62 =	vshrl.u32 v10, $0x15;
	v30 =	vor.u32 v6, v14;
	v14 =	vand.u32 $0x7F, v16  }
0x3cb: {  	v63 =	vshrl.u32 v11, $0x15;
	v32 =	vadd.s32 v7, v62;
	v61 =	vld.idx.msk [tilespmem:v20+s2+$0x0], $0xffff;
	v60 =	vor.u32 v6, v14  }
0x3cc: {  	v29 =	vadd.s32 v7, v63;
	v36 =	vshrl.u32 v12, $0x15;
	v19 =	vand.u32 $0x1F, v13;
	v18 =	vld.idx.msk [tilespmem:v22+s2+$0x0], $0xffff  }
0x3cd: {  	v21 =	vand.u32 $0x1F, v8;
	v17 =	vand.u32 $0x1F, v12;
	v20 =	vshrl.u32 v8, $0x15;
	v23 =	vld.idx.msk [tilespmem:v23+s2+$0x0], $0xffff  }
0x3ce: {  	v16 =	vand.u32 $0x1F, v11;
	v22 =	vshrl.u32 v13, $0x15;
	v15 =	vshrl.u32 v15, v24;
	v27 =	vld.idx.msk [tilespmem:v27+s2+$0x0], $0xffff  }
0x3cf: {  	[tilespmem:s28+$0x1F0] =	vst v28;
	v14 =	vand.u32 $0x1F, v9;
	v24 =	vshrl.u32 v9, $0x15;
	v15 =	vand.u32 $0x1, v15;
	v28 =	vld.idx.msk [tilespmem:v30+s2+$0x0], $0xffff  }
0x3d0: {  	s30 =	simm.s32 $0x0;
	s31 =	simm.s32 $0x8300;
	s29 =	simm.s32 $0x14200;
	[tilespmem:s28+$0xFFFFFE30] =	vst v15;
	v15 =	vshrl.u32 v25, $0x10;
	v25 =	vshrl.u32 v61, v26;
	v30 =	vadd.s32 v7, v36;
	v33 =	vld.idx.msk [tilespmem:v60+s2+$0x0], $0xffff  }
.LBB2_8:
0x3d1: {  	v26 =	vld [tilespmem:s31+$0xC0];
	s30 =	sadd.s32 $0x8, s30;
	v25 =	vand.u32 $0x1, v25;
	v16 =	vshrl.u32 v18, v16;
	v34 =	vadd.s32 v7, v22  }
0x3d2: {  	v35 =	vadd.s32 v7, v20;
	v22 =	vld [tilespmem:s31+$0xFFFFFF40];
	p0 =	slt.u32 s30, $0xF8;
	[tilespmem:s28+$0xFFFFFEB0] =	vst v25;
	v18 =	vand.u32 $0x1, v16;
	v16 =	vadd.s32 v7, v24  }
0x3d3: {  	v20 =	vshrl.u32 v10, $0x10;
	v10 =	vshrl.u32 v23, v17;
	v24 =	vld [tilespmem:s31+$0xFFFFFF80];
	[tilespmem:s28+$0xFFFFFF30] =	vst v18;
	v18 =	vshrl.u32 v11, $0x10  }
0x3d4: {  	v17 =	vshrl.u32 v12, $0x10;
	v10 =	vand.u32 $0x1, v10;
	v11 =	vshrl.u32 v27, v19;
	v25 =	vld [tilespmem:s31+$0xFFFFFFC0]  }
0x3d5: {  	v19 =	vshrl.u32 v13, $0x10;
	v27 =	vld [tilespmem:s31+$0x0];
	[tilespmem:s28+$0xFFFFFFB0] =	vst v10;
	v10 =	vand.u32 $0x1, v11;
	v11 =	vshrl.u32 v28, v21  }
0x3d6: {  	v23 =	vshrl.u32 v33, v14;
	v28 =	vld [tilespmem:s31+$0x40];
	v12 =	vshrl.u32 v26, $0x5;
	[tilespmem:s28+$0x30] =	vst v10;
	v10 =	vand.u32 $0x1, v11  }
0x3d7: {  	v11 =	vshrl.u32 v22, $0x5;
	v13 =	vand.u32 $0x1F, v22;
	v33 =	vld [tilespmem:s31+$0x80];
	v12 =	vand.u32 $0x7F, v12;
	[tilespmem:s28+$0xB0] =	vst v10  }
0x3d8: {  	v36 =	vld [tilespmem:s31+$0xFFFFFF00];
	v10 =	vand.u32 $0x7F, v11;
	v11 =	vshrl.u32 v24, $0x5;
	v14 =	vor.u32 v0, v12  }
0x3d9: {  	v37 =	vor.u32 v0, v10;
	v10 =	vand.u32 $0x7F, v11;
	v11 =	vshrl.u32 v25, $0x5;
	v21 =	vld.idx.msk [tilespmem:v31+s2+$0x0], $0xffff  }
0x3da: {  	v31 =	vor.u32 v0, v10;
	v10 =	vand.u32 $0x7F, v11;
	v12 =	vshrl.u32 v27, $0x5;
	v11 =	vld.idx.msk [tilespmem:v32+s2+$0x0], $0xffff  }
0x3db: {  	v32 =	vor.u32 v0, v10;
	v10 =	vand.u32 $0x7F, v12;
	v38 =	vshrl.u32 v28, $0x5;
	v12 =	vld.idx.msk [tilespmem:v29+s2+$0x0], $0xffff  }
0x3dc: {  	v29 =	vor.u32 v0, v10;
	v38 =	vand.u32 $0x7F, v38;
	v39 =	vshrl.u32 v33, $0x5;
	v10 =	vld.idx.msk [tilespmem:v30+s2+$0x0], $0xffff  }
0x3dd: {  	v30 =	vshrl.u32 v36, $0x5;
	v38 =	vor.u32 v0, v38;
	v39 =	vand.u32 $0x7F, v39;
	v14 =	vld.idx.msk [tilespmem:v14+s2+$0x0], $0xffff  }
0x3de: {  	v40 =	vand.u32 $0x1F, v36;
	v30 =	vand.u32 $0x7F, v30;
	v37 =	vld.idx.msk [tilespmem:v37+s2+$0x0], $0xffff;
	v39 =	vor.u32 v0, v39  }
0x3df: {  	v41 =	vand.u32 $0x1F, v24;
	v42 =	vand.u32 $0x1F, v25;
	v30 =	vor.u32 v0, v30;
	v31 =	vld.idx.msk [tilespmem:v31+s2+$0x0], $0xffff  }
0x3e0: {  	v45 =	vshrl.u32 v26, $0x15;
	v43 =	vand.u32 $0x1F, v27;
	v44 =	vand.u32 $0x1F, v28;
	v32 =	vld.idx.msk [tilespmem:v32+s2+$0x0], $0xffff  }
0x3e1: {  	v45 =	vadd.s32 v1, v45;
	v47 =	vand.u32 $0x1F, v33;
	v46 =	vshrl.u32 v36, $0x15;
	v29 =	vld.idx.msk [tilespmem:v29+s2+$0x0], $0xffff  }
0x3e2: {  	v50 =	vand.u32 $0x1F, v26;
	v48 =	vshrl.u32 v22, $0x15;
	v49 =	vshrl.u32 v24, $0x15;
	v38 =	vld.idx.msk [tilespmem:v38+s2+$0x0], $0xffff  }
0x3e3: {  	v51 =	vshrl.u32 v25, $0x15;
	v52 =	vshrl.u32 v27, $0x15;
	v14 =	vshrl.u32 v14, v50;
	v39 =	vld.idx.msk [tilespmem:v39+s2+$0x0], $0xffff  }
0x3e4: {  	s28 =	sadd.s32 $0x400, s28;
	v13 =	vshrl.u32 v37, v13;
	v37 =	vshrl.u32 v28, $0x15;
	v14 =	vand.u32 $0x1, v14;
	v30 =	vld.idx.msk [tilespmem:v30+s2+$0x0], $0xffff  }
0x3e5: {  	v50 =	vand.u32 $0x1, v13;
	v31 =	vshrl.u32 v31, v41;
	v41 =	vshrl.u32 v33, $0x15;
	[tilespmem:s28+$0x180] =	vst v14;
	v13 =	vld.idx.msk [tilespmem:v34+s2+$0x0], $0xffff  }
0x3e6: {  	v34 =	vadd.s32 v1, v46;
	v14 =	vand.u32 $0x1, v31;
	v31 =	vshrl.u32 v32, v42;
	[tilespmem:s28+$0xFFFFFE80] =	vst v50;
	v32 =	vld.idx.msk [tilespmem:v45+s2+$0x0], $0xffff  }
0x3e7: {  	v42 =	vadd.s32 v1, v48;
	v31 =	vand.u32 $0x1, v31;
	v29 =	vshrl.u32 v29, v43;
	[tilespmem:s28+$0xFFFFFF00] =	vst v14;
	v14 =	vld.idx.msk [tilespmem:v35+s2+$0x0], $0xffff  }
0x3e8: {  	v35 =	vadd.s32 v1, v49;
	v29 =	vand.u32 $0x1, v29;
	[tilespmem:s28+$0xFFFFFF80] =	vst v31;
	v31 =	vshrl.u32 v38, v44  }
0x3e9: {  	v38 =	vadd.s32 v1, v51;
	[tilespmem:s28+$0x0] =	vst v29;
	v29 =	vand.u32 $0x1, v31;
	v31 =	vshrl.u32 v39, v47  }
0x3ea: {  	v26 =	vshrl.u32 v26, $0x10;
	v30 =	vshrl.u32 v30, v40;
	[tilespmem:s28+$0x80] =	vst v29;
	v29 =	vand.u32 $0x1, v31  }
0x3eb: {  	v26 =	vand.u32 $0x1F, v26;
	v30 =	vand.u32 $0x1, v30;
	v31 =	vadd.s32 v1, v52;
	[tilespmem:s28+$0x100] =	vst v29  }
0x3ec: {  	v29 =	vadd.s32 v1, v37;
	v26 =	vshrl.u32 v32, v26;
	[tilespmem:s28+$0xFFFFFE00] =	vst v30;
	v30 =	vadd.s32 v1, v41  }
0x3ed: {  	v22 =	vshrl.u32 v22, $0x10;
	v32 =	vshrl.u32 v36, $0x10;
	v26 =	vand.u32 $0x1, v26;
	v34 =	vld.idx.msk [tilespmem:v34+s2+$0x0], $0xffff  }
0x3ee: {  	v25 =	vshrl.u32 v25, $0x10;
	v27 =	vshrl.u32 v27, $0x10;
	v37 =	vshrl.u32 v24, $0x10;
	v36 =	vld.idx.msk [tilespmem:v42+s2+$0x0], $0xffff;
	[tilespmem:s28+$0x1C0] =	vst v26  }
0x3ef: {  	v28 =	vshrl.u32 v28, $0x10;
	v26 =	vand.u32 $0x1F, v32;
	v32 =	vshrl.u32 v33, $0x10;
	v24 =	vld [tilespmem:s31+$0xD0]  }
0x3f0: {  	v22 =	vand.u32 $0x1F, v22;
	v25 =	vand.u32 $0x1F, v25;
	v33 =	vld.idx.msk [tilespmem:v35+s2+$0x0], $0xffff;
	v35 =	vand.u32 $0x1F, v37  }
0x3f1: {  	v27 =	vand.u32 $0x1F, v27;
	v28 =	vand.u32 $0x1F, v28;
	v32 =	vand.u32 $0x1F, v32;
	v37 =	vld.idx.msk [tilespmem:v38+s2+$0x0], $0xffff  }
0x3f2: {  	v39 =	vshrl.u32 v9, $0x10;
	v38 =	vshrl.u32 v8, $0x10;
	v8 =	vand.u32 $0x1, v23;
	v31 =	vld.idx.msk [tilespmem:v31+s2+$0x0], $0xffff  }
0x3f3: {  	v9 =	vand.u32 $0x1F, v20;
	v23 =	vshrl.u32 v34, v26;
	v26 =	vld.idx.msk [tilespmem:v29+s2+$0x0], $0xffff;
	v29 =	vand.u32 $0x1F, v15;
	[tilespmem:s29+$0x130] =	vst v8  }
0x3f4: {  	v8 =	vand.u32 $0x1, v23;
	v15 =	vshrl.u32 v36, v22;
	v30 =	vld.idx.msk [tilespmem:v30+s2+$0x0], $0xffff;
	v20 =	vshrl.u32 v24, $0x5  }
0x3f5: {  	v18 =	vand.u32 $0x1F, v18;
	v15 =	vand.u32 $0x1, v15;
	[tilespmem:s28+$0xFFFFFE40] =	vst v8;
	v20 =	vand.u32 $0x7F, v20;
	v8 =	vld.idx.msk [tilespmem:v16+s2+$0x0], $0xffff  }
0x3f6: {  	v22 =	vld [tilespmem:s31+$0xFFFFFF10];
	[tilespmem:s28+$0xFFFFFEC0] =	vst v15;
	v15 =	vshrl.u32 v33, v35;
	v33 =	vor.u32 v2, v20;
	v20 =	vand.u32 $0x1F, v17  }
0x3f7: {  	v19 =	vand.u32 $0x1F, v19;
	v16 =	vshrl.u32 v37, v25;
	v23 =	vld [tilespmem:s31+$0xFFFFFF50];
	v15 =	vand.u32 $0x1, v15  }
0x3f8: {  	v17 =	vand.u32 $0x1F, v38;
	[tilespmem:s28+$0xFFFFFF40] =	vst v15;
	v15 =	vand.u32 $0x1, v16;
	v16 =	vshrl.u32 v31, v27  }
0x3f9: {  	v26 =	vshrl.u32 v26, v28;
	v25 =	vld [tilespmem:s31+$0xFFFFFF90];
	[tilespmem:s28+$0xFFFFFFC0] =	vst v15;
	v16 =	vand.u32 $0x1, v16;
	v15 =	vand.u32 $0x1F, v39  }
0x3fa: {  	v26 =	vand.u32 $0x1, v26;
	v28 =	vshrl.u32 v30, v32;
	v27 =	vld [tilespmem:s31+$0xFFFFFFD0];
	[tilespmem:s28+$0x40] =	vst v16;
	v16 =	vshrl.u32 v21, v29  }
0x3fb: {  	v21 =	vshrl.u32 v22, $0x5;
	v29 =	vand.u32 $0x1F, v22;
	[tilespmem:s28+$0xC0] =	vst v26;
	v26 =	vand.u32 $0x1, v28;
	v28 =	vld.idx.msk [tilespmem:v33+s2+$0x0], $0xffff  }
0x3fc: {  	v21 =	vand.u32 $0x7F, v21;
	v30 =	vshrl.u32 v23, $0x5;
	v31 =	vand.u32 $0x1F, v23;
	v32 =	vld [tilespmem:s31+$0x10];
	[tilespmem:s28+$0x140] =	vst v26  }
0x3fd: {  	v26 =	vshrl.u32 v22, $0x15;
	v21 =	vor.u32 v2, v21;
	v30 =	vand.u32 $0x7F, v30;
	v33 =	vld [tilespmem:s31+$0x50]  }
0x3fe: {  	v36 =	vshrl.u32 v24, $0x15;
	v30 =	vor.u32 v2, v30;
	v34 =	vshrl.u32 v25, $0x5;
	v35 =	vld [tilespmem:s31+$0x90]  }
0x3ff: {  	v36 =	vadd.s32 v3, v36;
	v34 =	vand.u32 $0x7F, v34;
	v37 =	vshrl.u32 v27, $0x5  }
0x400: {  	v38 =	vand.u32 $0x1F, v24;
	v34 =	vor.u32 v2, v34;
	v37 =	vand.u32 $0x7F, v37  }
0x401: {  	v28 =	vshrl.u32 v28, v38;
	v37 =	vor.u32 v2, v37;
	v39 =	vshrl.u32 v32, $0x5  }
0x402: {  	v28 =	vand.u32 $0x1, v28;
	v21 =	vld.idx.msk [tilespmem:v21+s2+$0x0], $0xffff;
	v38 =	vand.u32 $0x7F, v39;
	v39 =	vshrl.u32 v33, $0x5  }
0x403: {  	v30 =	vld.idx.msk [tilespmem:v30+s2+$0x0], $0xffff;
	v38 =	vor.u32 v2, v38;
	v39 =	vand.u32 $0x7F, v39;
	v40 =	vshrl.u32 v35, $0x5;
	[tilespmem:s28+$0x190] =	vst v28  }
0x404: {  	v28 =	vand.u32 $0x1F, v25;
	v39 =	vor.u32 v2, v39;
	v40 =	vand.u32 $0x7F, v40;
	v36 =	vld.idx.msk [tilespmem:v36+s2+$0x0], $0xffff  }
0x405: {  	v41 =	vand.u32 $0x1F, v27;
	v42 =	vand.u32 $0x1F, v32;
	v34 =	vld.idx.msk [tilespmem:v34+s2+$0x0], $0xffff;
	v40 =	vor.u32 v2, v40  }
0x406: {  	v43 =	vshrl.u32 v23, $0x15;
	v44 =	vand.u32 $0x1F, v33;
	v45 =	vand.u32 $0x1F, v35;
	v37 =	vld.idx.msk [tilespmem:v37+s2+$0x0], $0xffff  }
0x407: {  	v46 =	vshrl.u32 v25, $0x15;
	v47 =	vshrl.u32 v27, $0x15;
	v48 =	vshrl.u32 v32, $0x15  }
0x408: {  	v24 =	vshrl.u32 v24, $0x10;
	v21 =	vshrl.u32 v21, v29;
	v29 =	vld.idx.msk [tilespmem:v38+s2+$0x0], $0xffff;
	v38 =	vshrl.u32 v33, $0x15  }
0x409: {  	v24 =	vand.u32 $0x1F, v24;
	v21 =	vand.u32 $0x1, v21;
	v30 =	vshrl.u32 v30, v31;
	v31 =	vld.idx.msk [tilespmem:v39+s2+$0x0], $0xffff  }
0x40a: {  	v39 =	vshrl.u32 v35, $0x15;
	v24 =	vshrl.u32 v36, v24;
	[tilespmem:s28+$0xFFFFFE10] =	vst v21;
	v21 =	vand.u32 $0x1, v30;
	v30 =	vld.idx.msk [tilespmem:v40+s2+$0x0], $0xffff  }
0x40b: {  	v26 =	vadd.s32 v3, v26;
	v24 =	vand.u32 $0x1, v24;
	[tilespmem:s28+$0xFFFFFE90] =	vst v21;
	v21 =	vshrl.u32 v34, v28  }
0x40c: {  	v28 =	vadd.s32 v3, v43;
	v34 =	vshrl.u32 v37, v41;
	v21 =	vand.u32 $0x1, v21;
	[tilespmem:s28+$0x1D0] =	vst v24  }
0x40d: {  	v36 =	vadd.s32 v3, v47;
	v24 =	vadd.s32 v3, v46;
	v34 =	vand.u32 $0x1, v34;
	[tilespmem:s28+$0xFFFFFF10] =	vst v21;
	v21 =	vld [tilespmem:s31+$0xE0]  }
0x40e: {  	v37 =	vadd.s32 v3, v38;
	v29 =	vshrl.u32 v29, v42;
	[tilespmem:s28+$0xFFFFFF90] =	vst v34;
	v34 =	vadd.s32 v3, v48  }
0x40f: {  	v38 =	vadd.s32 v3, v39;
	v29 =	vand.u32 $0x1, v29;
	v31 =	vshrl.u32 v31, v44  }
0x410: {  	v22 =	vshrl.u32 v22, $0x10;
	v30 =	vshrl.u32 v30, v45;
	v26 =	vld.idx.msk [tilespmem:v26+s2+$0x0], $0xffff;
	[tilespmem:s28+$0x10] =	vst v29;
	v29 =	vand.u32 $0x1, v31  }
0x411: {  	v23 =	vshrl.u32 v23, $0x10;
	v25 =	vshrl.u32 v25, $0x10;
	v28 =	vld.idx.msk [tilespmem:v28+s2+$0x0], $0xffff;
	[tilespmem:s28+$0x90] =	vst v29;
	v29 =	vand.u32 $0x1, v30  }
0x412: {  	v27 =	vshrl.u32 v27, $0x10;
	v30 =	vshrl.u32 v32, $0x10;
	v24 =	vld.idx.msk [tilespmem:v24+s2+$0x0], $0xffff;
	[tilespmem:s28+$0x110] =	vst v29;
	v29 =	vshrl.u32 v21, $0x5  }
0x413: {  	v32 =	vshrl.u32 v33, $0x10;
	v33 =	vshrl.u32 v35, $0x10;
	v31 =	vld.idx.msk [tilespmem:v36+s2+$0x0], $0xffff;
	v29 =	vand.u32 $0x7F, v29  }
0x414: {  	v22 =	vand.u32 $0x1F, v22;
	v23 =	vand.u32 $0x1F, v23;
	v34 =	vld.idx.msk [tilespmem:v34+s2+$0x0], $0xffff;
	v29 =	vor.u32 v4, v29  }
0x415: {  	v27 =	vand.u32 $0x1F, v27;
	v25 =	vand.u32 $0x1F, v25;
	v30 =	vand.u32 $0x1F, v30;
	v35 =	vld.idx.msk [tilespmem:v37+s2+$0x0], $0xffff  }
0x416: {  	v33 =	vand.u32 $0x1F, v33;
	v22 =	vshrl.u32 v26, v22;
	v26 =	vand.u32 $0x1F, v32;
	v32 =	vld.idx.msk [tilespmem:v38+s2+$0x0], $0xffff  }
0x417: {  	v22 =	vand.u32 $0x1, v22;
	v23 =	vshrl.u32 v28, v23;
	v28 =	vshrl.u32 v11, v9  }
0x418: {  	v11 =	vshrl.u32 v12, v18;
	v9 =	vand.u32 $0x1, v23;
	[tilespmem:s28+$0xFFFFFE50] =	vst v22;
	v22 =	vshrl.u32 v24, v25  }
0x419: {  	v18 =	vshrl.u32 v31, v27;
	[tilespmem:s28+$0xFFFFFED0] =	vst v9;
	v12 =	vand.u32 $0x1, v22;
	v22 =	vld.idx.msk [tilespmem:v29+s2+$0x0], $0xffff;
	v9 =	vshrl.u32 v10, v20  }
0x41a: {  	v20 =	vand.u32 $0x1, v18;
	v23 =	vshrl.u32 v34, v30;
	v10 =	vld [tilespmem:s31+$0xFFFFFF20];
	[tilespmem:s28+$0xFFFFFF50] =	vst v12;
	v12 =	vshrl.u32 v13, v19  }
0x41b: {  	v19 =	vand.u32 $0x1, v23;
	v13 =	vshrl.u32 v14, v17;
	v18 =	vld [tilespmem:s31+$0xFFFFFF60];
	[tilespmem:s28+$0xFFFFFFD0] =	vst v20;
	v20 =	vshrl.u32 v35, v26  }
0x41c: {  	v17 =	vld [tilespmem:s31+$0xFFFFFFA0];
	[tilespmem:s28+$0x50] =	vst v19;
	v14 =	vand.u32 $0x1, v20;
	v19 =	vshrl.u32 v32, v33;
	v20 =	vshrl.u32 v21, $0x15  }
0x41d: {  	v8 =	vshrl.u32 v8, v15;
	v23 =	vld [tilespmem:s31+$0xFFFFFFE0];
	[tilespmem:s28+$0xD0] =	vst v14;
	v14 =	vand.u32 $0x1, v19;
	v19 =	vadd.s32 v5, v20  }
0x41e: {  	v16 =	vand.u32 $0x1, v16;
	v20 =	vand.u32 $0x1, v28;
	v15 =	vld [tilespmem:s31+$0x20];
	[tilespmem:s28+$0x150] =	vst v14;
	v14 =	vand.u32 $0x1F, v21  }
0x41f: {  	v24 =	vshrl.u32 v10, $0x5;
	v25 =	vand.u32 $0x1F, v10;
	v26 =	vld [tilespmem:s31+$0x60];
	v14 =	vshrl.u32 v22, v14;
	[tilespmem:s29+$0xFFFFFE70] =	vst v16  }
0x420: {  	v16 =	vand.u32 $0x7F, v24;
	v22 =	vshrl.u32 v18, $0x5;
	v24 =	vld [tilespmem:s31+$0xA0];
	v14 =	vand.u32 $0x1, v14;
	[tilespmem:s29+$0xFFFFFEF0] =	vst v20  }
0x421: {  	v16 =	vor.u32 v4, v16;
	v20 =	vand.u32 $0x7F, v22;
	v22 =	vshrl.u32 v17, $0x5;
	[tilespmem:s28+$0x1A0] =	vst v14  }
0x422: {  	v14 =	vor.u32 v4, v20;
	v20 =	vand.u32 $0x7F, v22;
	v22 =	vshrl.u32 v23, $0x5;
	v19 =	vld.idx.msk [tilespmem:v19+s2+$0x0], $0xffff  }
0x423: {  	v20 =	vor.u32 v4, v20;
	v22 =	vand.u32 $0x7F, v22;
	v27 =	vshrl.u32 v15, $0x5  }
0x424: {  	v22 =	vor.u32 v4, v22;
	v27 =	vand.u32 $0x7F, v27;
	v28 =	vshrl.u32 v26, $0x5  }
0x425: {  	v27 =	vor.u32 v4, v27;
	v28 =	vand.u32 $0x7F, v28;
	v29 =	vshrl.u32 v24, $0x5  }
0x426: {  	v21 =	vshrl.u32 v21, $0x10;
	v16 =	vld.idx.msk [tilespmem:v16+s2+$0x0], $0xffff;
	v28 =	vor.u32 v4, v28;
	v29 =	vand.u32 $0x7F, v29  }
0x427: {  	v31 =	vand.u32 $0x1F, v18;
	v30 =	vld.idx.msk [tilespmem:v14+s2+$0x0], $0xffff;
	v29 =	vor.u32 v4, v29;
	v14 =	vand.u32 $0x1F, v21  }
0x428: {  	v32 =	vand.u32 $0x1F, v23;
	v21 =	vand.u32 $0x1F, v17;
	v20 =	vld.idx.msk [tilespmem:v20+s2+$0x0], $0xffff;
	v14 =	vshrl.u32 v19, v14  }
0x429: {  	v33 =	vand.u32 $0x1F, v26;
	v19 =	vld.idx.msk [tilespmem:v22+s2+$0x0], $0xffff;
	v22 =	vand.u32 $0x1F, v15;
	v14 =	vand.u32 $0x1, v14  }
0x42a: {  	v34 =	vshrl.u32 v10, $0x15;
	v35 =	vshrl.u32 v18, $0x15;
	v36 =	vand.u32 $0x1F, v24;
	v27 =	vld.idx.msk [tilespmem:v27+s2+$0x0], $0xffff;
	[tilespmem:s28+$0x1E0] =	vst v14  }
0x42b: {  	v37 =	vshrl.u32 v17, $0x15;
	v38 =	vshrl.u32 v23, $0x15;
	v39 =	vshrl.u32 v15, $0x15;
	v14 =	vld [tilespmem:s31+$0xF0]  }
0x42c: {  	v40 =	vshrl.u32 v24, $0x15;
	v16 =	vshrl.u32 v16, v25;
	v25 =	vld.idx.msk [tilespmem:v28+s2+$0x0], $0xffff;
	v28 =	vshrl.u32 v26, $0x15  }
0x42d: {  	v34 =	vadd.s32 v5, v34;
	v16 =	vand.u32 $0x1, v16;
	v30 =	vshrl.u32 v30, v31;
	v29 =	vld.idx.msk [tilespmem:v29+s2+$0x0], $0xffff  }
0x42e: {  	v20 =	vshrl.u32 v20, v21;
	[tilespmem:s28+$0xFFFFFE20] =	vst v16;
	v16 =	vand.u32 $0x1, v30;
	v30 =	vadd.s32 v5, v35  }
0x42f: {  	v19 =	vshrl.u32 v19, v32;
	[tilespmem:s28+$0xFFFFFEA0] =	vst v16;
	v16 =	vand.u32 $0x1, v20;
	v20 =	vadd.s32 v5, v37  }
0x430: {  	[tilespmem:s28+$0xFFFFFF20] =	vst v16;
	v16 =	vand.u32 $0x1, v19;
	v19 =	vshrl.u32 v27, v22;
	v21 =	vshrl.u32 v14, $0x5  }
0x431: {  	[tilespmem:s28+$0xFFFFFFA0] =	vst v16;
	v16 =	vadd.s32 v5, v38;
	v19 =	vand.u32 $0x1, v19;
	v21 =	vand.u32 $0x7F, v21  }
0x432: {  	v22 =	vshrl.u32 v25, v33;
	[tilespmem:s28+$0x20] =	vst v19;
	v19 =	vadd.s32 v5, v39;
	v21 =	vor.u32 v6, v21  }
0x433: {  	v27 =	vadd.s32 v5, v28;
	v22 =	vand.u32 $0x1, v22;
	v28 =	vshrl.u32 v29, v36;
	v25 =	vld.idx.msk [tilespmem:v34+s2+$0x0], $0xffff  }
0x434: {  	v10 =	vshrl.u32 v10, $0x10;
	v29 =	vld.idx.msk [tilespmem:v30+s2+$0x0], $0xffff;
	[tilespmem:s28+$0xA0] =	vst v22;
	v22 =	vand.u32 $0x1, v28;
	v28 =	vadd.s32 v5, v40  }
0x435: {  	v18 =	vshrl.u32 v18, $0x10;
	v23 =	vshrl.u32 v23, $0x10;
	v17 =	vshrl.u32 v17, $0x10;
	v20 =	vld.idx.msk [tilespmem:v20+s2+$0x0], $0xffff;
	[tilespmem:s28+$0x120] =	vst v22  }
0x436: {  	v24 =	vshrl.u32 v24, $0x10;
	v15 =	vshrl.u32 v15, $0x10;
	v22 =	vshrl.u32 v26, $0x10;
	v16 =	vld.idx.msk [tilespmem:v16+s2+$0x0], $0xffff  }
0x437: {  	v10 =	vand.u32 $0x1F, v10;
	v18 =	vand.u32 $0x1F, v18;
	v17 =	vand.u32 $0x1F, v17;
	v21 =	vld.idx.msk [tilespmem:v21+s2+$0x0], $0xffff  }
0x438: {  	v23 =	vand.u32 $0x1F, v23;
	v15 =	vand.u32 $0x1F, v15;
	v22 =	vand.u32 $0x1F, v22;
	v19 =	vld.idx.msk [tilespmem:v19+s2+$0x0], $0xffff  }
0x439: {  	v11 =	vand.u32 $0x1, v11;
	v24 =	vand.u32 $0x1F, v24;
	v10 =	vshrl.u32 v25, v10;
	v25 =	vld.idx.msk [tilespmem:v27+s2+$0x0], $0xffff  }
0x43a: {  	v10 =	vand.u32 $0x1, v10;
	v18 =	vshrl.u32 v29, v18;
	v27 =	vshrl.u32 v14, $0x15;
	v26 =	vld.idx.msk [tilespmem:v28+s2+$0x0], $0xffff;
	[tilespmem:s29+$0xFFFFFF70] =	vst v11  }
0x43b: {  	v11 =	vshrl.u32 v20, v17;
	v17 =	vadd.s32 v7, v27;
	[tilespmem:s28+$0xFFFFFE60] =	vst v10;
	v10 =	vand.u32 $0x1, v18  }
0x43c: {  	v11 =	vand.u32 $0x1, v11;
	v16 =	vshrl.u32 v16, v23;
	v18 =	vand.u32 $0x1F, v14;
	v30 =	vld [tilespmem:s31+$0xFFFFFF30];
	[tilespmem:s28+$0xFFFFFEE0] =	vst v10  }
0x43d: {  	v20 =	vand.u32 $0x1, v9;
	v16 =	vand.u32 $0x1, v16;
	v18 =	vshrl.u32 v21, v18;
	v10 =	vld [tilespmem:s31+$0xFFFFFF70];
	[tilespmem:s28+$0xFFFFFF60] =	vst v11  }
0x43e: {  	v9 =	vshrl.u32 v19, v15;
	v15 =	vand.u32 $0x1, v18;
	v11 =	vld [tilespmem:s31+$0xFFFFFFB0];
	[tilespmem:s28+$0xFFFFFFE0] =	vst v16;
	v16 =	vand.u32 $0x1, v12  }
0x43f: {  	v9 =	vand.u32 $0x1, v9;
	v18 =	vshrl.u32 v25, v22;
	v12 =	vld [tilespmem:s31+$0xFFFFFFF0];
	[tilespmem:s28+$0x1B0] =	vst v15;
	v15 =	vand.u32 $0x1, v13  }
0x440: {  	v19 =	vand.u32 $0x1, v8;
	[tilespmem:s28+$0x60] =	vst v9;
	v9 =	vand.u32 $0x1, v18;
	v18 =	vshrl.u32 v26, v24;
	v17 =	vld.idx.msk [tilespmem:v17+s2+$0x0], $0xffff  }
0x441: {  	v8 =	vshrl.u32 v30, $0x5;
	v24 =	vand.u32 $0x1F, v30;
	v13 =	vld [tilespmem:s31+$0x30];
	[tilespmem:s28+$0xE0] =	vst v9;
	v9 =	vand.u32 $0x1, v18  }
0x442: {  	v18 =	vand.u32 $0x7F, v8;
	v21 =	vshrl.u32 v10, $0x5;
	v25 =	vand.u32 $0x1F, v10;
	v8 =	vld [tilespmem:s31+$0x70];
	[tilespmem:s28+$0x160] =	vst v9  }
0x443: {  	v18 =	vor.u32 v6, v18;
	v21 =	vand.u32 $0x7F, v21;
	v22 =	vshrl.u32 v11, $0x5;
	v9 =	vld [tilespmem:s31+$0xB0];
	[tilespmem:s29+$0xFFFFFFF0] =	vst v20  }
0x444: {  	v14 =	vshrl.u32 v14, $0x10;
	v20 =	vand.u32 $0x7F, v22;
	v22 =	vshrl.u32 v12, $0x5;
	[tilespmem:s29+$0x70] =	vst v16  }
0x445: {  	v14 =	vand.u32 $0x1F, v14;
	v16 =	vor.u32 v6, v21;
	v21 =	vand.u32 $0x7F, v22;
	[tilespmem:s29+$0xF0] =	vst v15  }
0x446: {  	v15 =	vor.u32 v6, v20;
	v14 =	vshrl.u32 v17, v14;
	v20 =	vshrl.u32 v13, $0x5;
	[tilespmem:s29+$0x170] =	vst v19;
	s29 =	smov.u32 s28  }
0x447: {  	v14 =	vand.u32 $0x1, v14;
	v17 =	vand.u32 $0x7F, v20;
	v19 =	vshrl.u32 v8, $0x5  }
0x448: {  	v20 =	vor.u32 v6, v21;
	v26 =	vld.idx.msk [tilespmem:v18+s2+$0x0], $0xffff;
	v18 =	vand.u32 $0x7F, v19;
	v19 =	vshrl.u32 v9, $0x5;
	[tilespmem:s28+$0x1F0] =	vst v14  }
0x449: {  	v27 =	vor.u32 v6, v17;
	v28 =	vor.u32 v6, v18;
	v14 =	vand.u32 $0x7F, v19  }
0x44a: {  	v17 =	vand.u32 $0x1F, v12;
	v33 =	vld.idx.msk [tilespmem:v16+s2+$0x0], $0xffff;
	v16 =	vand.u32 $0x1F, v11;
	v34 =	vor.u32 v6, v14  }
0x44b: {  	v21 =	vand.u32 $0x1F, v8;
	v19 =	vand.u32 $0x1F, v13;
	v14 =	vand.u32 $0x1F, v9;
	v18 =	vld.idx.msk [tilespmem:v15+s2+$0x0], $0xffff  }
.Ltmp3:
0x44c: {  	v29 =	vshrl.u32 v10, $0x15;
	v35 =	vshrl.u32 v11, $0x15;
	v15 =	vshrl.u32 v30, $0x15;
	(pc) =	sbr.rel @p0 .LBB2_8-.Ltmp3, $4  }
0x44d: {  	v36 =	vshrl.u32 v12, $0x15;
	v22 =	vshrl.u32 v13, $0x15;
	v23 =	vld.idx.msk [tilespmem:v20+s2+$0x0], $0xffff;
	v20 =	vshrl.u32 v8, $0x15  }
0x44e: {  	v31 =	vadd.s32 v7, v15;
	v26 =	vshrl.u32 v26, v24;
	v24 =	vshrl.u32 v9, $0x15;
	v27 =	vld.idx.msk [tilespmem:v27+s2+$0x0], $0xffff  }
0x44f: {  	v32 =	vadd.s32 v7, v29;
	v29 =	vadd.s32 v7, v35;
	v15 =	vand.u32 $0x1, v26;
	v28 =	vld.idx.msk [tilespmem:v28+s2+$0x0], $0xffff  }
0x450: {  	s31 =	sadd.s32 $0x200, s31;
	v25 =	vshrl.u32 v33, v25;
	[tilespmem:s28+$0xFFFFFE30] =	vst v15;
	v15 =	vshrl.u32 v30, $0x10;
	v30 =	vadd.s32 v7, v36;
	v33 =	vld.idx.msk [tilespmem:v34+s2+$0x0], $0xffff  }
0x451: {  	_ =	sdelay $0x1  }
0x452: {  	v25 =	vand.u32 $0x1, v25;
	v16 =	vshrl.u32 v18, v16  }
0x453: {  	v46 =	vadd.s32 v7, v22;
	v20 =	vadd.s32 v7, v20;
	v47 =	vadd.s32 v7, v24  }
0x454: {  	v10 =	vshrl.u32 v10, $0x10;
	v48 =	vld.idx.msk [tilespmem:v31+s2+$0x0], $0xffff;
	v16 =	vand.u32 $0x1, v16;
	[tilespmem:s28+$0xFFFFFEB0] =	vst v25;
	v17 =	vshrl.u32 v23, v17  }
0x455: {  	v11 =	vshrl.u32 v11, $0x10;
	[tilespmem:s28+$0xFFFFFF30] =	vst v16;
	v49 =	vand.u32 $0x1, v17;
	v50 =	vshrl.u32 v27, v19;
	v51 =	vld.idx.msk [tilespmem:v32+s2+$0x0], $0xffff  }
0x456: {  	v12 =	vshrl.u32 v12, $0x10;
	[tilespmem:s28+$0xFFFFFFB0] =	vst v49;
	v52 =	vand.u32 $0x1, v50;
	v53 =	vshrl.u32 v28, v21;
	v54 =	vld.idx.msk [tilespmem:v29+s2+$0x0], $0xffff  }
0x457: {  	v13 =	vshrl.u32 v13, $0x10;
	[tilespmem:s28+$0x30] =	vst v52;
	v55 =	vand.u32 $0x1, v53;
	v14 =	vshrl.u32 v33, v14;
	v56 =	vld.idx.msk [tilespmem:v30+s2+$0x0], $0xffff  }
0x458: {  	v8 =	vshrl.u32 v8, $0x10;
	v15 =	vand.u32 $0x1F, v15;
	[tilespmem:s28+$0xB0] =	vst v55;
	v57 =	vld.idx.msk [tilespmem:v46+s2+$0x0], $0xffff;
	v14 =	vand.u32 $0x1, v14  }
0x459: {  	v9 =	vshrl.u32 v9, $0x10;
	v10 =	vand.u32 $0x1F, v10;
	v59 =	vshrl.u32 v48, v15;
	v58 =	vld.idx.msk [tilespmem:v20+s2+$0x0], $0xffff;
	[tilespmem:s29+$0x130] =	vst v14  }
0x45a: {  	v11 =	vand.u32 $0x1F, v11;
	v14 =	vand.u32 $0x1, v59;
	v60 =	vld.idx.msk [tilespmem:v47+s2+$0x0], $0xffff;
	v10 =	vshrl.u32 v51, v10  }
0x45b: {  	v12 =	vand.u32 $0x1F, v12;
	[tilespmem:s29+$0xFFFFFE70] =	vst v14;
	v11 =	vshrl.u32 v54, v11;
	v10 =	vand.u32 $0x1, v10  }
0x45c: {  	v13 =	vand.u32 $0x1F, v13;
	v12 =	vshrl.u32 v56, v12;
	[tilespmem:s29+$0xFFFFFEF0] =	vst v10;
	v61 =	vand.u32 $0x1, v11  }
0x45d: {  	v8 =	vand.u32 $0x1F, v8;
	v62 =	vshrl.u32 v57, v13;
	[tilespmem:s29+$0xFFFFFF70] =	vst v61;
	v63 =	vand.u32 $0x1, v12  }
0x45e: {  	v9 =	vand.u32 $0x1F, v9;
	v8 =	vshrl.u32 v58, v8;
	v11 =	vand.u32 $0x1, v62;
	[tilespmem:s29+$0xFFFFFFF0] =	vst v63  }
0x45f: {  	v9 =	vshrl.u32 v60, v9;
	v8 =	vand.u32 $0x1, v8;
	[tilespmem:s29+$0x70] =	vst v11  }
0x460: {  	v9 =	vand.u32 $0x1, v9;
	[tilespmem:s29+$0xF0] =	vst v8  }
0x461: {  	s26 =	sadd.s32 $0x1, s26;
	[tilespmem:s29+$0x170] =	vst v9  }
0x462: {  	[hbm4b:s11+s19] =	stream.strided.scatter [tilespmem:s23], [sflag:$0x4], $0x8000, s20, s19, $0x38;
	[tilespmem:$0x1C000] =	vst v63  }
0x463: {  	p0 =	sne.s32 s26, s12;
	_ =	swait.ge [sflag:s24], $0x8000  }
.Ltmp4:
0x464: {  	[sflag:s24] =	ssyncset.done $0x0;
	(pc) =	sbr.rel @p0 .LBB2_1-.Ltmp4, $4  }
0x465: {  	[sflag:s24] =	ssyncadd.s32 $0xFFFF8000  }
0x466: {  	_ =	swait.ge [sflag:s25], $0x8000  }
0x467: {  	[sflag:s25] =	ssyncset.done $0x0  }
0x468: {  	[sflag:s25] =	ssyncadd.s32 $0xFFFF8000  }
0x469: {  	_ =	sfence.sel $0x180000  }
0x46a: {  	[bflag:$0x0] =	sbarrier.arrive $0xFFFF  }
0x46b: {  	p0 =	sne.s32 s1, $0x0;
	_ =	strace $0x90000047  }
0x46c: {  	s0 =	sadd.s32 @!p0 $0x100000, s0;
	[bflag:$0x2] =	sbarrier.arrive $0xFFFF  }
0x46d: {  	[sflag:s0] =	ssyncadd.tile.s32 @!p0 $0x1;
	_ =	shalt  }
.Lfunc_end2:
_tile_overlayer_lowered:
.L_overlay_start_2:
0x46e: {  	(tag) =	ssettag $0x2  }
0x46f: {  	s0 =	rddreg [dreg:$0x0];
	s2 =	stileid.u32  }
0x470: {  	s1 =	rddreg [dreg:$0x1];
	p0 =	sne.s32 s2, $0x0  }
0x471: {  	s3 =	rddreg [dreg:$0x2];
	[bflag:$0x3] =	sbarrier.arrive $0xFFFF;
	s2 =	simm.s32 @!p0 $0x1C06  }
0x472: {  	[timem:s3], [sflag:s2] =	dma.local @!p0 [hbm:s0], s1  }
0x473: {  	s0 =	simm.s32 @!p0 $0x6  }
0x474: {  	_ =	swait.ge @!p0 [sflag:s0], s1  }
0x475: {  	s1 =	ssub.s32 @!p0 $0x0, s1;
	[sflag:s0] =	ssyncset.done @!p0 $0x0  }
0x476: {  	[sflag:s0] =	ssyncadd.s32 @!p0 s1  }
0x477: {  	[bflag:$0x3] =	sbarrier.arrive $0xFFFF  }
0x478: {  	_ =	shalt  }

</sc_bundles>
